<compile_context>
chip_gen: v7x
topology: tpu7x:2x2x1
jax: 0.10.2.dev20260603
libtpu: 0.0.44.dev20260713+nightly
codegen_flags: <defaults>
</compile_context>

<pallas_src>
import functools

import jax
import jax.numpy as jnp
from jax import lax
from jax.experimental import pallas as pl
from jax.experimental.pallas import tpu as pltpu
from jax.experimental.pallas import tpu_sc as plsc

N_ATOMS = 10000
N_INT = 320000
D = 128
F = 128

NSPL = 2
NE_SPLITS = (160000,) * NSPL
NE_OFF = (0, 160000)

NC = 2
NS = 16
HALF = N_ATOMS // NC
CONV_R = HALF + 8
K = 80
NBUF = 3
ZERO_STEP, ZERO_SLAB = 312, 328
OUT_STEP, OUT_SLAB = 312, 320

_LOG2 = 0.6931471805599453


def _ssp(v):
    m = jnp.maximum(v, 0.0)
    return m + jnp.log(1.0 + jnp.exp(v - 2.0 * m)) - _LOG2



_BE = 2000


def _filter_body(d_ref, w1_ref, b1_ref, w2_ref, b2_ref, o_ref):
    h = _ssp(jnp.dot(d_ref[...], w1_ref[...],
                     preferred_element_type=jnp.float32) + b1_ref[...])
    o_ref[...] = _ssp(jnp.dot(h.astype(jnp.bfloat16), w2_ref[...],
                              preferred_element_type=jnp.float32) + b2_ref[...])


def _make_filter(split):
    ne = NE_SPLITS[split]
    off = NE_OFF[split] // _BE
    return pl.pallas_call(
        _filter_body,
        grid=(ne // _BE,),
        in_specs=[
            pl.BlockSpec((_BE, D), lambda i: (i + off, 0)),
            pl.BlockSpec((D, F), lambda i: (0, 0)),
            pl.BlockSpec((1, F), lambda i: (0, 0)),
            pl.BlockSpec((F, F), lambda i: (0, 0)),
            pl.BlockSpec((1, F), lambda i: (0, 0)),
        ],
        out_specs=pl.BlockSpec((_BE, F), lambda i: (i, 0)),
        out_shape=jax.ShapeDtypeStruct((ne, F), jnp.float32),
    )


_filters = [_make_filter(s) for s in range(NSPL)]


def _in2fac_body(x_ref, win_ref, o_ref):
    o_ref[...] = jnp.dot(x_ref[...], win_ref[...],
                         preferred_element_type=jnp.float32)


_in2fac = pl.pallas_call(
    _in2fac_body,
    out_shape=jax.ShapeDtypeStruct((N_ATOMS, F), jnp.float32),
)



_BA = 2000


def _out_body(x_ref, c0_ref, c1_ref, wout_ref, bout_ref, wd_ref, bd_ref,
              y_ref, v_ref):
    conv = c0_ref[...] + c1_ref[...]
    hconv = _ssp(jnp.dot(conv, wout_ref[...],
                         preferred_element_type=jnp.float32) + bout_ref[...])
    v = jnp.dot(hconv, wd_ref[...],
                preferred_element_type=jnp.float32) + bd_ref[...]
    v_ref[...] = v
    y_ref[...] = x_ref[...] + v


_outk = pl.pallas_call(
    _out_body,
    grid=(N_ATOMS // _BA,),
    in_specs=[
        pl.BlockSpec((_BA, D), lambda i: (i, 0)),
        pl.BlockSpec((_BA, F), lambda i: (i, 0)),
        pl.BlockSpec((_BA, F), lambda i: (i, 0)),
        pl.BlockSpec((F, D), lambda i: (0, 0)),
        pl.BlockSpec((1, D), lambda i: (0, 0)),
        pl.BlockSpec((D, D), lambda i: (0, 0)),
        pl.BlockSpec((1, D), lambda i: (0, 0)),
    ],
    out_specs=[
        pl.BlockSpec((_BA, D), lambda i: (i, 0)),
        pl.BlockSpec((_BA, D), lambda i: (i, 0)),
    ],
    out_shape=[
        jax.ShapeDtypeStruct((N_ATOMS, D), jnp.float32),
        jax.ShapeDtypeStruct((N_ATOMS, D), jnp.float32),
    ],
)



_sc_mesh = plsc.VectorSubcoreMesh(core_axis_name="c", subcore_axis_name="s")


def _make_sc(ne):
    ept = ne // NS
    nch = ept // K

    @functools.partial(
        pl.kernel,
        out_type=jax.ShapeDtypeStruct((NC, HALF, F), jnp.float32),
        mesh=_sc_mesh,
        scratch_types=[
            pltpu.VMEM((ept,), jnp.int32),
            pltpu.VMEM((nch, K), jnp.int32),
            [pltpu.VMEM((K, F), jnp.float32) for _ in range(NBUF)],
            [pltpu.VMEM((K, F), jnp.float32) for _ in range(NBUF)],
            pltpu.VMEM_SHARED((CONV_R, F), jnp.float32),
            [pltpu.SemaphoreType.DMA for _ in range(NBUF)],
            [pltpu.SemaphoreType.DMA for _ in range(NBUF)],
            [pltpu.SemaphoreType.DMA for _ in range(NBUF)],
        ],
    )
    def _sc_conv(w_hbm, f_hbm, idx_hbm, seg_hbm, zeros_hbm, out_hbm,
                 idx_v, seg_v, rows_b, wv_b, conv_sh,
                 sem_g, sem_w, sem_s):
        cid = lax.axis_index("c")
        sid = lax.axis_index("s")

        pltpu.sync_copy(zeros_hbm.at[pl.ds(sid * ZERO_STEP, ZERO_SLAB)],
                        conv_sh.at[pl.ds(sid * ZERO_STEP, ZERO_SLAB)])
        pltpu.sync_copy(idx_hbm.at[sid], idx_v)
        pltpu.sync_copy(seg_hbm.at[cid * NS + sid], seg_v)
        plsc.subcore_barrier()

        def issue_pref(b, c):
            base = sid * ept + c * K
            pltpu.async_copy(w_hbm.at[pl.ds(base, K)], wv_b[b], sem_w[b])
            pltpu.async_copy(f_hbm.at[idx_v.at[pl.ds(c * K, K)]], rows_b[b],
                             sem_g[b])

        def step(b, c):
            base = sid * ept + c * K
            b2 = (b + 2) % NBUF
            is_static = isinstance(c, int)

            pltpu.make_async_copy(w_hbm.at[pl.ds(base, K)], wv_b[b],
                                  sem_w[b]).wait()
            pltpu.make_async_copy(f_hbm.at[idx_v.at[pl.ds(c * K, K)]],
                                  rows_b[b], sem_g[b]).wait()

            def mul_row(e, c2):
                for r in range(2):
                    for cc in range(F // 16):
                        s = pl.ds(cc * 16, 16)
                        e2 = 2 * e + r
                        rows_b[b][e2, s] = rows_b[b][e2, s] * wv_b[b][e2, s]
                return c2

            lax.fori_loop(0, K // 2, mul_row, 0)
            pltpu.async_copy(rows_b[b], conv_sh.at[seg_v.at[c]], sem_s[b],
                             add=True)

            prev_c = max(c - 1, 0) if is_static else jnp.maximum(c - 1, 0)

            @pl.when(c >= 1)
            def _wait_prev_scatter():
                pltpu.make_async_copy(rows_b[b2],
                                      conv_sh.at[seg_v.at[prev_c]],
                                      sem_s[b2]).wait()

            if not (is_static and c + 2 > nch - 1):
                nxt_c = c + 2 if is_static else jnp.minimum(c + 2, nch - 1)

                @pl.when(c + 2 <= nch - 1)
                def _prefetch():
                    issue_pref(b2, nxt_c)

        issue_pref(0, 0)
        issue_pref(1, 1)

        def tri_body(i, carry):
            for b in range(NBUF):
                step(b, i * NBUF + b)
            return carry

        full = nch // NBUF
        lax.fori_loop(0, full, tri_body, 0)
        for c in range(full * NBUF, nch):
            step(c % NBUF, c)
        pltpu.make_async_copy(rows_b[(nch - 1) % NBUF],
                              conv_sh.at[seg_v.at[nch - 1]],
                              sem_s[(nch - 1) % NBUF]).wait()
        plsc.subcore_barrier()

        pltpu.sync_copy(conv_sh.at[pl.ds(sid * OUT_STEP, OUT_SLAB)],
                        out_hbm.at[cid, pl.ds(sid * OUT_STEP, OUT_SLAB)])

    return _sc_conv


_sc_convs = [_make_sc(n) for n in NE_SPLITS]



def kernel(x, dijk, idx_j, seg_i, seg_j, W1, b1, W2, b2, Win, Wout, bout,
           Wd, bd):
    del seg_j
    idx32 = idx_j.astype(jnp.int32)
    seg32 = seg_i.astype(jnp.int32)
    seg_lo = jnp.where(seg32 < HALF, seg32, HALF)
    seg_hi = jnp.where(seg32 >= HALF, seg32 - HALF, HALF)
    zeros = jnp.zeros((CONV_R, F), jnp.float32)
    b1r, b2r = b1.reshape(1, F), b2.reshape(1, F)
    dijk16 = dijk.astype(jnp.bfloat16)
    W116, W216 = W1.astype(jnp.bfloat16), W2.astype(jnp.bfloat16)

    f = _in2fac(x, Win)
    convs = []
    for s in range(NSPL):
        ne = NE_SPLITS[s]
        sl = slice(NE_OFF[s], NE_OFF[s] + ne)
        idx2 = idx32[sl].reshape(NS, ne // NS)
        seg2 = jnp.stack([seg_lo[sl], seg_hi[sl]]).reshape(
            NC * NS, ne // NS // K, K)
        w = _filters[s](dijk16, W116, b1r, W216, b2r)
        convs.append(_sc_convs[s](w, f, idx2, seg2, zeros)
                     .reshape(N_ATOMS, F))
    y, v = _outk(x, convs[0], convs[1], Wout, bout.reshape(1, D),
                 Wd, bd.reshape(1, D))
    return (y, v)

# --- scband reference (transcript-rebuilt; emitter-appended) ---
"""Pipeline reference for scband-cfnet-interaction-block-81827716923576 (READ-ONLY COPY).

The authoritative reference and input builder live on the scoring server;
editing this copy changes nothing except your own understanding.
"""

import jax, jax.numpy as jnp
import numpy as np

N_ATOMS = 10000
N_INT = 320000
D = 128  # n_basis / n_in
F = 128  # n_filters


def ssp(x):
    # shifted softplus: softplus(x) - log(2)
    return jax.nn.softplus(x) - jnp.log(2.0)


def setup_inputs(seed: int = 0) -> dict:
    key = jax.random.key(seed)
    ks = jax.random.split(key, 16)
    x = jax.random.normal(ks[0], (N_ATOMS, D), dtype=jnp.float32)
    dijk = jax.random.uniform(ks[1], (N_INT, D), dtype=jnp.float32)
    idx_j = jax.random.randint(ks[2], (N_INT,), 0, N_ATOMS)
    seg_i = jnp.sort(jax.random.randint(ks[3], (N_INT,), 0, N_ATOMS))
    seg_j = jnp.sort(jax.random.randint(ks[4], (N_INT,), 0, N_ATOMS))
    s = 0.05
    # filternet: dense1 (n_in -> n_filters), dense2 (n_filters -> n_filters)
    W1 = s * jax.random.normal(ks[5], (D, F), dtype=jnp.float32)
    b1 = jnp.zeros((F,), dtype=jnp.float32)
    W2 = s * jax.random.normal(ks[6], (F, F), dtype=jnp.float32)
    b2 = jnp.zeros((F,), dtype=jnp.float32)
    # cfconv: in2fac (n_basis -> n_filters, no bias), fac2out (n_filters -> n_basis, bias, ssp)
    Win = s * jax.random.normal(ks[7], (D, F), dtype=jnp.float32)
    Wout = s * jax.random.normal(ks[8], (F, D), dtype=jnp.float32)
    bout = jnp.zeros((D,), dtype=jnp.float32)
    # output dense (n_basis -> n_basis), as intended by the block (y = x + dense(h))
    Wd = s * jax.random.normal(ks[9], (D, D), dtype=jnp.float32)
    bd = jnp.zeros((D,), dtype=jnp.float32)
    return {"x": x, "dijk": dijk, "idx_j": idx_j, "seg_i": seg_i, "seg_j": seg_j,
            "W1": W1, "b1": b1, "W2": W2, "b2": b2,
            "Win": Win, "Wout": Wout, "bout": bout, "Wd": Wd, "bd": bd}


def reference(x, dijk, idx_j, seg_i, seg_j, W1, b1, W2, b2, Win, Wout, bout, Wd, bd):
    # CFnetFilter: two shifted-softplus dense layers on rbf-expanded distances
    h = ssp(dijk @ W1 + b1)
    w = ssp(h @ W2 + b2)
    # CFConv: project atoms to filter space, gather neighbor features, modulate, pool
    f = x @ Win                      # in2fac, no bias
    f_j = jnp.take(f, idx_j, axis=0)  # index_select over interactions
    wf = w * f_j
    conv = jax.ops.segment_sum(wf, seg_i, num_segments=x.shape[0])  # PoolSegments(sum)
    hconv = ssp(conv @ Wout + bout)  # fac2out with ssp activation
    # output dense + residual
    v = hconv @ Wd + bd
    y = x + v
    return (y, v)

if __name__ == "__main__":
    import jax
    _d = setup_inputs()
    print(jax.jit(kernel)(*tuple(_d.values())))

</pallas_src>

<mosaic_0001>
#map = affine_map<(d0, d1) -> (0, 0)>
#map1 = affine_map<(d0, d1) -> (0, 0, 0)>
module attributes {stable_mosaic.version = 14 : i64} {
  func.func @_sc_conv(%arg0: i32, %arg1: i32, %arg2: memref<160000x128xf32, #tpu.memory_space<hbm>>, %arg3: memref<10000x128xf32, #tpu.memory_space<hbm>>, %arg4: memref<16x10000xi32, #tpu.memory_space<hbm>>, %arg5: memref<32x125x80xi32, #tpu.memory_space<hbm>>, %arg6: memref<5008x128xf32, #tpu.memory_space<hbm>>, %arg7: memref<2x5000x128xf32, #tpu.memory_space<hbm>>, %arg8: memref<10000xi32, #tpu.memory_space<vmem>>, %arg9: memref<125x80xi32, #tpu.memory_space<vmem>>, %arg10: memref<80x128xf32, #tpu.memory_space<vmem>>, %arg11: memref<80x128xf32, #tpu.memory_space<vmem>>, %arg12: memref<80x128xf32, #tpu.memory_space<vmem>>, %arg13: memref<80x128xf32, #tpu.memory_space<vmem>>, %arg14: memref<80x128xf32, #tpu.memory_space<vmem>>, %arg15: memref<80x128xf32, #tpu.memory_space<vmem>>, %arg16: memref<5008x128xf32, #tpu.memory_space<vmem_shared>>, %arg17: memref<!tpu.dma_semaphore, #tpu.memory_space<semaphore_mem>>, %arg18: memref<!tpu.dma_semaphore, #tpu.memory_space<semaphore_mem>>, %arg19: memref<!tpu.dma_semaphore, #tpu.memory_space<semaphore_mem>>, %arg20: memref<!tpu.dma_semaphore, #tpu.memory_space<semaphore_mem>>, %arg21: memref<!tpu.dma_semaphore, #tpu.memory_space<semaphore_mem>>, %arg22: memref<!tpu.dma_semaphore, #tpu.memory_space<semaphore_mem>>, %arg23: memref<!tpu.dma_semaphore, #tpu.memory_space<semaphore_mem>>, %arg24: memref<!tpu.dma_semaphore, #tpu.memory_space<semaphore_mem>>, %arg25: memref<!tpu.dma_semaphore, #tpu.memory_space<semaphore_mem>>) attributes {dimension_semantics = [#tpu.dimension_semantics<core_parallel>, #tpu.dimension_semantics<subcore_parallel>], iteration_bounds = array<i64: 2, 16>, scalar_prefetch = 0 : i64, scratch_operands = 18 : i64, tpu.core_type = #tpu.core_type<sc_vector_subcore>, window_params = [{transform_indices = #map}, {transform_indices = #map}, {transform_indices = #map}, {transform_indices = #map1}, {transform_indices = #map}, {transform_indices = #map1}]} {
    %mul3A = arith.constant 312 : i32
    %mul3A_0 = arith.muli %arg1, %mul3A : i32
    %mul3A_1 = arith.constant 312 : i32
    %mul3A_2 = arith.muli %arg1, %mul3A_1 : i32
    "tpu.region"() ({
      %run_scoped3A = tpu.sem_alloc : memref<!tpu.dma_semaphore, #tpu.memory_space<semaphore_mem>>
      %dma_start3A_112 = arith.constant 0 : i32
      %dma_start3A_113 = tpu.memref_slice %arg16[%mul3A_2, %dma_start3A_112] : memref<5008x128xf32, #tpu.memory_space<vmem_shared>> -> memref<328x128xf32, #tpu.memory_space<vmem_shared>>
      %dma_start3A_114 = arith.constant 0 : i32
      %dma_start3A_115 = tpu.memref_slice %arg6[%mul3A_0, %dma_start3A_114] : memref<5008x128xf32, #tpu.memory_space<hbm>> -> memref<328x128xf32, #tpu.memory_space<hbm>>
      tpu.enqueue_dma source(%dma_start3A_115 : memref<328x128xf32, #tpu.memory_space<hbm>>) target(%dma_start3A_113 : memref<328x128xf32, #tpu.memory_space<vmem_shared>>) target_semaphore(%run_scoped3A : memref<!tpu.dma_semaphore, #tpu.memory_space<semaphore_mem>>)
      %dma_wait3A_116 = arith.constant 0 : i32
      %dma_wait3A_117 = tpu.memref_slice %arg16[%mul3A_2, %dma_wait3A_116] : memref<5008x128xf32, #tpu.memory_space<vmem_shared>> -> memref<328x128xf32, #tpu.memory_space<vmem_shared>>
      %dma_wait3A_118 = arith.constant 0 : i32
      %dma_wait3A_119 = tpu.memref_slice %arg6[%mul3A_0, %dma_wait3A_118] : memref<5008x128xf32, #tpu.memory_space<hbm>> -> memref<328x128xf32, #tpu.memory_space<hbm>>
      tpu.wait_dma2 semaphore(%run_scoped3A : memref<!tpu.dma_semaphore, #tpu.memory_space<semaphore_mem>>) src(%dma_wait3A_119 : memref<328x128xf32, #tpu.memory_space<hbm>>) dst(%dma_wait3A_117 : memref<328x128xf32, #tpu.memory_space<vmem_shared>>)
      tpu.yield
    }) : () -> ()
    "tpu.region"() ({
      %run_scoped3A = tpu.sem_alloc : memref<!tpu.dma_semaphore, #tpu.memory_space<semaphore_mem>>
      %dma_start3A_112 = arith.constant 0 : i32
      %dma_start3A_113 = tpu.memref_slice %arg4[%arg1, %dma_start3A_112] : memref<16x10000xi32, #tpu.memory_space<hbm>> -> memref<1x10000xi32, #tpu.memory_space<hbm>>
      %dma_start3A_114 = tpu.memref_squeeze %dma_start3A_113 : memref<1x10000xi32, #tpu.memory_space<hbm>> -> memref<10000xi32, #tpu.memory_space<hbm>>
      %dma_start3A_115 = arith.constant 0 : i32
      %dma_start3A_116 = tpu.memref_slice %arg4[%arg1, %dma_start3A_115] : memref<16x10000xi32, #tpu.memory_space<hbm>> -> memref<1x10000xi32, #tpu.memory_space<hbm>>
      %dma_start3A_117 = tpu.memref_squeeze %dma_start3A_116 : memref<1x10000xi32, #tpu.memory_space<hbm>> -> memref<10000xi32, #tpu.memory_space<hbm>>
      tpu.enqueue_dma source(%dma_start3A_117 : memref<10000xi32, #tpu.memory_space<hbm>>) target(%arg8 : memref<10000xi32, #tpu.memory_space<vmem>>) target_semaphore(%run_scoped3A : memref<!tpu.dma_semaphore, #tpu.memory_space<semaphore_mem>>)
      %dma_wait3A_118 = arith.constant 0 : i32
      %dma_wait3A_119 = tpu.memref_slice %arg4[%arg1, %dma_wait3A_118] : memref<16x10000xi32, #tpu.memory_space<hbm>> -> memref<1x10000xi32, #tpu.memory_space<hbm>>
      %dma_wait3A_120 = tpu.memref_squeeze %dma_wait3A_119 : memref<1x10000xi32, #tpu.memory_space<hbm>> -> memref<10000xi32, #tpu.memory_space<hbm>>
      %dma_wait3A_121 = arith.constant 0 : i32
      %dma_wait3A_122 = tpu.memref_slice %arg4[%arg1, %dma_wait3A_121] : memref<16x10000xi32, #tpu.memory_space<hbm>> -> memref<1x10000xi32, #tpu.memory_space<hbm>>
      %dma_wait3A_123 = tpu.memref_squeeze %dma_wait3A_122 : memref<1x10000xi32, #tpu.memory_space<hbm>> -> memref<10000xi32, #tpu.memory_space<hbm>>
      tpu.wait_dma2 semaphore(%run_scoped3A : memref<!tpu.dma_semaphore, #tpu.memory_space<semaphore_mem>>) src(%dma_wait3A_123 : memref<10000xi32, #tpu.memory_space<hbm>>) dst(%arg8 : memref<10000xi32, #tpu.memory_space<vmem>>)
      tpu.yield
    }) : () -> ()
    %mul3A_3 = arith.constant 16 : i32
    %mul3A_4 = arith.muli %arg0, %mul3A_3 : i32
    %add3A = arith.addi %mul3A_4, %arg1 : i32
    "tpu.region"() ({
      %run_scoped3A = tpu.sem_alloc : memref<!tpu.dma_semaphore, #tpu.memory_space<semaphore_mem>>
      %dma_start3A_112 = arith.constant 0 : i32
      %dma_start3A_113 = arith.constant 0 : i32
      %dma_start3A_114 = tpu.memref_slice %arg5[%add3A, %dma_start3A_112, %dma_start3A_113] : memref<32x125x80xi32, #tpu.memory_space<hbm>> -> memref<1x125x80xi32, #tpu.memory_space<hbm>>
      %dma_start3A_115 = tpu.memref_squeeze %dma_start3A_114 : memref<1x125x80xi32, #tpu.memory_space<hbm>> -> memref<125x80xi32, #tpu.memory_space<hbm>>
      %dma_start3A_116 = arith.constant 0 : i32
      %dma_start3A_117 = arith.constant 0 : i32
      %dma_start3A_118 = tpu.memref_slice %arg5[%add3A, %dma_start3A_116, %dma_start3A_117] : memref<32x125x80xi32, #tpu.memory_space<hbm>> -> memref<1x125x80xi32, #tpu.memory_space<hbm>>
      %dma_start3A_119 = tpu.memref_squeeze %dma_start3A_118 : memref<1x125x80xi32, #tpu.memory_space<hbm>> -> memref<125x80xi32, #tpu.memory_space<hbm>>
      tpu.enqueue_dma source(%dma_start3A_119 : memref<125x80xi32, #tpu.memory_space<hbm>>) target(%arg9 : memref<125x80xi32, #tpu.memory_space<vmem>>) target_semaphore(%run_scoped3A : memref<!tpu.dma_semaphore, #tpu.memory_space<semaphore_mem>>)
      %dma_wait3A_120 = arith.constant 0 : i32
      %dma_wait3A_121 = arith.constant 0 : i32
      %dma_wait3A_122 = tpu.memref_slice %arg5[%add3A, %dma_wait3A_120, %dma_wait3A_121] : memref<32x125x80xi32, #tpu.memory_space<hbm>> -> memref<1x125x80xi32, #tpu.memory_space<hbm>>
      %dma_wait3A_123 = tpu.memref_squeeze %dma_wait3A_122 : memref<1x125x80xi32, #tpu.memory_space<hbm>> -> memref<125x80xi32, #tpu.memory_space<hbm>>
      %dma_wait3A_124 = arith.constant 0 : i32
      %dma_wait3A_125 = arith.constant 0 : i32
      %dma_wait3A_126 = tpu.memref_slice %arg5[%add3A, %dma_wait3A_124, %dma_wait3A_125] : memref<32x125x80xi32, #tpu.memory_space<hbm>> -> memref<1x125x80xi32, #tpu.memory_space<hbm>>
      %dma_wait3A_127 = tpu.memref_squeeze %dma_wait3A_126 : memref<1x125x80xi32, #tpu.memory_space<hbm>> -> memref<125x80xi32, #tpu.memory_space<hbm>>
      tpu.wait_dma2 semaphore(%run_scoped3A : memref<!tpu.dma_semaphore, #tpu.memory_space<semaphore_mem>>) src(%dma_wait3A_127 : memref<125x80xi32, #tpu.memory_space<hbm>>) dst(%arg9 : memref<125x80xi32, #tpu.memory_space<vmem>>)
      tpu.yield
    }) : () -> ()
    %barrier3A = arith.constant 0 : index
    tpu.barrier barrier_id(%barrier3A)
    %mul3A_5 = arith.constant 10000 : i32
    %mul3A_6 = arith.muli %arg1, %mul3A_5 : i32
    %add3A_7 = arith.constant 0 : i32
    %add3A_8 = arith.addi %mul3A_6, %add3A_7 : i32
    %dma_start3A = arith.constant 0 : i32
    %dma_start3A_9 = tpu.memref_slice %arg2[%add3A_8, %dma_start3A] : memref<160000x128xf32, #tpu.memory_space<hbm>> -> memref<80x128xf32, #tpu.memory_space<hbm>>
    %dma_start3A_10 = arith.constant 0 : i32
    %dma_start3A_11 = tpu.memref_slice %arg2[%add3A_8, %dma_start3A_10] : memref<160000x128xf32, #tpu.memory_space<hbm>> -> memref<80x128xf32, #tpu.memory_space<hbm>>
    tpu.enqueue_dma source(%dma_start3A_11 : memref<80x128xf32, #tpu.memory_space<hbm>>) target(%arg13 : memref<80x128xf32, #tpu.memory_space<vmem>>) target_semaphore(%arg20 : memref<!tpu.dma_semaphore, #tpu.memory_space<semaphore_mem>>)
    %dma_start3A_12 = arith.constant 0 : i32
    %dma_start3A_13 = tpu.memref_slice %arg8[%dma_start3A_12] : memref<10000xi32, #tpu.memory_space<vmem>> -> memref<80xi32, #tpu.memory_space<vmem>>
    %dma_start3A_14 = arith.constant 0 : i32
    %dma_start3A_15 = arith.constant 0 : i32
    %dma_start3A_16 = tpu.memref_slice %arg3[%dma_start3A_14, %dma_start3A_15] : memref<10000x128xf32, #tpu.memory_space<hbm>> -> memref<10000x128xf32, #tpu.memory_space<hbm>>
    tpu.enqueue_indirect_dma source(%dma_start3A_16 : memref<10000x128xf32, #tpu.memory_space<hbm>>) target(%arg10 : memref<80x128xf32, #tpu.memory_space<vmem>>) offsets(%dma_start3A_13 : memref<80xi32, #tpu.memory_space<vmem>>) semaphore(%arg17 : memref<!tpu.dma_semaphore, #tpu.memory_space<semaphore_mem>>)
    %mul3A_17 = arith.constant 10000 : i32
    %mul3A_18 = arith.muli %arg1, %mul3A_17 : i32
    %add3A_19 = arith.constant 80 : i32
    %add3A_20 = arith.addi %mul3A_18, %add3A_19 : i32
    %dma_start3A_21 = arith.constant 0 : i32
    %dma_start3A_22 = tpu.memref_slice %arg2[%add3A_20, %dma_start3A_21] : memref<160000x128xf32, #tpu.memory_space<hbm>> -> memref<80x128xf32, #tpu.memory_space<hbm>>
    %dma_start3A_23 = arith.constant 0 : i32
    %dma_start3A_24 = tpu.memref_slice %arg2[%add3A_20, %dma_start3A_23] : memref<160000x128xf32, #tpu.memory_space<hbm>> -> memref<80x128xf32, #tpu.memory_space<hbm>>
    tpu.enqueue_dma source(%dma_start3A_24 : memref<80x128xf32, #tpu.memory_space<hbm>>) target(%arg14 : memref<80x128xf32, #tpu.memory_space<vmem>>) target_semaphore(%arg21 : memref<!tpu.dma_semaphore, #tpu.memory_space<semaphore_mem>>)
    %dma_start3A_25 = arith.constant 80 : i32
    %dma_start3A_26 = tpu.memref_slice %arg8[%dma_start3A_25] : memref<10000xi32, #tpu.memory_space<vmem>> -> memref<80xi32, #tpu.memory_space<vmem>>
    %dma_start3A_27 = arith.constant 0 : i32
    %dma_start3A_28 = arith.constant 0 : i32
    %dma_start3A_29 = tpu.memref_slice %arg3[%dma_start3A_27, %dma_start3A_28] : memref<10000x128xf32, #tpu.memory_space<hbm>> -> memref<10000x128xf32, #tpu.memory_space<hbm>>
    tpu.enqueue_indirect_dma source(%dma_start3A_29 : memref<10000x128xf32, #tpu.memory_space<hbm>>) target(%arg11 : memref<80x128xf32, #tpu.memory_space<vmem>>) offsets(%dma_start3A_26 : memref<80xi32, #tpu.memory_space<vmem>>) semaphore(%arg18 : memref<!tpu.dma_semaphore, #tpu.memory_space<semaphore_mem>>)
    %scan3A = arith.constant 0 : i32
    %scan3A_30 = arith.constant 0 : i32
    %scan3A_31 = arith.constant 41 : i32
    %scan3A_32 = arith.addi %scan3A_30, %scan3A_31 : i32
    %scan3A_33 = arith.constant 1 : i32
    scf.for %scan3A_112 = %scan3A_30 to %scan3A_32 step %scan3A_33  : i32 {
      %mul3A_113 = arith.constant 3 : i32
      %mul3A_114 = arith.muli %scan3A_112, %mul3A_113 : i32
      %add3A_115 = arith.constant 0 : i32
      %add3A_116 = arith.addi %mul3A_114, %add3A_115 : i32
      %mul3A_117 = arith.constant 10000 : i32
      %mul3A_118 = arith.muli %arg1, %mul3A_117 : i32
      %mul3A_119 = arith.constant 80 : i32
      %mul3A_120 = arith.muli %add3A_116, %mul3A_119 : i32
      %add3A_121 = arith.addi %mul3A_118, %mul3A_120 : i32
      %dma_wait3A_122 = arith.constant 0 : i32
      %dma_wait3A_123 = tpu.memref_slice %arg2[%add3A_121, %dma_wait3A_122] : memref<160000x128xf32, #tpu.memory_space<hbm>> -> memref<80x128xf32, #tpu.memory_space<hbm>>
      %dma_wait3A_124 = arith.constant 0 : i32
      %dma_wait3A_125 = tpu.memref_slice %arg2[%add3A_121, %dma_wait3A_124] : memref<160000x128xf32, #tpu.memory_space<hbm>> -> memref<80x128xf32, #tpu.memory_space<hbm>>
      tpu.wait_dma2 semaphore(%arg20 : memref<!tpu.dma_semaphore, #tpu.memory_space<semaphore_mem>>) src(%dma_wait3A_125 : memref<80x128xf32, #tpu.memory_space<hbm>>) dst(%arg13 : memref<80x128xf32, #tpu.memory_space<vmem>>)
      %mul3A_126 = arith.constant 80 : i32
      %mul3A_127 = arith.muli %add3A_116, %mul3A_126 : i32
      %dma_wait3A_128 = tpu.memref_slice %arg8[%mul3A_127] : memref<10000xi32, #tpu.memory_space<vmem>> -> memref<80xi32, #tpu.memory_space<vmem>>
      %dma_wait3A_129 = arith.constant 0 : i32
      %dma_wait3A_130 = arith.constant 0 : i32
      %dma_wait3A_131 = tpu.memref_slice %arg3[%dma_wait3A_129, %dma_wait3A_130] : memref<10000x128xf32, #tpu.memory_space<hbm>> -> memref<10000x128xf32, #tpu.memory_space<hbm>>
      tpu.wait_indirect_dma semaphore(%arg17 : memref<!tpu.dma_semaphore, #tpu.memory_space<semaphore_mem>>) src(%dma_wait3A_131 : memref<10000x128xf32, #tpu.memory_space<hbm>>) dst(%arg10 : memref<80x128xf32, #tpu.memory_space<vmem>>)
      %scan3A_132 = arith.constant 0 : i32
      %scan3A_133 = arith.constant 0 : i32
      %scan3A_134 = arith.constant 40 : i32
      %scan3A_135 = arith.addi %scan3A_133, %scan3A_134 : i32
      %scan3A_136 = arith.constant 1 : i32
      scf.for %scan3A_259 = %scan3A_133 to %scan3A_135 step %scan3A_136  : i32 {
        %mul3A_260 = arith.constant 2 : i32
        %mul3A_261 = arith.muli %mul3A_260, %scan3A_259 : i32
        %add3A_262 = arith.constant 0 : i32
        %add3A_263 = arith.addi %mul3A_261, %add3A_262 : i32
        %get3A = arith.index_cast %add3A_263 : i32 to index
        %get3A_264 = arith.constant 0 : index
        %get3A_265 = tpu.vector_load %arg10[%get3A, %get3A_264] {strides = array<i32>} : memref<80x128xf32, #tpu.memory_space<vmem>>, vector<1x16xf32>,
        %get3A_266 = vector.shape_cast %get3A_265 : vector<1x16xf32> to vector<16xf32>
        %get3A_267 = arith.index_cast %add3A_263 : i32 to index
        %get3A_268 = arith.constant 0 : index
        %get3A_269 = tpu.vector_load %arg13[%get3A_267, %get3A_268] {strides = array<i32>} : memref<80x128xf32, #tpu.memory_space<vmem>>, vector<1x16xf32>,
        %get3A_270 = vector.shape_cast %get3A_269 : vector<1x16xf32> to vector<16xf32>
        %mul3A_271 = arith.mulf %get3A_266, %get3A_270 : vector<16xf32>
        %swap3A = arith.index_cast %add3A_263 : i32 to index
        %swap3A_272 = arith.constant 0 : index
        %swap3A_273 = tpu.vector_load %arg10[%swap3A, %swap3A_272] {strides = array<i32>} : memref<80x128xf32, #tpu.memory_space<vmem>>, vector<1x16xf32>,
        %swap3A_274 = vector.shape_cast %swap3A_273 : vector<1x16xf32> to vector<16xf32>
        %swap3A_275 = vector.shape_cast %mul3A_271 : vector<16xf32> to vector<1x16xf32>
        tpu.vector_store %arg10[%swap3A, %swap3A_272], %swap3A_275 {strides = array<i32>} : memref<80x128xf32, #tpu.memory_space<vmem>>, vector<1x16xf32>,
        %mul3A_276 = arith.constant 2 : i32
        %mul3A_277 = arith.muli %mul3A_276, %scan3A_259 : i32
        %add3A_278 = arith.constant 0 : i32
        %add3A_279 = arith.addi %mul3A_277, %add3A_278 : i32
        %get3A_280 = arith.index_cast %add3A_279 : i32 to index
        %get3A_281 = arith.constant 16 : index
        %get3A_282 = tpu.vector_load %arg10[%get3A_280, %get3A_281] {strides = array<i32>} : memref<80x128xf32, #tpu.memory_space<vmem>>, vector<1x16xf32>,
        %get3A_283 = vector.shape_cast %get3A_282 : vector<1x16xf32> to vector<16xf32>
        %get3A_284 = arith.index_cast %add3A_279 : i32 to index
        %get3A_285 = arith.constant 16 : index
        %get3A_286 = tpu.vector_load %arg13[%get3A_284, %get3A_285] {strides = array<i32>} : memref<80x128xf32, #tpu.memory_space<vmem>>, vector<1x16xf32>,
        %get3A_287 = vector.shape_cast %get3A_286 : vector<1x16xf32> to vector<16xf32>
        %mul3A_288 = arith.mulf %get3A_283, %get3A_287 : vector<16xf32>
        %swap3A_289 = arith.index_cast %add3A_279 : i32 to index
        %swap3A_290 = arith.constant 16 : index
        %swap3A_291 = tpu.vector_load %arg10[%swap3A_289, %swap3A_290] {strides = array<i32>} : memref<80x128xf32, #tpu.memory_space<vmem>>, vector<1x16xf32>,
        %swap3A_292 = vector.shape_cast %swap3A_291 : vector<1x16xf32> to vector<16xf32>
        %swap3A_293 = vector.shape_cast %mul3A_288 : vector<16xf32> to vector<1x16xf32>
        tpu.vector_store %arg10[%swap3A_289, %swap3A_290], %swap3A_293 {strides = array<i32>} : memref<80x128xf32, #tpu.memory_space<vmem>>, vector<1x16xf32>,
        %mul3A_294 = arith.constant 2 : i32
        %mul3A_295 = arith.muli %mul3A_294, %scan3A_259 : i32
        %add3A_296 = arith.constant 0 : i32
        %add3A_297 = arith.addi %mul3A_295, %add3A_296 : i32
        %get3A_298 = arith.index_cast %add3A_297 : i32 to index
        %get3A_299 = arith.constant 32 : index
        %get3A_300 = tpu.vector_load %arg10[%get3A_298, %get3A_299] {strides = array<i32>} : memref<80x128xf32, #tpu.memory_space<vmem>>, vector<1x16xf32>,
        %get3A_301 = vector.shape_cast %get3A_300 : vector<1x16xf32> to vector<16xf32>
        %get3A_302 = arith.index_cast %add3A_297 : i32 to index
        %get3A_303 = arith.constant 32 : index
        %get3A_304 = tpu.vector_load %arg13[%get3A_302, %get3A_303] {strides = array<i32>} : memref<80x128xf32, #tpu.memory_space<vmem>>, vector<1x16xf32>,
        %get3A_305 = vector.shape_cast %get3A_304 : vector<1x16xf32> to vector<16xf32>
        %mul3A_306 = arith.mulf %get3A_301, %get3A_305 : vector<16xf32>
        %swap3A_307 = arith.index_cast %add3A_297 : i32 to index
        %swap3A_308 = arith.constant 32 : index
        %swap3A_309 = tpu.vector_load %arg10[%swap3A_307, %swap3A_308] {strides = array<i32>} : memref<80x128xf32, #tpu.memory_space<vmem>>, vector<1x16xf32>,
        %swap3A_310 = vector.shape_cast %swap3A_309 : vector<1x16xf32> to vector<16xf32>
        %swap3A_311 = vector.shape_cast %mul3A_306 : vector<16xf32> to vector<1x16xf32>
        tpu.vector_store %arg10[%swap3A_307, %swap3A_308], %swap3A_311 {strides = array<i32>} : memref<80x128xf32, #tpu.memory_space<vmem>>, vector<1x16xf32>,
        %mul3A_312 = arith.constant 2 : i32
        %mul3A_313 = arith.muli %mul3A_312, %scan3A_259 : i32
        %add3A_314 = arith.constant 0 : i32
        %add3A_315 = arith.addi %mul3A_313, %add3A_314 : i32
        %get3A_316 = arith.index_cast %add3A_315 : i32 to index
        %get3A_317 = arith.constant 48 : index
        %get3A_318 = tpu.vector_load %arg10[%get3A_316, %get3A_317] {strides = array<i32>} : memref<80x128xf32, #tpu.memory_space<vmem>>, vector<1x16xf32>,
        %get3A_319 = vector.shape_cast %get3A_318 : vector<1x16xf32> to vector<16xf32>
        %get3A_320 = arith.index_cast %add3A_315 : i32 to index
        %get3A_321 = arith.constant 48 : index
        %get3A_322 = tpu.vector_load %arg13[%get3A_320, %get3A_321] {strides = array<i32>} : memref<80x128xf32, #tpu.memory_space<vmem>>, vector<1x16xf32>,
        %get3A_323 = vector.shape_cast %get3A_322 : vector<1x16xf32> to vector<16xf32>
        %mul3A_324 = arith.mulf %get3A_319, %get3A_323 : vector<16xf32>
        %swap3A_325 = arith.index_cast %add3A_315 : i32 to index
        %swap3A_326 = arith.constant 48 : index
        %swap3A_327 = tpu.vector_load %arg10[%swap3A_325, %swap3A_326] {strides = array<i32>} : memref<80x128xf32, #tpu.memory_space<vmem>>, vector<1x16xf32>,
        %swap3A_328 = vector.shape_cast %swap3A_327 : vector<1x16xf32> to vector<16xf32>
        %swap3A_329 = vector.shape_cast %mul3A_324 : vector<16xf32> to vector<1x16xf32>
        tpu.vector_store %arg10[%swap3A_325, %swap3A_326], %swap3A_329 {strides = array<i32>} : memref<80x128xf32, #tpu.memory_space<vmem>>, vector<1x16xf32>,
        %mul3A_330 = arith.constant 2 : i32
        %mul3A_331 = arith.muli %mul3A_330, %scan3A_259 : i32
        %add3A_332 = arith.constant 0 : i32
        %add3A_333 = arith.addi %mul3A_331, %add3A_332 : i32
        %get3A_334 = arith.index_cast %add3A_333 : i32 to index
        %get3A_335 = arith.constant 64 : index
        %get3A_336 = tpu.vector_load %arg10[%get3A_334, %get3A_335] {strides = array<i32>} : memref<80x128xf32, #tpu.memory_space<vmem>>, vector<1x16xf32>,
        %get3A_337 = vector.shape_cast %get3A_336 : vector<1x16xf32> to vector<16xf32>
        %get3A_338 = arith.index_cast %add3A_333 : i32 to index
        %get3A_339 = arith.constant 64 : index
        %get3A_340 = tpu.vector_load %arg13[%get3A_338, %get3A_339] {strides = array<i32>} : memref<80x128xf32, #tpu.memory_space<vmem>>, vector<1x16xf32>,
        %get3A_341 = vector.shape_cast %get3A_340 : vector<1x16xf32> to vector<16xf32>
        %mul3A_342 = arith.mulf %get3A_337, %get3A_341 : vector<16xf32>
        %swap3A_343 = arith.index_cast %add3A_333 : i32 to index
        %swap3A_344 = arith.constant 64 : index
        %swap3A_345 = tpu.vector_load %arg10[%swap3A_343, %swap3A_344] {strides = array<i32>} : memref<80x128xf32, #tpu.memory_space<vmem>>, vector<1x16xf32>,
        %swap3A_346 = vector.shape_cast %swap3A_345 : vector<1x16xf32> to vector<16xf32>
        %swap3A_347 = vector.shape_cast %mul3A_342 : vector<16xf32> to vector<1x16xf32>
        tpu.vector_store %arg10[%swap3A_343, %swap3A_344], %swap3A_347 {strides = array<i32>} : memref<80x128xf32, #tpu.memory_space<vmem>>, vector<1x16xf32>,
        %mul3A_348 = arith.constant 2 : i32
        %mul3A_349 = arith.muli %mul3A_348, %scan3A_259 : i32
        %add3A_350 = arith.constant 0 : i32
        %add3A_351 = arith.addi %mul3A_349, %add3A_350 : i32
        %get3A_352 = arith.index_cast %add3A_351 : i32 to index
        %get3A_353 = arith.constant 80 : index
        %get3A_354 = tpu.vector_load %arg10[%get3A_352, %get3A_353] {strides = array<i32>} : memref<80x128xf32, #tpu.memory_space<vmem>>, vector<1x16xf32>,
        %get3A_355 = vector.shape_cast %get3A_354 : vector<1x16xf32> to vector<16xf32>
        %get3A_356 = arith.index_cast %add3A_351 : i32 to index
        %get3A_357 = arith.constant 80 : index
        %get3A_358 = tpu.vector_load %arg13[%get3A_356, %get3A_357] {strides = array<i32>} : memref<80x128xf32, #tpu.memory_space<vmem>>, vector<1x16xf32>,
        %get3A_359 = vector.shape_cast %get3A_358 : vector<1x16xf32> to vector<16xf32>
        %mul3A_360 = arith.mulf %get3A_355, %get3A_359 : vector<16xf32>
        %swap3A_361 = arith.index_cast %add3A_351 : i32 to index
        %swap3A_362 = arith.constant 80 : index
        %swap3A_363 = tpu.vector_load %arg10[%swap3A_361, %swap3A_362] {strides = array<i32>} : memref<80x128xf32, #tpu.memory_space<vmem>>, vector<1x16xf32>,
        %swap3A_364 = vector.shape_cast %swap3A_363 : vector<1x16xf32> to vector<16xf32>
        %swap3A_365 = vector.shape_cast %mul3A_360 : vector<16xf32> to vector<1x16xf32>
        tpu.vector_store %arg10[%swap3A_361, %swap3A_362], %swap3A_365 {strides = array<i32>} : memref<80x128xf32, #tpu.memory_space<vmem>>, vector<1x16xf32>,
        %mul3A_366 = arith.constant 2 : i32
        %mul3A_367 = arith.muli %mul3A_366, %scan3A_259 : i32
        %add3A_368 = arith.constant 0 : i32
        %add3A_369 = arith.addi %mul3A_367, %add3A_368 : i32
        %get3A_370 = arith.index_cast %add3A_369 : i32 to index
        %get3A_371 = arith.constant 96 : index
        %get3A_372 = tpu.vector_load %arg10[%get3A_370, %get3A_371] {strides = array<i32>} : memref<80x128xf32, #tpu.memory_space<vmem>>, vector<1x16xf32>,
        %get3A_373 = vector.shape_cast %get3A_372 : vector<1x16xf32> to vector<16xf32>
        %get3A_374 = arith.index_cast %add3A_369 : i32 to index
        %get3A_375 = arith.constant 96 : index
        %get3A_376 = tpu.vector_load %arg13[%get3A_374, %get3A_375] {strides = array<i32>} : memref<80x128xf32, #tpu.memory_space<vmem>>, vector<1x16xf32>,
        %get3A_377 = vector.shape_cast %get3A_376 : vector<1x16xf32> to vector<16xf32>
        %mul3A_378 = arith.mulf %get3A_373, %get3A_377 : vector<16xf32>
        %swap3A_379 = arith.index_cast %add3A_369 : i32 to index
        %swap3A_380 = arith.constant 96 : index
        %swap3A_381 = tpu.vector_load %arg10[%swap3A_379, %swap3A_380] {strides = array<i32>} : memref<80x128xf32, #tpu.memory_space<vmem>>, vector<1x16xf32>,
        %swap3A_382 = vector.shape_cast %swap3A_381 : vector<1x16xf32> to vector<16xf32>
        %swap3A_383 = vector.shape_cast %mul3A_378 : vector<16xf32> to vector<1x16xf32>
        tpu.vector_store %arg10[%swap3A_379, %swap3A_380], %swap3A_383 {strides = array<i32>} : memref<80x128xf32, #tpu.memory_space<vmem>>, vector<1x16xf32>,
        %mul3A_384 = arith.constant 2 : i32
        %mul3A_385 = arith.muli %mul3A_384, %scan3A_259 : i32
        %add3A_386 = arith.constant 0 : i32
        %add3A_387 = arith.addi %mul3A_385, %add3A_386 : i32
        %get3A_388 = arith.index_cast %add3A_387 : i32 to index
        %get3A_389 = arith.constant 112 : index
        %get3A_390 = tpu.vector_load %arg10[%get3A_388, %get3A_389] {strides = array<i32>} : memref<80x128xf32, #tpu.memory_space<vmem>>, vector<1x16xf32>,
        %get3A_391 = vector.shape_cast %get3A_390 : vector<1x16xf32> to vector<16xf32>
        %get3A_392 = arith.index_cast %add3A_387 : i32 to index
        %get3A_393 = arith.constant 112 : index
        %get3A_394 = tpu.vector_load %arg13[%get3A_392, %get3A_393] {strides = array<i32>} : memref<80x128xf32, #tpu.memory_space<vmem>>, vector<1x16xf32>,
        %get3A_395 = vector.shape_cast %get3A_394 : vector<1x16xf32> to vector<16xf32>
        %mul3A_396 = arith.mulf %get3A_391, %get3A_395 : vector<16xf32>
        %swap3A_397 = arith.index_cast %add3A_387 : i32 to index
        %swap3A_398 = arith.constant 112 : index
        %swap3A_399 = tpu.vector_load %arg10[%swap3A_397, %swap3A_398] {strides = array<i32>} : memref<80x128xf32, #tpu.memory_space<vmem>>, vector<1x16xf32>,
        %swap3A_400 = vector.shape_cast %swap3A_399 : vector<1x16xf32> to vector<16xf32>
        %swap3A_401 = vector.shape_cast %mul3A_396 : vector<16xf32> to vector<1x16xf32>
        tpu.vector_store %arg10[%swap3A_397, %swap3A_398], %swap3A_401 {strides = array<i32>} : memref<80x128xf32, #tpu.memory_space<vmem>>, vector<1x16xf32>,
        %mul3A_402 = arith.constant 2 : i32
        %mul3A_403 = arith.muli %mul3A_402, %scan3A_259 : i32
        %add3A_404 = arith.constant 1 : i32
        %add3A_405 = arith.addi %mul3A_403, %add3A_404 : i32
        %get3A_406 = arith.index_cast %add3A_405 : i32 to index
        %get3A_407 = arith.constant 0 : index
        %get3A_408 = tpu.vector_load %arg10[%get3A_406, %get3A_407] {strides = array<i32>} : memref<80x128xf32, #tpu.memory_space<vmem>>, vector<1x16xf32>,
        %get3A_409 = vector.shape_cast %get3A_408 : vector<1x16xf32> to vector<16xf32>
        %get3A_410 = arith.index_cast %add3A_405 : i32 to index
        %get3A_411 = arith.constant 0 : index
        %get3A_412 = tpu.vector_load %arg13[%get3A_410, %get3A_411] {strides = array<i32>} : memref<80x128xf32, #tpu.memory_space<vmem>>, vector<1x16xf32>,
        %get3A_413 = vector.shape_cast %get3A_412 : vector<1x16xf32> to vector<16xf32>
        %mul3A_414 = arith.mulf %get3A_409, %get3A_413 : vector<16xf32>
        %swap3A_415 = arith.index_cast %add3A_405 : i32 to index
        %swap3A_416 = arith.constant 0 : index
        %swap3A_417 = tpu.vector_load %arg10[%swap3A_415, %swap3A_416] {strides = array<i32>} : memref<80x128xf32, #tpu.memory_space<vmem>>, vector<1x16xf32>,
        %swap3A_418 = vector.shape_cast %swap3A_417 : vector<1x16xf32> to vector<16xf32>
        %swap3A_419 = vector.shape_cast %mul3A_414 : vector<16xf32> to vector<1x16xf32>
        tpu.vector_store %arg10[%swap3A_415, %swap3A_416], %swap3A_419 {strides = array<i32>} : memref<80x128xf32, #tpu.memory_space<vmem>>, vector<1x16xf32>,
        %mul3A_420 = arith.constant 2 : i32
        %mul3A_421 = arith.muli %mul3A_420, %scan3A_259 : i32
        %add3A_422 = arith.constant 1 : i32
        %add3A_423 = arith.addi %mul3A_421, %add3A_422 : i32
        %get3A_424 = arith.index_cast %add3A_423 : i32 to index
        %get3A_425 = arith.constant 16 : index
        %get3A_426 = tpu.vector_load %arg10[%get3A_424, %get3A_425] {strides = array<i32>} : memref<80x128xf32, #tpu.memory_space<vmem>>, vector<1x16xf32>,
        %get3A_427 = vector.shape_cast %get3A_426 : vector<1x16xf32> to vector<16xf32>
        %get3A_428 = arith.index_cast %add3A_423 : i32 to index
        %get3A_429 = arith.constant 16 : index
        %get3A_430 = tpu.vector_load %arg13[%get3A_428, %get3A_429] {strides = array<i32>} : memref<80x128xf32, #tpu.memory_space<vmem>>, vector<1x16xf32>,
        %get3A_431 = vector.shape_cast %get3A_430 : vector<1x16xf32> to vector<16xf32>
        %mul3A_432 = arith.mulf %get3A_427, %get3A_431 : vector<16xf32>
        %swap3A_433 = arith.index_cast %add3A_423 : i32 to index
        %swap3A_434 = arith.constant 16 : index
        %swap3A_435 = tpu.vector_load %arg10[%swap3A_433, %swap3A_434] {strides = array<i32>} : memref<80x128xf32, #tpu.memory_space<vmem>>, vector<1x16xf32>,
        %swap3A_436 = vector.shape_cast %swap3A_435 : vector<1x16xf32> to vector<16xf32>
        %swap3A_437 = vector.shape_cast %mul3A_432 : vector<16xf32> to vector<1x16xf32>
        tpu.vector_store %arg10[%swap3A_433, %swap3A_434], %swap3A_437 {strides = array<i32>} : memref<80x128xf32, #tpu.memory_space<vmem>>, vector<1x16xf32>,
        %mul3A_438 = arith.constant 2 : i32
        %mul3A_439 = arith.muli %mul3A_438, %scan3A_259 : i32
        %add3A_440 = arith.constant 1 : i32
        %add3A_441 = arith.addi %mul3A_439, %add3A_440 : i32
        %get3A_442 = arith.index_cast %add3A_441 : i32 to index
        %get3A_443 = arith.constant 32 : index
        %get3A_444 = tpu.vector_load %arg10[%get3A_442, %get3A_443] {strides = array<i32>} : memref<80x128xf32, #tpu.memory_space<vmem>>, vector<1x16xf32>,
        %get3A_445 = vector.shape_cast %get3A_444 : vector<1x16xf32> to vector<16xf32>
        %get3A_446 = arith.index_cast %add3A_441 : i32 to index
        %get3A_447 = arith.constant 32 : index
        %get3A_448 = tpu.vector_load %arg13[%get3A_446, %get3A_447] {strides = array<i32>} : memref<80x128xf32, #tpu.memory_space<vmem>>, vector<1x16xf32>,
        %get3A_449 = vector.shape_cast %get3A_448 : vector<1x16xf32> to vector<16xf32>
        %mul3A_450 = arith.mulf %get3A_445, %get3A_449 : vector<16xf32>
        %swap3A_451 = arith.index_cast %add3A_441 : i32 to index
        %swap3A_452 = arith.constant 32 : index
        %swap3A_453 = tpu.vector_load %arg10[%swap3A_451, %swap3A_452] {strides = array<i32>} : memref<80x128xf32, #tpu.memory_space<vmem>>, vector<1x16xf32>,
        %swap3A_454 = vector.shape_cast %swap3A_453 : vector<1x16xf32> to vector<16xf32>
        %swap3A_455 = vector.shape_cast %mul3A_450 : vector<16xf32> to vector<1x16xf32>
        tpu.vector_store %arg10[%swap3A_451, %swap3A_452], %swap3A_455 {strides = array<i32>} : memref<80x128xf32, #tpu.memory_space<vmem>>, vector<1x16xf32>,
        %mul3A_456 = arith.constant 2 : i32
        %mul3A_457 = arith.muli %mul3A_456, %scan3A_259 : i32
        %add3A_458 = arith.constant 1 : i32
        %add3A_459 = arith.addi %mul3A_457, %add3A_458 : i32
        %get3A_460 = arith.index_cast %add3A_459 : i32 to index
        %get3A_461 = arith.constant 48 : index
        %get3A_462 = tpu.vector_load %arg10[%get3A_460, %get3A_461] {strides = array<i32>} : memref<80x128xf32, #tpu.memory_space<vmem>>, vector<1x16xf32>,
        %get3A_463 = vector.shape_cast %get3A_462 : vector<1x16xf32> to vector<16xf32>
        %get3A_464 = arith.index_cast %add3A_459 : i32 to index
        %get3A_465 = arith.constant 48 : index
        %get3A_466 = tpu.vector_load %arg13[%get3A_464, %get3A_465] {strides = array<i32>} : memref<80x128xf32, #tpu.memory_space<vmem>>, vector<1x16xf32>,
        %get3A_467 = vector.shape_cast %get3A_466 : vector<1x16xf32> to vector<16xf32>
        %mul3A_468 = arith.mulf %get3A_463, %get3A_467 : vector<16xf32>
        %swap3A_469 = arith.index_cast %add3A_459 : i32 to index
        %swap3A_470 = arith.constant 48 : index
        %swap3A_471 = tpu.vector_load %arg10[%swap3A_469, %swap3A_470] {strides = array<i32>} : memref<80x128xf32, #tpu.memory_space<vmem>>, vector<1x16xf32>,
        %swap3A_472 = vector.shape_cast %swap3A_471 : vector<1x16xf32> to vector<16xf32>
        %swap3A_473 = vector.shape_cast %mul3A_468 : vector<16xf32> to vector<1x16xf32>
        tpu.vector_store %arg10[%swap3A_469, %swap3A_470], %swap3A_473 {strides = array<i32>} : memref<80x128xf32, #tpu.memory_space<vmem>>, vector<1x16xf32>,
        %mul3A_474 = arith.constant 2 : i32
        %mul3A_475 = arith.muli %mul3A_474, %scan3A_259 : i32
        %add3A_476 = arith.constant 1 : i32
        %add3A_477 = arith.addi %mul3A_475, %add3A_476 : i32
        %get3A_478 = arith.index_cast %add3A_477 : i32 to index
        %get3A_479 = arith.constant 64 : index
        %get3A_480 = tpu.vector_load %arg10[%get3A_478, %get3A_479] {strides = array<i32>} : memref<80x128xf32, #tpu.memory_space<vmem>>, vector<1x16xf32>,
        %get3A_481 = vector.shape_cast %get3A_480 : vector<1x16xf32> to vector<16xf32>
        %get3A_482 = arith.index_cast %add3A_477 : i32 to index
        %get3A_483 = arith.constant 64 : index
        %get3A_484 = tpu.vector_load %arg13[%get3A_482, %get3A_483] {strides = array<i32>} : memref<80x128xf32, #tpu.memory_space<vmem>>, vector<1x16xf32>,
        %get3A_485 = vector.shape_cast %get3A_484 : vector<1x16xf32> to vector<16xf32>
        %mul3A_486 = arith.mulf %get3A_481, %get3A_485 : vector<16xf32>
        %swap3A_487 = arith.index_cast %add3A_477 : i32 to index
        %swap3A_488 = arith.constant 64 : index
        %swap3A_489 = tpu.vector_load %arg10[%swap3A_487, %swap3A_488] {strides = array<i32>} : memref<80x128xf32, #tpu.memory_space<vmem>>, vector<1x16xf32>,
        %swap3A_490 = vector.shape_cast %swap3A_489 : vector<1x16xf32> to vector<16xf32>
        %swap3A_491 = vector.shape_cast %mul3A_486 : vector<16xf32> to vector<1x16xf32>
        tpu.vector_store %arg10[%swap3A_487, %swap3A_488], %swap3A_491 {strides = array<i32>} : memref<80x128xf32, #tpu.memory_space<vmem>>, vector<1x16xf32>,
        %mul3A_492 = arith.constant 2 : i32
        %mul3A_493 = arith.muli %mul3A_492, %scan3A_259 : i32
        %add3A_494 = arith.constant 1 : i32
        %add3A_495 = arith.addi %mul3A_493, %add3A_494 : i32
        %get3A_496 = arith.index_cast %add3A_495 : i32 to index
        %get3A_497 = arith.constant 80 : index
        %get3A_498 = tpu.vector_load %arg10[%get3A_496, %get3A_497] {strides = array<i32>} : memref<80x128xf32, #tpu.memory_space<vmem>>, vector<1x16xf32>,
        %get3A_499 = vector.shape_cast %get3A_498 : vector<1x16xf32> to vector<16xf32>
        %get3A_500 = arith.index_cast %add3A_495 : i32 to index
        %get3A_501 = arith.constant 80 : index
        %get3A_502 = tpu.vector_load %arg13[%get3A_500, %get3A_501] {strides = array<i32>} : memref<80x128xf32, #tpu.memory_space<vmem>>, vector<1x16xf32>,
        %get3A_503 = vector.shape_cast %get3A_502 : vector<1x16xf32> to vector<16xf32>
        %mul3A_504 = arith.mulf %get3A_499, %get3A_503 : vector<16xf32>
        %swap3A_505 = arith.index_cast %add3A_495 : i32 to index
        %swap3A_506 = arith.constant 80 : index
        %swap3A_507 = tpu.vector_load %arg10[%swap3A_505, %swap3A_506] {strides = array<i32>} : memref<80x128xf32, #tpu.memory_space<vmem>>, vector<1x16xf32>,
        %swap3A_508 = vector.shape_cast %swap3A_507 : vector<1x16xf32> to vector<16xf32>
        %swap3A_509 = vector.shape_cast %mul3A_504 : vector<16xf32> to vector<1x16xf32>
        tpu.vector_store %arg10[%swap3A_505, %swap3A_506], %swap3A_509 {strides = array<i32>} : memref<80x128xf32, #tpu.memory_space<vmem>>, vector<1x16xf32>,
        %mul3A_510 = arith.constant 2 : i32
        %mul3A_511 = arith.muli %mul3A_510, %scan3A_259 : i32
        %add3A_512 = arith.constant 1 : i32
        %add3A_513 = arith.addi %mul3A_511, %add3A_512 : i32
        %get3A_514 = arith.index_cast %add3A_513 : i32 to index
        %get3A_515 = arith.constant 96 : index
        %get3A_516 = tpu.vector_load %arg10[%get3A_514, %get3A_515] {strides = array<i32>} : memref<80x128xf32, #tpu.memory_space<vmem>>, vector<1x16xf32>,
        %get3A_517 = vector.shape_cast %get3A_516 : vector<1x16xf32> to vector<16xf32>
        %get3A_518 = arith.index_cast %add3A_513 : i32 to index
        %get3A_519 = arith.constant 96 : index
        %get3A_520 = tpu.vector_load %arg13[%get3A_518, %get3A_519] {strides = array<i32>} : memref<80x128xf32, #tpu.memory_space<vmem>>, vector<1x16xf32>,
        %get3A_521 = vector.shape_cast %get3A_520 : vector<1x16xf32> to vector<16xf32>
        %mul3A_522 = arith.mulf %get3A_517, %get3A_521 : vector<16xf32>
        %swap3A_523 = arith.index_cast %add3A_513 : i32 to index
        %swap3A_524 = arith.constant 96 : index
        %swap3A_525 = tpu.vector_load %arg10[%swap3A_523, %swap3A_524] {strides = array<i32>} : memref<80x128xf32, #tpu.memory_space<vmem>>, vector<1x16xf32>,
        %swap3A_526 = vector.shape_cast %swap3A_525 : vector<1x16xf32> to vector<16xf32>
        %swap3A_527 = vector.shape_cast %mul3A_522 : vector<16xf32> to vector<1x16xf32>
        tpu.vector_store %arg10[%swap3A_523, %swap3A_524], %swap3A_527 {strides = array<i32>} : memref<80x128xf32, #tpu.memory_space<vmem>>, vector<1x16xf32>,
        %mul3A_528 = arith.constant 2 : i32
        %mul3A_529 = arith.muli %mul3A_528, %scan3A_259 : i32
        %add3A_530 = arith.constant 1 : i32
        %add3A_531 = arith.addi %mul3A_529, %add3A_530 : i32
        %get3A_532 = arith.index_cast %add3A_531 : i32 to index
        %get3A_533 = arith.constant 112 : index
        %get3A_534 = tpu.vector_load %arg10[%get3A_532, %get3A_533] {strides = array<i32>} : memref<80x128xf32, #tpu.memory_space<vmem>>, vector<1x16xf32>,
        %get3A_535 = vector.shape_cast %get3A_534 : vector<1x16xf32> to vector<16xf32>
        %get3A_536 = arith.index_cast %add3A_531 : i32 to index
        %get3A_537 = arith.constant 112 : index
        %get3A_538 = tpu.vector_load %arg13[%get3A_536, %get3A_537] {strides = array<i32>} : memref<80x128xf32, #tpu.memory_space<vmem>>, vector<1x16xf32>,
        %get3A_539 = vector.shape_cast %get3A_538 : vector<1x16xf32> to vector<16xf32>
        %mul3A_540 = arith.mulf %get3A_535, %get3A_539 : vector<16xf32>
        %swap3A_541 = arith.index_cast %add3A_531 : i32 to index
        %swap3A_542 = arith.constant 112 : index
        %swap3A_543 = tpu.vector_load %arg10[%swap3A_541, %swap3A_542] {strides = array<i32>} : memref<80x128xf32, #tpu.memory_space<vmem>>, vector<1x16xf32>,
        %swap3A_544 = vector.shape_cast %swap3A_543 : vector<1x16xf32> to vector<16xf32>
        %swap3A_545 = vector.shape_cast %mul3A_540 : vector<16xf32> to vector<1x16xf32>
        tpu.vector_store %arg10[%swap3A_541, %swap3A_542], %swap3A_545 {strides = array<i32>} : memref<80x128xf32, #tpu.memory_space<vmem>>, vector<1x16xf32>,
      }
      %scan3A_137 = arith.constant 40 : i32
      %dma_start3A_138 = arith.constant 0 : i32
      %dma_start3A_139 = tpu.memref_slice %arg9[%add3A_116, %dma_start3A_138] : memref<125x80xi32, #tpu.memory_space<vmem>> -> memref<1x80xi32, #tpu.memory_space<vmem>>
      %dma_start3A_140 = tpu.memref_squeeze %dma_start3A_139 : memref<1x80xi32, #tpu.memory_space<vmem>> -> memref<80xi32, #tpu.memory_space<vmem>>
      %dma_start3A_141 = arith.constant 0 : i32
      %dma_start3A_142 = arith.constant 0 : i32
      %dma_start3A_143 = tpu.memref_slice %arg16[%dma_start3A_141, %dma_start3A_142] : memref<5008x128xf32, #tpu.memory_space<vmem_shared>> -> memref<5008x128xf32, #tpu.memory_space<vmem_shared>>
      tpu.enqueue_indirect_dma source(%arg10 : memref<80x128xf32, #tpu.memory_space<vmem>>) target(%dma_start3A_143 : memref<5008x128xf32, #tpu.memory_space<vmem_shared>>) offsets(%dma_start3A_140 : memref<80xi32, #tpu.memory_space<vmem>>) semaphore(%arg23 : memref<!tpu.dma_semaphore, #tpu.memory_space<semaphore_mem>>) {add = true}
      %sub3A = arith.constant 1 : i32
      %sub3A_144 = arith.subi %add3A_116, %sub3A : i32
      %max3A = arith.constant 0 : i32
      %max3A_145 = arith.maxsi %sub3A_144, %max3A : i32
      %ge3A = arith.constant 1 : i32
      %ge3A_146 = arith.cmpi sge, %add3A_116, %ge3A : i32
      %convert_element_type3A = arith.extui %ge3A_146 : i1 to i32
      %cond3A = arith.constant 0 : i32
      %cond3A_147 = arith.cmpi ne, %convert_element_type3A, %cond3A : i32
      scf.if %cond3A_147 {
        %dma_wait3A_259 = arith.constant 0 : i32
        %dma_wait3A_260 = tpu.memref_slice %arg9[%max3A_145, %dma_wait3A_259] : memref<125x80xi32, #tpu.memory_space<vmem>> -> memref<1x80xi32, #tpu.memory_space<vmem>>
        %dma_wait3A_261 = tpu.memref_squeeze %dma_wait3A_260 : memref<1x80xi32, #tpu.memory_space<vmem>> -> memref<80xi32, #tpu.memory_space<vmem>>
        %dma_wait3A_262 = arith.constant 0 : i32
        %dma_wait3A_263 = arith.constant 0 : i32
        %dma_wait3A_264 = tpu.memref_slice %arg16[%dma_wait3A_262, %dma_wait3A_263] : memref<5008x128xf32, #tpu.memory_space<vmem_shared>> -> memref<5008x128xf32, #tpu.memory_space<vmem_shared>>
        tpu.wait_indirect_dma semaphore(%arg25 : memref<!tpu.dma_semaphore, #tpu.memory_space<semaphore_mem>>) src(%arg12 : memref<80x128xf32, #tpu.memory_space<vmem>>) dst(%dma_wait3A_264 : memref<5008x128xf32, #tpu.memory_space<vmem_shared>>)
      } else {
      }
      %add3A_148 = arith.constant 2 : i32
      %add3A_149 = arith.addi %add3A_116, %add3A_148 : i32
      %min3A = arith.constant 124 : i32
      %min3A_150 = arith.minsi %add3A_149, %min3A : i32
      %add3A_151 = arith.constant 2 : i32
      %add3A_152 = arith.addi %add3A_116, %add3A_151 : i32
      %le3A = arith.constant 124 : i32
      %le3A_153 = arith.cmpi sle, %add3A_152, %le3A : i32
      %convert_element_type3A_154 = arith.extui %le3A_153 : i1 to i32
      %cond3A_155 = arith.constant 0 : i32
      %cond3A_156 = arith.cmpi ne, %convert_element_type3A_154, %cond3A_155 : i32
      scf.if %cond3A_156 {
        %mul3A_259 = arith.constant 10000 : i32
        %mul3A_260 = arith.muli %arg1, %mul3A_259 : i32
        %mul3A_261 = arith.constant 80 : i32
        %mul3A_262 = arith.muli %min3A_150, %mul3A_261 : i32
        %add3A_263 = arith.addi %mul3A_260, %mul3A_262 : i32
        %dma_start3A_264 = arith.constant 0 : i32
        %dma_start3A_265 = tpu.memref_slice %arg2[%add3A_263, %dma_start3A_264] : memref<160000x128xf32, #tpu.memory_space<hbm>> -> memref<80x128xf32, #tpu.memory_space<hbm>>
        %dma_start3A_266 = arith.constant 0 : i32
        %dma_start3A_267 = tpu.memref_slice %arg2[%add3A_263, %dma_start3A_266] : memref<160000x128xf32, #tpu.memory_space<hbm>> -> memref<80x128xf32, #tpu.memory_space<hbm>>
        tpu.enqueue_dma source(%dma_start3A_267 : memref<80x128xf32, #tpu.memory_space<hbm>>) target(%arg15 : memref<80x128xf32, #tpu.memory_space<vmem>>) target_semaphore(%arg22 : memref<!tpu.dma_semaphore, #tpu.memory_space<semaphore_mem>>)
        %mul3A_268 = arith.constant 80 : i32
        %mul3A_269 = arith.muli %min3A_150, %mul3A_268 : i32
        %dma_start3A_270 = tpu.memref_slice %arg8[%mul3A_269] : memref<10000xi32, #tpu.memory_space<vmem>> -> memref<80xi32, #tpu.memory_space<vmem>>
        %dma_start3A_271 = arith.constant 0 : i32
        %dma_start3A_272 = arith.constant 0 : i32
        %dma_start3A_273 = tpu.memref_slice %arg3[%dma_start3A_271, %dma_start3A_272] : memref<10000x128xf32, #tpu.memory_space<hbm>> -> memref<10000x128xf32, #tpu.memory_space<hbm>>
        tpu.enqueue_indirect_dma source(%dma_start3A_273 : memref<10000x128xf32, #tpu.memory_space<hbm>>) target(%arg12 : memref<80x128xf32, #tpu.memory_space<vmem>>) offsets(%dma_start3A_270 : memref<80xi32, #tpu.memory_space<vmem>>) semaphore(%arg19 : memref<!tpu.dma_semaphore, #tpu.memory_space<semaphore_mem>>)
      } else {
      }
      %mul3A_157 = arith.constant 3 : i32
      %mul3A_158 = arith.muli %scan3A_112, %mul3A_157 : i32
      %add3A_159 = arith.constant 1 : i32
      %add3A_160 = arith.addi %mul3A_158, %add3A_159 : i32
      %mul3A_161 = arith.constant 10000 : i32
      %mul3A_162 = arith.muli %arg1, %mul3A_161 : i32
      %mul3A_163 = arith.constant 80 : i32
      %mul3A_164 = arith.muli %add3A_160, %mul3A_163 : i32
      %add3A_165 = arith.addi %mul3A_162, %mul3A_164 : i32
      %dma_wait3A_166 = arith.constant 0 : i32
      %dma_wait3A_167 = tpu.memref_slice %arg2[%add3A_165, %dma_wait3A_166] : memref<160000x128xf32, #tpu.memory_space<hbm>> -> memref<80x128xf32, #tpu.memory_space<hbm>>
      %dma_wait3A_168 = arith.constant 0 : i32
      %dma_wait3A_169 = tpu.memref_slice %arg2[%add3A_165, %dma_wait3A_168] : memref<160000x128xf32, #tpu.memory_space<hbm>> -> memref<80x128xf32, #tpu.memory_space<hbm>>
      tpu.wait_dma2 semaphore(%arg21 : memref<!tpu.dma_semaphore, #tpu.memory_space<semaphore_mem>>) src(%dma_wait3A_169 : memref<80x128xf32, #tpu.memory_space<hbm>>) dst(%arg14 : memref<80x128xf32, #tpu.memory_space<vmem>>)
      %mul3A_170 = arith.constant 80 : i32
      %mul3A_171 = arith.muli %add3A_160, %mul3A_170 : i32
      %dma_wait3A_172 = tpu.memref_slice %arg8[%mul3A_171] : memref<10000xi32, #tpu.memory_space<vmem>> -> memref<80xi32, #tpu.memory_space<vmem>>
      %dma_wait3A_173 = arith.constant 0 : i32
      %dma_wait3A_174 = arith.constant 0 : i32
      %dma_wait3A_175 = tpu.memref_slice %arg3[%dma_wait3A_173, %dma_wait3A_174] : memref<10000x128xf32, #tpu.memory_space<hbm>> -> memref<10000x128xf32, #tpu.memory_space<hbm>>
      tpu.wait_indirect_dma semaphore(%arg18 : memref<!tpu.dma_semaphore, #tpu.memory_space<semaphore_mem>>) src(%dma_wait3A_175 : memref<10000x128xf32, #tpu.memory_space<hbm>>) dst(%arg11 : memref<80x128xf32, #tpu.memory_space<vmem>>)
      %scan3A_176 = arith.constant 0 : i32
      %scan3A_177 = arith.constant 0 : i32
      %scan3A_178 = arith.constant 40 : i32
      %scan3A_179 = arith.addi %scan3A_177, %scan3A_178 : i32
      %scan3A_180 = arith.constant 1 : i32
      scf.for %scan3A_259 = %scan3A_177 to %scan3A_179 step %scan3A_180  : i32 {
        %mul3A_260 = arith.constant 2 : i32
        %mul3A_261 = arith.muli %mul3A_260, %scan3A_259 : i32
        %add3A_262 = arith.constant 0 : i32
        %add3A_263 = arith.addi %mul3A_261, %add3A_262 : i32
        %get3A = arith.index_cast %add3A_263 : i32 to index
        %get3A_264 = arith.constant 0 : index
        %get3A_265 = tpu.vector_load %arg11[%get3A, %get3A_264] {strides = array<i32>} : memref<80x128xf32, #tpu.memory_space<vmem>>, vector<1x16xf32>,
        %get3A_266 = vector.shape_cast %get3A_265 : vector<1x16xf32> to vector<16xf32>
        %get3A_267 = arith.index_cast %add3A_263 : i32 to index
        %get3A_268 = arith.constant 0 : index
        %get3A_269 = tpu.vector_load %arg14[%get3A_267, %get3A_268] {strides = array<i32>} : memref<80x128xf32, #tpu.memory_space<vmem>>, vector<1x16xf32>,
        %get3A_270 = vector.shape_cast %get3A_269 : vector<1x16xf32> to vector<16xf32>
        %mul3A_271 = arith.mulf %get3A_266, %get3A_270 : vector<16xf32>
        %swap3A = arith.index_cast %add3A_263 : i32 to index
        %swap3A_272 = arith.constant 0 : index
        %swap3A_273 = tpu.vector_load %arg11[%swap3A, %swap3A_272] {strides = array<i32>} : memref<80x128xf32, #tpu.memory_space<vmem>>, vector<1x16xf32>,
        %swap3A_274 = vector.shape_cast %swap3A_273 : vector<1x16xf32> to vector<16xf32>
        %swap3A_275 = vector.shape_cast %mul3A_271 : vector<16xf32> to vector<1x16xf32>
        tpu.vector_store %arg11[%swap3A, %swap3A_272], %swap3A_275 {strides = array<i32>} : memref<80x128xf32, #tpu.memory_space<vmem>>, vector<1x16xf32>,
        %mul3A_276 = arith.constant 2 : i32
        %mul3A_277 = arith.muli %mul3A_276, %scan3A_259 : i32
        %add3A_278 = arith.constant 0 : i32
        %add3A_279 = arith.addi %mul3A_277, %add3A_278 : i32
        %get3A_280 = arith.index_cast %add3A_279 : i32 to index
        %get3A_281 = arith.constant 16 : index
        %get3A_282 = tpu.vector_load %arg11[%get3A_280, %get3A_281] {strides = array<i32>} : memref<80x128xf32, #tpu.memory_space<vmem>>, vector<1x16xf32>,
        %get3A_283 = vector.shape_cast %get3A_282 : vector<1x16xf32> to vector<16xf32>
        %get3A_284 = arith.index_cast %add3A_279 : i32 to index
        %get3A_285 = arith.constant 16 : index
        %get3A_286 = tpu.vector_load %arg14[%get3A_284, %get3A_285] {strides = array<i32>} : memref<80x128xf32, #tpu.memory_space<vmem>>, vector<1x16xf32>,
        %get3A_287 = vector.shape_cast %get3A_286 : vector<1x16xf32> to vector<16xf32>
        %mul3A_288 = arith.mulf %get3A_283, %get3A_287 : vector<16xf32>
        %swap3A_289 = arith.index_cast %add3A_279 : i32 to index
        %swap3A_290 = arith.constant 16 : index
        %swap3A_291 = tpu.vector_load %arg11[%swap3A_289, %swap3A_290] {strides = array<i32>} : memref<80x128xf32, #tpu.memory_space<vmem>>, vector<1x16xf32>,
        %swap3A_292 = vector.shape_cast %swap3A_291 : vector<1x16xf32> to vector<16xf32>
        %swap3A_293 = vector.shape_cast %mul3A_288 : vector<16xf32> to vector<1x16xf32>
        tpu.vector_store %arg11[%swap3A_289, %swap3A_290], %swap3A_293 {strides = array<i32>} : memref<80x128xf32, #tpu.memory_space<vmem>>, vector<1x16xf32>,
        %mul3A_294 = arith.constant 2 : i32
        %mul3A_295 = arith.muli %mul3A_294, %scan3A_259 : i32
        %add3A_296 = arith.constant 0 : i32
        %add3A_297 = arith.addi %mul3A_295, %add3A_296 : i32
        %get3A_298 = arith.index_cast %add3A_297 : i32 to index
        %get3A_299 = arith.constant 32 : index
        %get3A_300 = tpu.vector_load %arg11[%get3A_298, %get3A_299] {strides = array<i32>} : memref<80x128xf32, #tpu.memory_space<vmem>>, vector<1x16xf32>,
        %get3A_301 = vector.shape_cast %get3A_300 : vector<1x16xf32> to vector<16xf32>
        %get3A_302 = arith.index_cast %add3A_297 : i32 to index
        %get3A_303 = arith.constant 32 : index
        %get3A_304 = tpu.vector_load %arg14[%get3A_302, %get3A_303] {strides = array<i32>} : memref<80x128xf32, #tpu.memory_space<vmem>>, vector<1x16xf32>,
        %get3A_305 = vector.shape_cast %get3A_304 : vector<1x16xf32> to vector<16xf32>
        %mul3A_306 = arith.mulf %get3A_301, %get3A_305 : vector<16xf32>
        %swap3A_307 = arith.index_cast %add3A_297 : i32 to index
        %swap3A_308 = arith.constant 32 : index
        %swap3A_309 = tpu.vector_load %arg11[%swap3A_307, %swap3A_308] {strides = array<i32>} : memref<80x128xf32, #tpu.memory_space<vmem>>, vector<1x16xf32>,
        %swap3A_310 = vector.shape_cast %swap3A_309 : vector<1x16xf32> to vector<16xf32>
        %swap3A_311 = vector.shape_cast %mul3A_306 : vector<16xf32> to vector<1x16xf32>
        tpu.vector_store %arg11[%swap3A_307, %swap3A_308], %swap3A_311 {strides = array<i32>} : memref<80x128xf32, #tpu.memory_space<vmem>>, vector<1x16xf32>,
        %mul3A_312 = arith.constant 2 : i32
        %mul3A_313 = arith.muli %mul3A_312, %scan3A_259 : i32
        %add3A_314 = arith.constant 0 : i32
        %add3A_315 = arith.addi %mul3A_313, %add3A_314 : i32
        %get3A_316 = arith.index_cast %add3A_315 : i32 to index
        %get3A_317 = arith.constant 48 : index
        %get3A_318 = tpu.vector_load %arg11[%get3A_316, %get3A_317] {strides = array<i32>} : memref<80x128xf32, #tpu.memory_space<vmem>>, vector<1x16xf32>,
        %get3A_319 = vector.shape_cast %get3A_318 : vector<1x16xf32> to vector<16xf32>
        %get3A_320 = arith.index_cast %add3A_315 : i32 to index
        %get3A_321 = arith.constant 48 : index
        %get3A_322 = tpu.vector_load %arg14[%get3A_320, %get3A_321] {strides = array<i32>} : memref<80x128xf32, #tpu.memory_space<vmem>>, vector<1x16xf32>,
        %get3A_323 = vector.shape_cast %get3A_322 : vector<1x16xf32> to vector<16xf32>
        %mul3A_324 = arith.mulf %get3A_319, %get3A_323 : vector<16xf32>
        %swap3A_325 = arith.index_cast %add3A_315 : i32 to index
        %swap3A_326 = arith.constant 48 : index
        %swap3A_327 = tpu.vector_load %arg11[%swap3A_325, %swap3A_326] {strides = array<i32>} : memref<80x128xf32, #tpu.memory_space<vmem>>, vector<1x16xf32>,
        %swap3A_328 = vector.shape_cast %swap3A_327 : vector<1x16xf32> to vector<16xf32>
        %swap3A_329 = vector.shape_cast %mul3A_324 : vector<16xf32> to vector<1x16xf32>
        tpu.vector_store %arg11[%swap3A_325, %swap3A_326], %swap3A_329 {strides = array<i32>} : memref<80x128xf32, #tpu.memory_space<vmem>>, vector<1x16xf32>,
        %mul3A_330 = arith.constant 2 : i32
        %mul3A_331 = arith.muli %mul3A_330, %scan3A_259 : i32
        %add3A_332 = arith.constant 0 : i32
        %add3A_333 = arith.addi %mul3A_331, %add3A_332 : i32
        %get3A_334 = arith.index_cast %add3A_333 : i32 to index
        %get3A_335 = arith.constant 64 : index
        %get3A_336 = tpu.vector_load %arg11[%get3A_334, %get3A_335] {strides = array<i32>} : memref<80x128xf32, #tpu.memory_space<vmem>>, vector<1x16xf32>,
        %get3A_337 = vector.shape_cast %get3A_336 : vector<1x16xf32> to vector<16xf32>
        %get3A_338 = arith.index_cast %add3A_333 : i32 to index
        %get3A_339 = arith.constant 64 : index
        %get3A_340 = tpu.vector_load %arg14[%get3A_338, %get3A_339] {strides = array<i32>} : memref<80x128xf32, #tpu.memory_space<vmem>>, vector<1x16xf32>,
        %get3A_341 = vector.shape_cast %get3A_340 : vector<1x16xf32> to vector<16xf32>
        %mul3A_342 = arith.mulf %get3A_337, %get3A_341 : vector<16xf32>
        %swap3A_343 = arith.index_cast %add3A_333 : i32 to index
        %swap3A_344 = arith.constant 64 : index
        %swap3A_345 = tpu.vector_load %arg11[%swap3A_343, %swap3A_344] {strides = array<i32>} : memref<80x128xf32, #tpu.memory_space<vmem>>, vector<1x16xf32>,
        %swap3A_346 = vector.shape_cast %swap3A_345 : vector<1x16xf32> to vector<16xf32>
        %swap3A_347 = vector.shape_cast %mul3A_342 : vector<16xf32> to vector<1x16xf32>
        tpu.vector_store %arg11[%swap3A_343, %swap3A_344], %swap3A_347 {strides = array<i32>} : memref<80x128xf32, #tpu.memory_space<vmem>>, vector<1x16xf32>,
        %mul3A_348 = arith.constant 2 : i32
        %mul3A_349 = arith.muli %mul3A_348, %scan3A_259 : i32
        %add3A_350 = arith.constant 0 : i32
        %add3A_351 = arith.addi %mul3A_349, %add3A_350 : i32
        %get3A_352 = arith.index_cast %add3A_351 : i32 to index
        %get3A_353 = arith.constant 80 : index
        %get3A_354 = tpu.vector_load %arg11[%get3A_352, %get3A_353] {strides = array<i32>} : memref<80x128xf32, #tpu.memory_space<vmem>>, vector<1x16xf32>,
        %get3A_355 = vector.shape_cast %get3A_354 : vector<1x16xf32> to vector<16xf32>
        %get3A_356 = arith.index_cast %add3A_351 : i32 to index
        %get3A_357 = arith.constant 80 : index
        %get3A_358 = tpu.vector_load %arg14[%get3A_356, %get3A_357] {strides = array<i32>} : memref<80x128xf32, #tpu.memory_space<vmem>>, vector<1x16xf32>,
        %get3A_359 = vector.shape_cast %get3A_358 : vector<1x16xf32> to vector<16xf32>
        %mul3A_360 = arith.mulf %get3A_355, %get3A_359 : vector<16xf32>
        %swap3A_361 = arith.index_cast %add3A_351 : i32 to index
        %swap3A_362 = arith.constant 80 : index
        %swap3A_363 = tpu.vector_load %arg11[%swap3A_361, %swap3A_362] {strides = array<i32>} : memref<80x128xf32, #tpu.memory_space<vmem>>, vector<1x16xf32>,
        %swap3A_364 = vector.shape_cast %swap3A_363 : vector<1x16xf32> to vector<16xf32>
        %swap3A_365 = vector.shape_cast %mul3A_360 : vector<16xf32> to vector<1x16xf32>
        tpu.vector_store %arg11[%swap3A_361, %swap3A_362], %swap3A_365 {strides = array<i32>} : memref<80x128xf32, #tpu.memory_space<vmem>>, vector<1x16xf32>,
        %mul3A_366 = arith.constant 2 : i32
        %mul3A_367 = arith.muli %mul3A_366, %scan3A_259 : i32
        %add3A_368 = arith.constant 0 : i32
        %add3A_369 = arith.addi %mul3A_367, %add3A_368 : i32
        %get3A_370 = arith.index_cast %add3A_369 : i32 to index
        %get3A_371 = arith.constant 96 : index
        %get3A_372 = tpu.vector_load %arg11[%get3A_370, %get3A_371] {strides = array<i32>} : memref<80x128xf32, #tpu.memory_space<vmem>>, vector<1x16xf32>,
        %get3A_373 = vector.shape_cast %get3A_372 : vector<1x16xf32> to vector<16xf32>
        %get3A_374 = arith.index_cast %add3A_369 : i32 to index
        %get3A_375 = arith.constant 96 : index
        %get3A_376 = tpu.vector_load %arg14[%get3A_374, %get3A_375] {strides = array<i32>} : memref<80x128xf32, #tpu.memory_space<vmem>>, vector<1x16xf32>,
        %get3A_377 = vector.shape_cast %get3A_376 : vector<1x16xf32> to vector<16xf32>
        %mul3A_378 = arith.mulf %get3A_373, %get3A_377 : vector<16xf32>
        %swap3A_379 = arith.index_cast %add3A_369 : i32 to index
        %swap3A_380 = arith.constant 96 : index
        %swap3A_381 = tpu.vector_load %arg11[%swap3A_379, %swap3A_380] {strides = array<i32>} : memref<80x128xf32, #tpu.memory_space<vmem>>, vector<1x16xf32>,
        %swap3A_382 = vector.shape_cast %swap3A_381 : vector<1x16xf32> to vector<16xf32>
        %swap3A_383 = vector.shape_cast %mul3A_378 : vector<16xf32> to vector<1x16xf32>
        tpu.vector_store %arg11[%swap3A_379, %swap3A_380], %swap3A_383 {strides = array<i32>} : memref<80x128xf32, #tpu.memory_space<vmem>>, vector<1x16xf32>,
        %mul3A_384 = arith.constant 2 : i32
        %mul3A_385 = arith.muli %mul3A_384, %scan3A_259 : i32
        %add3A_386 = arith.constant 0 : i32
        %add3A_387 = arith.addi %mul3A_385, %add3A_386 : i32
        %get3A_388 = arith.index_cast %add3A_387 : i32 to index
        %get3A_389 = arith.constant 112 : index
        %get3A_390 = tpu.vector_load %arg11[%get3A_388, %get3A_389] {strides = array<i32>} : memref<80x128xf32, #tpu.memory_space<vmem>>, vector<1x16xf32>,
        %get3A_391 = vector.shape_cast %get3A_390 : vector<1x16xf32> to vector<16xf32>
        %get3A_392 = arith.index_cast %add3A_387 : i32 to index
        %get3A_393 = arith.constant 112 : index
        %get3A_394 = tpu.vector_load %arg14[%get3A_392, %get3A_393] {strides = array<i32>} : memref<80x128xf32, #tpu.memory_space<vmem>>, vector<1x16xf32>,
        %get3A_395 = vector.shape_cast %get3A_394 : vector<1x16xf32> to vector<16xf32>
        %mul3A_396 = arith.mulf %get3A_391, %get3A_395 : vector<16xf32>
        %swap3A_397 = arith.index_cast %add3A_387 : i32 to index
        %swap3A_398 = arith.constant 112 : index
        %swap3A_399 = tpu.vector_load %arg11[%swap3A_397, %swap3A_398] {strides = array<i32>} : memref<80x128xf32, #tpu.memory_space<vmem>>, vector<1x16xf32>,
        %swap3A_400 = vector.shape_cast %swap3A_399 : vector<1x16xf32> to vector<16xf32>
        %swap3A_401 = vector.shape_cast %mul3A_396 : vector<16xf32> to vector<1x16xf32>
        tpu.vector_store %arg11[%swap3A_397, %swap3A_398], %swap3A_401 {strides = array<i32>} : memref<80x128xf32, #tpu.memory_space<vmem>>, vector<1x16xf32>,
        %mul3A_402 = arith.constant 2 : i32
        %mul3A_403 = arith.muli %mul3A_402, %scan3A_259 : i32
        %add3A_404 = arith.constant 1 : i32
        %add3A_405 = arith.addi %mul3A_403, %add3A_404 : i32
        %get3A_406 = arith.index_cast %add3A_405 : i32 to index
        %get3A_407 = arith.constant 0 : index
        %get3A_408 = tpu.vector_load %arg11[%get3A_406, %get3A_407] {strides = array<i32>} : memref<80x128xf32, #tpu.memory_space<vmem>>, vector<1x16xf32>,
        %get3A_409 = vector.shape_cast %get3A_408 : vector<1x16xf32> to vector<16xf32>
        %get3A_410 = arith.index_cast %add3A_405 : i32 to index
        %get3A_411 = arith.constant 0 : index
        %get3A_412 = tpu.vector_load %arg14[%get3A_410, %get3A_411] {strides = array<i32>} : memref<80x128xf32, #tpu.memory_space<vmem>>, vector<1x16xf32>,
        %get3A_413 = vector.shape_cast %get3A_412 : vector<1x16xf32> to vector<16xf32>
        %mul3A_414 = arith.mulf %get3A_409, %get3A_413 : vector<16xf32>
        %swap3A_415 = arith.index_cast %add3A_405 : i32 to index
        %swap3A_416 = arith.constant 0 : index
        %swap3A_417 = tpu.vector_load %arg11[%swap3A_415, %swap3A_416] {strides = array<i32>} : memref<80x128xf32, #tpu.memory_space<vmem>>, vector<1x16xf32>,
        %swap3A_418 = vector.shape_cast %swap3A_417 : vector<1x16xf32> to vector<16xf32>
        %swap3A_419 = vector.shape_cast %mul3A_414 : vector<16xf32> to vector<1x16xf32>
        tpu.vector_store %arg11[%swap3A_415, %swap3A_416], %swap3A_419 {strides = array<i32>} : memref<80x128xf32, #tpu.memory_space<vmem>>, vector<1x16xf32>,
        %mul3A_420 = arith.constant 2 : i32
        %mul3A_421 = arith.muli %mul3A_420, %scan3A_259 : i32
        %add3A_422 = arith.constant 1 : i32
        %add3A_423 = arith.addi %mul3A_421, %add3A_422 : i32
        %get3A_424 = arith.index_cast %add3A_423 : i32 to index
        %get3A_425 = arith.constant 16 : index
        %get3A_426 = tpu.vector_load %arg11[%get3A_424, %get3A_425] {strides = array<i32>} : memref<80x128xf32, #tpu.memory_space<vmem>>, vector<1x16xf32>,
        %get3A_427 = vector.shape_cast %get3A_426 : vector<1x16xf32> to vector<16xf32>
        %get3A_428 = arith.index_cast %add3A_423 : i32 to index
        %get3A_429 = arith.constant 16 : index
        %get3A_430 = tpu.vector_load %arg14[%get3A_428, %get3A_429] {strides = array<i32>} : memref<80x128xf32, #tpu.memory_space<vmem>>, vector<1x16xf32>,
        %get3A_431 = vector.shape_cast %get3A_430 : vector<1x16xf32> to vector<16xf32>
        %mul3A_432 = arith.mulf %get3A_427, %get3A_431 : vector<16xf32>
        %swap3A_433 = arith.index_cast %add3A_423 : i32 to index
        %swap3A_434 = arith.constant 16 : index
        %swap3A_435 = tpu.vector_load %arg11[%swap3A_433, %swap3A_434] {strides = array<i32>} : memref<80x128xf32, #tpu.memory_space<vmem>>, vector<1x16xf32>,
        %swap3A_436 = vector.shape_cast %swap3A_435 : vector<1x16xf32> to vector<16xf32>
        %swap3A_437 = vector.shape_cast %mul3A_432 : vector<16xf32> to vector<1x16xf32>
        tpu.vector_store %arg11[%swap3A_433, %swap3A_434], %swap3A_437 {strides = array<i32>} : memref<80x128xf32, #tpu.memory_space<vmem>>, vector<1x16xf32>,
        %mul3A_438 = arith.constant 2 : i32
        %mul3A_439 = arith.muli %mul3A_438, %scan3A_259 : i32
        %add3A_440 = arith.constant 1 : i32
        %add3A_441 = arith.addi %mul3A_439, %add3A_440 : i32
        %get3A_442 = arith.index_cast %add3A_441 : i32 to index
        %get3A_443 = arith.constant 32 : index
        %get3A_444 = tpu.vector_load %arg11[%get3A_442, %get3A_443] {strides = array<i32>} : memref<80x128xf32, #tpu.memory_space<vmem>>, vector<1x16xf32>,
        %get3A_445 = vector.shape_cast %get3A_444 : vector<1x16xf32> to vector<16xf32>
        %get3A_446 = arith.index_cast %add3A_441 : i32 to index
        %get3A_447 = arith.constant 32 : index
        %get3A_448 = tpu.vector_load %arg14[%get3A_446, %get3A_447] {strides = array<i32>} : memref<80x128xf32, #tpu.memory_space<vmem>>, vector<1x16xf32>,
        %get3A_449 = vector.shape_cast %get3A_448 : vector<1x16xf32> to vector<16xf32>
        %mul3A_450 = arith.mulf %get3A_445, %get3A_449 : vector<16xf32>
        %swap3A_451 = arith.index_cast %add3A_441 : i32 to index
        %swap3A_452 = arith.constant 32 : index
        %swap3A_453 = tpu.vector_load %arg11[%swap3A_451, %swap3A_452] {strides = array<i32>} : memref<80x128xf32, #tpu.memory_space<vmem>>, vector<1x16xf32>,
        %swap3A_454 = vector.shape_cast %swap3A_453 : vector<1x16xf32> to vector<16xf32>
        %swap3A_455 = vector.shape_cast %mul3A_450 : vector<16xf32> to vector<1x16xf32>
        tpu.vector_store %arg11[%swap3A_451, %swap3A_452], %swap3A_455 {strides = array<i32>} : memref<80x128xf32, #tpu.memory_space<vmem>>, vector<1x16xf32>,
        %mul3A_456 = arith.constant 2 : i32
        %mul3A_457 = arith.muli %mul3A_456, %scan3A_259 : i32
        %add3A_458 = arith.constant 1 : i32
        %add3A_459 = arith.addi %mul3A_457, %add3A_458 : i32
        %get3A_460 = arith.index_cast %add3A_459 : i32 to index
        %get3A_461 = arith.constant 48 : index
        %get3A_462 = tpu.vector_load %arg11[%get3A_460, %get3A_461] {strides = array<i32>} : memref<80x128xf32, #tpu.memory_space<vmem>>, vector<1x16xf32>,
        %get3A_463 = vector.shape_cast %get3A_462 : vector<1x16xf32> to vector<16xf32>
        %get3A_464 = arith.index_cast %add3A_459 : i32 to index
        %get3A_465 = arith.constant 48 : index
        %get3A_466 = tpu.vector_load %arg14[%get3A_464, %get3A_465] {strides = array<i32>} : memref<80x128xf32, #tpu.memory_space<vmem>>, vector<1x16xf32>,
        %get3A_467 = vector.shape_cast %get3A_466 : vector<1x16xf32> to vector<16xf32>
        %mul3A_468 = arith.mulf %get3A_463, %get3A_467 : vector<16xf32>
        %swap3A_469 = arith.index_cast %add3A_459 : i32 to index
        %swap3A_470 = arith.constant 48 : index
        %swap3A_471 = tpu.vector_load %arg11[%swap3A_469, %swap3A_470] {strides = array<i32>} : memref<80x128xf32, #tpu.memory_space<vmem>>, vector<1x16xf32>,
        %swap3A_472 = vector.shape_cast %swap3A_471 : vector<1x16xf32> to vector<16xf32>
        %swap3A_473 = vector.shape_cast %mul3A_468 : vector<16xf32> to vector<1x16xf32>
        tpu.vector_store %arg11[%swap3A_469, %swap3A_470], %swap3A_473 {strides = array<i32>} : memref<80x128xf32, #tpu.memory_space<vmem>>, vector<1x16xf32>,
        %mul3A_474 = arith.constant 2 : i32
        %mul3A_475 = arith.muli %mul3A_474, %scan3A_259 : i32
        %add3A_476 = arith.constant 1 : i32
        %add3A_477 = arith.addi %mul3A_475, %add3A_476 : i32
        %get3A_478 = arith.index_cast %add3A_477 : i32 to index
        %get3A_479 = arith.constant 64 : index
        %get3A_480 = tpu.vector_load %arg11[%get3A_478, %get3A_479] {strides = array<i32>} : memref<80x128xf32, #tpu.memory_space<vmem>>, vector<1x16xf32>,
        %get3A_481 = vector.shape_cast %get3A_480 : vector<1x16xf32> to vector<16xf32>
        %get3A_482 = arith.index_cast %add3A_477 : i32 to index
        %get3A_483 = arith.constant 64 : index
        %get3A_484 = tpu.vector_load %arg14[%get3A_482, %get3A_483] {strides = array<i32>} : memref<80x128xf32, #tpu.memory_space<vmem>>, vector<1x16xf32>,
        %get3A_485 = vector.shape_cast %get3A_484 : vector<1x16xf32> to vector<16xf32>
        %mul3A_486 = arith.mulf %get3A_481, %get3A_485 : vector<16xf32>
        %swap3A_487 = arith.index_cast %add3A_477 : i32 to index
        %swap3A_488 = arith.constant 64 : index
        %swap3A_489 = tpu.vector_load %arg11[%swap3A_487, %swap3A_488] {strides = array<i32>} : memref<80x128xf32, #tpu.memory_space<vmem>>, vector<1x16xf32>,
        %swap3A_490 = vector.shape_cast %swap3A_489 : vector<1x16xf32> to vector<16xf32>
        %swap3A_491 = vector.shape_cast %mul3A_486 : vector<16xf32> to vector<1x16xf32>
        tpu.vector_store %arg11[%swap3A_487, %swap3A_488], %swap3A_491 {strides = array<i32>} : memref<80x128xf32, #tpu.memory_space<vmem>>, vector<1x16xf32>,
        %mul3A_492 = arith.constant 2 : i32
        %mul3A_493 = arith.muli %mul3A_492, %scan3A_259 : i32
        %add3A_494 = arith.constant 1 : i32
        %add3A_495 = arith.addi %mul3A_493, %add3A_494 : i32
        %get3A_496 = arith.index_cast %add3A_495 : i32 to index
        %get3A_497 = arith.constant 80 : index
        %get3A_498 = tpu.vector_load %arg11[%get3A_496, %get3A_497] {strides = array<i32>} : memref<80x128xf32, #tpu.memory_space<vmem>>, vector<1x16xf32>,
        %get3A_499 = vector.shape_cast %get3A_498 : vector<1x16xf32> to vector<16xf32>
        %get3A_500 = arith.index_cast %add3A_495 : i32 to index
        %get3A_501 = arith.constant 80 : index
        %get3A_502 = tpu.vector_load %arg14[%get3A_500, %get3A_501] {strides = array<i32>} : memref<80x128xf32, #tpu.memory_space<vmem>>, vector<1x16xf32>,
        %get3A_503 = vector.shape_cast %get3A_502 : vector<1x16xf32> to vector<16xf32>
        %mul3A_504 = arith.mulf %get3A_499, %get3A_503 : vector<16xf32>
        %swap3A_505 = arith.index_cast %add3A_495 : i32 to index
        %swap3A_506 = arith.constant 80 : index
        %swap3A_507 = tpu.vector_load %arg11[%swap3A_505, %swap3A_506] {strides = array<i32>} : memref<80x128xf32, #tpu.memory_space<vmem>>, vector<1x16xf32>,
        %swap3A_508 = vector.shape_cast %swap3A_507 : vector<1x16xf32> to vector<16xf32>
        %swap3A_509 = vector.shape_cast %mul3A_504 : vector<16xf32> to vector<1x16xf32>
        tpu.vector_store %arg11[%swap3A_505, %swap3A_506], %swap3A_509 {strides = array<i32>} : memref<80x128xf32, #tpu.memory_space<vmem>>, vector<1x16xf32>,
        %mul3A_510 = arith.constant 2 : i32
        %mul3A_511 = arith.muli %mul3A_510, %scan3A_259 : i32
        %add3A_512 = arith.constant 1 : i32
        %add3A_513 = arith.addi %mul3A_511, %add3A_512 : i32
        %get3A_514 = arith.index_cast %add3A_513 : i32 to index
        %get3A_515 = arith.constant 96 : index
        %get3A_516 = tpu.vector_load %arg11[%get3A_514, %get3A_515] {strides = array<i32>} : memref<80x128xf32, #tpu.memory_space<vmem>>, vector<1x16xf32>,
        %get3A_517 = vector.shape_cast %get3A_516 : vector<1x16xf32> to vector<16xf32>
        %get3A_518 = arith.index_cast %add3A_513 : i32 to index
        %get3A_519 = arith.constant 96 : index
        %get3A_520 = tpu.vector_load %arg14[%get3A_518, %get3A_519] {strides = array<i32>} : memref<80x128xf32, #tpu.memory_space<vmem>>, vector<1x16xf32>,
        %get3A_521 = vector.shape_cast %get3A_520 : vector<1x16xf32> to vector<16xf32>
        %mul3A_522 = arith.mulf %get3A_517, %get3A_521 : vector<16xf32>
        %swap3A_523 = arith.index_cast %add3A_513 : i32 to index
        %swap3A_524 = arith.constant 96 : index
        %swap3A_525 = tpu.vector_load %arg11[%swap3A_523, %swap3A_524] {strides = array<i32>} : memref<80x128xf32, #tpu.memory_space<vmem>>, vector<1x16xf32>,
        %swap3A_526 = vector.shape_cast %swap3A_525 : vector<1x16xf32> to vector<16xf32>
        %swap3A_527 = vector.shape_cast %mul3A_522 : vector<16xf32> to vector<1x16xf32>
        tpu.vector_store %arg11[%swap3A_523, %swap3A_524], %swap3A_527 {strides = array<i32>} : memref<80x128xf32, #tpu.memory_space<vmem>>, vector<1x16xf32>,
        %mul3A_528 = arith.constant 2 : i32
        %mul3A_529 = arith.muli %mul3A_528, %scan3A_259 : i32
        %add3A_530 = arith.constant 1 : i32
        %add3A_531 = arith.addi %mul3A_529, %add3A_530 : i32
        %get3A_532 = arith.index_cast %add3A_531 : i32 to index
        %get3A_533 = arith.constant 112 : index
        %get3A_534 = tpu.vector_load %arg11[%get3A_532, %get3A_533] {strides = array<i32>} : memref<80x128xf32, #tpu.memory_space<vmem>>, vector<1x16xf32>,
        %get3A_535 = vector.shape_cast %get3A_534 : vector<1x16xf32> to vector<16xf32>
        %get3A_536 = arith.index_cast %add3A_531 : i32 to index
        %get3A_537 = arith.constant 112 : index
        %get3A_538 = tpu.vector_load %arg14[%get3A_536, %get3A_537] {strides = array<i32>} : memref<80x128xf32, #tpu.memory_space<vmem>>, vector<1x16xf32>,
        %get3A_539 = vector.shape_cast %get3A_538 : vector<1x16xf32> to vector<16xf32>
        %mul3A_540 = arith.mulf %get3A_535, %get3A_539 : vector<16xf32>
        %swap3A_541 = arith.index_cast %add3A_531 : i32 to index
        %swap3A_542 = arith.constant 112 : index
        %swap3A_543 = tpu.vector_load %arg11[%swap3A_541, %swap3A_542] {strides = array<i32>} : memref<80x128xf32, #tpu.memory_space<vmem>>, vector<1x16xf32>,
        %swap3A_544 = vector.shape_cast %swap3A_543 : vector<1x16xf32> to vector<16xf32>
        %swap3A_545 = vector.shape_cast %mul3A_540 : vector<16xf32> to vector<1x16xf32>
        tpu.vector_store %arg11[%swap3A_541, %swap3A_542], %swap3A_545 {strides = array<i32>} : memref<80x128xf32, #tpu.memory_space<vmem>>, vector<1x16xf32>,
      }
      %scan3A_181 = arith.constant 40 : i32
      %dma_start3A_182 = arith.constant 0 : i32
      %dma_start3A_183 = tpu.memref_slice %arg9[%add3A_160, %dma_start3A_182] : memref<125x80xi32, #tpu.memory_space<vmem>> -> memref<1x80xi32, #tpu.memory_space<vmem>>
      %dma_start3A_184 = tpu.memref_squeeze %dma_start3A_183 : memref<1x80xi32, #tpu.memory_space<vmem>> -> memref<80xi32, #tpu.memory_space<vmem>>
      %dma_start3A_185 = arith.constant 0 : i32
      %dma_start3A_186 = arith.constant 0 : i32
      %dma_start3A_187 = tpu.memref_slice %arg16[%dma_start3A_185, %dma_start3A_186] : memref<5008x128xf32, #tpu.memory_space<vmem_shared>> -> memref<5008x128xf32, #tpu.memory_space<vmem_shared>>
      tpu.enqueue_indirect_dma source(%arg11 : memref<80x128xf32, #tpu.memory_space<vmem>>) target(%dma_start3A_187 : memref<5008x128xf32, #tpu.memory_space<vmem_shared>>) offsets(%dma_start3A_184 : memref<80xi32, #tpu.memory_space<vmem>>) semaphore(%arg24 : memref<!tpu.dma_semaphore, #tpu.memory_space<semaphore_mem>>) {add = true}
      %sub3A_188 = arith.constant 1 : i32
      %sub3A_189 = arith.subi %add3A_160, %sub3A_188 : i32
      %max3A_190 = arith.constant 0 : i32
      %max3A_191 = arith.maxsi %sub3A_189, %max3A_190 : i32
      %ge3A_192 = arith.constant 1 : i32
      %ge3A_193 = arith.cmpi sge, %add3A_160, %ge3A_192 : i32
      %convert_element_type3A_194 = arith.extui %ge3A_193 : i1 to i32
      %cond3A_195 = arith.constant 0 : i32
      %cond3A_196 = arith.cmpi ne, %convert_element_type3A_194, %cond3A_195 : i32
      scf.if %cond3A_196 {
        %dma_wait3A_259 = arith.constant 0 : i32
        %dma_wait3A_260 = tpu.memref_slice %arg9[%max3A_191, %dma_wait3A_259] : memref<125x80xi32, #tpu.memory_space<vmem>> -> memref<1x80xi32, #tpu.memory_space<vmem>>
        %dma_wait3A_261 = tpu.memref_squeeze %dma_wait3A_260 : memref<1x80xi32, #tpu.memory_space<vmem>> -> memref<80xi32, #tpu.memory_space<vmem>>
        %dma_wait3A_262 = arith.constant 0 : i32
        %dma_wait3A_263 = arith.constant 0 : i32
        %dma_wait3A_264 = tpu.memref_slice %arg16[%dma_wait3A_262, %dma_wait3A_263] : memref<5008x128xf32, #tpu.memory_space<vmem_shared>> -> memref<5008x128xf32, #tpu.memory_space<vmem_shared>>
        tpu.wait_indirect_dma semaphore(%arg23 : memref<!tpu.dma_semaphore, #tpu.memory_space<semaphore_mem>>) src(%arg10 : memref<80x128xf32, #tpu.memory_space<vmem>>) dst(%dma_wait3A_264 : memref<5008x128xf32, #tpu.memory_space<vmem_shared>>)
      } else {
      }
      %add3A_197 = arith.constant 2 : i32
      %add3A_198 = arith.addi %add3A_160, %add3A_197 : i32
      %min3A_199 = arith.constant 124 : i32
      %min3A_200 = arith.minsi %add3A_198, %min3A_199 : i32
      %add3A_201 = arith.constant 2 : i32
      %add3A_202 = arith.addi %add3A_160, %add3A_201 : i32
      %le3A_203 = arith.constant 124 : i32
      %le3A_204 = arith.cmpi sle, %add3A_202, %le3A_203 : i32
      %convert_element_type3A_205 = arith.extui %le3A_204 : i1 to i32
      %cond3A_206 = arith.constant 0 : i32
      %cond3A_207 = arith.cmpi ne, %convert_element_type3A_205, %cond3A_206 : i32
      scf.if %cond3A_207 {
        %mul3A_259 = arith.constant 10000 : i32
        %mul3A_260 = arith.muli %arg1, %mul3A_259 : i32
        %mul3A_261 = arith.constant 80 : i32
        %mul3A_262 = arith.muli %min3A_200, %mul3A_261 : i32
        %add3A_263 = arith.addi %mul3A_260, %mul3A_262 : i32
        %dma_start3A_264 = arith.constant 0 : i32
        %dma_start3A_265 = tpu.memref_slice %arg2[%add3A_263, %dma_start3A_264] : memref<160000x128xf32, #tpu.memory_space<hbm>> -> memref<80x128xf32, #tpu.memory_space<hbm>>
        %dma_start3A_266 = arith.constant 0 : i32
        %dma_start3A_267 = tpu.memref_slice %arg2[%add3A_263, %dma_start3A_266] : memref<160000x128xf32, #tpu.memory_space<hbm>> -> memref<80x128xf32, #tpu.memory_space<hbm>>
        tpu.enqueue_dma source(%dma_start3A_267 : memref<80x128xf32, #tpu.memory_space<hbm>>) target(%arg13 : memref<80x128xf32, #tpu.memory_space<vmem>>) target_semaphore(%arg20 : memref<!tpu.dma_semaphore, #tpu.memory_space<semaphore_mem>>)
        %mul3A_268 = arith.constant 80 : i32
        %mul3A_269 = arith.muli %min3A_200, %mul3A_268 : i32
        %dma_start3A_270 = tpu.memref_slice %arg8[%mul3A_269] : memref<10000xi32, #tpu.memory_space<vmem>> -> memref<80xi32, #tpu.memory_space<vmem>>
        %dma_start3A_271 = arith.constant 0 : i32
        %dma_start3A_272 = arith.constant 0 : i32
        %dma_start3A_273 = tpu.memref_slice %arg3[%dma_start3A_271, %dma_start3A_272] : memref<10000x128xf32, #tpu.memory_space<hbm>> -> memref<10000x128xf32, #tpu.memory_space<hbm>>
        tpu.enqueue_indirect_dma source(%dma_start3A_273 : memref<10000x128xf32, #tpu.memory_space<hbm>>) target(%arg10 : memref<80x128xf32, #tpu.memory_space<vmem>>) offsets(%dma_start3A_270 : memref<80xi32, #tpu.memory_space<vmem>>) semaphore(%arg17 : memref<!tpu.dma_semaphore, #tpu.memory_space<semaphore_mem>>)
      } else {
      }
      %mul3A_208 = arith.constant 3 : i32
      %mul3A_209 = arith.muli %scan3A_112, %mul3A_208 : i32
      %add3A_210 = arith.constant 2 : i32
      %add3A_211 = arith.addi %mul3A_209, %add3A_210 : i32
      %mul3A_212 = arith.constant 10000 : i32
      %mul3A_213 = arith.muli %arg1, %mul3A_212 : i32
      %mul3A_214 = arith.constant 80 : i32
      %mul3A_215 = arith.muli %add3A_211, %mul3A_214 : i32
      %add3A_216 = arith.addi %mul3A_213, %mul3A_215 : i32
      %dma_wait3A_217 = arith.constant 0 : i32
      %dma_wait3A_218 = tpu.memref_slice %arg2[%add3A_216, %dma_wait3A_217] : memref<160000x128xf32, #tpu.memory_space<hbm>> -> memref<80x128xf32, #tpu.memory_space<hbm>>
      %dma_wait3A_219 = arith.constant 0 : i32
      %dma_wait3A_220 = tpu.memref_slice %arg2[%add3A_216, %dma_wait3A_219] : memref<160000x128xf32, #tpu.memory_space<hbm>> -> memref<80x128xf32, #tpu.memory_space<hbm>>
      tpu.wait_dma2 semaphore(%arg22 : memref<!tpu.dma_semaphore, #tpu.memory_space<semaphore_mem>>) src(%dma_wait3A_220 : memref<80x128xf32, #tpu.memory_space<hbm>>) dst(%arg15 : memref<80x128xf32, #tpu.memory_space<vmem>>)
      %mul3A_221 = arith.constant 80 : i32
      %mul3A_222 = arith.muli %add3A_211, %mul3A_221 : i32
      %dma_wait3A_223 = tpu.memref_slice %arg8[%mul3A_222] : memref<10000xi32, #tpu.memory_space<vmem>> -> memref<80xi32, #tpu.memory_space<vmem>>
      %dma_wait3A_224 = arith.constant 0 : i32
      %dma_wait3A_225 = arith.constant 0 : i32
      %dma_wait3A_226 = tpu.memref_slice %arg3[%dma_wait3A_224, %dma_wait3A_225] : memref<10000x128xf32, #tpu.memory_space<hbm>> -> memref<10000x128xf32, #tpu.memory_space<hbm>>
      tpu.wait_indirect_dma semaphore(%arg19 : memref<!tpu.dma_semaphore, #tpu.memory_space<semaphore_mem>>) src(%dma_wait3A_226 : memref<10000x128xf32, #tpu.memory_space<hbm>>) dst(%arg12 : memref<80x128xf32, #tpu.memory_space<vmem>>)
      %scan3A_227 = arith.constant 0 : i32
      %scan3A_228 = arith.constant 0 : i32
      %scan3A_229 = arith.constant 40 : i32
      %scan3A_230 = arith.addi %scan3A_228, %scan3A_229 : i32
      %scan3A_231 = arith.constant 1 : i32
      scf.for %scan3A_259 = %scan3A_228 to %scan3A_230 step %scan3A_231  : i32 {
        %mul3A_260 = arith.constant 2 : i32
        %mul3A_261 = arith.muli %mul3A_260, %scan3A_259 : i32
        %add3A_262 = arith.constant 0 : i32
        %add3A_263 = arith.addi %mul3A_261, %add3A_262 : i32
        %get3A = arith.index_cast %add3A_263 : i32 to index
        %get3A_264 = arith.constant 0 : index
        %get3A_265 = tpu.vector_load %arg12[%get3A, %get3A_264] {strides = array<i32>} : memref<80x128xf32, #tpu.memory_space<vmem>>, vector<1x16xf32>,
        %get3A_266 = vector.shape_cast %get3A_265 : vector<1x16xf32> to vector<16xf32>
        %get3A_267 = arith.index_cast %add3A_263 : i32 to index
        %get3A_268 = arith.constant 0 : index
        %get3A_269 = tpu.vector_load %arg15[%get3A_267, %get3A_268] {strides = array<i32>} : memref<80x128xf32, #tpu.memory_space<vmem>>, vector<1x16xf32>,
        %get3A_270 = vector.shape_cast %get3A_269 : vector<1x16xf32> to vector<16xf32>
        %mul3A_271 = arith.mulf %get3A_266, %get3A_270 : vector<16xf32>
        %swap3A = arith.index_cast %add3A_263 : i32 to index
        %swap3A_272 = arith.constant 0 : index
        %swap3A_273 = tpu.vector_load %arg12[%swap3A, %swap3A_272] {strides = array<i32>} : memref<80x128xf32, #tpu.memory_space<vmem>>, vector<1x16xf32>,
        %swap3A_274 = vector.shape_cast %swap3A_273 : vector<1x16xf32> to vector<16xf32>
        %swap3A_275 = vector.shape_cast %mul3A_271 : vector<16xf32> to vector<1x16xf32>
        tpu.vector_store %arg12[%swap3A, %swap3A_272], %swap3A_275 {strides = array<i32>} : memref<80x128xf32, #tpu.memory_space<vmem>>, vector<1x16xf32>,
        %mul3A_276 = arith.constant 2 : i32
        %mul3A_277 = arith.muli %mul3A_276, %scan3A_259 : i32
        %add3A_278 = arith.constant 0 : i32
        %add3A_279 = arith.addi %mul3A_277, %add3A_278 : i32
        %get3A_280 = arith.index_cast %add3A_279 : i32 to index
        %get3A_281 = arith.constant 16 : index
        %get3A_282 = tpu.vector_load %arg12[%get3A_280, %get3A_281] {strides = array<i32>} : memref<80x128xf32, #tpu.memory_space<vmem>>, vector<1x16xf32>,
        %get3A_283 = vector.shape_cast %get3A_282 : vector<1x16xf32> to vector<16xf32>
        %get3A_284 = arith.index_cast %add3A_279 : i32 to index
        %get3A_285 = arith.constant 16 : index
        %get3A_286 = tpu.vector_load %arg15[%get3A_284, %get3A_285] {strides = array<i32>} : memref<80x128xf32, #tpu.memory_space<vmem>>, vector<1x16xf32>,
        %get3A_287 = vector.shape_cast %get3A_286 : vector<1x16xf32> to vector<16xf32>
        %mul3A_288 = arith.mulf %get3A_283, %get3A_287 : vector<16xf32>
        %swap3A_289 = arith.index_cast %add3A_279 : i32 to index
        %swap3A_290 = arith.constant 16 : index
        %swap3A_291 = tpu.vector_load %arg12[%swap3A_289, %swap3A_290] {strides = array<i32>} : memref<80x128xf32, #tpu.memory_space<vmem>>, vector<1x16xf32>,
        %swap3A_292 = vector.shape_cast %swap3A_291 : vector<1x16xf32> to vector<16xf32>
        %swap3A_293 = vector.shape_cast %mul3A_288 : vector<16xf32> to vector<1x16xf32>
        tpu.vector_store %arg12[%swap3A_289, %swap3A_290], %swap3A_293 {strides = array<i32>} : memref<80x128xf32, #tpu.memory_space<vmem>>, vector<1x16xf32>,
        %mul3A_294 = arith.constant 2 : i32
        %mul3A_295 = arith.muli %mul3A_294, %scan3A_259 : i32
        %add3A_296 = arith.constant 0 : i32
        %add3A_297 = arith.addi %mul3A_295, %add3A_296 : i32
        %get3A_298 = arith.index_cast %add3A_297 : i32 to index
        %get3A_299 = arith.constant 32 : index
        %get3A_300 = tpu.vector_load %arg12[%get3A_298, %get3A_299] {strides = array<i32>} : memref<80x128xf32, #tpu.memory_space<vmem>>, vector<1x16xf32>,
        %get3A_301 = vector.shape_cast %get3A_300 : vector<1x16xf32> to vector<16xf32>
        %get3A_302 = arith.index_cast %add3A_297 : i32 to index
        %get3A_303 = arith.constant 32 : index
        %get3A_304 = tpu.vector_load %arg15[%get3A_302, %get3A_303] {strides = array<i32>} : memref<80x128xf32, #tpu.memory_space<vmem>>, vector<1x16xf32>,
        %get3A_305 = vector.shape_cast %get3A_304 : vector<1x16xf32> to vector<16xf32>
        %mul3A_306 = arith.mulf %get3A_301, %get3A_305 : vector<16xf32>
        %swap3A_307 = arith.index_cast %add3A_297 : i32 to index
        %swap3A_308 = arith.constant 32 : index
        %swap3A_309 = tpu.vector_load %arg12[%swap3A_307, %swap3A_308] {strides = array<i32>} : memref<80x128xf32, #tpu.memory_space<vmem>>, vector<1x16xf32>,
        %swap3A_310 = vector.shape_cast %swap3A_309 : vector<1x16xf32> to vector<16xf32>
        %swap3A_311 = vector.shape_cast %mul3A_306 : vector<16xf32> to vector<1x16xf32>
        tpu.vector_store %arg12[%swap3A_307, %swap3A_308], %swap3A_311 {strides = array<i32>} : memref<80x128xf32, #tpu.memory_space<vmem>>, vector<1x16xf32>,
        %mul3A_312 = arith.constant 2 : i32
        %mul3A_313 = arith.muli %mul3A_312, %scan3A_259 : i32
        %add3A_314 = arith.constant 0 : i32
        %add3A_315 = arith.addi %mul3A_313, %add3A_314 : i32
        %get3A_316 = arith.index_cast %add3A_315 : i32 to index
        %get3A_317 = arith.constant 48 : index
        %get3A_318 = tpu.vector_load %arg12[%get3A_316, %get3A_317] {strides = array<i32>} : memref<80x128xf32, #tpu.memory_space<vmem>>, vector<1x16xf32>,
        %get3A_319 = vector.shape_cast %get3A_318 : vector<1x16xf32> to vector<16xf32>
        %get3A_320 = arith.index_cast %add3A_315 : i32 to index
        %get3A_321 = arith.constant 48 : index
        %get3A_322 = tpu.vector_load %arg15[%get3A_320, %get3A_321] {strides = array<i32>} : memref<80x128xf32, #tpu.memory_space<vmem>>, vector<1x16xf32>,
        %get3A_323 = vector.shape_cast %get3A_322 : vector<1x16xf32> to vector<16xf32>
        %mul3A_324 = arith.mulf %get3A_319, %get3A_323 : vector<16xf32>
        %swap3A_325 = arith.index_cast %add3A_315 : i32 to index
        %swap3A_326 = arith.constant 48 : index
        %swap3A_327 = tpu.vector_load %arg12[%swap3A_325, %swap3A_326] {strides = array<i32>} : memref<80x128xf32, #tpu.memory_space<vmem>>, vector<1x16xf32>,
        %swap3A_328 = vector.shape_cast %swap3A_327 : vector<1x16xf32> to vector<16xf32>
        %swap3A_329 = vector.shape_cast %mul3A_324 : vector<16xf32> to vector<1x16xf32>
        tpu.vector_store %arg12[%swap3A_325, %swap3A_326], %swap3A_329 {strides = array<i32>} : memref<80x128xf32, #tpu.memory_space<vmem>>, vector<1x16xf32>,
        %mul3A_330 = arith.constant 2 : i32
        %mul3A_331 = arith.muli %mul3A_330, %scan3A_259 : i32
        %add3A_332 = arith.constant 0 : i32
        %add3A_333 = arith.addi %mul3A_331, %add3A_332 : i32
        %get3A_334 = arith.index_cast %add3A_333 : i32 to index
        %get3A_335 = arith.constant 64 : index
        %get3A_336 = tpu.vector_load %arg12[%get3A_334, %get3A_335] {strides = array<i32>} : memref<80x128xf32, #tpu.memory_space<vmem>>, vector<1x16xf32>,
        %get3A_337 = vector.shape_cast %get3A_336 : vector<1x16xf32> to vector<16xf32>
        %get3A_338 = arith.index_cast %add3A_333 : i32 to index
        %get3A_339 = arith.constant 64 : index
        %get3A_340 = tpu.vector_load %arg15[%get3A_338, %get3A_339] {strides = array<i32>} : memref<80x128xf32, #tpu.memory_space<vmem>>, vector<1x16xf32>,
        %get3A_341 = vector.shape_cast %get3A_340 : vector<1x16xf32> to vector<16xf32>
        %mul3A_342 = arith.mulf %get3A_337, %get3A_341 : vector<16xf32>
        %swap3A_343 = arith.index_cast %add3A_333 : i32 to index
        %swap3A_344 = arith.constant 64 : index
        %swap3A_345 = tpu.vector_load %arg12[%swap3A_343, %swap3A_344] {strides = array<i32>} : memref<80x128xf32, #tpu.memory_space<vmem>>, vector<1x16xf32>,
        %swap3A_346 = vector.shape_cast %swap3A_345 : vector<1x16xf32> to vector<16xf32>
        %swap3A_347 = vector.shape_cast %mul3A_342 : vector<16xf32> to vector<1x16xf32>
        tpu.vector_store %arg12[%swap3A_343, %swap3A_344], %swap3A_347 {strides = array<i32>} : memref<80x128xf32, #tpu.memory_space<vmem>>, vector<1x16xf32>,
        %mul3A_348 = arith.constant 2 : i32
        %mul3A_349 = arith.muli %mul3A_348, %scan3A_259 : i32
        %add3A_350 = arith.constant 0 : i32
        %add3A_351 = arith.addi %mul3A_349, %add3A_350 : i32
        %get3A_352 = arith.index_cast %add3A_351 : i32 to index
        %get3A_353 = arith.constant 80 : index
        %get3A_354 = tpu.vector_load %arg12[%get3A_352, %get3A_353] {strides = array<i32>} : memref<80x128xf32, #tpu.memory_space<vmem>>, vector<1x16xf32>,
        %get3A_355 = vector.shape_cast %get3A_354 : vector<1x16xf32> to vector<16xf32>
        %get3A_356 = arith.index_cast %add3A_351 : i32 to index
        %get3A_357 = arith.constant 80 : index
        %get3A_358 = tpu.vector_load %arg15[%get3A_356, %get3A_357] {strides = array<i32>} : memref<80x128xf32, #tpu.memory_space<vmem>>, vector<1x16xf32>,
        %get3A_359 = vector.shape_cast %get3A_358 : vector<1x16xf32> to vector<16xf32>
        %mul3A_360 = arith.mulf %get3A_355, %get3A_359 : vector<16xf32>
        %swap3A_361 = arith.index_cast %add3A_351 : i32 to index
        %swap3A_362 = arith.constant 80 : index
        %swap3A_363 = tpu.vector_load %arg12[%swap3A_361, %swap3A_362] {strides = array<i32>} : memref<80x128xf32, #tpu.memory_space<vmem>>, vector<1x16xf32>,
        %swap3A_364 = vector.shape_cast %swap3A_363 : vector<1x16xf32> to vector<16xf32>
        %swap3A_365 = vector.shape_cast %mul3A_360 : vector<16xf32> to vector<1x16xf32>
        tpu.vector_store %arg12[%swap3A_361, %swap3A_362], %swap3A_365 {strides = array<i32>} : memref<80x128xf32, #tpu.memory_space<vmem>>, vector<1x16xf32>,
        %mul3A_366 = arith.constant 2 : i32
        %mul3A_367 = arith.muli %mul3A_366, %scan3A_259 : i32
        %add3A_368 = arith.constant 0 : i32
        %add3A_369 = arith.addi %mul3A_367, %add3A_368 : i32
        %get3A_370 = arith.index_cast %add3A_369 : i32 to index
        %get3A_371 = arith.constant 96 : index
        %get3A_372 = tpu.vector_load %arg12[%get3A_370, %get3A_371] {strides = array<i32>} : memref<80x128xf32, #tpu.memory_space<vmem>>, vector<1x16xf32>,
        %get3A_373 = vector.shape_cast %get3A_372 : vector<1x16xf32> to vector<16xf32>
        %get3A_374 = arith.index_cast %add3A_369 : i32 to index
        %get3A_375 = arith.constant 96 : index
        %get3A_376 = tpu.vector_load %arg15[%get3A_374, %get3A_375] {strides = array<i32>} : memref<80x128xf32, #tpu.memory_space<vmem>>, vector<1x16xf32>,
        %get3A_377 = vector.shape_cast %get3A_376 : vector<1x16xf32> to vector<16xf32>
        %mul3A_378 = arith.mulf %get3A_373, %get3A_377 : vector<16xf32>
        %swap3A_379 = arith.index_cast %add3A_369 : i32 to index
        %swap3A_380 = arith.constant 96 : index
        %swap3A_381 = tpu.vector_load %arg12[%swap3A_379, %swap3A_380] {strides = array<i32>} : memref<80x128xf32, #tpu.memory_space<vmem>>, vector<1x16xf32>,
        %swap3A_382 = vector.shape_cast %swap3A_381 : vector<1x16xf32> to vector<16xf32>
        %swap3A_383 = vector.shape_cast %mul3A_378 : vector<16xf32> to vector<1x16xf32>
        tpu.vector_store %arg12[%swap3A_379, %swap3A_380], %swap3A_383 {strides = array<i32>} : memref<80x128xf32, #tpu.memory_space<vmem>>, vector<1x16xf32>,
        %mul3A_384 = arith.constant 2 : i32
        %mul3A_385 = arith.muli %mul3A_384, %scan3A_259 : i32
        %add3A_386 = arith.constant 0 : i32
        %add3A_387 = arith.addi %mul3A_385, %add3A_386 : i32
        %get3A_388 = arith.index_cast %add3A_387 : i32 to index
        %get3A_389 = arith.constant 112 : index
        %get3A_390 = tpu.vector_load %arg12[%get3A_388, %get3A_389] {strides = array<i32>} : memref<80x128xf32, #tpu.memory_space<vmem>>, vector<1x16xf32>,
        %get3A_391 = vector.shape_cast %get3A_390 : vector<1x16xf32> to vector<16xf32>
        %get3A_392 = arith.index_cast %add3A_387 : i32 to index
        %get3A_393 = arith.constant 112 : index
        %get3A_394 = tpu.vector_load %arg15[%get3A_392, %get3A_393] {strides = array<i32>} : memref<80x128xf32, #tpu.memory_space<vmem>>, vector<1x16xf32>,
        %get3A_395 = vector.shape_cast %get3A_394 : vector<1x16xf32> to vector<16xf32>
        %mul3A_396 = arith.mulf %get3A_391, %get3A_395 : vector<16xf32>
        %swap3A_397 = arith.index_cast %add3A_387 : i32 to index
        %swap3A_398 = arith.constant 112 : index
        %swap3A_399 = tpu.vector_load %arg12[%swap3A_397, %swap3A_398] {strides = array<i32>} : memref<80x128xf32, #tpu.memory_space<vmem>>, vector<1x16xf32>,
        %swap3A_400 = vector.shape_cast %swap3A_399 : vector<1x16xf32> to vector<16xf32>
        %swap3A_401 = vector.shape_cast %mul3A_396 : vector<16xf32> to vector<1x16xf32>
        tpu.vector_store %arg12[%swap3A_397, %swap3A_398], %swap3A_401 {strides = array<i32>} : memref<80x128xf32, #tpu.memory_space<vmem>>, vector<1x16xf32>,
        %mul3A_402 = arith.constant 2 : i32
        %mul3A_403 = arith.muli %mul3A_402, %scan3A_259 : i32
        %add3A_404 = arith.constant 1 : i32
        %add3A_405 = arith.addi %mul3A_403, %add3A_404 : i32
        %get3A_406 = arith.index_cast %add3A_405 : i32 to index
        %get3A_407 = arith.constant 0 : index
        %get3A_408 = tpu.vector_load %arg12[%get3A_406, %get3A_407] {strides = array<i32>} : memref<80x128xf32, #tpu.memory_space<vmem>>, vector<1x16xf32>,
        %get3A_409 = vector.shape_cast %get3A_408 : vector<1x16xf32> to vector<16xf32>
        %get3A_410 = arith.index_cast %add3A_405 : i32 to index
        %get3A_411 = arith.constant 0 : index
        %get3A_412 = tpu.vector_load %arg15[%get3A_410, %get3A_411] {strides = array<i32>} : memref<80x128xf32, #tpu.memory_space<vmem>>, vector<1x16xf32>,
        %get3A_413 = vector.shape_cast %get3A_412 : vector<1x16xf32> to vector<16xf32>
        %mul3A_414 = arith.mulf %get3A_409, %get3A_413 : vector<16xf32>
        %swap3A_415 = arith.index_cast %add3A_405 : i32 to index
        %swap3A_416 = arith.constant 0 : index
        %swap3A_417 = tpu.vector_load %arg12[%swap3A_415, %swap3A_416] {strides = array<i32>} : memref<80x128xf32, #tpu.memory_space<vmem>>, vector<1x16xf32>,
        %swap3A_418 = vector.shape_cast %swap3A_417 : vector<1x16xf32> to vector<16xf32>
        %swap3A_419 = vector.shape_cast %mul3A_414 : vector<16xf32> to vector<1x16xf32>
        tpu.vector_store %arg12[%swap3A_415, %swap3A_416], %swap3A_419 {strides = array<i32>} : memref<80x128xf32, #tpu.memory_space<vmem>>, vector<1x16xf32>,
        %mul3A_420 = arith.constant 2 : i32
        %mul3A_421 = arith.muli %mul3A_420, %scan3A_259 : i32
        %add3A_422 = arith.constant 1 : i32
        %add3A_423 = arith.addi %mul3A_421, %add3A_422 : i32
        %get3A_424 = arith.index_cast %add3A_423 : i32 to index
        %get3A_425 = arith.constant 16 : index
        %get3A_426 = tpu.vector_load %arg12[%get3A_424, %get3A_425] {strides = array<i32>} : memref<80x128xf32, #tpu.memory_space<vmem>>, vector<1x16xf32>,
        %get3A_427 = vector.shape_cast %get3A_426 : vector<1x16xf32> to vector<16xf32>
        %get3A_428 = arith.index_cast %add3A_423 : i32 to index
        %get3A_429 = arith.constant 16 : index
        %get3A_430 = tpu.vector_load %arg15[%get3A_428, %get3A_429] {strides = array<i32>} : memref<80x128xf32, #tpu.memory_space<vmem>>, vector<1x16xf32>,
        %get3A_431 = vector.shape_cast %get3A_430 : vector<1x16xf32> to vector<16xf32>
        %mul3A_432 = arith.mulf %get3A_427, %get3A_431 : vector<16xf32>
        %swap3A_433 = arith.index_cast %add3A_423 : i32 to index
        %swap3A_434 = arith.constant 16 : index
        %swap3A_435 = tpu.vector_load %arg12[%swap3A_433, %swap3A_434] {strides = array<i32>} : memref<80x128xf32, #tpu.memory_space<vmem>>, vector<1x16xf32>,
        %swap3A_436 = vector.shape_cast %swap3A_435 : vector<1x16xf32> to vector<16xf32>
        %swap3A_437 = vector.shape_cast %mul3A_432 : vector<16xf32> to vector<1x16xf32>
        tpu.vector_store %arg12[%swap3A_433, %swap3A_434], %swap3A_437 {strides = array<i32>} : memref<80x128xf32, #tpu.memory_space<vmem>>, vector<1x16xf32>,
        %mul3A_438 = arith.constant 2 : i32
        %mul3A_439 = arith.muli %mul3A_438, %scan3A_259 : i32
        %add3A_440 = arith.constant 1 : i32
        %add3A_441 = arith.addi %mul3A_439, %add3A_440 : i32
        %get3A_442 = arith.index_cast %add3A_441 : i32 to index
        %get3A_443 = arith.constant 32 : index
        %get3A_444 = tpu.vector_load %arg12[%get3A_442, %get3A_443] {strides = array<i32>} : memref<80x128xf32, #tpu.memory_space<vmem>>, vector<1x16xf32>,
        %get3A_445 = vector.shape_cast %get3A_444 : vector<1x16xf32> to vector<16xf32>
        %get3A_446 = arith.index_cast %add3A_441 : i32 to index
        %get3A_447 = arith.constant 32 : index
        %get3A_448 = tpu.vector_load %arg15[%get3A_446, %get3A_447] {strides = array<i32>} : memref<80x128xf32, #tpu.memory_space<vmem>>, vector<1x16xf32>,
        %get3A_449 = vector.shape_cast %get3A_448 : vector<1x16xf32> to vector<16xf32>
        %mul3A_450 = arith.mulf %get3A_445, %get3A_449 : vector<16xf32>
        %swap3A_451 = arith.index_cast %add3A_441 : i32 to index
        %swap3A_452 = arith.constant 32 : index
        %swap3A_453 = tpu.vector_load %arg12[%swap3A_451, %swap3A_452] {strides = array<i32>} : memref<80x128xf32, #tpu.memory_space<vmem>>, vector<1x16xf32>,
        %swap3A_454 = vector.shape_cast %swap3A_453 : vector<1x16xf32> to vector<16xf32>
        %swap3A_455 = vector.shape_cast %mul3A_450 : vector<16xf32> to vector<1x16xf32>
        tpu.vector_store %arg12[%swap3A_451, %swap3A_452], %swap3A_455 {strides = array<i32>} : memref<80x128xf32, #tpu.memory_space<vmem>>, vector<1x16xf32>,
        %mul3A_456 = arith.constant 2 : i32
        %mul3A_457 = arith.muli %mul3A_456, %scan3A_259 : i32
        %add3A_458 = arith.constant 1 : i32
        %add3A_459 = arith.addi %mul3A_457, %add3A_458 : i32
        %get3A_460 = arith.index_cast %add3A_459 : i32 to index
        %get3A_461 = arith.constant 48 : index
        %get3A_462 = tpu.vector_load %arg12[%get3A_460, %get3A_461] {strides = array<i32>} : memref<80x128xf32, #tpu.memory_space<vmem>>, vector<1x16xf32>,
        %get3A_463 = vector.shape_cast %get3A_462 : vector<1x16xf32> to vector<16xf32>
        %get3A_464 = arith.index_cast %add3A_459 : i32 to index
        %get3A_465 = arith.constant 48 : index
        %get3A_466 = tpu.vector_load %arg15[%get3A_464, %get3A_465] {strides = array<i32>} : memref<80x128xf32, #tpu.memory_space<vmem>>, vector<1x16xf32>,
        %get3A_467 = vector.shape_cast %get3A_466 : vector<1x16xf32> to vector<16xf32>
        %mul3A_468 = arith.mulf %get3A_463, %get3A_467 : vector<16xf32>
        %swap3A_469 = arith.index_cast %add3A_459 : i32 to index
        %swap3A_470 = arith.constant 48 : index
        %swap3A_471 = tpu.vector_load %arg12[%swap3A_469, %swap3A_470] {strides = array<i32>} : memref<80x128xf32, #tpu.memory_space<vmem>>, vector<1x16xf32>,
        %swap3A_472 = vector.shape_cast %swap3A_471 : vector<1x16xf32> to vector<16xf32>
        %swap3A_473 = vector.shape_cast %mul3A_468 : vector<16xf32> to vector<1x16xf32>
        tpu.vector_store %arg12[%swap3A_469, %swap3A_470], %swap3A_473 {strides = array<i32>} : memref<80x128xf32, #tpu.memory_space<vmem>>, vector<1x16xf32>,
        %mul3A_474 = arith.constant 2 : i32
        %mul3A_475 = arith.muli %mul3A_474, %scan3A_259 : i32
        %add3A_476 = arith.constant 1 : i32
        %add3A_477 = arith.addi %mul3A_475, %add3A_476 : i32
        %get3A_478 = arith.index_cast %add3A_477 : i32 to index
        %get3A_479 = arith.constant 64 : index
        %get3A_480 = tpu.vector_load %arg12[%get3A_478, %get3A_479] {strides = array<i32>} : memref<80x128xf32, #tpu.memory_space<vmem>>, vector<1x16xf32>,
        %get3A_481 = vector.shape_cast %get3A_480 : vector<1x16xf32> to vector<16xf32>
        %get3A_482 = arith.index_cast %add3A_477 : i32 to index
        %get3A_483 = arith.constant 64 : index
        %get3A_484 = tpu.vector_load %arg15[%get3A_482, %get3A_483] {strides = array<i32>} : memref<80x128xf32, #tpu.memory_space<vmem>>, vector<1x16xf32>,
        %get3A_485 = vector.shape_cast %get3A_484 : vector<1x16xf32> to vector<16xf32>
        %mul3A_486 = arith.mulf %get3A_481, %get3A_485 : vector<16xf32>
        %swap3A_487 = arith.index_cast %add3A_477 : i32 to index
        %swap3A_488 = arith.constant 64 : index
        %swap3A_489 = tpu.vector_load %arg12[%swap3A_487, %swap3A_488] {strides = array<i32>} : memref<80x128xf32, #tpu.memory_space<vmem>>, vector<1x16xf32>,
        %swap3A_490 = vector.shape_cast %swap3A_489 : vector<1x16xf32> to vector<16xf32>
        %swap3A_491 = vector.shape_cast %mul3A_486 : vector<16xf32> to vector<1x16xf32>
        tpu.vector_store %arg12[%swap3A_487, %swap3A_488], %swap3A_491 {strides = array<i32>} : memref<80x128xf32, #tpu.memory_space<vmem>>, vector<1x16xf32>,
        %mul3A_492 = arith.constant 2 : i32
        %mul3A_493 = arith.muli %mul3A_492, %scan3A_259 : i32
        %add3A_494 = arith.constant 1 : i32
        %add3A_495 = arith.addi %mul3A_493, %add3A_494 : i32
        %get3A_496 = arith.index_cast %add3A_495 : i32 to index
        %get3A_497 = arith.constant 80 : index
        %get3A_498 = tpu.vector_load %arg12[%get3A_496, %get3A_497] {strides = array<i32>} : memref<80x128xf32, #tpu.memory_space<vmem>>, vector<1x16xf32>,
        %get3A_499 = vector.shape_cast %get3A_498 : vector<1x16xf32> to vector<16xf32>
        %get3A_500 = arith.index_cast %add3A_495 : i32 to index
        %get3A_501 = arith.constant 80 : index
        %get3A_502 = tpu.vector_load %arg15[%get3A_500, %get3A_501] {strides = array<i32>} : memref<80x128xf32, #tpu.memory_space<vmem>>, vector<1x16xf32>,
        %get3A_503 = vector.shape_cast %get3A_502 : vector<1x16xf32> to vector<16xf32>
        %mul3A_504 = arith.mulf %get3A_499, %get3A_503 : vector<16xf32>
        %swap3A_505 = arith.index_cast %add3A_495 : i32 to index
        %swap3A_506 = arith.constant 80 : index
        %swap3A_507 = tpu.vector_load %arg12[%swap3A_505, %swap3A_506] {strides = array<i32>} : memref<80x128xf32, #tpu.memory_space<vmem>>, vector<1x16xf32>,
        %swap3A_508 = vector.shape_cast %swap3A_507 : vector<1x16xf32> to vector<16xf32>
        %swap3A_509 = vector.shape_cast %mul3A_504 : vector<16xf32> to vector<1x16xf32>
        tpu.vector_store %arg12[%swap3A_505, %swap3A_506], %swap3A_509 {strides = array<i32>} : memref<80x128xf32, #tpu.memory_space<vmem>>, vector<1x16xf32>,
        %mul3A_510 = arith.constant 2 : i32
        %mul3A_511 = arith.muli %mul3A_510, %scan3A_259 : i32
        %add3A_512 = arith.constant 1 : i32
        %add3A_513 = arith.addi %mul3A_511, %add3A_512 : i32
        %get3A_514 = arith.index_cast %add3A_513 : i32 to index
        %get3A_515 = arith.constant 96 : index
        %get3A_516 = tpu.vector_load %arg12[%get3A_514, %get3A_515] {strides = array<i32>} : memref<80x128xf32, #tpu.memory_space<vmem>>, vector<1x16xf32>,
        %get3A_517 = vector.shape_cast %get3A_516 : vector<1x16xf32> to vector<16xf32>
        %get3A_518 = arith.index_cast %add3A_513 : i32 to index
        %get3A_519 = arith.constant 96 : index
        %get3A_520 = tpu.vector_load %arg15[%get3A_518, %get3A_519] {strides = array<i32>} : memref<80x128xf32, #tpu.memory_space<vmem>>, vector<1x16xf32>,
        %get3A_521 = vector.shape_cast %get3A_520 : vector<1x16xf32> to vector<16xf32>
        %mul3A_522 = arith.mulf %get3A_517, %get3A_521 : vector<16xf32>
        %swap3A_523 = arith.index_cast %add3A_513 : i32 to index
        %swap3A_524 = arith.constant 96 : index
        %swap3A_525 = tpu.vector_load %arg12[%swap3A_523, %swap3A_524] {strides = array<i32>} : memref<80x128xf32, #tpu.memory_space<vmem>>, vector<1x16xf32>,
        %swap3A_526 = vector.shape_cast %swap3A_525 : vector<1x16xf32> to vector<16xf32>
        %swap3A_527 = vector.shape_cast %mul3A_522 : vector<16xf32> to vector<1x16xf32>
        tpu.vector_store %arg12[%swap3A_523, %swap3A_524], %swap3A_527 {strides = array<i32>} : memref<80x128xf32, #tpu.memory_space<vmem>>, vector<1x16xf32>,
        %mul3A_528 = arith.constant 2 : i32
        %mul3A_529 = arith.muli %mul3A_528, %scan3A_259 : i32
        %add3A_530 = arith.constant 1 : i32
        %add3A_531 = arith.addi %mul3A_529, %add3A_530 : i32
        %get3A_532 = arith.index_cast %add3A_531 : i32 to index
        %get3A_533 = arith.constant 112 : index
        %get3A_534 = tpu.vector_load %arg12[%get3A_532, %get3A_533] {strides = array<i32>} : memref<80x128xf32, #tpu.memory_space<vmem>>, vector<1x16xf32>,
        %get3A_535 = vector.shape_cast %get3A_534 : vector<1x16xf32> to vector<16xf32>
        %get3A_536 = arith.index_cast %add3A_531 : i32 to index
        %get3A_537 = arith.constant 112 : index
        %get3A_538 = tpu.vector_load %arg15[%get3A_536, %get3A_537] {strides = array<i32>} : memref<80x128xf32, #tpu.memory_space<vmem>>, vector<1x16xf32>,
        %get3A_539 = vector.shape_cast %get3A_538 : vector<1x16xf32> to vector<16xf32>
        %mul3A_540 = arith.mulf %get3A_535, %get3A_539 : vector<16xf32>
        %swap3A_541 = arith.index_cast %add3A_531 : i32 to index
        %swap3A_542 = arith.constant 112 : index
        %swap3A_543 = tpu.vector_load %arg12[%swap3A_541, %swap3A_542] {strides = array<i32>} : memref<80x128xf32, #tpu.memory_space<vmem>>, vector<1x16xf32>,
        %swap3A_544 = vector.shape_cast %swap3A_543 : vector<1x16xf32> to vector<16xf32>
        %swap3A_545 = vector.shape_cast %mul3A_540 : vector<16xf32> to vector<1x16xf32>
        tpu.vector_store %arg12[%swap3A_541, %swap3A_542], %swap3A_545 {strides = array<i32>} : memref<80x128xf32, #tpu.memory_space<vmem>>, vector<1x16xf32>,
      }
      %scan3A_232 = arith.constant 40 : i32
      %dma_start3A_233 = arith.constant 0 : i32
      %dma_start3A_234 = tpu.memref_slice %arg9[%add3A_211, %dma_start3A_233] : memref<125x80xi32, #tpu.memory_space<vmem>> -> memref<1x80xi32, #tpu.memory_space<vmem>>
      %dma_start3A_235 = tpu.memref_squeeze %dma_start3A_234 : memref<1x80xi32, #tpu.memory_space<vmem>> -> memref<80xi32, #tpu.memory_space<vmem>>
      %dma_start3A_236 = arith.constant 0 : i32
      %dma_start3A_237 = arith.constant 0 : i32
      %dma_start3A_238 = tpu.memref_slice %arg16[%dma_start3A_236, %dma_start3A_237] : memref<5008x128xf32, #tpu.memory_space<vmem_shared>> -> memref<5008x128xf32, #tpu.memory_space<vmem_shared>>
      tpu.enqueue_indirect_dma source(%arg12 : memref<80x128xf32, #tpu.memory_space<vmem>>) target(%dma_start3A_238 : memref<5008x128xf32, #tpu.memory_space<vmem_shared>>) offsets(%dma_start3A_235 : memref<80xi32, #tpu.memory_space<vmem>>) semaphore(%arg25 : memref<!tpu.dma_semaphore, #tpu.memory_space<semaphore_mem>>) {add = true}
      %sub3A_239 = arith.constant 1 : i32
      %sub3A_240 = arith.subi %add3A_211, %sub3A_239 : i32
      %max3A_241 = arith.constant 0 : i32
      %max3A_242 = arith.maxsi %sub3A_240, %max3A_241 : i32
      %ge3A_243 = arith.constant 1 : i32
      %ge3A_244 = arith.cmpi sge, %add3A_211, %ge3A_243 : i32
      %convert_element_type3A_245 = arith.extui %ge3A_244 : i1 to i32
      %cond3A_246 = arith.constant 0 : i32
      %cond3A_247 = arith.cmpi ne, %convert_element_type3A_245, %cond3A_246 : i32
      scf.if %cond3A_247 {
        %dma_wait3A_259 = arith.constant 0 : i32
        %dma_wait3A_260 = tpu.memref_slice %arg9[%max3A_242, %dma_wait3A_259] : memref<125x80xi32, #tpu.memory_space<vmem>> -> memref<1x80xi32, #tpu.memory_space<vmem>>
        %dma_wait3A_261 = tpu.memref_squeeze %dma_wait3A_260 : memref<1x80xi32, #tpu.memory_space<vmem>> -> memref<80xi32, #tpu.memory_space<vmem>>
        %dma_wait3A_262 = arith.constant 0 : i32
        %dma_wait3A_263 = arith.constant 0 : i32
        %dma_wait3A_264 = tpu.memref_slice %arg16[%dma_wait3A_262, %dma_wait3A_263] : memref<5008x128xf32, #tpu.memory_space<vmem_shared>> -> memref<5008x128xf32, #tpu.memory_space<vmem_shared>>
        tpu.wait_indirect_dma semaphore(%arg24 : memref<!tpu.dma_semaphore, #tpu.memory_space<semaphore_mem>>) src(%arg11 : memref<80x128xf32, #tpu.memory_space<vmem>>) dst(%dma_wait3A_264 : memref<5008x128xf32, #tpu.memory_space<vmem_shared>>)
      } else {
      }
      %add3A_248 = arith.constant 2 : i32
      %add3A_249 = arith.addi %add3A_211, %add3A_248 : i32
      %min3A_250 = arith.constant 124 : i32
      %min3A_251 = arith.minsi %add3A_249, %min3A_250 : i32
      %add3A_252 = arith.constant 2 : i32
      %add3A_253 = arith.addi %add3A_211, %add3A_252 : i32
      %le3A_254 = arith.constant 124 : i32
      %le3A_255 = arith.cmpi sle, %add3A_253, %le3A_254 : i32
      %convert_element_type3A_256 = arith.extui %le3A_255 : i1 to i32
      %cond3A_257 = arith.constant 0 : i32
      %cond3A_258 = arith.cmpi ne, %convert_element_type3A_256, %cond3A_257 : i32
      scf.if %cond3A_258 {
        %mul3A_259 = arith.constant 10000 : i32
        %mul3A_260 = arith.muli %arg1, %mul3A_259 : i32
        %mul3A_261 = arith.constant 80 : i32
        %mul3A_262 = arith.muli %min3A_251, %mul3A_261 : i32
        %add3A_263 = arith.addi %mul3A_260, %mul3A_262 : i32
        %dma_start3A_264 = arith.constant 0 : i32
        %dma_start3A_265 = tpu.memref_slice %arg2[%add3A_263, %dma_start3A_264] : memref<160000x128xf32, #tpu.memory_space<hbm>> -> memref<80x128xf32, #tpu.memory_space<hbm>>
        %dma_start3A_266 = arith.constant 0 : i32
        %dma_start3A_267 = tpu.memref_slice %arg2[%add3A_263, %dma_start3A_266] : memref<160000x128xf32, #tpu.memory_space<hbm>> -> memref<80x128xf32, #tpu.memory_space<hbm>>
        tpu.enqueue_dma source(%dma_start3A_267 : memref<80x128xf32, #tpu.memory_space<hbm>>) target(%arg14 : memref<80x128xf32, #tpu.memory_space<vmem>>) target_semaphore(%arg21 : memref<!tpu.dma_semaphore, #tpu.memory_space<semaphore_mem>>)
        %mul3A_268 = arith.constant 80 : i32
        %mul3A_269 = arith.muli %min3A_251, %mul3A_268 : i32
        %dma_start3A_270 = tpu.memref_slice %arg8[%mul3A_269] : memref<10000xi32, #tpu.memory_space<vmem>> -> memref<80xi32, #tpu.memory_space<vmem>>
        %dma_start3A_271 = arith.constant 0 : i32
        %dma_start3A_272 = arith.constant 0 : i32
        %dma_start3A_273 = tpu.memref_slice %arg3[%dma_start3A_271, %dma_start3A_272] : memref<10000x128xf32, #tpu.memory_space<hbm>> -> memref<10000x128xf32, #tpu.memory_space<hbm>>
        tpu.enqueue_indirect_dma source(%dma_start3A_273 : memref<10000x128xf32, #tpu.memory_space<hbm>>) target(%arg11 : memref<80x128xf32, #tpu.memory_space<vmem>>) offsets(%dma_start3A_270 : memref<80xi32, #tpu.memory_space<vmem>>) semaphore(%arg18 : memref<!tpu.dma_semaphore, #tpu.memory_space<semaphore_mem>>)
      } else {
      }
    }
    %scan3A_34 = arith.constant 41 : i32
    %mul3A_35 = arith.constant 10000 : i32
    %mul3A_36 = arith.muli %arg1, %mul3A_35 : i32
    %add3A_37 = arith.constant 9840 : i32
    %add3A_38 = arith.addi %mul3A_36, %add3A_37 : i32
    %dma_wait3A = arith.constant 0 : i32
    %dma_wait3A_39 = tpu.memref_slice %arg2[%add3A_38, %dma_wait3A] : memref<160000x128xf32, #tpu.memory_space<hbm>> -> memref<80x128xf32, #tpu.memory_space<hbm>>
    %dma_wait3A_40 = arith.constant 0 : i32
    %dma_wait3A_41 = tpu.memref_slice %arg2[%add3A_38, %dma_wait3A_40] : memref<160000x128xf32, #tpu.memory_space<hbm>> -> memref<80x128xf32, #tpu.memory_space<hbm>>
    tpu.wait_dma2 semaphore(%arg20 : memref<!tpu.dma_semaphore, #tpu.memory_space<semaphore_mem>>) src(%dma_wait3A_41 : memref<80x128xf32, #tpu.memory_space<hbm>>) dst(%arg13 : memref<80x128xf32, #tpu.memory_space<vmem>>)
    %dma_wait3A_42 = arith.constant 9840 : i32
    %dma_wait3A_43 = tpu.memref_slice %arg8[%dma_wait3A_42] : memref<10000xi32, #tpu.memory_space<vmem>> -> memref<80xi32, #tpu.memory_space<vmem>>
    %dma_wait3A_44 = arith.constant 0 : i32
    %dma_wait3A_45 = arith.constant 0 : i32
    %dma_wait3A_46 = tpu.memref_slice %arg3[%dma_wait3A_44, %dma_wait3A_45] : memref<10000x128xf32, #tpu.memory_space<hbm>> -> memref<10000x128xf32, #tpu.memory_space<hbm>>
    tpu.wait_indirect_dma semaphore(%arg17 : memref<!tpu.dma_semaphore, #tpu.memory_space<semaphore_mem>>) src(%dma_wait3A_46 : memref<10000x128xf32, #tpu.memory_space<hbm>>) dst(%arg10 : memref<80x128xf32, #tpu.memory_space<vmem>>)
    %scan3A_47 = arith.constant 0 : i32
    %scan3A_48 = arith.constant 0 : i32
    %scan3A_49 = arith.constant 40 : i32
    %scan3A_50 = arith.addi %scan3A_48, %scan3A_49 : i32
    %scan3A_51 = arith.constant 1 : i32
    scf.for %scan3A_112 = %scan3A_48 to %scan3A_50 step %scan3A_51  : i32 {
      %mul3A_113 = arith.constant 2 : i32
      %mul3A_114 = arith.muli %mul3A_113, %scan3A_112 : i32
      %add3A_115 = arith.constant 0 : i32
      %add3A_116 = arith.addi %mul3A_114, %add3A_115 : i32
      %get3A = arith.index_cast %add3A_116 : i32 to index
      %get3A_117 = arith.constant 0 : index
      %get3A_118 = tpu.vector_load %arg10[%get3A, %get3A_117] {strides = array<i32>} : memref<80x128xf32, #tpu.memory_space<vmem>>, vector<1x16xf32>,
      %get3A_119 = vector.shape_cast %get3A_118 : vector<1x16xf32> to vector<16xf32>
      %get3A_120 = arith.index_cast %add3A_116 : i32 to index
      %get3A_121 = arith.constant 0 : index
      %get3A_122 = tpu.vector_load %arg13[%get3A_120, %get3A_121] {strides = array<i32>} : memref<80x128xf32, #tpu.memory_space<vmem>>, vector<1x16xf32>,
      %get3A_123 = vector.shape_cast %get3A_122 : vector<1x16xf32> to vector<16xf32>
      %mul3A_124 = arith.mulf %get3A_119, %get3A_123 : vector<16xf32>
      %swap3A = arith.index_cast %add3A_116 : i32 to index
      %swap3A_125 = arith.constant 0 : index
      %swap3A_126 = tpu.vector_load %arg10[%swap3A, %swap3A_125] {strides = array<i32>} : memref<80x128xf32, #tpu.memory_space<vmem>>, vector<1x16xf32>,
      %swap3A_127 = vector.shape_cast %swap3A_126 : vector<1x16xf32> to vector<16xf32>
      %swap3A_128 = vector.shape_cast %mul3A_124 : vector<16xf32> to vector<1x16xf32>
      tpu.vector_store %arg10[%swap3A, %swap3A_125], %swap3A_128 {strides = array<i32>} : memref<80x128xf32, #tpu.memory_space<vmem>>, vector<1x16xf32>,
      %mul3A_129 = arith.constant 2 : i32
      %mul3A_130 = arith.muli %mul3A_129, %scan3A_112 : i32
      %add3A_131 = arith.constant 0 : i32
      %add3A_132 = arith.addi %mul3A_130, %add3A_131 : i32
      %get3A_133 = arith.index_cast %add3A_132 : i32 to index
      %get3A_134 = arith.constant 16 : index
      %get3A_135 = tpu.vector_load %arg10[%get3A_133, %get3A_134] {strides = array<i32>} : memref<80x128xf32, #tpu.memory_space<vmem>>, vector<1x16xf32>,
      %get3A_136 = vector.shape_cast %get3A_135 : vector<1x16xf32> to vector<16xf32>
      %get3A_137 = arith.index_cast %add3A_132 : i32 to index
      %get3A_138 = arith.constant 16 : index
      %get3A_139 = tpu.vector_load %arg13[%get3A_137, %get3A_138] {strides = array<i32>} : memref<80x128xf32, #tpu.memory_space<vmem>>, vector<1x16xf32>,
      %get3A_140 = vector.shape_cast %get3A_139 : vector<1x16xf32> to vector<16xf32>
      %mul3A_141 = arith.mulf %get3A_136, %get3A_140 : vector<16xf32>
      %swap3A_142 = arith.index_cast %add3A_132 : i32 to index
      %swap3A_143 = arith.constant 16 : index
      %swap3A_144 = tpu.vector_load %arg10[%swap3A_142, %swap3A_143] {strides = array<i32>} : memref<80x128xf32, #tpu.memory_space<vmem>>, vector<1x16xf32>,
      %swap3A_145 = vector.shape_cast %swap3A_144 : vector<1x16xf32> to vector<16xf32>
      %swap3A_146 = vector.shape_cast %mul3A_141 : vector<16xf32> to vector<1x16xf32>
      tpu.vector_store %arg10[%swap3A_142, %swap3A_143], %swap3A_146 {strides = array<i32>} : memref<80x128xf32, #tpu.memory_space<vmem>>, vector<1x16xf32>,
      %mul3A_147 = arith.constant 2 : i32
      %mul3A_148 = arith.muli %mul3A_147, %scan3A_112 : i32
      %add3A_149 = arith.constant 0 : i32
      %add3A_150 = arith.addi %mul3A_148, %add3A_149 : i32
      %get3A_151 = arith.index_cast %add3A_150 : i32 to index
      %get3A_152 = arith.constant 32 : index
      %get3A_153 = tpu.vector_load %arg10[%get3A_151, %get3A_152] {strides = array<i32>} : memref<80x128xf32, #tpu.memory_space<vmem>>, vector<1x16xf32>,
      %get3A_154 = vector.shape_cast %get3A_153 : vector<1x16xf32> to vector<16xf32>
      %get3A_155 = arith.index_cast %add3A_150 : i32 to index
      %get3A_156 = arith.constant 32 : index
      %get3A_157 = tpu.vector_load %arg13[%get3A_155, %get3A_156] {strides = array<i32>} : memref<80x128xf32, #tpu.memory_space<vmem>>, vector<1x16xf32>,
      %get3A_158 = vector.shape_cast %get3A_157 : vector<1x16xf32> to vector<16xf32>
      %mul3A_159 = arith.mulf %get3A_154, %get3A_158 : vector<16xf32>
      %swap3A_160 = arith.index_cast %add3A_150 : i32 to index
      %swap3A_161 = arith.constant 32 : index
      %swap3A_162 = tpu.vector_load %arg10[%swap3A_160, %swap3A_161] {strides = array<i32>} : memref<80x128xf32, #tpu.memory_space<vmem>>, vector<1x16xf32>,
      %swap3A_163 = vector.shape_cast %swap3A_162 : vector<1x16xf32> to vector<16xf32>
      %swap3A_164 = vector.shape_cast %mul3A_159 : vector<16xf32> to vector<1x16xf32>
      tpu.vector_store %arg10[%swap3A_160, %swap3A_161], %swap3A_164 {strides = array<i32>} : memref<80x128xf32, #tpu.memory_space<vmem>>, vector<1x16xf32>,
      %mul3A_165 = arith.constant 2 : i32
      %mul3A_166 = arith.muli %mul3A_165, %scan3A_112 : i32
      %add3A_167 = arith.constant 0 : i32
      %add3A_168 = arith.addi %mul3A_166, %add3A_167 : i32
      %get3A_169 = arith.index_cast %add3A_168 : i32 to index
      %get3A_170 = arith.constant 48 : index
      %get3A_171 = tpu.vector_load %arg10[%get3A_169, %get3A_170] {strides = array<i32>} : memref<80x128xf32, #tpu.memory_space<vmem>>, vector<1x16xf32>,
      %get3A_172 = vector.shape_cast %get3A_171 : vector<1x16xf32> to vector<16xf32>
      %get3A_173 = arith.index_cast %add3A_168 : i32 to index
      %get3A_174 = arith.constant 48 : index
      %get3A_175 = tpu.vector_load %arg13[%get3A_173, %get3A_174] {strides = array<i32>} : memref<80x128xf32, #tpu.memory_space<vmem>>, vector<1x16xf32>,
      %get3A_176 = vector.shape_cast %get3A_175 : vector<1x16xf32> to vector<16xf32>
      %mul3A_177 = arith.mulf %get3A_172, %get3A_176 : vector<16xf32>
      %swap3A_178 = arith.index_cast %add3A_168 : i32 to index
      %swap3A_179 = arith.constant 48 : index
      %swap3A_180 = tpu.vector_load %arg10[%swap3A_178, %swap3A_179] {strides = array<i32>} : memref<80x128xf32, #tpu.memory_space<vmem>>, vector<1x16xf32>,
      %swap3A_181 = vector.shape_cast %swap3A_180 : vector<1x16xf32> to vector<16xf32>
      %swap3A_182 = vector.shape_cast %mul3A_177 : vector<16xf32> to vector<1x16xf32>
      tpu.vector_store %arg10[%swap3A_178, %swap3A_179], %swap3A_182 {strides = array<i32>} : memref<80x128xf32, #tpu.memory_space<vmem>>, vector<1x16xf32>,
      %mul3A_183 = arith.constant 2 : i32
      %mul3A_184 = arith.muli %mul3A_183, %scan3A_112 : i32
      %add3A_185 = arith.constant 0 : i32
      %add3A_186 = arith.addi %mul3A_184, %add3A_185 : i32
      %get3A_187 = arith.index_cast %add3A_186 : i32 to index
      %get3A_188 = arith.constant 64 : index
      %get3A_189 = tpu.vector_load %arg10[%get3A_187, %get3A_188] {strides = array<i32>} : memref<80x128xf32, #tpu.memory_space<vmem>>, vector<1x16xf32>,
      %get3A_190 = vector.shape_cast %get3A_189 : vector<1x16xf32> to vector<16xf32>
      %get3A_191 = arith.index_cast %add3A_186 : i32 to index
      %get3A_192 = arith.constant 64 : index
      %get3A_193 = tpu.vector_load %arg13[%get3A_191, %get3A_192] {strides = array<i32>} : memref<80x128xf32, #tpu.memory_space<vmem>>, vector<1x16xf32>,
      %get3A_194 = vector.shape_cast %get3A_193 : vector<1x16xf32> to vector<16xf32>
      %mul3A_195 = arith.mulf %get3A_190, %get3A_194 : vector<16xf32>
      %swap3A_196 = arith.index_cast %add3A_186 : i32 to index
      %swap3A_197 = arith.constant 64 : index
      %swap3A_198 = tpu.vector_load %arg10[%swap3A_196, %swap3A_197] {strides = array<i32>} : memref<80x128xf32, #tpu.memory_space<vmem>>, vector<1x16xf32>,
      %swap3A_199 = vector.shape_cast %swap3A_198 : vector<1x16xf32> to vector<16xf32>
      %swap3A_200 = vector.shape_cast %mul3A_195 : vector<16xf32> to vector<1x16xf32>
      tpu.vector_store %arg10[%swap3A_196, %swap3A_197], %swap3A_200 {strides = array<i32>} : memref<80x128xf32, #tpu.memory_space<vmem>>, vector<1x16xf32>,
      %mul3A_201 = arith.constant 2 : i32
      %mul3A_202 = arith.muli %mul3A_201, %scan3A_112 : i32
      %add3A_203 = arith.constant 0 : i32
      %add3A_204 = arith.addi %mul3A_202, %add3A_203 : i32
      %get3A_205 = arith.index_cast %add3A_204 : i32 to index
      %get3A_206 = arith.constant 80 : index
      %get3A_207 = tpu.vector_load %arg10[%get3A_205, %get3A_206] {strides = array<i32>} : memref<80x128xf32, #tpu.memory_space<vmem>>, vector<1x16xf32>,
      %get3A_208 = vector.shape_cast %get3A_207 : vector<1x16xf32> to vector<16xf32>
      %get3A_209 = arith.index_cast %add3A_204 : i32 to index
      %get3A_210 = arith.constant 80 : index
      %get3A_211 = tpu.vector_load %arg13[%get3A_209, %get3A_210] {strides = array<i32>} : memref<80x128xf32, #tpu.memory_space<vmem>>, vector<1x16xf32>,
      %get3A_212 = vector.shape_cast %get3A_211 : vector<1x16xf32> to vector<16xf32>
      %mul3A_213 = arith.mulf %get3A_208, %get3A_212 : vector<16xf32>
      %swap3A_214 = arith.index_cast %add3A_204 : i32 to index
      %swap3A_215 = arith.constant 80 : index
      %swap3A_216 = tpu.vector_load %arg10[%swap3A_214, %swap3A_215] {strides = array<i32>} : memref<80x128xf32, #tpu.memory_space<vmem>>, vector<1x16xf32>,
      %swap3A_217 = vector.shape_cast %swap3A_216 : vector<1x16xf32> to vector<16xf32>
      %swap3A_218 = vector.shape_cast %mul3A_213 : vector<16xf32> to vector<1x16xf32>
      tpu.vector_store %arg10[%swap3A_214, %swap3A_215], %swap3A_218 {strides = array<i32>} : memref<80x128xf32, #tpu.memory_space<vmem>>, vector<1x16xf32>,
      %mul3A_219 = arith.constant 2 : i32
      %mul3A_220 = arith.muli %mul3A_219, %scan3A_112 : i32
      %add3A_221 = arith.constant 0 : i32
      %add3A_222 = arith.addi %mul3A_220, %add3A_221 : i32
      %get3A_223 = arith.index_cast %add3A_222 : i32 to index
      %get3A_224 = arith.constant 96 : index
      %get3A_225 = tpu.vector_load %arg10[%get3A_223, %get3A_224] {strides = array<i32>} : memref<80x128xf32, #tpu.memory_space<vmem>>, vector<1x16xf32>,
      %get3A_226 = vector.shape_cast %get3A_225 : vector<1x16xf32> to vector<16xf32>
      %get3A_227 = arith.index_cast %add3A_222 : i32 to index
      %get3A_228 = arith.constant 96 : index
      %get3A_229 = tpu.vector_load %arg13[%get3A_227, %get3A_228] {strides = array<i32>} : memref<80x128xf32, #tpu.memory_space<vmem>>, vector<1x16xf32>,
      %get3A_230 = vector.shape_cast %get3A_229 : vector<1x16xf32> to vector<16xf32>
      %mul3A_231 = arith.mulf %get3A_226, %get3A_230 : vector<16xf32>
      %swap3A_232 = arith.index_cast %add3A_222 : i32 to index
      %swap3A_233 = arith.constant 96 : index
      %swap3A_234 = tpu.vector_load %arg10[%swap3A_232, %swap3A_233] {strides = array<i32>} : memref<80x128xf32, #tpu.memory_space<vmem>>, vector<1x16xf32>,
      %swap3A_235 = vector.shape_cast %swap3A_234 : vector<1x16xf32> to vector<16xf32>
      %swap3A_236 = vector.shape_cast %mul3A_231 : vector<16xf32> to vector<1x16xf32>
      tpu.vector_store %arg10[%swap3A_232, %swap3A_233], %swap3A_236 {strides = array<i32>} : memref<80x128xf32, #tpu.memory_space<vmem>>, vector<1x16xf32>,
      %mul3A_237 = arith.constant 2 : i32
      %mul3A_238 = arith.muli %mul3A_237, %scan3A_112 : i32
      %add3A_239 = arith.constant 0 : i32
      %add3A_240 = arith.addi %mul3A_238, %add3A_239 : i32
      %get3A_241 = arith.index_cast %add3A_240 : i32 to index
      %get3A_242 = arith.constant 112 : index
      %get3A_243 = tpu.vector_load %arg10[%get3A_241, %get3A_242] {strides = array<i32>} : memref<80x128xf32, #tpu.memory_space<vmem>>, vector<1x16xf32>,
      %get3A_244 = vector.shape_cast %get3A_243 : vector<1x16xf32> to vector<16xf32>
      %get3A_245 = arith.index_cast %add3A_240 : i32 to index
      %get3A_246 = arith.constant 112 : index
      %get3A_247 = tpu.vector_load %arg13[%get3A_245, %get3A_246] {strides = array<i32>} : memref<80x128xf32, #tpu.memory_space<vmem>>, vector<1x16xf32>,
      %get3A_248 = vector.shape_cast %get3A_247 : vector<1x16xf32> to vector<16xf32>
      %mul3A_249 = arith.mulf %get3A_244, %get3A_248 : vector<16xf32>
      %swap3A_250 = arith.index_cast %add3A_240 : i32 to index
      %swap3A_251 = arith.constant 112 : index
      %swap3A_252 = tpu.vector_load %arg10[%swap3A_250, %swap3A_251] {strides = array<i32>} : memref<80x128xf32, #tpu.memory_space<vmem>>, vector<1x16xf32>,
      %swap3A_253 = vector.shape_cast %swap3A_252 : vector<1x16xf32> to vector<16xf32>
      %swap3A_254 = vector.shape_cast %mul3A_249 : vector<16xf32> to vector<1x16xf32>
      tpu.vector_store %arg10[%swap3A_250, %swap3A_251], %swap3A_254 {strides = array<i32>} : memref<80x128xf32, #tpu.memory_space<vmem>>, vector<1x16xf32>,
      %mul3A_255 = arith.constant 2 : i32
      %mul3A_256 = arith.muli %mul3A_255, %scan3A_112 : i32
      %add3A_257 = arith.constant 1 : i32
      %add3A_258 = arith.addi %mul3A_256, %add3A_257 : i32
      %get3A_259 = arith.index_cast %add3A_258 : i32 to index
      %get3A_260 = arith.constant 0 : index
      %get3A_261 = tpu.vector_load %arg10[%get3A_259, %get3A_260] {strides = array<i32>} : memref<80x128xf32, #tpu.memory_space<vmem>>, vector<1x16xf32>,
      %get3A_262 = vector.shape_cast %get3A_261 : vector<1x16xf32> to vector<16xf32>
      %get3A_263 = arith.index_cast %add3A_258 : i32 to index
      %get3A_264 = arith.constant 0 : index
      %get3A_265 = tpu.vector_load %arg13[%get3A_263, %get3A_264] {strides = array<i32>} : memref<80x128xf32, #tpu.memory_space<vmem>>, vector<1x16xf32>,
      %get3A_266 = vector.shape_cast %get3A_265 : vector<1x16xf32> to vector<16xf32>
      %mul3A_267 = arith.mulf %get3A_262, %get3A_266 : vector<16xf32>
      %swap3A_268 = arith.index_cast %add3A_258 : i32 to index
      %swap3A_269 = arith.constant 0 : index
      %swap3A_270 = tpu.vector_load %arg10[%swap3A_268, %swap3A_269] {strides = array<i32>} : memref<80x128xf32, #tpu.memory_space<vmem>>, vector<1x16xf32>,
      %swap3A_271 = vector.shape_cast %swap3A_270 : vector<1x16xf32> to vector<16xf32>
      %swap3A_272 = vector.shape_cast %mul3A_267 : vector<16xf32> to vector<1x16xf32>
      tpu.vector_store %arg10[%swap3A_268, %swap3A_269], %swap3A_272 {strides = array<i32>} : memref<80x128xf32, #tpu.memory_space<vmem>>, vector<1x16xf32>,
      %mul3A_273 = arith.constant 2 : i32
      %mul3A_274 = arith.muli %mul3A_273, %scan3A_112 : i32
      %add3A_275 = arith.constant 1 : i32
      %add3A_276 = arith.addi %mul3A_274, %add3A_275 : i32
      %get3A_277 = arith.index_cast %add3A_276 : i32 to index
      %get3A_278 = arith.constant 16 : index
      %get3A_279 = tpu.vector_load %arg10[%get3A_277, %get3A_278] {strides = array<i32>} : memref<80x128xf32, #tpu.memory_space<vmem>>, vector<1x16xf32>,
      %get3A_280 = vector.shape_cast %get3A_279 : vector<1x16xf32> to vector<16xf32>
      %get3A_281 = arith.index_cast %add3A_276 : i32 to index
      %get3A_282 = arith.constant 16 : index
      %get3A_283 = tpu.vector_load %arg13[%get3A_281, %get3A_282] {strides = array<i32>} : memref<80x128xf32, #tpu.memory_space<vmem>>, vector<1x16xf32>,
      %get3A_284 = vector.shape_cast %get3A_283 : vector<1x16xf32> to vector<16xf32>
      %mul3A_285 = arith.mulf %get3A_280, %get3A_284 : vector<16xf32>
      %swap3A_286 = arith.index_cast %add3A_276 : i32 to index
      %swap3A_287 = arith.constant 16 : index
      %swap3A_288 = tpu.vector_load %arg10[%swap3A_286, %swap3A_287] {strides = array<i32>} : memref<80x128xf32, #tpu.memory_space<vmem>>, vector<1x16xf32>,
      %swap3A_289 = vector.shape_cast %swap3A_288 : vector<1x16xf32> to vector<16xf32>
      %swap3A_290 = vector.shape_cast %mul3A_285 : vector<16xf32> to vector<1x16xf32>
      tpu.vector_store %arg10[%swap3A_286, %swap3A_287], %swap3A_290 {strides = array<i32>} : memref<80x128xf32, #tpu.memory_space<vmem>>, vector<1x16xf32>,
      %mul3A_291 = arith.constant 2 : i32
      %mul3A_292 = arith.muli %mul3A_291, %scan3A_112 : i32
      %add3A_293 = arith.constant 1 : i32
      %add3A_294 = arith.addi %mul3A_292, %add3A_293 : i32
      %get3A_295 = arith.index_cast %add3A_294 : i32 to index
      %get3A_296 = arith.constant 32 : index
      %get3A_297 = tpu.vector_load %arg10[%get3A_295, %get3A_296] {strides = array<i32>} : memref<80x128xf32, #tpu.memory_space<vmem>>, vector<1x16xf32>,
      %get3A_298 = vector.shape_cast %get3A_297 : vector<1x16xf32> to vector<16xf32>
      %get3A_299 = arith.index_cast %add3A_294 : i32 to index
      %get3A_300 = arith.constant 32 : index
      %get3A_301 = tpu.vector_load %arg13[%get3A_299, %get3A_300] {strides = array<i32>} : memref<80x128xf32, #tpu.memory_space<vmem>>, vector<1x16xf32>,
      %get3A_302 = vector.shape_cast %get3A_301 : vector<1x16xf32> to vector<16xf32>
      %mul3A_303 = arith.mulf %get3A_298, %get3A_302 : vector<16xf32>
      %swap3A_304 = arith.index_cast %add3A_294 : i32 to index
      %swap3A_305 = arith.constant 32 : index
      %swap3A_306 = tpu.vector_load %arg10[%swap3A_304, %swap3A_305] {strides = array<i32>} : memref<80x128xf32, #tpu.memory_space<vmem>>, vector<1x16xf32>,
      %swap3A_307 = vector.shape_cast %swap3A_306 : vector<1x16xf32> to vector<16xf32>
      %swap3A_308 = vector.shape_cast %mul3A_303 : vector<16xf32> to vector<1x16xf32>
      tpu.vector_store %arg10[%swap3A_304, %swap3A_305], %swap3A_308 {strides = array<i32>} : memref<80x128xf32, #tpu.memory_space<vmem>>, vector<1x16xf32>,
      %mul3A_309 = arith.constant 2 : i32
      %mul3A_310 = arith.muli %mul3A_309, %scan3A_112 : i32
      %add3A_311 = arith.constant 1 : i32
      %add3A_312 = arith.addi %mul3A_310, %add3A_311 : i32
      %get3A_313 = arith.index_cast %add3A_312 : i32 to index
      %get3A_314 = arith.constant 48 : index
      %get3A_315 = tpu.vector_load %arg10[%get3A_313, %get3A_314] {strides = array<i32>} : memref<80x128xf32, #tpu.memory_space<vmem>>, vector<1x16xf32>,
      %get3A_316 = vector.shape_cast %get3A_315 : vector<1x16xf32> to vector<16xf32>
      %get3A_317 = arith.index_cast %add3A_312 : i32 to index
      %get3A_318 = arith.constant 48 : index
      %get3A_319 = tpu.vector_load %arg13[%get3A_317, %get3A_318] {strides = array<i32>} : memref<80x128xf32, #tpu.memory_space<vmem>>, vector<1x16xf32>,
      %get3A_320 = vector.shape_cast %get3A_319 : vector<1x16xf32> to vector<16xf32>
      %mul3A_321 = arith.mulf %get3A_316, %get3A_320 : vector<16xf32>
      %swap3A_322 = arith.index_cast %add3A_312 : i32 to index
      %swap3A_323 = arith.constant 48 : index
      %swap3A_324 = tpu.vector_load %arg10[%swap3A_322, %swap3A_323] {strides = array<i32>} : memref<80x128xf32, #tpu.memory_space<vmem>>, vector<1x16xf32>,
      %swap3A_325 = vector.shape_cast %swap3A_324 : vector<1x16xf32> to vector<16xf32>
      %swap3A_326 = vector.shape_cast %mul3A_321 : vector<16xf32> to vector<1x16xf32>
      tpu.vector_store %arg10[%swap3A_322, %swap3A_323], %swap3A_326 {strides = array<i32>} : memref<80x128xf32, #tpu.memory_space<vmem>>, vector<1x16xf32>,
      %mul3A_327 = arith.constant 2 : i32
      %mul3A_328 = arith.muli %mul3A_327, %scan3A_112 : i32
      %add3A_329 = arith.constant 1 : i32
      %add3A_330 = arith.addi %mul3A_328, %add3A_329 : i32
      %get3A_331 = arith.index_cast %add3A_330 : i32 to index
      %get3A_332 = arith.constant 64 : index
      %get3A_333 = tpu.vector_load %arg10[%get3A_331, %get3A_332] {strides = array<i32>} : memref<80x128xf32, #tpu.memory_space<vmem>>, vector<1x16xf32>,
      %get3A_334 = vector.shape_cast %get3A_333 : vector<1x16xf32> to vector<16xf32>
      %get3A_335 = arith.index_cast %add3A_330 : i32 to index
      %get3A_336 = arith.constant 64 : index
      %get3A_337 = tpu.vector_load %arg13[%get3A_335, %get3A_336] {strides = array<i32>} : memref<80x128xf32, #tpu.memory_space<vmem>>, vector<1x16xf32>,
      %get3A_338 = vector.shape_cast %get3A_337 : vector<1x16xf32> to vector<16xf32>
      %mul3A_339 = arith.mulf %get3A_334, %get3A_338 : vector<16xf32>
      %swap3A_340 = arith.index_cast %add3A_330 : i32 to index
      %swap3A_341 = arith.constant 64 : index
      %swap3A_342 = tpu.vector_load %arg10[%swap3A_340, %swap3A_341] {strides = array<i32>} : memref<80x128xf32, #tpu.memory_space<vmem>>, vector<1x16xf32>,
      %swap3A_343 = vector.shape_cast %swap3A_342 : vector<1x16xf32> to vector<16xf32>
      %swap3A_344 = vector.shape_cast %mul3A_339 : vector<16xf32> to vector<1x16xf32>
      tpu.vector_store %arg10[%swap3A_340, %swap3A_341], %swap3A_344 {strides = array<i32>} : memref<80x128xf32, #tpu.memory_space<vmem>>, vector<1x16xf32>,
      %mul3A_345 = arith.constant 2 : i32
      %mul3A_346 = arith.muli %mul3A_345, %scan3A_112 : i32
      %add3A_347 = arith.constant 1 : i32
      %add3A_348 = arith.addi %mul3A_346, %add3A_347 : i32
      %get3A_349 = arith.index_cast %add3A_348 : i32 to index
      %get3A_350 = arith.constant 80 : index
      %get3A_351 = tpu.vector_load %arg10[%get3A_349, %get3A_350] {strides = array<i32>} : memref<80x128xf32, #tpu.memory_space<vmem>>, vector<1x16xf32>,
      %get3A_352 = vector.shape_cast %get3A_351 : vector<1x16xf32> to vector<16xf32>
      %get3A_353 = arith.index_cast %add3A_348 : i32 to index
      %get3A_354 = arith.constant 80 : index
      %get3A_355 = tpu.vector_load %arg13[%get3A_353, %get3A_354] {strides = array<i32>} : memref<80x128xf32, #tpu.memory_space<vmem>>, vector<1x16xf32>,
      %get3A_356 = vector.shape_cast %get3A_355 : vector<1x16xf32> to vector<16xf32>
      %mul3A_357 = arith.mulf %get3A_352, %get3A_356 : vector<16xf32>
      %swap3A_358 = arith.index_cast %add3A_348 : i32 to index
      %swap3A_359 = arith.constant 80 : index
      %swap3A_360 = tpu.vector_load %arg10[%swap3A_358, %swap3A_359] {strides = array<i32>} : memref<80x128xf32, #tpu.memory_space<vmem>>, vector<1x16xf32>,
      %swap3A_361 = vector.shape_cast %swap3A_360 : vector<1x16xf32> to vector<16xf32>
      %swap3A_362 = vector.shape_cast %mul3A_357 : vector<16xf32> to vector<1x16xf32>
      tpu.vector_store %arg10[%swap3A_358, %swap3A_359], %swap3A_362 {strides = array<i32>} : memref<80x128xf32, #tpu.memory_space<vmem>>, vector<1x16xf32>,
      %mul3A_363 = arith.constant 2 : i32
      %mul3A_364 = arith.muli %mul3A_363, %scan3A_112 : i32
      %add3A_365 = arith.constant 1 : i32
      %add3A_366 = arith.addi %mul3A_364, %add3A_365 : i32
      %get3A_367 = arith.index_cast %add3A_366 : i32 to index
      %get3A_368 = arith.constant 96 : index
      %get3A_369 = tpu.vector_load %arg10[%get3A_367, %get3A_368] {strides = array<i32>} : memref<80x128xf32, #tpu.memory_space<vmem>>, vector<1x16xf32>,
      %get3A_370 = vector.shape_cast %get3A_369 : vector<1x16xf32> to vector<16xf32>
      %get3A_371 = arith.index_cast %add3A_366 : i32 to index
      %get3A_372 = arith.constant 96 : index
      %get3A_373 = tpu.vector_load %arg13[%get3A_371, %get3A_372] {strides = array<i32>} : memref<80x128xf32, #tpu.memory_space<vmem>>, vector<1x16xf32>,
      %get3A_374 = vector.shape_cast %get3A_373 : vector<1x16xf32> to vector<16xf32>
      %mul3A_375 = arith.mulf %get3A_370, %get3A_374 : vector<16xf32>
      %swap3A_376 = arith.index_cast %add3A_366 : i32 to index
      %swap3A_377 = arith.constant 96 : index
      %swap3A_378 = tpu.vector_load %arg10[%swap3A_376, %swap3A_377] {strides = array<i32>} : memref<80x128xf32, #tpu.memory_space<vmem>>, vector<1x16xf32>,
      %swap3A_379 = vector.shape_cast %swap3A_378 : vector<1x16xf32> to vector<16xf32>
      %swap3A_380 = vector.shape_cast %mul3A_375 : vector<16xf32> to vector<1x16xf32>
      tpu.vector_store %arg10[%swap3A_376, %swap3A_377], %swap3A_380 {strides = array<i32>} : memref<80x128xf32, #tpu.memory_space<vmem>>, vector<1x16xf32>,
      %mul3A_381 = arith.constant 2 : i32
      %mul3A_382 = arith.muli %mul3A_381, %scan3A_112 : i32
      %add3A_383 = arith.constant 1 : i32
      %add3A_384 = arith.addi %mul3A_382, %add3A_383 : i32
      %get3A_385 = arith.index_cast %add3A_384 : i32 to index
      %get3A_386 = arith.constant 112 : index
      %get3A_387 = tpu.vector_load %arg10[%get3A_385, %get3A_386] {strides = array<i32>} : memref<80x128xf32, #tpu.memory_space<vmem>>, vector<1x16xf32>,
      %get3A_388 = vector.shape_cast %get3A_387 : vector<1x16xf32> to vector<16xf32>
      %get3A_389 = arith.index_cast %add3A_384 : i32 to index
      %get3A_390 = arith.constant 112 : index
      %get3A_391 = tpu.vector_load %arg13[%get3A_389, %get3A_390] {strides = array<i32>} : memref<80x128xf32, #tpu.memory_space<vmem>>, vector<1x16xf32>,
      %get3A_392 = vector.shape_cast %get3A_391 : vector<1x16xf32> to vector<16xf32>
      %mul3A_393 = arith.mulf %get3A_388, %get3A_392 : vector<16xf32>
      %swap3A_394 = arith.index_cast %add3A_384 : i32 to index
      %swap3A_395 = arith.constant 112 : index
      %swap3A_396 = tpu.vector_load %arg10[%swap3A_394, %swap3A_395] {strides = array<i32>} : memref<80x128xf32, #tpu.memory_space<vmem>>, vector<1x16xf32>,
      %swap3A_397 = vector.shape_cast %swap3A_396 : vector<1x16xf32> to vector<16xf32>
      %swap3A_398 = vector.shape_cast %mul3A_393 : vector<16xf32> to vector<1x16xf32>
      tpu.vector_store %arg10[%swap3A_394, %swap3A_395], %swap3A_398 {strides = array<i32>} : memref<80x128xf32, #tpu.memory_space<vmem>>, vector<1x16xf32>,
    }
    %scan3A_52 = arith.constant 40 : i32
    %dma_start3A_53 = arith.constant 123 : i32
    %dma_start3A_54 = arith.constant 0 : i32
    %dma_start3A_55 = tpu.memref_slice %arg9[%dma_start3A_53, %dma_start3A_54] : memref<125x80xi32, #tpu.memory_space<vmem>> -> memref<1x80xi32, #tpu.memory_space<vmem>>
    %dma_start3A_56 = tpu.memref_squeeze %dma_start3A_55 : memref<1x80xi32, #tpu.memory_space<vmem>> -> memref<80xi32, #tpu.memory_space<vmem>>
    %dma_start3A_57 = arith.constant 0 : i32
    %dma_start3A_58 = arith.constant 0 : i32
    %dma_start3A_59 = tpu.memref_slice %arg16[%dma_start3A_57, %dma_start3A_58] : memref<5008x128xf32, #tpu.memory_space<vmem_shared>> -> memref<5008x128xf32, #tpu.memory_space<vmem_shared>>
    tpu.enqueue_indirect_dma source(%arg10 : memref<80x128xf32, #tpu.memory_space<vmem>>) target(%dma_start3A_59 : memref<5008x128xf32, #tpu.memory_space<vmem_shared>>) offsets(%dma_start3A_56 : memref<80xi32, #tpu.memory_space<vmem>>) semaphore(%arg23 : memref<!tpu.dma_semaphore, #tpu.memory_space<semaphore_mem>>) {add = true}
    %dma_wait3A_60 = arith.constant 122 : i32
    %dma_wait3A_61 = arith.constant 0 : i32
    %dma_wait3A_62 = tpu.memref_slice %arg9[%dma_wait3A_60, %dma_wait3A_61] : memref<125x80xi32, #tpu.memory_space<vmem>> -> memref<1x80xi32, #tpu.memory_space<vmem>>
    %dma_wait3A_63 = tpu.memref_squeeze %dma_wait3A_62 : memref<1x80xi32, #tpu.memory_space<vmem>> -> memref<80xi32, #tpu.memory_space<vmem>>
    %dma_wait3A_64 = arith.constant 0 : i32
    %dma_wait3A_65 = arith.constant 0 : i32
    %dma_wait3A_66 = tpu.memref_slice %arg16[%dma_wait3A_64, %dma_wait3A_65] : memref<5008x128xf32, #tpu.memory_space<vmem_shared>> -> memref<5008x128xf32, #tpu.memory_space<vmem_shared>>
    tpu.wait_indirect_dma semaphore(%arg25 : memref<!tpu.dma_semaphore, #tpu.memory_space<semaphore_mem>>) src(%arg12 : memref<80x128xf32, #tpu.memory_space<vmem>>) dst(%dma_wait3A_66 : memref<5008x128xf32, #tpu.memory_space<vmem_shared>>)
    %mul3A_67 = arith.constant 10000 : i32
    %mul3A_68 = arith.muli %arg1, %mul3A_67 : i32
    %add3A_69 = arith.constant 9920 : i32
    %add3A_70 = arith.addi %mul3A_68, %add3A_69 : i32
    %dma_wait3A_71 = arith.constant 0 : i32
    %dma_wait3A_72 = tpu.memref_slice %arg2[%add3A_70, %dma_wait3A_71] : memref<160000x128xf32, #tpu.memory_space<hbm>> -> memref<80x128xf32, #tpu.memory_space<hbm>>
    %dma_wait3A_73 = arith.constant 0 : i32
    %dma_wait3A_74 = tpu.memref_slice %arg2[%add3A_70, %dma_wait3A_73] : memref<160000x128xf32, #tpu.memory_space<hbm>> -> memref<80x128xf32, #tpu.memory_space<hbm>>
    tpu.wait_dma2 semaphore(%arg21 : memref<!tpu.dma_semaphore, #tpu.memory_space<semaphore_mem>>) src(%dma_wait3A_74 : memref<80x128xf32, #tpu.memory_space<hbm>>) dst(%arg14 : memref<80x128xf32, #tpu.memory_space<vmem>>)
    %dma_wait3A_75 = arith.constant 9920 : i32
    %dma_wait3A_76 = tpu.memref_slice %arg8[%dma_wait3A_75] : memref<10000xi32, #tpu.memory_space<vmem>> -> memref<80xi32, #tpu.memory_space<vmem>>
    %dma_wait3A_77 = arith.constant 0 : i32
    %dma_wait3A_78 = arith.constant 0 : i32
    %dma_wait3A_79 = tpu.memref_slice %arg3[%dma_wait3A_77, %dma_wait3A_78] : memref<10000x128xf32, #tpu.memory_space<hbm>> -> memref<10000x128xf32, #tpu.memory_space<hbm>>
    tpu.wait_indirect_dma semaphore(%arg18 : memref<!tpu.dma_semaphore, #tpu.memory_space<semaphore_mem>>) src(%dma_wait3A_79 : memref<10000x128xf32, #tpu.memory_space<hbm>>) dst(%arg11 : memref<80x128xf32, #tpu.memory_space<vmem>>)
    %scan3A_80 = arith.constant 0 : i32
    %scan3A_81 = arith.constant 0 : i32
    %scan3A_82 = arith.constant 40 : i32
    %scan3A_83 = arith.addi %scan3A_81, %scan3A_82 : i32
    %scan3A_84 = arith.constant 1 : i32
    scf.for %scan3A_112 = %scan3A_81 to %scan3A_83 step %scan3A_84  : i32 {
      %mul3A_113 = arith.constant 2 : i32
      %mul3A_114 = arith.muli %mul3A_113, %scan3A_112 : i32
      %add3A_115 = arith.constant 0 : i32
      %add3A_116 = arith.addi %mul3A_114, %add3A_115 : i32
      %get3A = arith.index_cast %add3A_116 : i32 to index
      %get3A_117 = arith.constant 0 : index
      %get3A_118 = tpu.vector_load %arg11[%get3A, %get3A_117] {strides = array<i32>} : memref<80x128xf32, #tpu.memory_space<vmem>>, vector<1x16xf32>,
      %get3A_119 = vector.shape_cast %get3A_118 : vector<1x16xf32> to vector<16xf32>
      %get3A_120 = arith.index_cast %add3A_116 : i32 to index
      %get3A_121 = arith.constant 0 : index
      %get3A_122 = tpu.vector_load %arg14[%get3A_120, %get3A_121] {strides = array<i32>} : memref<80x128xf32, #tpu.memory_space<vmem>>, vector<1x16xf32>,
      %get3A_123 = vector.shape_cast %get3A_122 : vector<1x16xf32> to vector<16xf32>
      %mul3A_124 = arith.mulf %get3A_119, %get3A_123 : vector<16xf32>
      %swap3A = arith.index_cast %add3A_116 : i32 to index
      %swap3A_125 = arith.constant 0 : index
      %swap3A_126 = tpu.vector_load %arg11[%swap3A, %swap3A_125] {strides = array<i32>} : memref<80x128xf32, #tpu.memory_space<vmem>>, vector<1x16xf32>,
      %swap3A_127 = vector.shape_cast %swap3A_126 : vector<1x16xf32> to vector<16xf32>
      %swap3A_128 = vector.shape_cast %mul3A_124 : vector<16xf32> to vector<1x16xf32>
      tpu.vector_store %arg11[%swap3A, %swap3A_125], %swap3A_128 {strides = array<i32>} : memref<80x128xf32, #tpu.memory_space<vmem>>, vector<1x16xf32>,
      %mul3A_129 = arith.constant 2 : i32
      %mul3A_130 = arith.muli %mul3A_129, %scan3A_112 : i32
      %add3A_131 = arith.constant 0 : i32
      %add3A_132 = arith.addi %mul3A_130, %add3A_131 : i32
      %get3A_133 = arith.index_cast %add3A_132 : i32 to index
      %get3A_134 = arith.constant 16 : index
      %get3A_135 = tpu.vector_load %arg11[%get3A_133, %get3A_134] {strides = array<i32>} : memref<80x128xf32, #tpu.memory_space<vmem>>, vector<1x16xf32>,
      %get3A_136 = vector.shape_cast %get3A_135 : vector<1x16xf32> to vector<16xf32>
      %get3A_137 = arith.index_cast %add3A_132 : i32 to index
      %get3A_138 = arith.constant 16 : index
      %get3A_139 = tpu.vector_load %arg14[%get3A_137, %get3A_138] {strides = array<i32>} : memref<80x128xf32, #tpu.memory_space<vmem>>, vector<1x16xf32>,
      %get3A_140 = vector.shape_cast %get3A_139 : vector<1x16xf32> to vector<16xf32>
      %mul3A_141 = arith.mulf %get3A_136, %get3A_140 : vector<16xf32>
      %swap3A_142 = arith.index_cast %add3A_132 : i32 to index
      %swap3A_143 = arith.constant 16 : index
      %swap3A_144 = tpu.vector_load %arg11[%swap3A_142, %swap3A_143] {strides = array<i32>} : memref<80x128xf32, #tpu.memory_space<vmem>>, vector<1x16xf32>,
      %swap3A_145 = vector.shape_cast %swap3A_144 : vector<1x16xf32> to vector<16xf32>
      %swap3A_146 = vector.shape_cast %mul3A_141 : vector<16xf32> to vector<1x16xf32>
      tpu.vector_store %arg11[%swap3A_142, %swap3A_143], %swap3A_146 {strides = array<i32>} : memref<80x128xf32, #tpu.memory_space<vmem>>, vector<1x16xf32>,
      %mul3A_147 = arith.constant 2 : i32
      %mul3A_148 = arith.muli %mul3A_147, %scan3A_112 : i32
      %add3A_149 = arith.constant 0 : i32
      %add3A_150 = arith.addi %mul3A_148, %add3A_149 : i32
      %get3A_151 = arith.index_cast %add3A_150 : i32 to index
      %get3A_152 = arith.constant 32 : index
      %get3A_153 = tpu.vector_load %arg11[%get3A_151, %get3A_152] {strides = array<i32>} : memref<80x128xf32, #tpu.memory_space<vmem>>, vector<1x16xf32>,
      %get3A_154 = vector.shape_cast %get3A_153 : vector<1x16xf32> to vector<16xf32>
      %get3A_155 = arith.index_cast %add3A_150 : i32 to index
      %get3A_156 = arith.constant 32 : index
      %get3A_157 = tpu.vector_load %arg14[%get3A_155, %get3A_156] {strides = array<i32>} : memref<80x128xf32, #tpu.memory_space<vmem>>, vector<1x16xf32>,
      %get3A_158 = vector.shape_cast %get3A_157 : vector<1x16xf32> to vector<16xf32>
      %mul3A_159 = arith.mulf %get3A_154, %get3A_158 : vector<16xf32>
      %swap3A_160 = arith.index_cast %add3A_150 : i32 to index
      %swap3A_161 = arith.constant 32 : index
      %swap3A_162 = tpu.vector_load %arg11[%swap3A_160, %swap3A_161] {strides = array<i32>} : memref<80x128xf32, #tpu.memory_space<vmem>>, vector<1x16xf32>,
      %swap3A_163 = vector.shape_cast %swap3A_162 : vector<1x16xf32> to vector<16xf32>
      %swap3A_164 = vector.shape_cast %mul3A_159 : vector<16xf32> to vector<1x16xf32>
      tpu.vector_store %arg11[%swap3A_160, %swap3A_161], %swap3A_164 {strides = array<i32>} : memref<80x128xf32, #tpu.memory_space<vmem>>, vector<1x16xf32>,
      %mul3A_165 = arith.constant 2 : i32
      %mul3A_166 = arith.muli %mul3A_165, %scan3A_112 : i32
      %add3A_167 = arith.constant 0 : i32
      %add3A_168 = arith.addi %mul3A_166, %add3A_167 : i32
      %get3A_169 = arith.index_cast %add3A_168 : i32 to index
      %get3A_170 = arith.constant 48 : index
      %get3A_171 = tpu.vector_load %arg11[%get3A_169, %get3A_170] {strides = array<i32>} : memref<80x128xf32, #tpu.memory_space<vmem>>, vector<1x16xf32>,
      %get3A_172 = vector.shape_cast %get3A_171 : vector<1x16xf32> to vector<16xf32>
      %get3A_173 = arith.index_cast %add3A_168 : i32 to index
      %get3A_174 = arith.constant 48 : index
      %get3A_175 = tpu.vector_load %arg14[%get3A_173, %get3A_174] {strides = array<i32>} : memref<80x128xf32, #tpu.memory_space<vmem>>, vector<1x16xf32>,
      %get3A_176 = vector.shape_cast %get3A_175 : vector<1x16xf32> to vector<16xf32>
      %mul3A_177 = arith.mulf %get3A_172, %get3A_176 : vector<16xf32>
      %swap3A_178 = arith.index_cast %add3A_168 : i32 to index
      %swap3A_179 = arith.constant 48 : index
      %swap3A_180 = tpu.vector_load %arg11[%swap3A_178, %swap3A_179] {strides = array<i32>} : memref<80x128xf32, #tpu.memory_space<vmem>>, vector<1x16xf32>,
      %swap3A_181 = vector.shape_cast %swap3A_180 : vector<1x16xf32> to vector<16xf32>
      %swap3A_182 = vector.shape_cast %mul3A_177 : vector<16xf32> to vector<1x16xf32>
      tpu.vector_store %arg11[%swap3A_178, %swap3A_179], %swap3A_182 {strides = array<i32>} : memref<80x128xf32, #tpu.memory_space<vmem>>, vector<1x16xf32>,
      %mul3A_183 = arith.constant 2 : i32
      %mul3A_184 = arith.muli %mul3A_183, %scan3A_112 : i32
      %add3A_185 = arith.constant 0 : i32
      %add3A_186 = arith.addi %mul3A_184, %add3A_185 : i32
      %get3A_187 = arith.index_cast %add3A_186 : i32 to index
      %get3A_188 = arith.constant 64 : index
      %get3A_189 = tpu.vector_load %arg11[%get3A_187, %get3A_188] {strides = array<i32>} : memref<80x128xf32, #tpu.memory_space<vmem>>, vector<1x16xf32>,
      %get3A_190 = vector.shape_cast %get3A_189 : vector<1x16xf32> to vector<16xf32>
      %get3A_191 = arith.index_cast %add3A_186 : i32 to index
      %get3A_192 = arith.constant 64 : index
      %get3A_193 = tpu.vector_load %arg14[%get3A_191, %get3A_192] {strides = array<i32>} : memref<80x128xf32, #tpu.memory_space<vmem>>, vector<1x16xf32>,
      %get3A_194 = vector.shape_cast %get3A_193 : vector<1x16xf32> to vector<16xf32>
      %mul3A_195 = arith.mulf %get3A_190, %get3A_194 : vector<16xf32>
      %swap3A_196 = arith.index_cast %add3A_186 : i32 to index
      %swap3A_197 = arith.constant 64 : index
      %swap3A_198 = tpu.vector_load %arg11[%swap3A_196, %swap3A_197] {strides = array<i32>} : memref<80x128xf32, #tpu.memory_space<vmem>>, vector<1x16xf32>,
      %swap3A_199 = vector.shape_cast %swap3A_198 : vector<1x16xf32> to vector<16xf32>
      %swap3A_200 = vector.shape_cast %mul3A_195 : vector<16xf32> to vector<1x16xf32>
      tpu.vector_store %arg11[%swap3A_196, %swap3A_197], %swap3A_200 {strides = array<i32>} : memref<80x128xf32, #tpu.memory_space<vmem>>, vector<1x16xf32>,
      %mul3A_201 = arith.constant 2 : i32
      %mul3A_202 = arith.muli %mul3A_201, %scan3A_112 : i32
      %add3A_203 = arith.constant 0 : i32
      %add3A_204 = arith.addi %mul3A_202, %add3A_203 : i32
      %get3A_205 = arith.index_cast %add3A_204 : i32 to index
      %get3A_206 = arith.constant 80 : index
      %get3A_207 = tpu.vector_load %arg11[%get3A_205, %get3A_206] {strides = array<i32>} : memref<80x128xf32, #tpu.memory_space<vmem>>, vector<1x16xf32>,
      %get3A_208 = vector.shape_cast %get3A_207 : vector<1x16xf32> to vector<16xf32>
      %get3A_209 = arith.index_cast %add3A_204 : i32 to index
      %get3A_210 = arith.constant 80 : index
      %get3A_211 = tpu.vector_load %arg14[%get3A_209, %get3A_210] {strides = array<i32>} : memref<80x128xf32, #tpu.memory_space<vmem>>, vector<1x16xf32>,
      %get3A_212 = vector.shape_cast %get3A_211 : vector<1x16xf32> to vector<16xf32>
      %mul3A_213 = arith.mulf %get3A_208, %get3A_212 : vector<16xf32>
      %swap3A_214 = arith.index_cast %add3A_204 : i32 to index
      %swap3A_215 = arith.constant 80 : index
      %swap3A_216 = tpu.vector_load %arg11[%swap3A_214, %swap3A_215] {strides = array<i32>} : memref<80x128xf32, #tpu.memory_space<vmem>>, vector<1x16xf32>,
      %swap3A_217 = vector.shape_cast %swap3A_216 : vector<1x16xf32> to vector<16xf32>
      %swap3A_218 = vector.shape_cast %mul3A_213 : vector<16xf32> to vector<1x16xf32>
      tpu.vector_store %arg11[%swap3A_214, %swap3A_215], %swap3A_218 {strides = array<i32>} : memref<80x128xf32, #tpu.memory_space<vmem>>, vector<1x16xf32>,
      %mul3A_219 = arith.constant 2 : i32
      %mul3A_220 = arith.muli %mul3A_219, %scan3A_112 : i32
      %add3A_221 = arith.constant 0 : i32
      %add3A_222 = arith.addi %mul3A_220, %add3A_221 : i32
      %get3A_223 = arith.index_cast %add3A_222 : i32 to index
      %get3A_224 = arith.constant 96 : index
      %get3A_225 = tpu.vector_load %arg11[%get3A_223, %get3A_224] {strides = array<i32>} : memref<80x128xf32, #tpu.memory_space<vmem>>, vector<1x16xf32>,
      %get3A_226 = vector.shape_cast %get3A_225 : vector<1x16xf32> to vector<16xf32>
      %get3A_227 = arith.index_cast %add3A_222 : i32 to index
      %get3A_228 = arith.constant 96 : index
      %get3A_229 = tpu.vector_load %arg14[%get3A_227, %get3A_228] {strides = array<i32>} : memref<80x128xf32, #tpu.memory_space<vmem>>, vector<1x16xf32>,
      %get3A_230 = vector.shape_cast %get3A_229 : vector<1x16xf32> to vector<16xf32>
      %mul3A_231 = arith.mulf %get3A_226, %get3A_230 : vector<16xf32>
      %swap3A_232 = arith.index_cast %add3A_222 : i32 to index
      %swap3A_233 = arith.constant 96 : index
      %swap3A_234 = tpu.vector_load %arg11[%swap3A_232, %swap3A_233] {strides = array<i32>} : memref<80x128xf32, #tpu.memory_space<vmem>>, vector<1x16xf32>,
      %swap3A_235 = vector.shape_cast %swap3A_234 : vector<1x16xf32> to vector<16xf32>
      %swap3A_236 = vector.shape_cast %mul3A_231 : vector<16xf32> to vector<1x16xf32>
      tpu.vector_store %arg11[%swap3A_232, %swap3A_233], %swap3A_236 {strides = array<i32>} : memref<80x128xf32, #tpu.memory_space<vmem>>, vector<1x16xf32>,
      %mul3A_237 = arith.constant 2 : i32
      %mul3A_238 = arith.muli %mul3A_237, %scan3A_112 : i32
      %add3A_239 = arith.constant 0 : i32
      %add3A_240 = arith.addi %mul3A_238, %add3A_239 : i32
      %get3A_241 = arith.index_cast %add3A_240 : i32 to index
      %get3A_242 = arith.constant 112 : index
      %get3A_243 = tpu.vector_load %arg11[%get3A_241, %get3A_242] {strides = array<i32>} : memref<80x128xf32, #tpu.memory_space<vmem>>, vector<1x16xf32>,
      %get3A_244 = vector.shape_cast %get3A_243 : vector<1x16xf32> to vector<16xf32>
      %get3A_245 = arith.index_cast %add3A_240 : i32 to index
      %get3A_246 = arith.constant 112 : index
      %get3A_247 = tpu.vector_load %arg14[%get3A_245, %get3A_246] {strides = array<i32>} : memref<80x128xf32, #tpu.memory_space<vmem>>, vector<1x16xf32>,
      %get3A_248 = vector.shape_cast %get3A_247 : vector<1x16xf32> to vector<16xf32>
      %mul3A_249 = arith.mulf %get3A_244, %get3A_248 : vector<16xf32>
      %swap3A_250 = arith.index_cast %add3A_240 : i32 to index
      %swap3A_251 = arith.constant 112 : index
      %swap3A_252 = tpu.vector_load %arg11[%swap3A_250, %swap3A_251] {strides = array<i32>} : memref<80x128xf32, #tpu.memory_space<vmem>>, vector<1x16xf32>,
      %swap3A_253 = vector.shape_cast %swap3A_252 : vector<1x16xf32> to vector<16xf32>
      %swap3A_254 = vector.shape_cast %mul3A_249 : vector<16xf32> to vector<1x16xf32>
      tpu.vector_store %arg11[%swap3A_250, %swap3A_251], %swap3A_254 {strides = array<i32>} : memref<80x128xf32, #tpu.memory_space<vmem>>, vector<1x16xf32>,
      %mul3A_255 = arith.constant 2 : i32
      %mul3A_256 = arith.muli %mul3A_255, %scan3A_112 : i32
      %add3A_257 = arith.constant 1 : i32
      %add3A_258 = arith.addi %mul3A_256, %add3A_257 : i32
      %get3A_259 = arith.index_cast %add3A_258 : i32 to index
      %get3A_260 = arith.constant 0 : index
      %get3A_261 = tpu.vector_load %arg11[%get3A_259, %get3A_260] {strides = array<i32>} : memref<80x128xf32, #tpu.memory_space<vmem>>, vector<1x16xf32>,
      %get3A_262 = vector.shape_cast %get3A_261 : vector<1x16xf32> to vector<16xf32>
      %get3A_263 = arith.index_cast %add3A_258 : i32 to index
      %get3A_264 = arith.constant 0 : index
      %get3A_265 = tpu.vector_load %arg14[%get3A_263, %get3A_264] {strides = array<i32>} : memref<80x128xf32, #tpu.memory_space<vmem>>, vector<1x16xf32>,
      %get3A_266 = vector.shape_cast %get3A_265 : vector<1x16xf32> to vector<16xf32>
      %mul3A_267 = arith.mulf %get3A_262, %get3A_266 : vector<16xf32>
      %swap3A_268 = arith.index_cast %add3A_258 : i32 to index
      %swap3A_269 = arith.constant 0 : index
      %swap3A_270 = tpu.vector_load %arg11[%swap3A_268, %swap3A_269] {strides = array<i32>} : memref<80x128xf32, #tpu.memory_space<vmem>>, vector<1x16xf32>,
      %swap3A_271 = vector.shape_cast %swap3A_270 : vector<1x16xf32> to vector<16xf32>
      %swap3A_272 = vector.shape_cast %mul3A_267 : vector<16xf32> to vector<1x16xf32>
      tpu.vector_store %arg11[%swap3A_268, %swap3A_269], %swap3A_272 {strides = array<i32>} : memref<80x128xf32, #tpu.memory_space<vmem>>, vector<1x16xf32>,
      %mul3A_273 = arith.constant 2 : i32
      %mul3A_274 = arith.muli %mul3A_273, %scan3A_112 : i32
      %add3A_275 = arith.constant 1 : i32
      %add3A_276 = arith.addi %mul3A_274, %add3A_275 : i32
      %get3A_277 = arith.index_cast %add3A_276 : i32 to index
      %get3A_278 = arith.constant 16 : index
      %get3A_279 = tpu.vector_load %arg11[%get3A_277, %get3A_278] {strides = array<i32>} : memref<80x128xf32, #tpu.memory_space<vmem>>, vector<1x16xf32>,
      %get3A_280 = vector.shape_cast %get3A_279 : vector<1x16xf32> to vector<16xf32>
      %get3A_281 = arith.index_cast %add3A_276 : i32 to index
      %get3A_282 = arith.constant 16 : index
      %get3A_283 = tpu.vector_load %arg14[%get3A_281, %get3A_282] {strides = array<i32>} : memref<80x128xf32, #tpu.memory_space<vmem>>, vector<1x16xf32>,
      %get3A_284 = vector.shape_cast %get3A_283 : vector<1x16xf32> to vector<16xf32>
      %mul3A_285 = arith.mulf %get3A_280, %get3A_284 : vector<16xf32>
      %swap3A_286 = arith.index_cast %add3A_276 : i32 to index
      %swap3A_287 = arith.constant 16 : index
      %swap3A_288 = tpu.vector_load %arg11[%swap3A_286, %swap3A_287] {strides = array<i32>} : memref<80x128xf32, #tpu.memory_space<vmem>>, vector<1x16xf32>,
      %swap3A_289 = vector.shape_cast %swap3A_288 : vector<1x16xf32> to vector<16xf32>
      %swap3A_290 = vector.shape_cast %mul3A_285 : vector<16xf32> to vector<1x16xf32>
      tpu.vector_store %arg11[%swap3A_286, %swap3A_287], %swap3A_290 {strides = array<i32>} : memref<80x128xf32, #tpu.memory_space<vmem>>, vector<1x16xf32>,
      %mul3A_291 = arith.constant 2 : i32
      %mul3A_292 = arith.muli %mul3A_291, %scan3A_112 : i32
      %add3A_293 = arith.constant 1 : i32
      %add3A_294 = arith.addi %mul3A_292, %add3A_293 : i32
      %get3A_295 = arith.index_cast %add3A_294 : i32 to index
      %get3A_296 = arith.constant 32 : index
      %get3A_297 = tpu.vector_load %arg11[%get3A_295, %get3A_296] {strides = array<i32>} : memref<80x128xf32, #tpu.memory_space<vmem>>, vector<1x16xf32>,
      %get3A_298 = vector.shape_cast %get3A_297 : vector<1x16xf32> to vector<16xf32>
      %get3A_299 = arith.index_cast %add3A_294 : i32 to index
      %get3A_300 = arith.constant 32 : index
      %get3A_301 = tpu.vector_load %arg14[%get3A_299, %get3A_300] {strides = array<i32>} : memref<80x128xf32, #tpu.memory_space<vmem>>, vector<1x16xf32>,
      %get3A_302 = vector.shape_cast %get3A_301 : vector<1x16xf32> to vector<16xf32>
      %mul3A_303 = arith.mulf %get3A_298, %get3A_302 : vector<16xf32>
      %swap3A_304 = arith.index_cast %add3A_294 : i32 to index
      %swap3A_305 = arith.constant 32 : index
      %swap3A_306 = tpu.vector_load %arg11[%swap3A_304, %swap3A_305] {strides = array<i32>} : memref<80x128xf32, #tpu.memory_space<vmem>>, vector<1x16xf32>,
      %swap3A_307 = vector.shape_cast %swap3A_306 : vector<1x16xf32> to vector<16xf32>
      %swap3A_308 = vector.shape_cast %mul3A_303 : vector<16xf32> to vector<1x16xf32>
      tpu.vector_store %arg11[%swap3A_304, %swap3A_305], %swap3A_308 {strides = array<i32>} : memref<80x128xf32, #tpu.memory_space<vmem>>, vector<1x16xf32>,
      %mul3A_309 = arith.constant 2 : i32
      %mul3A_310 = arith.muli %mul3A_309, %scan3A_112 : i32
      %add3A_311 = arith.constant 1 : i32
      %add3A_312 = arith.addi %mul3A_310, %add3A_311 : i32
      %get3A_313 = arith.index_cast %add3A_312 : i32 to index
      %get3A_314 = arith.constant 48 : index
      %get3A_315 = tpu.vector_load %arg11[%get3A_313, %get3A_314] {strides = array<i32>} : memref<80x128xf32, #tpu.memory_space<vmem>>, vector<1x16xf32>,
      %get3A_316 = vector.shape_cast %get3A_315 : vector<1x16xf32> to vector<16xf32>
      %get3A_317 = arith.index_cast %add3A_312 : i32 to index
      %get3A_318 = arith.constant 48 : index
      %get3A_319 = tpu.vector_load %arg14[%get3A_317, %get3A_318] {strides = array<i32>} : memref<80x128xf32, #tpu.memory_space<vmem>>, vector<1x16xf32>,
      %get3A_320 = vector.shape_cast %get3A_319 : vector<1x16xf32> to vector<16xf32>
      %mul3A_321 = arith.mulf %get3A_316, %get3A_320 : vector<16xf32>
      %swap3A_322 = arith.index_cast %add3A_312 : i32 to index
      %swap3A_323 = arith.constant 48 : index
      %swap3A_324 = tpu.vector_load %arg11[%swap3A_322, %swap3A_323] {strides = array<i32>} : memref<80x128xf32, #tpu.memory_space<vmem>>, vector<1x16xf32>,
      %swap3A_325 = vector.shape_cast %swap3A_324 : vector<1x16xf32> to vector<16xf32>
      %swap3A_326 = vector.shape_cast %mul3A_321 : vector<16xf32> to vector<1x16xf32>
      tpu.vector_store %arg11[%swap3A_322, %swap3A_323], %swap3A_326 {strides = array<i32>} : memref<80x128xf32, #tpu.memory_space<vmem>>, vector<1x16xf32>,
      %mul3A_327 = arith.constant 2 : i32
      %mul3A_328 = arith.muli %mul3A_327, %scan3A_112 : i32
      %add3A_329 = arith.constant 1 : i32
      %add3A_330 = arith.addi %mul3A_328, %add3A_329 : i32
      %get3A_331 = arith.index_cast %add3A_330 : i32 to index
      %get3A_332 = arith.constant 64 : index
      %get3A_333 = tpu.vector_load %arg11[%get3A_331, %get3A_332] {strides = array<i32>} : memref<80x128xf32, #tpu.memory_space<vmem>>, vector<1x16xf32>,
      %get3A_334 = vector.shape_cast %get3A_333 : vector<1x16xf32> to vector<16xf32>
      %get3A_335 = arith.index_cast %add3A_330 : i32 to index
      %get3A_336 = arith.constant 64 : index
      %get3A_337 = tpu.vector_load %arg14[%get3A_335, %get3A_336] {strides = array<i32>} : memref<80x128xf32, #tpu.memory_space<vmem>>, vector<1x16xf32>,
      %get3A_338 = vector.shape_cast %get3A_337 : vector<1x16xf32> to vector<16xf32>
      %mul3A_339 = arith.mulf %get3A_334, %get3A_338 : vector<16xf32>
      %swap3A_340 = arith.index_cast %add3A_330 : i32 to index
      %swap3A_341 = arith.constant 64 : index
      %swap3A_342 = tpu.vector_load %arg11[%swap3A_340, %swap3A_341] {strides = array<i32>} : memref<80x128xf32, #tpu.memory_space<vmem>>, vector<1x16xf32>,
      %swap3A_343 = vector.shape_cast %swap3A_342 : vector<1x16xf32> to vector<16xf32>
      %swap3A_344 = vector.shape_cast %mul3A_339 : vector<16xf32> to vector<1x16xf32>
      tpu.vector_store %arg11[%swap3A_340, %swap3A_341], %swap3A_344 {strides = array<i32>} : memref<80x128xf32, #tpu.memory_space<vmem>>, vector<1x16xf32>,
      %mul3A_345 = arith.constant 2 : i32
      %mul3A_346 = arith.muli %mul3A_345, %scan3A_112 : i32
      %add3A_347 = arith.constant 1 : i32
      %add3A_348 = arith.addi %mul3A_346, %add3A_347 : i32
      %get3A_349 = arith.index_cast %add3A_348 : i32 to index
      %get3A_350 = arith.constant 80 : index
      %get3A_351 = tpu.vector_load %arg11[%get3A_349, %get3A_350] {strides = array<i32>} : memref<80x128xf32, #tpu.memory_space<vmem>>, vector<1x16xf32>,
      %get3A_352 = vector.shape_cast %get3A_351 : vector<1x16xf32> to vector<16xf32>
      %get3A_353 = arith.index_cast %add3A_348 : i32 to index
      %get3A_354 = arith.constant 80 : index
      %get3A_355 = tpu.vector_load %arg14[%get3A_353, %get3A_354] {strides = array<i32>} : memref<80x128xf32, #tpu.memory_space<vmem>>, vector<1x16xf32>,
      %get3A_356 = vector.shape_cast %get3A_355 : vector<1x16xf32> to vector<16xf32>
      %mul3A_357 = arith.mulf %get3A_352, %get3A_356 : vector<16xf32>
      %swap3A_358 = arith.index_cast %add3A_348 : i32 to index
      %swap3A_359 = arith.constant 80 : index
      %swap3A_360 = tpu.vector_load %arg11[%swap3A_358, %swap3A_359] {strides = array<i32>} : memref<80x128xf32, #tpu.memory_space<vmem>>, vector<1x16xf32>,
      %swap3A_361 = vector.shape_cast %swap3A_360 : vector<1x16xf32> to vector<16xf32>
      %swap3A_362 = vector.shape_cast %mul3A_357 : vector<16xf32> to vector<1x16xf32>
      tpu.vector_store %arg11[%swap3A_358, %swap3A_359], %swap3A_362 {strides = array<i32>} : memref<80x128xf32, #tpu.memory_space<vmem>>, vector<1x16xf32>,
      %mul3A_363 = arith.constant 2 : i32
      %mul3A_364 = arith.muli %mul3A_363, %scan3A_112 : i32
      %add3A_365 = arith.constant 1 : i32
      %add3A_366 = arith.addi %mul3A_364, %add3A_365 : i32
      %get3A_367 = arith.index_cast %add3A_366 : i32 to index
      %get3A_368 = arith.constant 96 : index
      %get3A_369 = tpu.vector_load %arg11[%get3A_367, %get3A_368] {strides = array<i32>} : memref<80x128xf32, #tpu.memory_space<vmem>>, vector<1x16xf32>,
      %get3A_370 = vector.shape_cast %get3A_369 : vector<1x16xf32> to vector<16xf32>
      %get3A_371 = arith.index_cast %add3A_366 : i32 to index
      %get3A_372 = arith.constant 96 : index
      %get3A_373 = tpu.vector_load %arg14[%get3A_371, %get3A_372] {strides = array<i32>} : memref<80x128xf32, #tpu.memory_space<vmem>>, vector<1x16xf32>,
      %get3A_374 = vector.shape_cast %get3A_373 : vector<1x16xf32> to vector<16xf32>
      %mul3A_375 = arith.mulf %get3A_370, %get3A_374 : vector<16xf32>
      %swap3A_376 = arith.index_cast %add3A_366 : i32 to index
      %swap3A_377 = arith.constant 96 : index
      %swap3A_378 = tpu.vector_load %arg11[%swap3A_376, %swap3A_377] {strides = array<i32>} : memref<80x128xf32, #tpu.memory_space<vmem>>, vector<1x16xf32>,
      %swap3A_379 = vector.shape_cast %swap3A_378 : vector<1x16xf32> to vector<16xf32>
      %swap3A_380 = vector.shape_cast %mul3A_375 : vector<16xf32> to vector<1x16xf32>
      tpu.vector_store %arg11[%swap3A_376, %swap3A_377], %swap3A_380 {strides = array<i32>} : memref<80x128xf32, #tpu.memory_space<vmem>>, vector<1x16xf32>,
      %mul3A_381 = arith.constant 2 : i32
      %mul3A_382 = arith.muli %mul3A_381, %scan3A_112 : i32
      %add3A_383 = arith.constant 1 : i32
      %add3A_384 = arith.addi %mul3A_382, %add3A_383 : i32
      %get3A_385 = arith.index_cast %add3A_384 : i32 to index
      %get3A_386 = arith.constant 112 : index
      %get3A_387 = tpu.vector_load %arg11[%get3A_385, %get3A_386] {strides = array<i32>} : memref<80x128xf32, #tpu.memory_space<vmem>>, vector<1x16xf32>,
      %get3A_388 = vector.shape_cast %get3A_387 : vector<1x16xf32> to vector<16xf32>
      %get3A_389 = arith.index_cast %add3A_384 : i32 to index
      %get3A_390 = arith.constant 112 : index
      %get3A_391 = tpu.vector_load %arg14[%get3A_389, %get3A_390] {strides = array<i32>} : memref<80x128xf32, #tpu.memory_space<vmem>>, vector<1x16xf32>,
      %get3A_392 = vector.shape_cast %get3A_391 : vector<1x16xf32> to vector<16xf32>
      %mul3A_393 = arith.mulf %get3A_388, %get3A_392 : vector<16xf32>
      %swap3A_394 = arith.index_cast %add3A_384 : i32 to index
      %swap3A_395 = arith.constant 112 : index
      %swap3A_396 = tpu.vector_load %arg11[%swap3A_394, %swap3A_395] {strides = array<i32>} : memref<80x128xf32, #tpu.memory_space<vmem>>, vector<1x16xf32>,
      %swap3A_397 = vector.shape_cast %swap3A_396 : vector<1x16xf32> to vector<16xf32>
      %swap3A_398 = vector.shape_cast %mul3A_393 : vector<16xf32> to vector<1x16xf32>
      tpu.vector_store %arg11[%swap3A_394, %swap3A_395], %swap3A_398 {strides = array<i32>} : memref<80x128xf32, #tpu.memory_space<vmem>>, vector<1x16xf32>,
    }
    %scan3A_85 = arith.constant 40 : i32
    %dma_start3A_86 = arith.constant 124 : i32
    %dma_start3A_87 = arith.constant 0 : i32
    %dma_start3A_88 = tpu.memref_slice %arg9[%dma_start3A_86, %dma_start3A_87] : memref<125x80xi32, #tpu.memory_space<vmem>> -> memref<1x80xi32, #tpu.memory_space<vmem>>
    %dma_start3A_89 = tpu.memref_squeeze %dma_start3A_88 : memref<1x80xi32, #tpu.memory_space<vmem>> -> memref<80xi32, #tpu.memory_space<vmem>>
    %dma_start3A_90 = arith.constant 0 : i32
    %dma_start3A_91 = arith.constant 0 : i32
    %dma_start3A_92 = tpu.memref_slice %arg16[%dma_start3A_90, %dma_start3A_91] : memref<5008x128xf32, #tpu.memory_space<vmem_shared>> -> memref<5008x128xf32, #tpu.memory_space<vmem_shared>>
    tpu.enqueue_indirect_dma source(%arg11 : memref<80x128xf32, #tpu.memory_space<vmem>>) target(%dma_start3A_92 : memref<5008x128xf32, #tpu.memory_space<vmem_shared>>) offsets(%dma_start3A_89 : memref<80xi32, #tpu.memory_space<vmem>>) semaphore(%arg24 : memref<!tpu.dma_semaphore, #tpu.memory_space<semaphore_mem>>) {add = true}
    %dma_wait3A_93 = arith.constant 123 : i32
    %dma_wait3A_94 = arith.constant 0 : i32
    %dma_wait3A_95 = tpu.memref_slice %arg9[%dma_wait3A_93, %dma_wait3A_94] : memref<125x80xi32, #tpu.memory_space<vmem>> -> memref<1x80xi32, #tpu.memory_space<vmem>>
    %dma_wait3A_96 = tpu.memref_squeeze %dma_wait3A_95 : memref<1x80xi32, #tpu.memory_space<vmem>> -> memref<80xi32, #tpu.memory_space<vmem>>
    %dma_wait3A_97 = arith.constant 0 : i32
    %dma_wait3A_98 = arith.constant 0 : i32
    %dma_wait3A_99 = tpu.memref_slice %arg16[%dma_wait3A_97, %dma_wait3A_98] : memref<5008x128xf32, #tpu.memory_space<vmem_shared>> -> memref<5008x128xf32, #tpu.memory_space<vmem_shared>>
    tpu.wait_indirect_dma semaphore(%arg23 : memref<!tpu.dma_semaphore, #tpu.memory_space<semaphore_mem>>) src(%arg10 : memref<80x128xf32, #tpu.memory_space<vmem>>) dst(%dma_wait3A_99 : memref<5008x128xf32, #tpu.memory_space<vmem_shared>>)
    %dma_wait3A_100 = arith.constant 124 : i32
    %dma_wait3A_101 = arith.constant 0 : i32
    %dma_wait3A_102 = tpu.memref_slice %arg9[%dma_wait3A_100, %dma_wait3A_101] : memref<125x80xi32, #tpu.memory_space<vmem>> -> memref<1x80xi32, #tpu.memory_space<vmem>>
    %dma_wait3A_103 = tpu.memref_squeeze %dma_wait3A_102 : memref<1x80xi32, #tpu.memory_space<vmem>> -> memref<80xi32, #tpu.memory_space<vmem>>
    %dma_wait3A_104 = arith.constant 0 : i32
    %dma_wait3A_105 = arith.constant 0 : i32
    %dma_wait3A_106 = tpu.memref_slice %arg16[%dma_wait3A_104, %dma_wait3A_105] : memref<5008x128xf32, #tpu.memory_space<vmem_shared>> -> memref<5008x128xf32, #tpu.memory_space<vmem_shared>>
    tpu.wait_indirect_dma semaphore(%arg24 : memref<!tpu.dma_semaphore, #tpu.memory_space<semaphore_mem>>) src(%arg11 : memref<80x128xf32, #tpu.memory_space<vmem>>) dst(%dma_wait3A_106 : memref<5008x128xf32, #tpu.memory_space<vmem_shared>>)
    %barrier3A_107 = arith.constant 0 : index
    tpu.barrier barrier_id(%barrier3A_107)
    %mul3A_108 = arith.constant 312 : i32
    %mul3A_109 = arith.muli %arg1, %mul3A_108 : i32
    %mul3A_110 = arith.constant 312 : i32
    %mul3A_111 = arith.muli %arg1, %mul3A_110 : i32
    "tpu.region"() ({
      %run_scoped3A = tpu.sem_alloc : memref<!tpu.dma_semaphore, #tpu.memory_space<semaphore_mem>>
      %dma_start3A_112 = arith.constant 0 : i32
      %dma_start3A_113 = tpu.memref_slice %arg7[%arg0, %mul3A_111, %dma_start3A_112] : memref<2x5000x128xf32, #tpu.memory_space<hbm>> -> memref<1x320x128xf32, #tpu.memory_space<hbm>>
      %dma_start3A_114 = tpu.memref_squeeze %dma_start3A_113 : memref<1x320x128xf32, #tpu.memory_space<hbm>> -> memref<320x128xf32, #tpu.memory_space<hbm>>
      %dma_start3A_115 = arith.constant 0 : i32
      %dma_start3A_116 = tpu.memref_slice %arg16[%mul3A_109, %dma_start3A_115] : memref<5008x128xf32, #tpu.memory_space<vmem_shared>> -> memref<320x128xf32, #tpu.memory_space<vmem_shared>>
      tpu.enqueue_dma source(%dma_start3A_116 : memref<320x128xf32, #tpu.memory_space<vmem_shared>>) target(%dma_start3A_114 : memref<320x128xf32, #tpu.memory_space<hbm>>) target_semaphore(%run_scoped3A : memref<!tpu.dma_semaphore, #tpu.memory_space<semaphore_mem>>)
      %dma_wait3A_117 = arith.constant 0 : i32
      %dma_wait3A_118 = tpu.memref_slice %arg7[%arg0, %mul3A_111, %dma_wait3A_117] : memref<2x5000x128xf32, #tpu.memory_space<hbm>> -> memref<1x320x128xf32, #tpu.memory_space<hbm>>
      %dma_wait3A_119 = tpu.memref_squeeze %dma_wait3A_118 : memref<1x320x128xf32, #tpu.memory_space<hbm>> -> memref<320x128xf32, #tpu.memory_space<hbm>>
      %dma_wait3A_120 = arith.constant 0 : i32
      %dma_wait3A_121 = tpu.memref_slice %arg16[%mul3A_109, %dma_wait3A_120] : memref<5008x128xf32, #tpu.memory_space<vmem_shared>> -> memref<320x128xf32, #tpu.memory_space<vmem_shared>>
      tpu.wait_dma2 semaphore(%run_scoped3A : memref<!tpu.dma_semaphore, #tpu.memory_space<semaphore_mem>>) src(%dma_wait3A_121 : memref<320x128xf32, #tpu.memory_space<vmem_shared>>) dst(%dma_wait3A_119 : memref<320x128xf32, #tpu.memory_space<hbm>>)
      tpu.yield
    }) : () -> ()
    return
  }
}

#map = affine_map<(d0, d1) -> (0, 0)>
#map1 = affine_map<(d0, d1) -> (0, 0, 0)>
module attributes {stable_mosaic.version = 14 : i64} {
  func.func @_sc_conv(%arg0: i32, %arg1: i32, %arg2: memref<160000x128xf32, #tpu.memory_space<hbm>>, %arg3: memref<10000x128xf32, #tpu.memory_space<hbm>>, %arg4: memref<16x10000xi32, #tpu.memory_space<hbm>>, %arg5: memref<32x125x80xi32, #tpu.memory_space<hbm>>, %arg6: memref<5008x128xf32, #tpu.memory_space<hbm>>, %arg7: memref<2x5000x128xf32, #tpu.memory_space<hbm>>, %arg8: memref<10000xi32, #tpu.memory_space<vmem>>, %arg9: memref<125x80xi32, #tpu.memory_space<vmem>>, %arg10: memref<80x128xf32, #tpu.memory_space<vmem>>, %arg11: memref<80x128xf32, #tpu.memory_space<vmem>>, %arg12: memref<80x128xf32, #tpu.memory_space<vmem>>, %arg13: memref<80x128xf32, #tpu.memory_space<vmem>>, %arg14: memref<80x128xf32, #tpu.memory_space<vmem>>, %arg15: memref<80x128xf32, #tpu.memory_space<vmem>>, %arg16: memref<5008x128xf32, #tpu.memory_space<vmem_shared>>, %arg17: memref<!tpu.dma_semaphore, #tpu.memory_space<semaphore_mem>>, %arg18: memref<!tpu.dma_semaphore, #tpu.memory_space<semaphore_mem>>, %arg19: memref<!tpu.dma_semaphore, #tpu.memory_space<semaphore_mem>>, %arg20: memref<!tpu.dma_semaphore, #tpu.memory_space<semaphore_mem>>, %arg21: memref<!tpu.dma_semaphore, #tpu.memory_space<semaphore_mem>>, %arg22: memref<!tpu.dma_semaphore, #tpu.memory_space<semaphore_mem>>, %arg23: memref<!tpu.dma_semaphore, #tpu.memory_space<semaphore_mem>>, %arg24: memref<!tpu.dma_semaphore, #tpu.memory_space<semaphore_mem>>, %arg25: memref<!tpu.dma_semaphore, #tpu.memory_space<semaphore_mem>>) attributes {dimension_semantics = [#tpu.dimension_semantics<core_parallel>, #tpu.dimension_semantics<subcore_parallel>], iteration_bounds = array<i64: 2, 16>, scalar_prefetch = 0 : i64, scratch_operands = 18 : i64, tpu.core_type = #tpu.core_type<sc_vector_subcore>, window_params = [{transform_indices = #map}, {transform_indices = #map}, {transform_indices = #map}, {transform_indices = #map1}, {transform_indices = #map}, {transform_indices = #map1}]} {
    %mul3A = arith.constant 312 : i32
    %mul3A_0 = arith.muli %arg1, %mul3A : i32
    %mul3A_1 = arith.constant 312 : i32
    %mul3A_2 = arith.muli %arg1, %mul3A_1 : i32
    "tpu.region"() ({
      %run_scoped3A = tpu.sem_alloc : memref<!tpu.dma_semaphore, #tpu.memory_space<semaphore_mem>>
      %dma_start3A_112 = arith.constant 0 : i32
      %dma_start3A_113 = tpu.memref_slice %arg16[%mul3A_2, %dma_start3A_112] : memref<5008x128xf32, #tpu.memory_space<vmem_shared>> -> memref<328x128xf32, #tpu.memory_space<vmem_shared>>
      %dma_start3A_114 = arith.constant 0 : i32
      %dma_start3A_115 = tpu.memref_slice %arg6[%mul3A_0, %dma_start3A_114] : memref<5008x128xf32, #tpu.memory_space<hbm>> -> memref<328x128xf32, #tpu.memory_space<hbm>>
      tpu.enqueue_dma source(%dma_start3A_115 : memref<328x128xf32, #tpu.memory_space<hbm>>) target(%dma_start3A_113 : memref<328x128xf32, #tpu.memory_space<vmem_shared>>) target_semaphore(%run_scoped3A : memref<!tpu.dma_semaphore, #tpu.memory_space<semaphore_mem>>)
      %dma_wait3A_116 = arith.constant 0 : i32
      %dma_wait3A_117 = tpu.memref_slice %arg16[%mul3A_2, %dma_wait3A_116] : memref<5008x128xf32, #tpu.memory_space<vmem_shared>> -> memref<328x128xf32, #tpu.memory_space<vmem_shared>>
      %dma_wait3A_118 = arith.constant 0 : i32
      %dma_wait3A_119 = tpu.memref_slice %arg6[%mul3A_0, %dma_wait3A_118] : memref<5008x128xf32, #tpu.memory_space<hbm>> -> memref<328x128xf32, #tpu.memory_space<hbm>>
      tpu.wait_dma2 semaphore(%run_scoped3A : memref<!tpu.dma_semaphore, #tpu.memory_space<semaphore_mem>>) src(%dma_wait3A_119 : memref<328x128xf32, #tpu.memory_space<hbm>>) dst(%dma_wait3A_117 : memref<328x128xf32, #tpu.memory_space<vmem_shared>>)
      tpu.yield
    }) : () -> ()
    "tpu.region"() ({
      %run_scoped3A = tpu.sem_alloc : memref<!tpu.dma_semaphore, #tpu.memory_space<semaphore_mem>>
      %dma_start3A_112 = arith.constant 0 : i32
      %dma_start3A_113 = tpu.memref_slice %arg4[%arg1, %dma_start3A_112] : memref<16x10000xi32, #tpu.memory_space<hbm>> -> memref<1x10000xi32, #tpu.memory_space<hbm>>
      %dma_start3A_114 = tpu.memref_squeeze %dma_start3A_113 : memref<1x10000xi32, #tpu.memory_space<hbm>> -> memref<10000xi32, #tpu.memory_space<hbm>>
      %dma_start3A_115 = arith.constant 0 : i32
      %dma_start3A_116 = tpu.memref_slice %arg4[%arg1, %dma_start3A_115] : memref<16x10000xi32, #tpu.memory_space<hbm>> -> memref<1x10000xi32, #tpu.memory_space<hbm>>
      %dma_start3A_117 = tpu.memref_squeeze %dma_start3A_116 : memref<1x10000xi32, #tpu.memory_space<hbm>> -> memref<10000xi32, #tpu.memory_space<hbm>>
      tpu.enqueue_dma source(%dma_start3A_117 : memref<10000xi32, #tpu.memory_space<hbm>>) target(%arg8 : memref<10000xi32, #tpu.memory_space<vmem>>) target_semaphore(%run_scoped3A : memref<!tpu.dma_semaphore, #tpu.memory_space<semaphore_mem>>)
      %dma_wait3A_118 = arith.constant 0 : i32
      %dma_wait3A_119 = tpu.memref_slice %arg4[%arg1, %dma_wait3A_118] : memref<16x10000xi32, #tpu.memory_space<hbm>> -> memref<1x10000xi32, #tpu.memory_space<hbm>>
      %dma_wait3A_120 = tpu.memref_squeeze %dma_wait3A_119 : memref<1x10000xi32, #tpu.memory_space<hbm>> -> memref<10000xi32, #tpu.memory_space<hbm>>
      %dma_wait3A_121 = arith.constant 0 : i32
      %dma_wait3A_122 = tpu.memref_slice %arg4[%arg1, %dma_wait3A_121] : memref<16x10000xi32, #tpu.memory_space<hbm>> -> memref<1x10000xi32, #tpu.memory_space<hbm>>
      %dma_wait3A_123 = tpu.memref_squeeze %dma_wait3A_122 : memref<1x10000xi32, #tpu.memory_space<hbm>> -> memref<10000xi32, #tpu.memory_space<hbm>>
      tpu.wait_dma2 semaphore(%run_scoped3A : memref<!tpu.dma_semaphore, #tpu.memory_space<semaphore_mem>>) src(%dma_wait3A_123 : memref<10000xi32, #tpu.memory_space<hbm>>) dst(%arg8 : memref<10000xi32, #tpu.memory_space<vmem>>)
      tpu.yield
    }) : () -> ()
    %mul3A_3 = arith.constant 16 : i32
    %mul3A_4 = arith.muli %arg0, %mul3A_3 : i32
    %add3A = arith.addi %mul3A_4, %arg1 : i32
    "tpu.region"() ({
      %run_scoped3A = tpu.sem_alloc : memref<!tpu.dma_semaphore, #tpu.memory_space<semaphore_mem>>
      %dma_start3A_112 = arith.constant 0 : i32
      %dma_start3A_113 = arith.constant 0 : i32
      %dma_start3A_114 = tpu.memref_slice %arg5[%add3A, %dma_start3A_112, %dma_start3A_113] : memref<32x125x80xi32, #tpu.memory_space<hbm>> -> memref<1x125x80xi32, #tpu.memory_space<hbm>>
      %dma_start3A_115 = tpu.memref_squeeze %dma_start3A_114 : memref<1x125x80xi32, #tpu.memory_space<hbm>> -> memref<125x80xi32, #tpu.memory_space<hbm>>
      %dma_start3A_116 = arith.constant 0 : i32
      %dma_start3A_117 = arith.constant 0 : i32
      %dma_start3A_118 = tpu.memref_slice %arg5[%add3A, %dma_start3A_116, %dma_start3A_117] : memref<32x125x80xi32, #tpu.memory_space<hbm>> -> memref<1x125x80xi32, #tpu.memory_space<hbm>>
      %dma_start3A_119 = tpu.memref_squeeze %dma_start3A_118 : memref<1x125x80xi32, #tpu.memory_space<hbm>> -> memref<125x80xi32, #tpu.memory_space<hbm>>
      tpu.enqueue_dma source(%dma_start3A_119 : memref<125x80xi32, #tpu.memory_space<hbm>>) target(%arg9 : memref<125x80xi32, #tpu.memory_space<vmem>>) target_semaphore(%run_scoped3A : memref<!tpu.dma_semaphore, #tpu.memory_space<semaphore_mem>>)
      %dma_wait3A_120 = arith.constant 0 : i32
      %dma_wait3A_121 = arith.constant 0 : i32
      %dma_wait3A_122 = tpu.memref_slice %arg5[%add3A, %dma_wait3A_120, %dma_wait3A_121] : memref<32x125x80xi32, #tpu.memory_space<hbm>> -> memref<1x125x80xi32, #tpu.memory_space<hbm>>
      %dma_wait3A_123 = tpu.memref_squeeze %dma_wait3A_122 : memref<1x125x80xi32, #tpu.memory_space<hbm>> -> memref<125x80xi32, #tpu.memory_space<hbm>>
      %dma_wait3A_124 = arith.constant 0 : i32
      %dma_wait3A_125 = arith.constant 0 : i32
      %dma_wait3A_126 = tpu.memref_slice %arg5[%add3A, %dma_wait3A_124, %dma_wait3A_125] : memref<32x125x80xi32, #tpu.memory_space<hbm>> -> memref<1x125x80xi32, #tpu.memory_space<hbm>>
      %dma_wait3A_127 = tpu.memref_squeeze %dma_wait3A_126 : memref<1x125x80xi32, #tpu.memory_space<hbm>> -> memref<125x80xi32, #tpu.memory_space<hbm>>
      tpu.wait_dma2 semaphore(%run_scoped3A : memref<!tpu.dma_semaphore, #tpu.memory_space<semaphore_mem>>) src(%dma_wait3A_127 : memref<125x80xi32, #tpu.memory_space<hbm>>) dst(%arg9 : memref<125x80xi32, #tpu.memory_space<vmem>>)
      tpu.yield
    }) : () -> ()
    %barrier3A = arith.constant 0 : index
    tpu.barrier barrier_id(%barrier3A)
    %mul3A_5 = arith.constant 10000 : i32
    %mul3A_6 = arith.muli %arg1, %mul3A_5 : i32
    %add3A_7 = arith.constant 0 : i32
    %add3A_8 = arith.addi %mul3A_6, %add3A_7 : i32
    %dma_start3A = arith.constant 0 : i32
    %dma_start3A_9 = tpu.memref_slice %arg2[%add3A_8, %dma_start3A] : memref<160000x128xf32, #tpu.memory_space<hbm>> -> memref<80x128xf32, #tpu.memory_space<hbm>>
    %dma_start3A_10 = arith.constant 0 : i32
    %dma_start3A_11 = tpu.memref_slice %arg2[%add3A_8, %dma_start3A_10] : memref<160000x128xf32, #tpu.memory_space<hbm>> -> memref<80x128xf32, #tpu.memory_space<hbm>>
    tpu.enqueue_dma source(%dma_start3A_11 : memref<80x128xf32, #tpu.memory_space<hbm>>) target(%arg13 : memref<80x128xf32, #tpu.memory_space<vmem>>) target_semaphore(%arg20 : memref<!tpu.dma_semaphore, #tpu.memory_space<semaphore_mem>>)
    %dma_start3A_12 = arith.constant 0 : i32
    %dma_start3A_13 = tpu.memref_slice %arg8[%dma_start3A_12] : memref<10000xi32, #tpu.memory_space<vmem>> -> memref<80xi32, #tpu.memory_space<vmem>>
    %dma_start3A_14 = arith.constant 0 : i32
    %dma_start3A_15 = arith.constant 0 : i32
    %dma_start3A_16 = tpu.memref_slice %arg3[%dma_start3A_14, %dma_start3A_15] : memref<10000x128xf32, #tpu.memory_space<hbm>> -> memref<10000x128xf32, #tpu.memory_space<hbm>>
    tpu.enqueue_indirect_dma source(%dma_start3A_16 : memref<10000x128xf32, #tpu.memory_space<hbm>>) target(%arg10 : memref<80x128xf32, #tpu.memory_space<vmem>>) offsets(%dma_start3A_13 : memref<80xi32, #tpu.memory_space<vmem>>) semaphore(%arg17 : memref<!tpu.dma_semaphore, #tpu.memory_space<semaphore_mem>>)
    %mul3A_17 = arith.constant 10000 : i32
    %mul3A_18 = arith.muli %arg1, %mul3A_17 : i32
    %add3A_19 = arith.constant 80 : i32
    %add3A_20 = arith.addi %mul3A_18, %add3A_19 : i32
    %dma_start3A_21 = arith.constant 0 : i32
    %dma_start3A_22 = tpu.memref_slice %arg2[%add3A_20, %dma_start3A_21] : memref<160000x128xf32, #tpu.memory_space<hbm>> -> memref<80x128xf32, #tpu.memory_space<hbm>>
    %dma_start3A_23 = arith.constant 0 : i32
    %dma_start3A_24 = tpu.memref_slice %arg2[%add3A_20, %dma_start3A_23] : memref<160000x128xf32, #tpu.memory_space<hbm>> -> memref<80x128xf32, #tpu.memory_space<hbm>>
    tpu.enqueue_dma source(%dma_start3A_24 : memref<80x128xf32, #tpu.memory_space<hbm>>) target(%arg14 : memref<80x128xf32, #tpu.memory_space<vmem>>) target_semaphore(%arg21 : memref<!tpu.dma_semaphore, #tpu.memory_space<semaphore_mem>>)
    %dma_start3A_25 = arith.constant 80 : i32
    %dma_start3A_26 = tpu.memref_slice %arg8[%dma_start3A_25] : memref<10000xi32, #tpu.memory_space<vmem>> -> memref<80xi32, #tpu.memory_space<vmem>>
    %dma_start3A_27 = arith.constant 0 : i32
    %dma_start3A_28 = arith.constant 0 : i32
    %dma_start3A_29 = tpu.memref_slice %arg3[%dma_start3A_27, %dma_start3A_28] : memref<10000x128xf32, #tpu.memory_space<hbm>> -> memref<10000x128xf32, #tpu.memory_space<hbm>>
    tpu.enqueue_indirect_dma source(%dma_start3A_29 : memref<10000x128xf32, #tpu.memory_space<hbm>>) target(%arg11 : memref<80x128xf32, #tpu.memory_space<vmem>>) offsets(%dma_start3A_26 : memref<80xi32, #tpu.memory_space<vmem>>) semaphore(%arg18 : memref<!tpu.dma_semaphore, #tpu.memory_space<semaphore_mem>>)
    %scan3A = arith.constant 0 : i32
    %scan3A_30 = arith.constant 0 : i32
    %scan3A_31 = arith.constant 41 : i32
    %scan3A_32 = arith.addi %scan3A_30, %scan3A_31 : i32
    %scan3A_33 = arith.constant 1 : i32
    scf.for %scan3A_112 = %scan3A_30 to %scan3A_32 step %scan3A_33  : i32 {
      %mul3A_113 = arith.constant 3 : i32
      %mul3A_114 = arith.muli %scan3A_112, %mul3A_113 : i32
      %add3A_115 = arith.constant 0 : i32
      %add3A_116 = arith.addi %mul3A_114, %add3A_115 : i32
      %mul3A_117 = arith.constant 10000 : i32
      %mul3A_118 = arith.muli %arg1, %mul3A_117 : i32
      %mul3A_119 = arith.constant 80 : i32
      %mul3A_120 = arith.muli %add3A_116, %mul3A_119 : i32
      %add3A_121 = arith.addi %mul3A_118, %mul3A_120 : i32
      %dma_wait3A_122 = arith.constant 0 : i32
      %dma_wait3A_123 = tpu.memref_slice %arg2[%add3A_121, %dma_wait3A_122] : memref<160000x128xf32, #tpu.memory_space<hbm>> -> memref<80x128xf32, #tpu.memory_space<hbm>>
      %dma_wait3A_124 = arith.constant 0 : i32
      %dma_wait3A_125 = tpu.memref_slice %arg2[%add3A_121, %dma_wait3A_124] : memref<160000x128xf32, #tpu.memory_space<hbm>> -> memref<80x128xf32, #tpu.memory_space<hbm>>
      tpu.wait_dma2 semaphore(%arg20 : memref<!tpu.dma_semaphore, #tpu.memory_space<semaphore_mem>>) src(%dma_wait3A_125 : memref<80x128xf32, #tpu.memory_space<hbm>>) dst(%arg13 : memref<80x128xf32, #tpu.memory_space<vmem>>)
      %mul3A_126 = arith.constant 80 : i32
      %mul3A_127 = arith.muli %add3A_116, %mul3A_126 : i32
      %dma_wait3A_128 = tpu.memref_slice %arg8[%mul3A_127] : memref<10000xi32, #tpu.memory_space<vmem>> -> memref<80xi32, #tpu.memory_space<vmem>>
      %dma_wait3A_129 = arith.constant 0 : i32
      %dma_wait3A_130 = arith.constant 0 : i32
      %dma_wait3A_131 = tpu.memref_slice %arg3[%dma_wait3A_129, %dma_wait3A_130] : memref<10000x128xf32, #tpu.memory_space<hbm>> -> memref<10000x128xf32, #tpu.memory_space<hbm>>
      tpu.wait_indirect_dma semaphore(%arg17 : memref<!tpu.dma_semaphore, #tpu.memory_space<semaphore_mem>>) src(%dma_wait3A_131 : memref<10000x128xf32, #tpu.memory_space<hbm>>) dst(%arg10 : memref<80x128xf32, #tpu.memory_space<vmem>>)
      %scan3A_132 = arith.constant 0 : i32
      %scan3A_133 = arith.constant 0 : i32
      %scan3A_134 = arith.constant 40 : i32
      %scan3A_135 = arith.addi %scan3A_133, %scan3A_134 : i32
      %scan3A_136 = arith.constant 1 : i32
      scf.for %scan3A_259 = %scan3A_133 to %scan3A_135 step %scan3A_136  : i32 {
        %mul3A_260 = arith.constant 2 : i32
        %mul3A_261 = arith.muli %mul3A_260, %scan3A_259 : i32
        %add3A_262 = arith.constant 0 : i32
        %add3A_263 = arith.addi %mul3A_261, %add3A_262 : i32
        %get3A = arith.index_cast %add3A_263 : i32 to index
        %get3A_264 = arith.constant 0 : index
        %get3A_265 = tpu.vector_load %arg10[%get3A, %get3A_264] {strides = array<i32>} : memref<80x128xf32, #tpu.memory_space<vmem>>, vector<1x16xf32>,
        %get3A_266 = vector.shape_cast %get3A_265 : vector<1x16xf32> to vector<16xf32>
        %get3A_267 = arith.index_cast %add3A_263 : i32 to index
        %get3A_268 = arith.constant 0 : index
        %get3A_269 = tpu.vector_load %arg13[%get3A_267, %get3A_268] {strides = array<i32>} : memref<80x128xf32, #tpu.memory_space<vmem>>, vector<1x16xf32>,
        %get3A_270 = vector.shape_cast %get3A_269 : vector<1x16xf32> to vector<16xf32>
        %mul3A_271 = arith.mulf %get3A_266, %get3A_270 : vector<16xf32>
        %swap3A = arith.index_cast %add3A_263 : i32 to index
        %swap3A_272 = arith.constant 0 : index
        %swap3A_273 = tpu.vector_load %arg10[%swap3A, %swap3A_272] {strides = array<i32>} : memref<80x128xf32, #tpu.memory_space<vmem>>, vector<1x16xf32>,
        %swap3A_274 = vector.shape_cast %swap3A_273 : vector<1x16xf32> to vector<16xf32>
        %swap3A_275 = vector.shape_cast %mul3A_271 : vector<16xf32> to vector<1x16xf32>
        tpu.vector_store %arg10[%swap3A, %swap3A_272], %swap3A_275 {strides = array<i32>} : memref<80x128xf32, #tpu.memory_space<vmem>>, vector<1x16xf32>,
        %mul3A_276 = arith.constant 2 : i32
        %mul3A_277 = arith.muli %mul3A_276, %scan3A_259 : i32
        %add3A_278 = arith.constant 0 : i32
        %add3A_279 = arith.addi %mul3A_277, %add3A_278 : i32
        %get3A_280 = arith.index_cast %add3A_279 : i32 to index
        %get3A_281 = arith.constant 16 : index
        %get3A_282 = tpu.vector_load %arg10[%get3A_280, %get3A_281] {strides = array<i32>} : memref<80x128xf32, #tpu.memory_space<vmem>>, vector<1x16xf32>,
        %get3A_283 = vector.shape_cast %get3A_282 : vector<1x16xf32> to vector<16xf32>
        %get3A_284 = arith.index_cast %add3A_279 : i32 to index
        %get3A_285 = arith.constant 16 : index
        %get3A_286 = tpu.vector_load %arg13[%get3A_284, %get3A_285] {strides = array<i32>} : memref<80x128xf32, #tpu.memory_space<vmem>>, vector<1x16xf32>,
        %get3A_287 = vector.shape_cast %get3A_286 : vector<1x16xf32> to vector<16xf32>
        %mul3A_288 = arith.mulf %get3A_283, %get3A_287 : vector<16xf32>
        %swap3A_289 = arith.index_cast %add3A_279 : i32 to index
        %swap3A_290 = arith.constant 16 : index
        %swap3A_291 = tpu.vector_load %arg10[%swap3A_289, %swap3A_290] {strides = array<i32>} : memref<80x128xf32, #tpu.memory_space<vmem>>, vector<1x16xf32>,
        %swap3A_292 = vector.shape_cast %swap3A_291 : vector<1x16xf32> to vector<16xf32>
        %swap3A_293 = vector.shape_cast %mul3A_288 : vector<16xf32> to vector<1x16xf32>
        tpu.vector_store %arg10[%swap3A_289, %swap3A_290], %swap3A_293 {strides = array<i32>} : memref<80x128xf32, #tpu.memory_space<vmem>>, vector<1x16xf32>,
        %mul3A_294 = arith.constant 2 : i32
        %mul3A_295 = arith.muli %mul3A_294, %scan3A_259 : i32
        %add3A_296 = arith.constant 0 : i32
        %add3A_297 = arith.addi %mul3A_295, %add3A_296 : i32
        %get3A_298 = arith.index_cast %add3A_297 : i32 to index
        %get3A_299 = arith.constant 32 : index
        %get3A_300 = tpu.vector_load %arg10[%get3A_298, %get3A_299] {strides = array<i32>} : memref<80x128xf32, #tpu.memory_space<vmem>>, vector<1x16xf32>,
        %get3A_301 = vector.shape_cast %get3A_300 : vector<1x16xf32> to vector<16xf32>
        %get3A_302 = arith.index_cast %add3A_297 : i32 to index
        %get3A_303 = arith.constant 32 : index
        %get3A_304 = tpu.vector_load %arg13[%get3A_302, %get3A_303] {strides = array<i32>} : memref<80x128xf32, #tpu.memory_space<vmem>>, vector<1x16xf32>,
        %get3A_305 = vector.shape_cast %get3A_304 : vector<1x16xf32> to vector<16xf32>
        %mul3A_306 = arith.mulf %get3A_301, %get3A_305 : vector<16xf32>
        %swap3A_307 = arith.index_cast %add3A_297 : i32 to index
        %swap3A_308 = arith.constant 32 : index
        %swap3A_309 = tpu.vector_load %arg10[%swap3A_307, %swap3A_308] {strides = array<i32>} : memref<80x128xf32, #tpu.memory_space<vmem>>, vector<1x16xf32>,
        %swap3A_310 = vector.shape_cast %swap3A_309 : vector<1x16xf32> to vector<16xf32>
        %swap3A_311 = vector.shape_cast %mul3A_306 : vector<16xf32> to vector<1x16xf32>
        tpu.vector_store %arg10[%swap3A_307, %swap3A_308], %swap3A_311 {strides = array<i32>} : memref<80x128xf32, #tpu.memory_space<vmem>>, vector<1x16xf32>,
        %mul3A_312 = arith.constant 2 : i32
        %mul3A_313 = arith.muli %mul3A_312, %scan3A_259 : i32
        %add3A_314 = arith.constant 0 : i32
        %add3A_315 = arith.addi %mul3A_313, %add3A_314 : i32
        %get3A_316 = arith.index_cast %add3A_315 : i32 to index
        %get3A_317 = arith.constant 48 : index
        %get3A_318 = tpu.vector_load %arg10[%get3A_316, %get3A_317] {strides = array<i32>} : memref<80x128xf32, #tpu.memory_space<vmem>>, vector<1x16xf32>,
        %get3A_319 = vector.shape_cast %get3A_318 : vector<1x16xf32> to vector<16xf32>
        %get3A_320 = arith.index_cast %add3A_315 : i32 to index
        %get3A_321 = arith.constant 48 : index
        %get3A_322 = tpu.vector_load %arg13[%get3A_320, %get3A_321] {strides = array<i32>} : memref<80x128xf32, #tpu.memory_space<vmem>>, vector<1x16xf32>,
        %get3A_323 = vector.shape_cast %get3A_322 : vector<1x16xf32> to vector<16xf32>
        %mul3A_324 = arith.mulf %get3A_319, %get3A_323 : vector<16xf32>
        %swap3A_325 = arith.index_cast %add3A_315 : i32 to index
        %swap3A_326 = arith.constant 48 : index
        %swap3A_327 = tpu.vector_load %arg10[%swap3A_325, %swap3A_326] {strides = array<i32>} : memref<80x128xf32, #tpu.memory_space<vmem>>, vector<1x16xf32>,
        %swap3A_328 = vector.shape_cast %swap3A_327 : vector<1x16xf32> to vector<16xf32>
        %swap3A_329 = vector.shape_cast %mul3A_324 : vector<16xf32> to vector<1x16xf32>
        tpu.vector_store %arg10[%swap3A_325, %swap3A_326], %swap3A_329 {strides = array<i32>} : memref<80x128xf32, #tpu.memory_space<vmem>>, vector<1x16xf32>,
        %mul3A_330 = arith.constant 2 : i32
        %mul3A_331 = arith.muli %mul3A_330, %scan3A_259 : i32
        %add3A_332 = arith.constant 0 : i32
        %add3A_333 = arith.addi %mul3A_331, %add3A_332 : i32
        %get3A_334 = arith.index_cast %add3A_333 : i32 to index
        %get3A_335 = arith.constant 64 : index
        %get3A_336 = tpu.vector_load %arg10[%get3A_334, %get3A_335] {strides = array<i32>} : memref<80x128xf32, #tpu.memory_space<vmem>>, vector<1x16xf32>,
        %get3A_337 = vector.shape_cast %get3A_336 : vector<1x16xf32> to vector<16xf32>
        %get3A_338 = arith.index_cast %add3A_333 : i32 to index
        %get3A_339 = arith.constant 64 : index
        %get3A_340 = tpu.vector_load %arg13[%get3A_338, %get3A_339] {strides = array<i32>} : memref<80x128xf32, #tpu.memory_space<vmem>>, vector<1x16xf32>,
        %get3A_341 = vector.shape_cast %get3A_340 : vector<1x16xf32> to vector<16xf32>
        %mul3A_342 = arith.mulf %get3A_337, %get3A_341 : vector<16xf32>
        %swap3A_343 = arith.index_cast %add3A_333 : i32 to index
        %swap3A_344 = arith.constant 64 : index
        %swap3A_345 = tpu.vector_load %arg10[%swap3A_343, %swap3A_344] {strides = array<i32>} : memref<80x128xf32, #tpu.memory_space<vmem>>, vector<1x16xf32>,
        %swap3A_346 = vector.shape_cast %swap3A_345 : vector<1x16xf32> to vector<16xf32>
        %swap3A_347 = vector.shape_cast %mul3A_342 : vector<16xf32> to vector<1x16xf32>
        tpu.vector_store %arg10[%swap3A_343, %swap3A_344], %swap3A_347 {strides = array<i32>} : memref<80x128xf32, #tpu.memory_space<vmem>>, vector<1x16xf32>,
        %mul3A_348 = arith.constant 2 : i32
        %mul3A_349 = arith.muli %mul3A_348, %scan3A_259 : i32
        %add3A_350 = arith.constant 0 : i32
        %add3A_351 = arith.addi %mul3A_349, %add3A_350 : i32
        %get3A_352 = arith.index_cast %add3A_351 : i32 to index
        %get3A_353 = arith.constant 80 : index
        %get3A_354 = tpu.vector_load %arg10[%get3A_352, %get3A_353] {strides = array<i32>} : memref<80x128xf32, #tpu.memory_space<vmem>>, vector<1x16xf32>,
        %get3A_355 = vector.shape_cast %get3A_354 : vector<1x16xf32> to vector<16xf32>
        %get3A_356 = arith.index_cast %add3A_351 : i32 to index
        %get3A_357 = arith.constant 80 : index
        %get3A_358 = tpu.vector_load %arg13[%get3A_356, %get3A_357] {strides = array<i32>} : memref<80x128xf32, #tpu.memory_space<vmem>>, vector<1x16xf32>,
        %get3A_359 = vector.shape_cast %get3A_358 : vector<1x16xf32> to vector<16xf32>
        %mul3A_360 = arith.mulf %get3A_355, %get3A_359 : vector<16xf32>
        %swap3A_361 = arith.index_cast %add3A_351 : i32 to index
        %swap3A_362 = arith.constant 80 : index
        %swap3A_363 = tpu.vector_load %arg10[%swap3A_361, %swap3A_362] {strides = array<i32>} : memref<80x128xf32, #tpu.memory_space<vmem>>, vector<1x16xf32>,
        %swap3A_364 = vector.shape_cast %swap3A_363 : vector<1x16xf32> to vector<16xf32>
        %swap3A_365 = vector.shape_cast %mul3A_360 : vector<16xf32> to vector<1x16xf32>
        tpu.vector_store %arg10[%swap3A_361, %swap3A_362], %swap3A_365 {strides = array<i32>} : memref<80x128xf32, #tpu.memory_space<vmem>>, vector<1x16xf32>,
        %mul3A_366 = arith.constant 2 : i32
        %mul3A_367 = arith.muli %mul3A_366, %scan3A_259 : i32
        %add3A_368 = arith.constant 0 : i32
        %add3A_369 = arith.addi %mul3A_367, %add3A_368 : i32
        %get3A_370 = arith.index_cast %add3A_369 : i32 to index
        %get3A_371 = arith.constant 96 : index
        %get3A_372 = tpu.vector_load %arg10[%get3A_370, %get3A_371] {strides = array<i32>} : memref<80x128xf32, #tpu.memory_space<vmem>>, vector<1x16xf32>,
        %get3A_373 = vector.shape_cast %get3A_372 : vector<1x16xf32> to vector<16xf32>
        %get3A_374 = arith.index_cast %add3A_369 : i32 to index
        %get3A_375 = arith.constant 96 : index
        %get3A_376 = tpu.vector_load %arg13[%get3A_374, %get3A_375] {strides = array<i32>} : memref<80x128xf32, #tpu.memory_space<vmem>>, vector<1x16xf32>,
        %get3A_377 = vector.shape_cast %get3A_376 : vector<1x16xf32> to vector<16xf32>
        %mul3A_378 = arith.mulf %get3A_373, %get3A_377 : vector<16xf32>
        %swap3A_379 = arith.index_cast %add3A_369 : i32 to index
        %swap3A_380 = arith.constant 96 : index
        %swap3A_381 = tpu.vector_load %arg10[%swap3A_379, %swap3A_380] {strides = array<i32>} : memref<80x128xf32, #tpu.memory_space<vmem>>, vector<1x16xf32>,
        %swap3A_382 = vector.shape_cast %swap3A_381 : vector<1x16xf32> to vector<16xf32>
        %swap3A_383 = vector.shape_cast %mul3A_378 : vector<16xf32> to vector<1x16xf32>
        tpu.vector_store %arg10[%swap3A_379, %swap3A_380], %swap3A_383 {strides = array<i32>} : memref<80x128xf32, #tpu.memory_space<vmem>>, vector<1x16xf32>,
        %mul3A_384 = arith.constant 2 : i32
        %mul3A_385 = arith.muli %mul3A_384, %scan3A_259 : i32
        %add3A_386 = arith.constant 0 : i32
        %add3A_387 = arith.addi %mul3A_385, %add3A_386 : i32
        %get3A_388 = arith.index_cast %add3A_387 : i32 to index
        %get3A_389 = arith.constant 112 : index
        %get3A_390 = tpu.vector_load %arg10[%get3A_388, %get3A_389] {strides = array<i32>} : memref<80x128xf32, #tpu.memory_space<vmem>>, vector<1x16xf32>,
        %get3A_391 = vector.shape_cast %get3A_390 : vector<1x16xf32> to vector<16xf32>
        %get3A_392 = arith.index_cast %add3A_387 : i32 to index
        %get3A_393 = arith.constant 112 : index
        %get3A_394 = tpu.vector_load %arg13[%get3A_392, %get3A_393] {strides = array<i32>} : memref<80x128xf32, #tpu.memory_space<vmem>>, vector<1x16xf32>,
        %get3A_395 = vector.shape_cast %get3A_394 : vector<1x16xf32> to vector<16xf32>
        %mul3A_396 = arith.mulf %get3A_391, %get3A_395 : vector<16xf32>
        %swap3A_397 = arith.index_cast %add3A_387 : i32 to index
        %swap3A_398 = arith.constant 112 : index
        %swap3A_399 = tpu.vector_load %arg10[%swap3A_397, %swap3A_398] {strides = array<i32>} : memref<80x128xf32, #tpu.memory_space<vmem>>, vector<1x16xf32>,
        %swap3A_400 = vector.shape_cast %swap3A_399 : vector<1x16xf32> to vector<16xf32>
        %swap3A_401 = vector.shape_cast %mul3A_396 : vector<16xf32> to vector<1x16xf32>
        tpu.vector_store %arg10[%swap3A_397, %swap3A_398], %swap3A_401 {strides = array<i32>} : memref<80x128xf32, #tpu.memory_space<vmem>>, vector<1x16xf32>,
        %mul3A_402 = arith.constant 2 : i32
        %mul3A_403 = arith.muli %mul3A_402, %scan3A_259 : i32
        %add3A_404 = arith.constant 1 : i32
        %add3A_405 = arith.addi %mul3A_403, %add3A_404 : i32
        %get3A_406 = arith.index_cast %add3A_405 : i32 to index
        %get3A_407 = arith.constant 0 : index
        %get3A_408 = tpu.vector_load %arg10[%get3A_406, %get3A_407] {strides = array<i32>} : memref<80x128xf32, #tpu.memory_space<vmem>>, vector<1x16xf32>,
        %get3A_409 = vector.shape_cast %get3A_408 : vector<1x16xf32> to vector<16xf32>
        %get3A_410 = arith.index_cast %add3A_405 : i32 to index
        %get3A_411 = arith.constant 0 : index
        %get3A_412 = tpu.vector_load %arg13[%get3A_410, %get3A_411] {strides = array<i32>} : memref<80x128xf32, #tpu.memory_space<vmem>>, vector<1x16xf32>,
        %get3A_413 = vector.shape_cast %get3A_412 : vector<1x16xf32> to vector<16xf32>
        %mul3A_414 = arith.mulf %get3A_409, %get3A_413 : vector<16xf32>
        %swap3A_415 = arith.index_cast %add3A_405 : i32 to index
        %swap3A_416 = arith.constant 0 : index
        %swap3A_417 = tpu.vector_load %arg10[%swap3A_415, %swap3A_416] {strides = array<i32>} : memref<80x128xf32, #tpu.memory_space<vmem>>, vector<1x16xf32>,
        %swap3A_418 = vector.shape_cast %swap3A_417 : vector<1x16xf32> to vector<16xf32>
        %swap3A_419 = vector.shape_cast %mul3A_414 : vector<16xf32> to vector<1x16xf32>
        tpu.vector_store %arg10[%swap3A_415, %swap3A_416], %swap3A_419 {strides = array<i32>} : memref<80x128xf32, #tpu.memory_space<vmem>>, vector<1x16xf32>,
        %mul3A_420 = arith.constant 2 : i32
        %mul3A_421 = arith.muli %mul3A_420, %scan3A_259 : i32
        %add3A_422 = arith.constant 1 : i32
        %add3A_423 = arith.addi %mul3A_421, %add3A_422 : i32
        %get3A_424 = arith.index_cast %add3A_423 : i32 to index
        %get3A_425 = arith.constant 16 : index
        %get3A_426 = tpu.vector_load %arg10[%get3A_424, %get3A_425] {strides = array<i32>} : memref<80x128xf32, #tpu.memory_space<vmem>>, vector<1x16xf32>,
        %get3A_427 = vector.shape_cast %get3A_426 : vector<1x16xf32> to vector<16xf32>
        %get3A_428 = arith.index_cast %add3A_423 : i32 to index
        %get3A_429 = arith.constant 16 : index
        %get3A_430 = tpu.vector_load %arg13[%get3A_428, %get3A_429] {strides = array<i32>} : memref<80x128xf32, #tpu.memory_space<vmem>>, vector<1x16xf32>,
        %get3A_431 = vector.shape_cast %get3A_430 : vector<1x16xf32> to vector<16xf32>
        %mul3A_432 = arith.mulf %get3A_427, %get3A_431 : vector<16xf32>
        %swap3A_433 = arith.index_cast %add3A_423 : i32 to index
        %swap3A_434 = arith.constant 16 : index
        %swap3A_435 = tpu.vector_load %arg10[%swap3A_433, %swap3A_434] {strides = array<i32>} : memref<80x128xf32, #tpu.memory_space<vmem>>, vector<1x16xf32>,
        %swap3A_436 = vector.shape_cast %swap3A_435 : vector<1x16xf32> to vector<16xf32>
        %swap3A_437 = vector.shape_cast %mul3A_432 : vector<16xf32> to vector<1x16xf32>
        tpu.vector_store %arg10[%swap3A_433, %swap3A_434], %swap3A_437 {strides = array<i32>} : memref<80x128xf32, #tpu.memory_space<vmem>>, vector<1x16xf32>,
        %mul3A_438 = arith.constant 2 : i32
        %mul3A_439 = arith.muli %mul3A_438, %scan3A_259 : i32
        %add3A_440 = arith.constant 1 : i32
        %add3A_441 = arith.addi %mul3A_439, %add3A_440 : i32
        %get3A_442 = arith.index_cast %add3A_441 : i32 to index
        %get3A_443 = arith.constant 32 : index
        %get3A_444 = tpu.vector_load %arg10[%get3A_442, %get3A_443] {strides = array<i32>} : memref<80x128xf32, #tpu.memory_space<vmem>>, vector<1x16xf32>,
        %get3A_445 = vector.shape_cast %get3A_444 : vector<1x16xf32> to vector<16xf32>
        %get3A_446 = arith.index_cast %add3A_441 : i32 to index
        %get3A_447 = arith.constant 32 : index
        %get3A_448 = tpu.vector_load %arg13[%get3A_446, %get3A_447] {strides = array<i32>} : memref<80x128xf32, #tpu.memory_space<vmem>>, vector<1x16xf32>,
        %get3A_449 = vector.shape_cast %get3A_448 : vector<1x16xf32> to vector<16xf32>
        %mul3A_450 = arith.mulf %get3A_445, %get3A_449 : vector<16xf32>
        %swap3A_451 = arith.index_cast %add3A_441 : i32 to index
        %swap3A_452 = arith.constant 32 : index
        %swap3A_453 = tpu.vector_load %arg10[%swap3A_451, %swap3A_452] {strides = array<i32>} : memref<80x128xf32, #tpu.memory_space<vmem>>, vector<1x16xf32>,
        %swap3A_454 = vector.shape_cast %swap3A_453 : vector<1x16xf32> to vector<16xf32>
        %swap3A_455 = vector.shape_cast %mul3A_450 : vector<16xf32> to vector<1x16xf32>
        tpu.vector_store %arg10[%swap3A_451, %swap3A_452], %swap3A_455 {strides = array<i32>} : memref<80x128xf32, #tpu.memory_space<vmem>>, vector<1x16xf32>,
        %mul3A_456 = arith.constant 2 : i32
        %mul3A_457 = arith.muli %mul3A_456, %scan3A_259 : i32
        %add3A_458 = arith.constant 1 : i32
        %add3A_459 = arith.addi %mul3A_457, %add3A_458 : i32
        %get3A_460 = arith.index_cast %add3A_459 : i32 to index
        %get3A_461 = arith.constant 48 : index
        %get3A_462 = tpu.vector_load %arg10[%get3A_460, %get3A_461] {strides = array<i32>} : memref<80x128xf32, #tpu.memory_space<vmem>>, vector<1x16xf32>,
        %get3A_463 = vector.shape_cast %get3A_462 : vector<1x16xf32> to vector<16xf32>
        %get3A_464 = arith.index_cast %add3A_459 : i32 to index
        %get3A_465 = arith.constant 48 : index
        %get3A_466 = tpu.vector_load %arg13[%get3A_464, %get3A_465] {strides = array<i32>} : memref<80x128xf32, #tpu.memory_space<vmem>>, vector<1x16xf32>,
        %get3A_467 = vector.shape_cast %get3A_466 : vector<1x16xf32> to vector<16xf32>
        %mul3A_468 = arith.mulf %get3A_463, %get3A_467 : vector<16xf32>
        %swap3A_469 = arith.index_cast %add3A_459 : i32 to index
        %swap3A_470 = arith.constant 48 : index
        %swap3A_471 = tpu.vector_load %arg10[%swap3A_469, %swap3A_470] {strides = array<i32>} : memref<80x128xf32, #tpu.memory_space<vmem>>, vector<1x16xf32>,
        %swap3A_472 = vector.shape_cast %swap3A_471 : vector<1x16xf32> to vector<16xf32>
        %swap3A_473 = vector.shape_cast %mul3A_468 : vector<16xf32> to vector<1x16xf32>
        tpu.vector_store %arg10[%swap3A_469, %swap3A_470], %swap3A_473 {strides = array<i32>} : memref<80x128xf32, #tpu.memory_space<vmem>>, vector<1x16xf32>,
        %mul3A_474 = arith.constant 2 : i32
        %mul3A_475 = arith.muli %mul3A_474, %scan3A_259 : i32
        %add3A_476 = arith.constant 1 : i32
        %add3A_477 = arith.addi %mul3A_475, %add3A_476 : i32
        %get3A_478 = arith.index_cast %add3A_477 : i32 to index
        %get3A_479 = arith.constant 64 : index
        %get3A_480 = tpu.vector_load %arg10[%get3A_478, %get3A_479] {strides = array<i32>} : memref<80x128xf32, #tpu.memory_space<vmem>>, vector<1x16xf32>,
        %get3A_481 = vector.shape_cast %get3A_480 : vector<1x16xf32> to vector<16xf32>
        %get3A_482 = arith.index_cast %add3A_477 : i32 to index
        %get3A_483 = arith.constant 64 : index
        %get3A_484 = tpu.vector_load %arg13[%get3A_482, %get3A_483] {strides = array<i32>} : memref<80x128xf32, #tpu.memory_space<vmem>>, vector<1x16xf32>,
        %get3A_485 = vector.shape_cast %get3A_484 : vector<1x16xf32> to vector<16xf32>
        %mul3A_486 = arith.mulf %get3A_481, %get3A_485 : vector<16xf32>
        %swap3A_487 = arith.index_cast %add3A_477 : i32 to index
        %swap3A_488 = arith.constant 64 : index
        %swap3A_489 = tpu.vector_load %arg10[%swap3A_487, %swap3A_488] {strides = array<i32>} : memref<80x128xf32, #tpu.memory_space<vmem>>, vector<1x16xf32>,
        %swap3A_490 = vector.shape_cast %swap3A_489 : vector<1x16xf32> to vector<16xf32>
        %swap3A_491 = vector.shape_cast %mul3A_486 : vector<16xf32> to vector<1x16xf32>
        tpu.vector_store %arg10[%swap3A_487, %swap3A_488], %swap3A_491 {strides = array<i32>} : memref<80x128xf32, #tpu.memory_space<vmem>>, vector<1x16xf32>,
        %mul3A_492 = arith.constant 2 : i32
        %mul3A_493 = arith.muli %mul3A_492, %scan3A_259 : i32
        %add3A_494 = arith.constant 1 : i32
        %add3A_495 = arith.addi %mul3A_493, %add3A_494 : i32
        %get3A_496 = arith.index_cast %add3A_495 : i32 to index
        %get3A_497 = arith.constant 80 : index
        %get3A_498 = tpu.vector_load %arg10[%get3A_496, %get3A_497] {strides = array<i32>} : memref<80x128xf32, #tpu.memory_space<vmem>>, vector<1x16xf32>,
        %get3A_499 = vector.shape_cast %get3A_498 : vector<1x16xf32> to vector<16xf32>
        %get3A_500 = arith.index_cast %add3A_495 : i32 to index
        %get3A_501 = arith.constant 80 : index
        %get3A_502 = tpu.vector_load %arg13[%get3A_500, %get3A_501] {strides = array<i32>} : memref<80x128xf32, #tpu.memory_space<vmem>>, vector<1x16xf32>,
        %get3A_503 = vector.shape_cast %get3A_502 : vector<1x16xf32> to vector<16xf32>
        %mul3A_504 = arith.mulf %get3A_499, %get3A_503 : vector<16xf32>
        %swap3A_505 = arith.index_cast %add3A_495 : i32 to index
        %swap3A_506 = arith.constant 80 : index
        %swap3A_507 = tpu.vector_load %arg10[%swap3A_505, %swap3A_506] {strides = array<i32>} : memref<80x128xf32, #tpu.memory_space<vmem>>, vector<1x16xf32>,
        %swap3A_508 = vector.shape_cast %swap3A_507 : vector<1x16xf32> to vector<16xf32>
        %swap3A_509 = vector.shape_cast %mul3A_504 : vector<16xf32> to vector<1x16xf32>
        tpu.vector_store %arg10[%swap3A_505, %swap3A_506], %swap3A_509 {strides = array<i32>} : memref<80x128xf32, #tpu.memory_space<vmem>>, vector<1x16xf32>,
        %mul3A_510 = arith.constant 2 : i32
        %mul3A_511 = arith.muli %mul3A_510, %scan3A_259 : i32
        %add3A_512 = arith.constant 1 : i32
        %add3A_513 = arith.addi %mul3A_511, %add3A_512 : i32
        %get3A_514 = arith.index_cast %add3A_513 : i32 to index
        %get3A_515 = arith.constant 96 : index
        %get3A_516 = tpu.vector_load %arg10[%get3A_514, %get3A_515] {strides = array<i32>} : memref<80x128xf32, #tpu.memory_space<vmem>>, vector<1x16xf32>,
        %get3A_517 = vector.shape_cast %get3A_516 : vector<1x16xf32> to vector<16xf32>
        %get3A_518 = arith.index_cast %add3A_513 : i32 to index
        %get3A_519 = arith.constant 96 : index
        %get3A_520 = tpu.vector_load %arg13[%get3A_518, %get3A_519] {strides = array<i32>} : memref<80x128xf32, #tpu.memory_space<vmem>>, vector<1x16xf32>,
        %get3A_521 = vector.shape_cast %get3A_520 : vector<1x16xf32> to vector<16xf32>
        %mul3A_522 = arith.mulf %get3A_517, %get3A_521 : vector<16xf32>
        %swap3A_523 = arith.index_cast %add3A_513 : i32 to index
        %swap3A_524 = arith.constant 96 : index
        %swap3A_525 = tpu.vector_load %arg10[%swap3A_523, %swap3A_524] {strides = array<i32>} : memref<80x128xf32, #tpu.memory_space<vmem>>, vector<1x16xf32>,
        %swap3A_526 = vector.shape_cast %swap3A_525 : vector<1x16xf32> to vector<16xf32>
        %swap3A_527 = vector.shape_cast %mul3A_522 : vector<16xf32> to vector<1x16xf32>
        tpu.vector_store %arg10[%swap3A_523, %swap3A_524], %swap3A_527 {strides = array<i32>} : memref<80x128xf32, #tpu.memory_space<vmem>>, vector<1x16xf32>,
        %mul3A_528 = arith.constant 2 : i32
        %mul3A_529 = arith.muli %mul3A_528, %scan3A_259 : i32
        %add3A_530 = arith.constant 1 : i32
        %add3A_531 = arith.addi %mul3A_529, %add3A_530 : i32
        %get3A_532 = arith.index_cast %add3A_531 : i32 to index
        %get3A_533 = arith.constant 112 : index
        %get3A_534 = tpu.vector_load %arg10[%get3A_532, %get3A_533] {strides = array<i32>} : memref<80x128xf32, #tpu.memory_space<vmem>>, vector<1x16xf32>,
        %get3A_535 = vector.shape_cast %get3A_534 : vector<1x16xf32> to vector<16xf32>
        %get3A_536 = arith.index_cast %add3A_531 : i32 to index
        %get3A_537 = arith.constant 112 : index
        %get3A_538 = tpu.vector_load %arg13[%get3A_536, %get3A_537] {strides = array<i32>} : memref<80x128xf32, #tpu.memory_space<vmem>>, vector<1x16xf32>,
        %get3A_539 = vector.shape_cast %get3A_538 : vector<1x16xf32> to vector<16xf32>
        %mul3A_540 = arith.mulf %get3A_535, %get3A_539 : vector<16xf32>
        %swap3A_541 = arith.index_cast %add3A_531 : i32 to index
        %swap3A_542 = arith.constant 112 : index
        %swap3A_543 = tpu.vector_load %arg10[%swap3A_541, %swap3A_542] {strides = array<i32>} : memref<80x128xf32, #tpu.memory_space<vmem>>, vector<1x16xf32>,
        %swap3A_544 = vector.shape_cast %swap3A_543 : vector<1x16xf32> to vector<16xf32>
        %swap3A_545 = vector.shape_cast %mul3A_540 : vector<16xf32> to vector<1x16xf32>
        tpu.vector_store %arg10[%swap3A_541, %swap3A_542], %swap3A_545 {strides = array<i32>} : memref<80x128xf32, #tpu.memory_space<vmem>>, vector<1x16xf32>,
      }
      %scan3A_137 = arith.constant 40 : i32
      %dma_start3A_138 = arith.constant 0 : i32
      %dma_start3A_139 = tpu.memref_slice %arg9[%add3A_116, %dma_start3A_138] : memref<125x80xi32, #tpu.memory_space<vmem>> -> memref<1x80xi32, #tpu.memory_space<vmem>>
      %dma_start3A_140 = tpu.memref_squeeze %dma_start3A_139 : memref<1x80xi32, #tpu.memory_space<vmem>> -> memref<80xi32, #tpu.memory_space<vmem>>
      %dma_start3A_141 = arith.constant 0 : i32
      %dma_start3A_142 = arith.constant 0 : i32
      %dma_start3A_143 = tpu.memref_slice %arg16[%dma_start3A_141, %dma_start3A_142] : memref<5008x128xf32, #tpu.memory_space<vmem_shared>> -> memref<5008x128xf32, #tpu.memory_space<vmem_shared>>
      tpu.enqueue_indirect_dma source(%arg10 : memref<80x128xf32, #tpu.memory_space<vmem>>) target(%dma_start3A_143 : memref<5008x128xf32, #tpu.memory_space<vmem_shared>>) offsets(%dma_start3A_140 : memref<80xi32, #tpu.memory_space<vmem>>) semaphore(%arg23 : memref<!tpu.dma_semaphore, #tpu.memory_space<semaphore_mem>>) {add = true}
      %sub3A = arith.constant 1 : i32
      %sub3A_144 = arith.subi %add3A_116, %sub3A : i32
      %max3A = arith.constant 0 : i32
      %max3A_145 = arith.maxsi %sub3A_144, %max3A : i32
      %ge3A = arith.constant 1 : i32
      %ge3A_146 = arith.cmpi sge, %add3A_116, %ge3A : i32
      %convert_element_type3A = arith.extui %ge3A_146 : i1 to i32
      %cond3A = arith.constant 0 : i32
      %cond3A_147 = arith.cmpi ne, %convert_element_type3A, %cond3A : i32
      scf.if %cond3A_147 {
        %dma_wait3A_259 = arith.constant 0 : i32
        %dma_wait3A_260 = tpu.memref_slice %arg9[%max3A_145, %dma_wait3A_259] : memref<125x80xi32, #tpu.memory_space<vmem>> -> memref<1x80xi32, #tpu.memory_space<vmem>>
        %dma_wait3A_261 = tpu.memref_squeeze %dma_wait3A_260 : memref<1x80xi32, #tpu.memory_space<vmem>> -> memref<80xi32, #tpu.memory_space<vmem>>
        %dma_wait3A_262 = arith.constant 0 : i32
        %dma_wait3A_263 = arith.constant 0 : i32
        %dma_wait3A_264 = tpu.memref_slice %arg16[%dma_wait3A_262, %dma_wait3A_263] : memref<5008x128xf32, #tpu.memory_space<vmem_shared>> -> memref<5008x128xf32, #tpu.memory_space<vmem_shared>>
        tpu.wait_indirect_dma semaphore(%arg25 : memref<!tpu.dma_semaphore, #tpu.memory_space<semaphore_mem>>) src(%arg12 : memref<80x128xf32, #tpu.memory_space<vmem>>) dst(%dma_wait3A_264 : memref<5008x128xf32, #tpu.memory_space<vmem_shared>>)
      } else {
      }
      %add3A_148 = arith.constant 2 : i32
      %add3A_149 = arith.addi %add3A_116, %add3A_148 : i32
      %min3A = arith.constant 124 : i32
      %min3A_150 = arith.minsi %add3A_149, %min3A : i32
      %add3A_151 = arith.constant 2 : i32
      %add3A_152 = arith.addi %add3A_116, %add3A_151 : i32
      %le3A = arith.constant 124 : i32
      %le3A_153 = arith.cmpi sle, %add3A_152, %le3A : i32
      %convert_element_type3A_154 = arith.extui %le3A_153 : i1 to i32
      %cond3A_155 = arith.constant 0 : i32
      %cond3A_156 = arith.cmpi ne, %convert_element_type3A_154, %cond3A_155 : i32
      scf.if %cond3A_156 {
        %mul3A_259 = arith.constant 10000 : i32
        %mul3A_260 = arith.muli %arg1, %mul3A_259 : i32
        %mul3A_261 = arith.constant 80 : i32
        %mul3A_262 = arith.muli %min3A_150, %mul3A_261 : i32
        %add3A_263 = arith.addi %mul3A_260, %mul3A_262 : i32
        %dma_start3A_264 = arith.constant 0 : i32
        %dma_start3A_265 = tpu.memref_slice %arg2[%add3A_263, %dma_start3A_264] : memref<160000x128xf32, #tpu.memory_space<hbm>> -> memref<80x128xf32, #tpu.memory_space<hbm>>
        %dma_start3A_266 = arith.constant 0 : i32
        %dma_start3A_267 = tpu.memref_slice %arg2[%add3A_263, %dma_start3A_266] : memref<160000x128xf32, #tpu.memory_space<hbm>> -> memref<80x128xf32, #tpu.memory_space<hbm>>
        tpu.enqueue_dma source(%dma_start3A_267 : memref<80x128xf32, #tpu.memory_space<hbm>>) target(%arg15 : memref<80x128xf32, #tpu.memory_space<vmem>>) target_semaphore(%arg22 : memref<!tpu.dma_semaphore, #tpu.memory_space<semaphore_mem>>)
        %mul3A_268 = arith.constant 80 : i32
        %mul3A_269 = arith.muli %min3A_150, %mul3A_268 : i32
        %dma_start3A_270 = tpu.memref_slice %arg8[%mul3A_269] : memref<10000xi32, #tpu.memory_space<vmem>> -> memref<80xi32, #tpu.memory_space<vmem>>
        %dma_start3A_271 = arith.constant 0 : i32
        %dma_start3A_272 = arith.constant 0 : i32
        %dma_start3A_273 = tpu.memref_slice %arg3[%dma_start3A_271, %dma_start3A_272] : memref<10000x128xf32, #tpu.memory_space<hbm>> -> memref<10000x128xf32, #tpu.memory_space<hbm>>
        tpu.enqueue_indirect_dma source(%dma_start3A_273 : memref<10000x128xf32, #tpu.memory_space<hbm>>) target(%arg12 : memref<80x128xf32, #tpu.memory_space<vmem>>) offsets(%dma_start3A_270 : memref<80xi32, #tpu.memory_space<vmem>>) semaphore(%arg19 : memref<!tpu.dma_semaphore, #tpu.memory_space<semaphore_mem>>)
      } else {
      }
      %mul3A_157 = arith.constant 3 : i32
      %mul3A_158 = arith.muli %scan3A_112, %mul3A_157 : i32
      %add3A_159 = arith.constant 1 : i32
      %add3A_160 = arith.addi %mul3A_158, %add3A_159 : i32
      %mul3A_161 = arith.constant 10000 : i32
      %mul3A_162 = arith.muli %arg1, %mul3A_161 : i32
      %mul3A_163 = arith.constant 80 : i32
      %mul3A_164 = arith.muli %add3A_160, %mul3A_163 : i32
      %add3A_165 = arith.addi %mul3A_162, %mul3A_164 : i32
      %dma_wait3A_166 = arith.constant 0 : i32
      %dma_wait3A_167 = tpu.memref_slice %arg2[%add3A_165, %dma_wait3A_166] : memref<160000x128xf32, #tpu.memory_space<hbm>> -> memref<80x128xf32, #tpu.memory_space<hbm>>
      %dma_wait3A_168 = arith.constant 0 : i32
      %dma_wait3A_169 = tpu.memref_slice %arg2[%add3A_165, %dma_wait3A_168] : memref<160000x128xf32, #tpu.memory_space<hbm>> -> memref<80x128xf32, #tpu.memory_space<hbm>>
      tpu.wait_dma2 semaphore(%arg21 : memref<!tpu.dma_semaphore, #tpu.memory_space<semaphore_mem>>) src(%dma_wait3A_169 : memref<80x128xf32, #tpu.memory_space<hbm>>) dst(%arg14 : memref<80x128xf32, #tpu.memory_space<vmem>>)
      %mul3A_170 = arith.constant 80 : i32
      %mul3A_171 = arith.muli %add3A_160, %mul3A_170 : i32
      %dma_wait3A_172 = tpu.memref_slice %arg8[%mul3A_171] : memref<10000xi32, #tpu.memory_space<vmem>> -> memref<80xi32, #tpu.memory_space<vmem>>
      %dma_wait3A_173 = arith.constant 0 : i32
      %dma_wait3A_174 = arith.constant 0 : i32
      %dma_wait3A_175 = tpu.memref_slice %arg3[%dma_wait3A_173, %dma_wait3A_174] : memref<10000x128xf32, #tpu.memory_space<hbm>> -> memref<10000x128xf32, #tpu.memory_space<hbm>>
      tpu.wait_indirect_dma semaphore(%arg18 : memref<!tpu.dma_semaphore, #tpu.memory_space<semaphore_mem>>) src(%dma_wait3A_175 : memref<10000x128xf32, #tpu.memory_space<hbm>>) dst(%arg11 : memref<80x128xf32, #tpu.memory_space<vmem>>)
      %scan3A_176 = arith.constant 0 : i32
      %scan3A_177 = arith.constant 0 : i32
      %scan3A_178 = arith.constant 40 : i32
      %scan3A_179 = arith.addi %scan3A_177, %scan3A_178 : i32
      %scan3A_180 = arith.constant 1 : i32
      scf.for %scan3A_259 = %scan3A_177 to %scan3A_179 step %scan3A_180  : i32 {
        %mul3A_260 = arith.constant 2 : i32
        %mul3A_261 = arith.muli %mul3A_260, %scan3A_259 : i32
        %add3A_262 = arith.constant 0 : i32
        %add3A_263 = arith.addi %mul3A_261, %add3A_262 : i32
        %get3A = arith.index_cast %add3A_263 : i32 to index
        %get3A_264 = arith.constant 0 : index
        %get3A_265 = tpu.vector_load %arg11[%get3A, %get3A_264] {strides = array<i32>} : memref<80x128xf32, #tpu.memory_space<vmem>>, vector<1x16xf32>,
        %get3A_266 = vector.shape_cast %get3A_265 : vector<1x16xf32> to vector<16xf32>
        %get3A_267 = arith.index_cast %add3A_263 : i32 to index
        %get3A_268 = arith.constant 0 : index
        %get3A_269 = tpu.vector_load %arg14[%get3A_267, %get3A_268] {strides = array<i32>} : memref<80x128xf32, #tpu.memory_space<vmem>>, vector<1x16xf32>,
        %get3A_270 = vector.shape_cast %get3A_269 : vector<1x16xf32> to vector<16xf32>
        %mul3A_271 = arith.mulf %get3A_266, %get3A_270 : vector<16xf32>
        %swap3A = arith.index_cast %add3A_263 : i32 to index
        %swap3A_272 = arith.constant 0 : index
        %swap3A_273 = tpu.vector_load %arg11[%swap3A, %swap3A_272] {strides = array<i32>} : memref<80x128xf32, #tpu.memory_space<vmem>>, vector<1x16xf32>,
        %swap3A_274 = vector.shape_cast %swap3A_273 : vector<1x16xf32> to vector<16xf32>
        %swap3A_275 = vector.shape_cast %mul3A_271 : vector<16xf32> to vector<1x16xf32>
        tpu.vector_store %arg11[%swap3A, %swap3A_272], %swap3A_275 {strides = array<i32>} : memref<80x128xf32, #tpu.memory_space<vmem>>, vector<1x16xf32>,
        %mul3A_276 = arith.constant 2 : i32
        %mul3A_277 = arith.muli %mul3A_276, %scan3A_259 : i32
        %add3A_278 = arith.constant 0 : i32
        %add3A_279 = arith.addi %mul3A_277, %add3A_278 : i32
        %get3A_280 = arith.index_cast %add3A_279 : i32 to index
        %get3A_281 = arith.constant 16 : index
        %get3A_282 = tpu.vector_load %arg11[%get3A_280, %get3A_281] {strides = array<i32>} : memref<80x128xf32, #tpu.memory_space<vmem>>, vector<1x16xf32>,
        %get3A_283 = vector.shape_cast %get3A_282 : vector<1x16xf32> to vector<16xf32>
        %get3A_284 = arith.index_cast %add3A_279 : i32 to index
        %get3A_285 = arith.constant 16 : index
        %get3A_286 = tpu.vector_load %arg14[%get3A_284, %get3A_285] {strides = array<i32>} : memref<80x128xf32, #tpu.memory_space<vmem>>, vector<1x16xf32>,
        %get3A_287 = vector.shape_cast %get3A_286 : vector<1x16xf32> to vector<16xf32>
        %mul3A_288 = arith.mulf %get3A_283, %get3A_287 : vector<16xf32>
        %swap3A_289 = arith.index_cast %add3A_279 : i32 to index
        %swap3A_290 = arith.constant 16 : index
        %swap3A_291 = tpu.vector_load %arg11[%swap3A_289, %swap3A_290] {strides = array<i32>} : memref<80x128xf32, #tpu.memory_space<vmem>>, vector<1x16xf32>,
        %swap3A_292 = vector.shape_cast %swap3A_291 : vector<1x16xf32> to vector<16xf32>
        %swap3A_293 = vector.shape_cast %mul3A_288 : vector<16xf32> to vector<1x16xf32>
        tpu.vector_store %arg11[%swap3A_289, %swap3A_290], %swap3A_293 {strides = array<i32>} : memref<80x128xf32, #tpu.memory_space<vmem>>, vector<1x16xf32>,
        %mul3A_294 = arith.constant 2 : i32
        %mul3A_295 = arith.muli %mul3A_294, %scan3A_259 : i32
        %add3A_296 = arith.constant 0 : i32
        %add3A_297 = arith.addi %mul3A_295, %add3A_296 : i32
        %get3A_298 = arith.index_cast %add3A_297 : i32 to index
        %get3A_299 = arith.constant 32 : index
        %get3A_300 = tpu.vector_load %arg11[%get3A_298, %get3A_299] {strides = array<i32>} : memref<80x128xf32, #tpu.memory_space<vmem>>, vector<1x16xf32>,
        %get3A_301 = vector.shape_cast %get3A_300 : vector<1x16xf32> to vector<16xf32>
        %get3A_302 = arith.index_cast %add3A_297 : i32 to index
        %get3A_303 = arith.constant 32 : index
        %get3A_304 = tpu.vector_load %arg14[%get3A_302, %get3A_303] {strides = array<i32>} : memref<80x128xf32, #tpu.memory_space<vmem>>, vector<1x16xf32>,
        %get3A_305 = vector.shape_cast %get3A_304 : vector<1x16xf32> to vector<16xf32>
        %mul3A_306 = arith.mulf %get3A_301, %get3A_305 : vector<16xf32>
        %swap3A_307 = arith.index_cast %add3A_297 : i32 to index
        %swap3A_308 = arith.constant 32 : index
        %swap3A_309 = tpu.vector_load %arg11[%swap3A_307, %swap3A_308] {strides = array<i32>} : memref<80x128xf32, #tpu.memory_space<vmem>>, vector<1x16xf32>,
        %swap3A_310 = vector.shape_cast %swap3A_309 : vector<1x16xf32> to vector<16xf32>
        %swap3A_311 = vector.shape_cast %mul3A_306 : vector<16xf32> to vector<1x16xf32>
        tpu.vector_store %arg11[%swap3A_307, %swap3A_308], %swap3A_311 {strides = array<i32>} : memref<80x128xf32, #tpu.memory_space<vmem>>, vector<1x16xf32>,
        %mul3A_312 = arith.constant 2 : i32
        %mul3A_313 = arith.muli %mul3A_312, %scan3A_259 : i32
        %add3A_314 = arith.constant 0 : i32
        %add3A_315 = arith.addi %mul3A_313, %add3A_314 : i32
        %get3A_316 = arith.index_cast %add3A_315 : i32 to index
        %get3A_317 = arith.constant 48 : index
        %get3A_318 = tpu.vector_load %arg11[%get3A_316, %get3A_317] {strides = array<i32>} : memref<80x128xf32, #tpu.memory_space<vmem>>, vector<1x16xf32>,
        %get3A_319 = vector.shape_cast %get3A_318 : vector<1x16xf32> to vector<16xf32>
        %get3A_320 = arith.index_cast %add3A_315 : i32 to index
        %get3A_321 = arith.constant 48 : index
        %get3A_322 = tpu.vector_load %arg14[%get3A_320, %get3A_321] {strides = array<i32>} : memref<80x128xf32, #tpu.memory_space<vmem>>, vector<1x16xf32>,
        %get3A_323 = vector.shape_cast %get3A_322 : vector<1x16xf32> to vector<16xf32>
        %mul3A_324 = arith.mulf %get3A_319, %get3A_323 : vector<16xf32>
        %swap3A_325 = arith.index_cast %add3A_315 : i32 to index
        %swap3A_326 = arith.constant 48 : index
        %swap3A_327 = tpu.vector_load %arg11[%swap3A_325, %swap3A_326] {strides = array<i32>} : memref<80x128xf32, #tpu.memory_space<vmem>>, vector<1x16xf32>,
        %swap3A_328 = vector.shape_cast %swap3A_327 : vector<1x16xf32> to vector<16xf32>
        %swap3A_329 = vector.shape_cast %mul3A_324 : vector<16xf32> to vector<1x16xf32>
        tpu.vector_store %arg11[%swap3A_325, %swap3A_326], %swap3A_329 {strides = array<i32>} : memref<80x128xf32, #tpu.memory_space<vmem>>, vector<1x16xf32>,
        %mul3A_330 = arith.constant 2 : i32
        %mul3A_331 = arith.muli %mul3A_330, %scan3A_259 : i32
        %add3A_332 = arith.constant 0 : i32
        %add3A_333 = arith.addi %mul3A_331, %add3A_332 : i32
        %get3A_334 = arith.index_cast %add3A_333 : i32 to index
        %get3A_335 = arith.constant 64 : index
        %get3A_336 = tpu.vector_load %arg11[%get3A_334, %get3A_335] {strides = array<i32>} : memref<80x128xf32, #tpu.memory_space<vmem>>, vector<1x16xf32>,
        %get3A_337 = vector.shape_cast %get3A_336 : vector<1x16xf32> to vector<16xf32>
        %get3A_338 = arith.index_cast %add3A_333 : i32 to index
        %get3A_339 = arith.constant 64 : index
        %get3A_340 = tpu.vector_load %arg14[%get3A_338, %get3A_339] {strides = array<i32>} : memref<80x128xf32, #tpu.memory_space<vmem>>, vector<1x16xf32>,
        %get3A_341 = vector.shape_cast %get3A_340 : vector<1x16xf32> to vector<16xf32>
        %mul3A_342 = arith.mulf %get3A_337, %get3A_341 : vector<16xf32>
        %swap3A_343 = arith.index_cast %add3A_333 : i32 to index
        %swap3A_344 = arith.constant 64 : index
        %swap3A_345 = tpu.vector_load %arg11[%swap3A_343, %swap3A_344] {strides = array<i32>} : memref<80x128xf32, #tpu.memory_space<vmem>>, vector<1x16xf32>,
        %swap3A_346 = vector.shape_cast %swap3A_345 : vector<1x16xf32> to vector<16xf32>
        %swap3A_347 = vector.shape_cast %mul3A_342 : vector<16xf32> to vector<1x16xf32>
        tpu.vector_store %arg11[%swap3A_343, %swap3A_344], %swap3A_347 {strides = array<i32>} : memref<80x128xf32, #tpu.memory_space<vmem>>, vector<1x16xf32>,
        %mul3A_348 = arith.constant 2 : i32
        %mul3A_349 = arith.muli %mul3A_348, %scan3A_259 : i32
        %add3A_350 = arith.constant 0 : i32
        %add3A_351 = arith.addi %mul3A_349, %add3A_350 : i32
        %get3A_352 = arith.index_cast %add3A_351 : i32 to index
        %get3A_353 = arith.constant 80 : index
        %get3A_354 = tpu.vector_load %arg11[%get3A_352, %get3A_353] {strides = array<i32>} : memref<80x128xf32, #tpu.memory_space<vmem>>, vector<1x16xf32>,
        %get3A_355 = vector.shape_cast %get3A_354 : vector<1x16xf32> to vector<16xf32>
        %get3A_356 = arith.index_cast %add3A_351 : i32 to index
        %get3A_357 = arith.constant 80 : index
        %get3A_358 = tpu.vector_load %arg14[%get3A_356, %get3A_357] {strides = array<i32>} : memref<80x128xf32, #tpu.memory_space<vmem>>, vector<1x16xf32>,
        %get3A_359 = vector.shape_cast %get3A_358 : vector<1x16xf32> to vector<16xf32>
        %mul3A_360 = arith.mulf %get3A_355, %get3A_359 : vector<16xf32>
        %swap3A_361 = arith.index_cast %add3A_351 : i32 to index
        %swap3A_362 = arith.constant 80 : index
        %swap3A_363 = tpu.vector_load %arg11[%swap3A_361, %swap3A_362] {strides = array<i32>} : memref<80x128xf32, #tpu.memory_space<vmem>>, vector<1x16xf32>,
        %swap3A_364 = vector.shape_cast %swap3A_363 : vector<1x16xf32> to vector<16xf32>
        %swap3A_365 = vector.shape_cast %mul3A_360 : vector<16xf32> to vector<1x16xf32>
        tpu.vector_store %arg11[%swap3A_361, %swap3A_362], %swap3A_365 {strides = array<i32>} : memref<80x128xf32, #tpu.memory_space<vmem>>, vector<1x16xf32>,
        %mul3A_366 = arith.constant 2 : i32
        %mul3A_367 = arith.muli %mul3A_366, %scan3A_259 : i32
        %add3A_368 = arith.constant 0 : i32
        %add3A_369 = arith.addi %mul3A_367, %add3A_368 : i32
        %get3A_370 = arith.index_cast %add3A_369 : i32 to index
        %get3A_371 = arith.constant 96 : index
        %get3A_372 = tpu.vector_load %arg11[%get3A_370, %get3A_371] {strides = array<i32>} : memref<80x128xf32, #tpu.memory_space<vmem>>, vector<1x16xf32>,
        %get3A_373 = vector.shape_cast %get3A_372 : vector<1x16xf32> to vector<16xf32>
        %get3A_374 = arith.index_cast %add3A_369 : i32 to index
        %get3A_375 = arith.constant 96 : index
        %get3A_376 = tpu.vector_load %arg14[%get3A_374, %get3A_375] {strides = array<i32>} : memref<80x128xf32, #tpu.memory_space<vmem>>, vector<1x16xf32>,
        %get3A_377 = vector.shape_cast %get3A_376 : vector<1x16xf32> to vector<16xf32>
        %mul3A_378 = arith.mulf %get3A_373, %get3A_377 : vector<16xf32>
        %swap3A_379 = arith.index_cast %add3A_369 : i32 to index
        %swap3A_380 = arith.constant 96 : index
        %swap3A_381 = tpu.vector_load %arg11[%swap3A_379, %swap3A_380] {strides = array<i32>} : memref<80x128xf32, #tpu.memory_space<vmem>>, vector<1x16xf32>,
        %swap3A_382 = vector.shape_cast %swap3A_381 : vector<1x16xf32> to vector<16xf32>
        %swap3A_383 = vector.shape_cast %mul3A_378 : vector<16xf32> to vector<1x16xf32>
        tpu.vector_store %arg11[%swap3A_379, %swap3A_380], %swap3A_383 {strides = array<i32>} : memref<80x128xf32, #tpu.memory_space<vmem>>, vector<1x16xf32>,
        %mul3A_384 = arith.constant 2 : i32
        %mul3A_385 = arith.muli %mul3A_384, %scan3A_259 : i32
        %add3A_386 = arith.constant 0 : i32
        %add3A_387 = arith.addi %mul3A_385, %add3A_386 : i32
        %get3A_388 = arith.index_cast %add3A_387 : i32 to index
        %get3A_389 = arith.constant 112 : index
        %get3A_390 = tpu.vector_load %arg11[%get3A_388, %get3A_389] {strides = array<i32>} : memref<80x128xf32, #tpu.memory_space<vmem>>, vector<1x16xf32>,
        %get3A_391 = vector.shape_cast %get3A_390 : vector<1x16xf32> to vector<16xf32>
        %get3A_392 = arith.index_cast %add3A_387 : i32 to index
        %get3A_393 = arith.constant 112 : index
        %get3A_394 = tpu.vector_load %arg14[%get3A_392, %get3A_393] {strides = array<i32>} : memref<80x128xf32, #tpu.memory_space<vmem>>, vector<1x16xf32>,
        %get3A_395 = vector.shape_cast %get3A_394 : vector<1x16xf32> to vector<16xf32>
        %mul3A_396 = arith.mulf %get3A_391, %get3A_395 : vector<16xf32>
        %swap3A_397 = arith.index_cast %add3A_387 : i32 to index
        %swap3A_398 = arith.constant 112 : index
        %swap3A_399 = tpu.vector_load %arg11[%swap3A_397, %swap3A_398] {strides = array<i32>} : memref<80x128xf32, #tpu.memory_space<vmem>>, vector<1x16xf32>,
        %swap3A_400 = vector.shape_cast %swap3A_399 : vector<1x16xf32> to vector<16xf32>
        %swap3A_401 = vector.shape_cast %mul3A_396 : vector<16xf32> to vector<1x16xf32>
        tpu.vector_store %arg11[%swap3A_397, %swap3A_398], %swap3A_401 {strides = array<i32>} : memref<80x128xf32, #tpu.memory_space<vmem>>, vector<1x16xf32>,
        %mul3A_402 = arith.constant 2 : i32
        %mul3A_403 = arith.muli %mul3A_402, %scan3A_259 : i32
        %add3A_404 = arith.constant 1 : i32
        %add3A_405 = arith.addi %mul3A_403, %add3A_404 : i32
        %get3A_406 = arith.index_cast %add3A_405 : i32 to index
        %get3A_407 = arith.constant 0 : index
        %get3A_408 = tpu.vector_load %arg11[%get3A_406, %get3A_407] {strides = array<i32>} : memref<80x128xf32, #tpu.memory_space<vmem>>, vector<1x16xf32>,
        %get3A_409 = vector.shape_cast %get3A_408 : vector<1x16xf32> to vector<16xf32>
        %get3A_410 = arith.index_cast %add3A_405 : i32 to index
        %get3A_411 = arith.constant 0 : index
        %get3A_412 = tpu.vector_load %arg14[%get3A_410, %get3A_411] {strides = array<i32>} : memref<80x128xf32, #tpu.memory_space<vmem>>, vector<1x16xf32>,
        %get3A_413 = vector.shape_cast %get3A_412 : vector<1x16xf32> to vector<16xf32>
        %mul3A_414 = arith.mulf %get3A_409, %get3A_413 : vector<16xf32>
        %swap3A_415 = arith.index_cast %add3A_405 : i32 to index
        %swap3A_416 = arith.constant 0 : index
        %swap3A_417 = tpu.vector_load %arg11[%swap3A_415, %swap3A_416] {strides = array<i32>} : memref<80x128xf32, #tpu.memory_space<vmem>>, vector<1x16xf32>,
        %swap3A_418 = vector.shape_cast %swap3A_417 : vector<1x16xf32> to vector<16xf32>
        %swap3A_419 = vector.shape_cast %mul3A_414 : vector<16xf32> to vector<1x16xf32>
        tpu.vector_store %arg11[%swap3A_415, %swap3A_416], %swap3A_419 {strides = array<i32>} : memref<80x128xf32, #tpu.memory_space<vmem>>, vector<1x16xf32>,
        %mul3A_420 = arith.constant 2 : i32
        %mul3A_421 = arith.muli %mul3A_420, %scan3A_259 : i32
        %add3A_422 = arith.constant 1 : i32
        %add3A_423 = arith.addi %mul3A_421, %add3A_422 : i32
        %get3A_424 = arith.index_cast %add3A_423 : i32 to index
        %get3A_425 = arith.constant 16 : index
        %get3A_426 = tpu.vector_load %arg11[%get3A_424, %get3A_425] {strides = array<i32>} : memref<80x128xf32, #tpu.memory_space<vmem>>, vector<1x16xf32>,
        %get3A_427 = vector.shape_cast %get3A_426 : vector<1x16xf32> to vector<16xf32>
        %get3A_428 = arith.index_cast %add3A_423 : i32 to index
        %get3A_429 = arith.constant 16 : index
        %get3A_430 = tpu.vector_load %arg14[%get3A_428, %get3A_429] {strides = array<i32>} : memref<80x128xf32, #tpu.memory_space<vmem>>, vector<1x16xf32>,
        %get3A_431 = vector.shape_cast %get3A_430 : vector<1x16xf32> to vector<16xf32>
        %mul3A_432 = arith.mulf %get3A_427, %get3A_431 : vector<16xf32>
        %swap3A_433 = arith.index_cast %add3A_423 : i32 to index
        %swap3A_434 = arith.constant 16 : index
        %swap3A_435 = tpu.vector_load %arg11[%swap3A_433, %swap3A_434] {strides = array<i32>} : memref<80x128xf32, #tpu.memory_space<vmem>>, vector<1x16xf32>,
        %swap3A_436 = vector.shape_cast %swap3A_435 : vector<1x16xf32> to vector<16xf32>
        %swap3A_437 = vector.shape_cast %mul3A_432 : vector<16xf32> to vector<1x16xf32>
        tpu.vector_store %arg11[%swap3A_433, %swap3A_434], %swap3A_437 {strides = array<i32>} : memref<80x128xf32, #tpu.memory_space<vmem>>, vector<1x16xf32>,
        %mul3A_438 = arith.constant 2 : i32
        %mul3A_439 = arith.muli %mul3A_438, %scan3A_259 : i32
        %add3A_440 = arith.constant 1 : i32
        %add3A_441 = arith.addi %mul3A_439, %add3A_440 : i32
        %get3A_442 = arith.index_cast %add3A_441 : i32 to index
        %get3A_443 = arith.constant 32 : index
        %get3A_444 = tpu.vector_load %arg11[%get3A_442, %get3A_443] {strides = array<i32>} : memref<80x128xf32, #tpu.memory_space<vmem>>, vector<1x16xf32>,
        %get3A_445 = vector.shape_cast %get3A_444 : vector<1x16xf32> to vector<16xf32>
        %get3A_446 = arith.index_cast %add3A_441 : i32 to index
        %get3A_447 = arith.constant 32 : index
        %get3A_448 = tpu.vector_load %arg14[%get3A_446, %get3A_447] {strides = array<i32>} : memref<80x128xf32, #tpu.memory_space<vmem>>, vector<1x16xf32>,
        %get3A_449 = vector.shape_cast %get3A_448 : vector<1x16xf32> to vector<16xf32>
        %mul3A_450 = arith.mulf %get3A_445, %get3A_449 : vector<16xf32>
        %swap3A_451 = arith.index_cast %add3A_441 : i32 to index
        %swap3A_452 = arith.constant 32 : index
        %swap3A_453 = tpu.vector_load %arg11[%swap3A_451, %swap3A_452] {strides = array<i32>} : memref<80x128xf32, #tpu.memory_space<vmem>>, vector<1x16xf32>,
        %swap3A_454 = vector.shape_cast %swap3A_453 : vector<1x16xf32> to vector<16xf32>
        %swap3A_455 = vector.shape_cast %mul3A_450 : vector<16xf32> to vector<1x16xf32>
        tpu.vector_store %arg11[%swap3A_451, %swap3A_452], %swap3A_455 {strides = array<i32>} : memref<80x128xf32, #tpu.memory_space<vmem>>, vector<1x16xf32>,
        %mul3A_456 = arith.constant 2 : i32
        %mul3A_457 = arith.muli %mul3A_456, %scan3A_259 : i32
        %add3A_458 = arith.constant 1 : i32
        %add3A_459 = arith.addi %mul3A_457, %add3A_458 : i32
        %get3A_460 = arith.index_cast %add3A_459 : i32 to index
        %get3A_461 = arith.constant 48 : index
        %get3A_462 = tpu.vector_load %arg11[%get3A_460, %get3A_461] {strides = array<i32>} : memref<80x128xf32, #tpu.memory_space<vmem>>, vector<1x16xf32>,
        %get3A_463 = vector.shape_cast %get3A_462 : vector<1x16xf32> to vector<16xf32>
        %get3A_464 = arith.index_cast %add3A_459 : i32 to index
        %get3A_465 = arith.constant 48 : index
        %get3A_466 = tpu.vector_load %arg14[%get3A_464, %get3A_465] {strides = array<i32>} : memref<80x128xf32, #tpu.memory_space<vmem>>, vector<1x16xf32>,
        %get3A_467 = vector.shape_cast %get3A_466 : vector<1x16xf32> to vector<16xf32>
        %mul3A_468 = arith.mulf %get3A_463, %get3A_467 : vector<16xf32>
        %swap3A_469 = arith.index_cast %add3A_459 : i32 to index
        %swap3A_470 = arith.constant 48 : index
        %swap3A_471 = tpu.vector_load %arg11[%swap3A_469, %swap3A_470] {strides = array<i32>} : memref<80x128xf32, #tpu.memory_space<vmem>>, vector<1x16xf32>,
        %swap3A_472 = vector.shape_cast %swap3A_471 : vector<1x16xf32> to vector<16xf32>
        %swap3A_473 = vector.shape_cast %mul3A_468 : vector<16xf32> to vector<1x16xf32>
        tpu.vector_store %arg11[%swap3A_469, %swap3A_470], %swap3A_473 {strides = array<i32>} : memref<80x128xf32, #tpu.memory_space<vmem>>, vector<1x16xf32>,
        %mul3A_474 = arith.constant 2 : i32
        %mul3A_475 = arith.muli %mul3A_474, %scan3A_259 : i32
        %add3A_476 = arith.constant 1 : i32
        %add3A_477 = arith.addi %mul3A_475, %add3A_476 : i32
        %get3A_478 = arith.index_cast %add3A_477 : i32 to index
        %get3A_479 = arith.constant 64 : index
        %get3A_480 = tpu.vector_load %arg11[%get3A_478, %get3A_479] {strides = array<i32>} : memref<80x128xf32, #tpu.memory_space<vmem>>, vector<1x16xf32>,
        %get3A_481 = vector.shape_cast %get3A_480 : vector<1x16xf32> to vector<16xf32>
        %get3A_482 = arith.index_cast %add3A_477 : i32 to index
        %get3A_483 = arith.constant 64 : index
        %get3A_484 = tpu.vector_load %arg14[%get3A_482, %get3A_483] {strides = array<i32>} : memref<80x128xf32, #tpu.memory_space<vmem>>, vector<1x16xf32>,
        %get3A_485 = vector.shape_cast %get3A_484 : vector<1x16xf32> to vector<16xf32>
        %mul3A_486 = arith.mulf %get3A_481, %get3A_485 : vector<16xf32>
        %swap3A_487 = arith.index_cast %add3A_477 : i32 to index
        %swap3A_488 = arith.constant 64 : index
        %swap3A_489 = tpu.vector_load %arg11[%swap3A_487, %swap3A_488] {strides = array<i32>} : memref<80x128xf32, #tpu.memory_space<vmem>>, vector<1x16xf32>,
        %swap3A_490 = vector.shape_cast %swap3A_489 : vector<1x16xf32> to vector<16xf32>
        %swap3A_491 = vector.shape_cast %mul3A_486 : vector<16xf32> to vector<1x16xf32>
        tpu.vector_store %arg11[%swap3A_487, %swap3A_488], %swap3A_491 {strides = array<i32>} : memref<80x128xf32, #tpu.memory_space<vmem>>, vector<1x16xf32>,
        %mul3A_492 = arith.constant 2 : i32
        %mul3A_493 = arith.muli %mul3A_492, %scan3A_259 : i32
        %add3A_494 = arith.constant 1 : i32
        %add3A_495 = arith.addi %mul3A_493, %add3A_494 : i32
        %get3A_496 = arith.index_cast %add3A_495 : i32 to index
        %get3A_497 = arith.constant 80 : index
        %get3A_498 = tpu.vector_load %arg11[%get3A_496, %get3A_497] {strides = array<i32>} : memref<80x128xf32, #tpu.memory_space<vmem>>, vector<1x16xf32>,
        %get3A_499 = vector.shape_cast %get3A_498 : vector<1x16xf32> to vector<16xf32>
        %get3A_500 = arith.index_cast %add3A_495 : i32 to index
        %get3A_501 = arith.constant 80 : index
        %get3A_502 = tpu.vector_load %arg14[%get3A_500, %get3A_501] {strides = array<i32>} : memref<80x128xf32, #tpu.memory_space<vmem>>, vector<1x16xf32>,
        %get3A_503 = vector.shape_cast %get3A_502 : vector<1x16xf32> to vector<16xf32>
        %mul3A_504 = arith.mulf %get3A_499, %get3A_503 : vector<16xf32>
        %swap3A_505 = arith.index_cast %add3A_495 : i32 to index
        %swap3A_506 = arith.constant 80 : index
        %swap3A_507 = tpu.vector_load %arg11[%swap3A_505, %swap3A_506] {strides = array<i32>} : memref<80x128xf32, #tpu.memory_space<vmem>>, vector<1x16xf32>,
        %swap3A_508 = vector.shape_cast %swap3A_507 : vector<1x16xf32> to vector<16xf32>
        %swap3A_509 = vector.shape_cast %mul3A_504 : vector<16xf32> to vector<1x16xf32>
        tpu.vector_store %arg11[%swap3A_505, %swap3A_506], %swap3A_509 {strides = array<i32>} : memref<80x128xf32, #tpu.memory_space<vmem>>, vector<1x16xf32>,
        %mul3A_510 = arith.constant 2 : i32
        %mul3A_511 = arith.muli %mul3A_510, %scan3A_259 : i32
        %add3A_512 = arith.constant 1 : i32
        %add3A_513 = arith.addi %mul3A_511, %add3A_512 : i32
        %get3A_514 = arith.index_cast %add3A_513 : i32 to index
        %get3A_515 = arith.constant 96 : index
        %get3A_516 = tpu.vector_load %arg11[%get3A_514, %get3A_515] {strides = array<i32>} : memref<80x128xf32, #tpu.memory_space<vmem>>, vector<1x16xf32>,
        %get3A_517 = vector.shape_cast %get3A_516 : vector<1x16xf32> to vector<16xf32>
        %get3A_518 = arith.index_cast %add3A_513 : i32 to index
        %get3A_519 = arith.constant 96 : index
        %get3A_520 = tpu.vector_load %arg14[%get3A_518, %get3A_519] {strides = array<i32>} : memref<80x128xf32, #tpu.memory_space<vmem>>, vector<1x16xf32>,
        %get3A_521 = vector.shape_cast %get3A_520 : vector<1x16xf32> to vector<16xf32>
        %mul3A_522 = arith.mulf %get3A_517, %get3A_521 : vector<16xf32>
        %swap3A_523 = arith.index_cast %add3A_513 : i32 to index
        %swap3A_524 = arith.constant 96 : index
        %swap3A_525 = tpu.vector_load %arg11[%swap3A_523, %swap3A_524] {strides = array<i32>} : memref<80x128xf32, #tpu.memory_space<vmem>>, vector<1x16xf32>,
        %swap3A_526 = vector.shape_cast %swap3A_525 : vector<1x16xf32> to vector<16xf32>
        %swap3A_527 = vector.shape_cast %mul3A_522 : vector<16xf32> to vector<1x16xf32>
        tpu.vector_store %arg11[%swap3A_523, %swap3A_524], %swap3A_527 {strides = array<i32>} : memref<80x128xf32, #tpu.memory_space<vmem>>, vector<1x16xf32>,
        %mul3A_528 = arith.constant 2 : i32
        %mul3A_529 = arith.muli %mul3A_528, %scan3A_259 : i32
        %add3A_530 = arith.constant 1 : i32
        %add3A_531 = arith.addi %mul3A_529, %add3A_530 : i32
        %get3A_532 = arith.index_cast %add3A_531 : i32 to index
        %get3A_533 = arith.constant 112 : index
        %get3A_534 = tpu.vector_load %arg11[%get3A_532, %get3A_533] {strides = array<i32>} : memref<80x128xf32, #tpu.memory_space<vmem>>, vector<1x16xf32>,
        %get3A_535 = vector.shape_cast %get3A_534 : vector<1x16xf32> to vector<16xf32>
        %get3A_536 = arith.index_cast %add3A_531 : i32 to index
        %get3A_537 = arith.constant 112 : index
        %get3A_538 = tpu.vector_load %arg14[%get3A_536, %get3A_537] {strides = array<i32>} : memref<80x128xf32, #tpu.memory_space<vmem>>, vector<1x16xf32>,
        %get3A_539 = vector.shape_cast %get3A_538 : vector<1x16xf32> to vector<16xf32>
        %mul3A_540 = arith.mulf %get3A_535, %get3A_539 : vector<16xf32>
        %swap3A_541 = arith.index_cast %add3A_531 : i32 to index
        %swap3A_542 = arith.constant 112 : index
        %swap3A_543 = tpu.vector_load %arg11[%swap3A_541, %swap3A_542] {strides = array<i32>} : memref<80x128xf32, #tpu.memory_space<vmem>>, vector<1x16xf32>,
        %swap3A_544 = vector.shape_cast %swap3A_543 : vector<1x16xf32> to vector<16xf32>
        %swap3A_545 = vector.shape_cast %mul3A_540 : vector<16xf32> to vector<1x16xf32>
        tpu.vector_store %arg11[%swap3A_541, %swap3A_542], %swap3A_545 {strides = array<i32>} : memref<80x128xf32, #tpu.memory_space<vmem>>, vector<1x16xf32>,
      }
      %scan3A_181 = arith.constant 40 : i32
      %dma_start3A_182 = arith.constant 0 : i32
      %dma_start3A_183 = tpu.memref_slice %arg9[%add3A_160, %dma_start3A_182] : memref<125x80xi32, #tpu.memory_space<vmem>> -> memref<1x80xi32, #tpu.memory_space<vmem>>
      %dma_start3A_184 = tpu.memref_squeeze %dma_start3A_183 : memref<1x80xi32, #tpu.memory_space<vmem>> -> memref<80xi32, #tpu.memory_space<vmem>>
      %dma_start3A_185 = arith.constant 0 : i32
      %dma_start3A_186 = arith.constant 0 : i32
      %dma_start3A_187 = tpu.memref_slice %arg16[%dma_start3A_185, %dma_start3A_186] : memref<5008x128xf32, #tpu.memory_space<vmem_shared>> -> memref<5008x128xf32, #tpu.memory_space<vmem_shared>>
      tpu.enqueue_indirect_dma source(%arg11 : memref<80x128xf32, #tpu.memory_space<vmem>>) target(%dma_start3A_187 : memref<5008x128xf32, #tpu.memory_space<vmem_shared>>) offsets(%dma_start3A_184 : memref<80xi32, #tpu.memory_space<vmem>>) semaphore(%arg24 : memref<!tpu.dma_semaphore, #tpu.memory_space<semaphore_mem>>) {add = true}
      %sub3A_188 = arith.constant 1 : i32
      %sub3A_189 = arith.subi %add3A_160, %sub3A_188 : i32
      %max3A_190 = arith.constant 0 : i32
      %max3A_191 = arith.maxsi %sub3A_189, %max3A_190 : i32
      %ge3A_192 = arith.constant 1 : i32
      %ge3A_193 = arith.cmpi sge, %add3A_160, %ge3A_192 : i32
      %convert_element_type3A_194 = arith.extui %ge3A_193 : i1 to i32
      %cond3A_195 = arith.constant 0 : i32
      %cond3A_196 = arith.cmpi ne, %convert_element_type3A_194, %cond3A_195 : i32
      scf.if %cond3A_196 {
        %dma_wait3A_259 = arith.constant 0 : i32
        %dma_wait3A_260 = tpu.memref_slice %arg9[%max3A_191, %dma_wait3A_259] : memref<125x80xi32, #tpu.memory_space<vmem>> -> memref<1x80xi32, #tpu.memory_space<vmem>>
        %dma_wait3A_261 = tpu.memref_squeeze %dma_wait3A_260 : memref<1x80xi32, #tpu.memory_space<vmem>> -> memref<80xi32, #tpu.memory_space<vmem>>
        %dma_wait3A_262 = arith.constant 0 : i32
        %dma_wait3A_263 = arith.constant 0 : i32
        %dma_wait3A_264 = tpu.memref_slice %arg16[%dma_wait3A_262, %dma_wait3A_263] : memref<5008x128xf32, #tpu.memory_space<vmem_shared>> -> memref<5008x128xf32, #tpu.memory_space<vmem_shared>>
        tpu.wait_indirect_dma semaphore(%arg23 : memref<!tpu.dma_semaphore, #tpu.memory_space<semaphore_mem>>) src(%arg10 : memref<80x128xf32, #tpu.memory_space<vmem>>) dst(%dma_wait3A_264 : memref<5008x128xf32, #tpu.memory_space<vmem_shared>>)
      } else {
      }
      %add3A_197 = arith.constant 2 : i32
      %add3A_198 = arith.addi %add3A_160, %add3A_197 : i32
      %min3A_199 = arith.constant 124 : i32
      %min3A_200 = arith.minsi %add3A_198, %min3A_199 : i32
      %add3A_201 = arith.constant 2 : i32
      %add3A_202 = arith.addi %add3A_160, %add3A_201 : i32
      %le3A_203 = arith.constant 124 : i32
      %le3A_204 = arith.cmpi sle, %add3A_202, %le3A_203 : i32
      %convert_element_type3A_205 = arith.extui %le3A_204 : i1 to i32
      %cond3A_206 = arith.constant 0 : i32
      %cond3A_207 = arith.cmpi ne, %convert_element_type3A_205, %cond3A_206 : i32
      scf.if %cond3A_207 {
        %mul3A_259 = arith.constant 10000 : i32
        %mul3A_260 = arith.muli %arg1, %mul3A_259 : i32
        %mul3A_261 = arith.constant 80 : i32
        %mul3A_262 = arith.muli %min3A_200, %mul3A_261 : i32
        %add3A_263 = arith.addi %mul3A_260, %mul3A_262 : i32
        %dma_start3A_264 = arith.constant 0 : i32
        %dma_start3A_265 = tpu.memref_slice %arg2[%add3A_263, %dma_start3A_264] : memref<160000x128xf32, #tpu.memory_space<hbm>> -> memref<80x128xf32, #tpu.memory_space<hbm>>
        %dma_start3A_266 = arith.constant 0 : i32
        %dma_start3A_267 = tpu.memref_slice %arg2[%add3A_263, %dma_start3A_266] : memref<160000x128xf32, #tpu.memory_space<hbm>> -> memref<80x128xf32, #tpu.memory_space<hbm>>
        tpu.enqueue_dma source(%dma_start3A_267 : memref<80x128xf32, #tpu.memory_space<hbm>>) target(%arg13 : memref<80x128xf32, #tpu.memory_space<vmem>>) target_semaphore(%arg20 : memref<!tpu.dma_semaphore, #tpu.memory_space<semaphore_mem>>)
        %mul3A_268 = arith.constant 80 : i32
        %mul3A_269 = arith.muli %min3A_200, %mul3A_268 : i32
        %dma_start3A_270 = tpu.memref_slice %arg8[%mul3A_269] : memref<10000xi32, #tpu.memory_space<vmem>> -> memref<80xi32, #tpu.memory_space<vmem>>
        %dma_start3A_271 = arith.constant 0 : i32
        %dma_start3A_272 = arith.constant 0 : i32
        %dma_start3A_273 = tpu.memref_slice %arg3[%dma_start3A_271, %dma_start3A_272] : memref<10000x128xf32, #tpu.memory_space<hbm>> -> memref<10000x128xf32, #tpu.memory_space<hbm>>
        tpu.enqueue_indirect_dma source(%dma_start3A_273 : memref<10000x128xf32, #tpu.memory_space<hbm>>) target(%arg10 : memref<80x128xf32, #tpu.memory_space<vmem>>) offsets(%dma_start3A_270 : memref<80xi32, #tpu.memory_space<vmem>>) semaphore(%arg17 : memref<!tpu.dma_semaphore, #tpu.memory_space<semaphore_mem>>)
      } else {
      }
      %mul3A_208 = arith.constant 3 : i32
      %mul3A_209 = arith.muli %scan3A_112, %mul3A_208 : i32
      %add3A_210 = arith.constant 2 : i32
      %add3A_211 = arith.addi %mul3A_209, %add3A_210 : i32
      %mul3A_212 = arith.constant 10000 : i32
      %mul3A_213 = arith.muli %arg1, %mul3A_212 : i32
      %mul3A_214 = arith.constant 80 : i32
      %mul3A_215 = arith.muli %add3A_211, %mul3A_214 : i32
      %add3A_216 = arith.addi %mul3A_213, %mul3A_215 : i32
      %dma_wait3A_217 = arith.constant 0 : i32
      %dma_wait3A_218 = tpu.memref_slice %arg2[%add3A_216, %dma_wait3A_217] : memref<160000x128xf32, #tpu.memory_space<hbm>> -> memref<80x128xf32, #tpu.memory_space<hbm>>
      %dma_wait3A_219 = arith.constant 0 : i32
      %dma_wait3A_220 = tpu.memref_slice %arg2[%add3A_216, %dma_wait3A_219] : memref<160000x128xf32, #tpu.memory_space<hbm>> -> memref<80x128xf32, #tpu.memory_space<hbm>>
      tpu.wait_dma2 semaphore(%arg22 : memref<!tpu.dma_semaphore, #tpu.memory_space<semaphore_mem>>) src(%dma_wait3A_220 : memref<80x128xf32, #tpu.memory_space<hbm>>) dst(%arg15 : memref<80x128xf32, #tpu.memory_space<vmem>>)
      %mul3A_221 = arith.constant 80 : i32
      %mul3A_222 = arith.muli %add3A_211, %mul3A_221 : i32
      %dma_wait3A_223 = tpu.memref_slice %arg8[%mul3A_222] : memref<10000xi32, #tpu.memory_space<vmem>> -> memref<80xi32, #tpu.memory_space<vmem>>
      %dma_wait3A_224 = arith.constant 0 : i32
      %dma_wait3A_225 = arith.constant 0 : i32
      %dma_wait3A_226 = tpu.memref_slice %arg3[%dma_wait3A_224, %dma_wait3A_225] : memref<10000x128xf32, #tpu.memory_space<hbm>> -> memref<10000x128xf32, #tpu.memory_space<hbm>>
      tpu.wait_indirect_dma semaphore(%arg19 : memref<!tpu.dma_semaphore, #tpu.memory_space<semaphore_mem>>) src(%dma_wait3A_226 : memref<10000x128xf32, #tpu.memory_space<hbm>>) dst(%arg12 : memref<80x128xf32, #tpu.memory_space<vmem>>)
      %scan3A_227 = arith.constant 0 : i32
      %scan3A_228 = arith.constant 0 : i32
      %scan3A_229 = arith.constant 40 : i32
      %scan3A_230 = arith.addi %scan3A_228, %scan3A_229 : i32
      %scan3A_231 = arith.constant 1 : i32
      scf.for %scan3A_259 = %scan3A_228 to %scan3A_230 step %scan3A_231  : i32 {
        %mul3A_260 = arith.constant 2 : i32
        %mul3A_261 = arith.muli %mul3A_260, %scan3A_259 : i32
        %add3A_262 = arith.constant 0 : i32
        %add3A_263 = arith.addi %mul3A_261, %add3A_262 : i32
        %get3A = arith.index_cast %add3A_263 : i32 to index
        %get3A_264 = arith.constant 0 : index
        %get3A_265 = tpu.vector_load %arg12[%get3A, %get3A_264] {strides = array<i32>} : memref<80x128xf32, #tpu.memory_space<vmem>>, vector<1x16xf32>,
        %get3A_266 = vector.shape_cast %get3A_265 : vector<1x16xf32> to vector<16xf32>
        %get3A_267 = arith.index_cast %add3A_263 : i32 to index
        %get3A_268 = arith.constant 0 : index
        %get3A_269 = tpu.vector_load %arg15[%get3A_267, %get3A_268] {strides = array<i32>} : memref<80x128xf32, #tpu.memory_space<vmem>>, vector<1x16xf32>,
        %get3A_270 = vector.shape_cast %get3A_269 : vector<1x16xf32> to vector<16xf32>
        %mul3A_271 = arith.mulf %get3A_266, %get3A_270 : vector<16xf32>
        %swap3A = arith.index_cast %add3A_263 : i32 to index
        %swap3A_272 = arith.constant 0 : index
        %swap3A_273 = tpu.vector_load %arg12[%swap3A, %swap3A_272] {strides = array<i32>} : memref<80x128xf32, #tpu.memory_space<vmem>>, vector<1x16xf32>,
        %swap3A_274 = vector.shape_cast %swap3A_273 : vector<1x16xf32> to vector<16xf32>
        %swap3A_275 = vector.shape_cast %mul3A_271 : vector<16xf32> to vector<1x16xf32>
        tpu.vector_store %arg12[%swap3A, %swap3A_272], %swap3A_275 {strides = array<i32>} : memref<80x128xf32, #tpu.memory_space<vmem>>, vector<1x16xf32>,
        %mul3A_276 = arith.constant 2 : i32
        %mul3A_277 = arith.muli %mul3A_276, %scan3A_259 : i32
        %add3A_278 = arith.constant 0 : i32
        %add3A_279 = arith.addi %mul3A_277, %add3A_278 : i32
        %get3A_280 = arith.index_cast %add3A_279 : i32 to index
        %get3A_281 = arith.constant 16 : index
        %get3A_282 = tpu.vector_load %arg12[%get3A_280, %get3A_281] {strides = array<i32>} : memref<80x128xf32, #tpu.memory_space<vmem>>, vector<1x16xf32>,
        %get3A_283 = vector.shape_cast %get3A_282 : vector<1x16xf32> to vector<16xf32>
        %get3A_284 = arith.index_cast %add3A_279 : i32 to index
        %get3A_285 = arith.constant 16 : index
        %get3A_286 = tpu.vector_load %arg15[%get3A_284, %get3A_285] {strides = array<i32>} : memref<80x128xf32, #tpu.memory_space<vmem>>, vector<1x16xf32>,
        %get3A_287 = vector.shape_cast %get3A_286 : vector<1x16xf32> to vector<16xf32>
        %mul3A_288 = arith.mulf %get3A_283, %get3A_287 : vector<16xf32>
        %swap3A_289 = arith.index_cast %add3A_279 : i32 to index
        %swap3A_290 = arith.constant 16 : index
        %swap3A_291 = tpu.vector_load %arg12[%swap3A_289, %swap3A_290] {strides = array<i32>} : memref<80x128xf32, #tpu.memory_space<vmem>>, vector<1x16xf32>,
        %swap3A_292 = vector.shape_cast %swap3A_291 : vector<1x16xf32> to vector<16xf32>
        %swap3A_293 = vector.shape_cast %mul3A_288 : vector<16xf32> to vector<1x16xf32>
        tpu.vector_store %arg12[%swap3A_289, %swap3A_290], %swap3A_293 {strides = array<i32>} : memref<80x128xf32, #tpu.memory_space<vmem>>, vector<1x16xf32>,
        %mul3A_294 = arith.constant 2 : i32
        %mul3A_295 = arith.muli %mul3A_294, %scan3A_259 : i32
        %add3A_296 = arith.constant 0 : i32
        %add3A_297 = arith.addi %mul3A_295, %add3A_296 : i32
        %get3A_298 = arith.index_cast %add3A_297 : i32 to index
        %get3A_299 = arith.constant 32 : index
        %get3A_300 = tpu.vector_load %arg12[%get3A_298, %get3A_299] {strides = array<i32>} : memref<80x128xf32, #tpu.memory_space<vmem>>, vector<1x16xf32>,
        %get3A_301 = vector.shape_cast %get3A_300 : vector<1x16xf32> to vector<16xf32>
        %get3A_302 = arith.index_cast %add3A_297 : i32 to index
        %get3A_303 = arith.constant 32 : index
        %get3A_304 = tpu.vector_load %arg15[%get3A_302, %get3A_303] {strides = array<i32>} : memref<80x128xf32, #tpu.memory_space<vmem>>, vector<1x16xf32>,
        %get3A_305 = vector.shape_cast %get3A_304 : vector<1x16xf32> to vector<16xf32>
        %mul3A_306 = arith.mulf %get3A_301, %get3A_305 : vector<16xf32>
        %swap3A_307 = arith.index_cast %add3A_297 : i32 to index
        %swap3A_308 = arith.constant 32 : index
        %swap3A_309 = tpu.vector_load %arg12[%swap3A_307, %swap3A_308] {strides = array<i32>} : memref<80x128xf32, #tpu.memory_space<vmem>>, vector<1x16xf32>,
        %swap3A_310 = vector.shape_cast %swap3A_309 : vector<1x16xf32> to vector<16xf32>
        %swap3A_311 = vector.shape_cast %mul3A_306 : vector<16xf32> to vector<1x16xf32>
        tpu.vector_store %arg12[%swap3A_307, %swap3A_308], %swap3A_311 {strides = array<i32>} : memref<80x128xf32, #tpu.memory_space<vmem>>, vector<1x16xf32>,
        %mul3A_312 = arith.constant 2 : i32
        %mul3A_313 = arith.muli %mul3A_312, %scan3A_259 : i32
        %add3A_314 = arith.constant 0 : i32
        %add3A_315 = arith.addi %mul3A_313, %add3A_314 : i32
        %get3A_316 = arith.index_cast %add3A_315 : i32 to index
        %get3A_317 = arith.constant 48 : index
        %get3A_318 = tpu.vector_load %arg12[%get3A_316, %get3A_317] {strides = array<i32>} : memref<80x128xf32, #tpu.memory_space<vmem>>, vector<1x16xf32>,
        %get3A_319 = vector.shape_cast %get3A_318 : vector<1x16xf32> to vector<16xf32>
        %get3A_320 = arith.index_cast %add3A_315 : i32 to index
        %get3A_321 = arith.constant 48 : index
        %get3A_322 = tpu.vector_load %arg15[%get3A_320, %get3A_321] {strides = array<i32>} : memref<80x128xf32, #tpu.memory_space<vmem>>, vector<1x16xf32>,
        %get3A_323 = vector.shape_cast %get3A_322 : vector<1x16xf32> to vector<16xf32>
        %mul3A_324 = arith.mulf %get3A_319, %get3A_323 : vector<16xf32>
        %swap3A_325 = arith.index_cast %add3A_315 : i32 to index
        %swap3A_326 = arith.constant 48 : index
        %swap3A_327 = tpu.vector_load %arg12[%swap3A_325, %swap3A_326] {strides = array<i32>} : memref<80x128xf32, #tpu.memory_space<vmem>>, vector<1x16xf32>,
        %swap3A_328 = vector.shape_cast %swap3A_327 : vector<1x16xf32> to vector<16xf32>
        %swap3A_329 = vector.shape_cast %mul3A_324 : vector<16xf32> to vector<1x16xf32>
        tpu.vector_store %arg12[%swap3A_325, %swap3A_326], %swap3A_329 {strides = array<i32>} : memref<80x128xf32, #tpu.memory_space<vmem>>, vector<1x16xf32>,
        %mul3A_330 = arith.constant 2 : i32
        %mul3A_331 = arith.muli %mul3A_330, %scan3A_259 : i32
        %add3A_332 = arith.constant 0 : i32
        %add3A_333 = arith.addi %mul3A_331, %add3A_332 : i32
        %get3A_334 = arith.index_cast %add3A_333 : i32 to index
        %get3A_335 = arith.constant 64 : index
        %get3A_336 = tpu.vector_load %arg12[%get3A_334, %get3A_335] {strides = array<i32>} : memref<80x128xf32, #tpu.memory_space<vmem>>, vector<1x16xf32>,
        %get3A_337 = vector.shape_cast %get3A_336 : vector<1x16xf32> to vector<16xf32>
        %get3A_338 = arith.index_cast %add3A_333 : i32 to index
        %get3A_339 = arith.constant 64 : index
        %get3A_340 = tpu.vector_load %arg15[%get3A_338, %get3A_339] {strides = array<i32>} : memref<80x128xf32, #tpu.memory_space<vmem>>, vector<1x16xf32>,
        %get3A_341 = vector.shape_cast %get3A_340 : vector<1x16xf32> to vector<16xf32>
        %mul3A_342 = arith.mulf %get3A_337, %get3A_341 : vector<16xf32>
        %swap3A_343 = arith.index_cast %add3A_333 : i32 to index
        %swap3A_344 = arith.constant 64 : index
        %swap3A_345 = tpu.vector_load %arg12[%swap3A_343, %swap3A_344] {strides = array<i32>} : memref<80x128xf32, #tpu.memory_space<vmem>>, vector<1x16xf32>,
        %swap3A_346 = vector.shape_cast %swap3A_345 : vector<1x16xf32> to vector<16xf32>
        %swap3A_347 = vector.shape_cast %mul3A_342 : vector<16xf32> to vector<1x16xf32>
        tpu.vector_store %arg12[%swap3A_343, %swap3A_344], %swap3A_347 {strides = array<i32>} : memref<80x128xf32, #tpu.memory_space<vmem>>, vector<1x16xf32>,
        %mul3A_348 = arith.constant 2 : i32
        %mul3A_349 = arith.muli %mul3A_348, %scan3A_259 : i32
        %add3A_350 = arith.constant 0 : i32
        %add3A_351 = arith.addi %mul3A_349, %add3A_350 : i32
        %get3A_352 = arith.index_cast %add3A_351 : i32 to index
        %get3A_353 = arith.constant 80 : index
        %get3A_354 = tpu.vector_load %arg12[%get3A_352, %get3A_353] {strides = array<i32>} : memref<80x128xf32, #tpu.memory_space<vmem>>, vector<1x16xf32>,
        %get3A_355 = vector.shape_cast %get3A_354 : vector<1x16xf32> to vector<16xf32>
        %get3A_356 = arith.index_cast %add3A_351 : i32 to index
        %get3A_357 = arith.constant 80 : index
        %get3A_358 = tpu.vector_load %arg15[%get3A_356, %get3A_357] {strides = array<i32>} : memref<80x128xf32, #tpu.memory_space<vmem>>, vector<1x16xf32>,
        %get3A_359 = vector.shape_cast %get3A_358 : vector<1x16xf32> to vector<16xf32>
        %mul3A_360 = arith.mulf %get3A_355, %get3A_359 : vector<16xf32>
        %swap3A_361 = arith.index_cast %add3A_351 : i32 to index
        %swap3A_362 = arith.constant 80 : index
        %swap3A_363 = tpu.vector_load %arg12[%swap3A_361, %swap3A_362] {strides = array<i32>} : memref<80x128xf32, #tpu.memory_space<vmem>>, vector<1x16xf32>,
        %swap3A_364 = vector.shape_cast %swap3A_363 : vector<1x16xf32> to vector<16xf32>
        %swap3A_365 = vector.shape_cast %mul3A_360 : vector<16xf32> to vector<1x16xf32>
        tpu.vector_store %arg12[%swap3A_361, %swap3A_362], %swap3A_365 {strides = array<i32>} : memref<80x128xf32, #tpu.memory_space<vmem>>, vector<1x16xf32>,
        %mul3A_366 = arith.constant 2 : i32
        %mul3A_367 = arith.muli %mul3A_366, %scan3A_259 : i32
        %add3A_368 = arith.constant 0 : i32
        %add3A_369 = arith.addi %mul3A_367, %add3A_368 : i32
        %get3A_370 = arith.index_cast %add3A_369 : i32 to index
        %get3A_371 = arith.constant 96 : index
        %get3A_372 = tpu.vector_load %arg12[%get3A_370, %get3A_371] {strides = array<i32>} : memref<80x128xf32, #tpu.memory_space<vmem>>, vector<1x16xf32>,
        %get3A_373 = vector.shape_cast %get3A_372 : vector<1x16xf32> to vector<16xf32>
        %get3A_374 = arith.index_cast %add3A_369 : i32 to index
        %get3A_375 = arith.constant 96 : index
        %get3A_376 = tpu.vector_load %arg15[%get3A_374, %get3A_375] {strides = array<i32>} : memref<80x128xf32, #tpu.memory_space<vmem>>, vector<1x16xf32>,
        %get3A_377 = vector.shape_cast %get3A_376 : vector<1x16xf32> to vector<16xf32>
        %mul3A_378 = arith.mulf %get3A_373, %get3A_377 : vector<16xf32>
        %swap3A_379 = arith.index_cast %add3A_369 : i32 to index
        %swap3A_380 = arith.constant 96 : index
        %swap3A_381 = tpu.vector_load %arg12[%swap3A_379, %swap3A_380] {strides = array<i32>} : memref<80x128xf32, #tpu.memory_space<vmem>>, vector<1x16xf32>,
        %swap3A_382 = vector.shape_cast %swap3A_381 : vector<1x16xf32> to vector<16xf32>
        %swap3A_383 = vector.shape_cast %mul3A_378 : vector<16xf32> to vector<1x16xf32>
        tpu.vector_store %arg12[%swap3A_379, %swap3A_380], %swap3A_383 {strides = array<i32>} : memref<80x128xf32, #tpu.memory_space<vmem>>, vector<1x16xf32>,
        %mul3A_384 = arith.constant 2 : i32
        %mul3A_385 = arith.muli %mul3A_384, %scan3A_259 : i32
        %add3A_386 = arith.constant 0 : i32
        %add3A_387 = arith.addi %mul3A_385, %add3A_386 : i32
        %get3A_388 = arith.index_cast %add3A_387 : i32 to index
        %get3A_389 = arith.constant 112 : index
        %get3A_390 = tpu.vector_load %arg12[%get3A_388, %get3A_389] {strides = array<i32>} : memref<80x128xf32, #tpu.memory_space<vmem>>, vector<1x16xf32>,
        %get3A_391 = vector.shape_cast %get3A_390 : vector<1x16xf32> to vector<16xf32>
        %get3A_392 = arith.index_cast %add3A_387 : i32 to index
        %get3A_393 = arith.constant 112 : index
        %get3A_394 = tpu.vector_load %arg15[%get3A_392, %get3A_393] {strides = array<i32>} : memref<80x128xf32, #tpu.memory_space<vmem>>, vector<1x16xf32>,
        %get3A_395 = vector.shape_cast %get3A_394 : vector<1x16xf32> to vector<16xf32>
        %mul3A_396 = arith.mulf %get3A_391, %get3A_395 : vector<16xf32>
        %swap3A_397 = arith.index_cast %add3A_387 : i32 to index
        %swap3A_398 = arith.constant 112 : index
        %swap3A_399 = tpu.vector_load %arg12[%swap3A_397, %swap3A_398] {strides = array<i32>} : memref<80x128xf32, #tpu.memory_space<vmem>>, vector<1x16xf32>,
        %swap3A_400 = vector.shape_cast %swap3A_399 : vector<1x16xf32> to vector<16xf32>
        %swap3A_401 = vector.shape_cast %mul3A_396 : vector<16xf32> to vector<1x16xf32>
        tpu.vector_store %arg12[%swap3A_397, %swap3A_398], %swap3A_401 {strides = array<i32>} : memref<80x128xf32, #tpu.memory_space<vmem>>, vector<1x16xf32>,
        %mul3A_402 = arith.constant 2 : i32
        %mul3A_403 = arith.muli %mul3A_402, %scan3A_259 : i32
        %add3A_404 = arith.constant 1 : i32
        %add3A_405 = arith.addi %mul3A_403, %add3A_404 : i32
        %get3A_406 = arith.index_cast %add3A_405 : i32 to index
        %get3A_407 = arith.constant 0 : index
        %get3A_408 = tpu.vector_load %arg12[%get3A_406, %get3A_407] {strides = array<i32>} : memref<80x128xf32, #tpu.memory_space<vmem>>, vector<1x16xf32>,
        %get3A_409 = vector.shape_cast %get3A_408 : vector<1x16xf32> to vector<16xf32>
        %get3A_410 = arith.index_cast %add3A_405 : i32 to index
        %get3A_411 = arith.constant 0 : index
        %get3A_412 = tpu.vector_load %arg15[%get3A_410, %get3A_411] {strides = array<i32>} : memref<80x128xf32, #tpu.memory_space<vmem>>, vector<1x16xf32>,
        %get3A_413 = vector.shape_cast %get3A_412 : vector<1x16xf32> to vector<16xf32>
        %mul3A_414 = arith.mulf %get3A_409, %get3A_413 : vector<16xf32>
        %swap3A_415 = arith.index_cast %add3A_405 : i32 to index
        %swap3A_416 = arith.constant 0 : index
        %swap3A_417 = tpu.vector_load %arg12[%swap3A_415, %swap3A_416] {strides = array<i32>} : memref<80x128xf32, #tpu.memory_space<vmem>>, vector<1x16xf32>,
        %swap3A_418 = vector.shape_cast %swap3A_417 : vector<1x16xf32> to vector<16xf32>
        %swap3A_419 = vector.shape_cast %mul3A_414 : vector<16xf32> to vector<1x16xf32>
        tpu.vector_store %arg12[%swap3A_415, %swap3A_416], %swap3A_419 {strides = array<i32>} : memref<80x128xf32, #tpu.memory_space<vmem>>, vector<1x16xf32>,
        %mul3A_420 = arith.constant 2 : i32
        %mul3A_421 = arith.muli %mul3A_420, %scan3A_259 : i32
        %add3A_422 = arith.constant 1 : i32
        %add3A_423 = arith.addi %mul3A_421, %add3A_422 : i32
        %get3A_424 = arith.index_cast %add3A_423 : i32 to index
        %get3A_425 = arith.constant 16 : index
        %get3A_426 = tpu.vector_load %arg12[%get3A_424, %get3A_425] {strides = array<i32>} : memref<80x128xf32, #tpu.memory_space<vmem>>, vector<1x16xf32>,
        %get3A_427 = vector.shape_cast %get3A_426 : vector<1x16xf32> to vector<16xf32>
        %get3A_428 = arith.index_cast %add3A_423 : i32 to index
        %get3A_429 = arith.constant 16 : index
        %get3A_430 = tpu.vector_load %arg15[%get3A_428, %get3A_429] {strides = array<i32>} : memref<80x128xf32, #tpu.memory_space<vmem>>, vector<1x16xf32>,
        %get3A_431 = vector.shape_cast %get3A_430 : vector<1x16xf32> to vector<16xf32>
        %mul3A_432 = arith.mulf %get3A_427, %get3A_431 : vector<16xf32>
        %swap3A_433 = arith.index_cast %add3A_423 : i32 to index
        %swap3A_434 = arith.constant 16 : index
        %swap3A_435 = tpu.vector_load %arg12[%swap3A_433, %swap3A_434] {strides = array<i32>} : memref<80x128xf32, #tpu.memory_space<vmem>>, vector<1x16xf32>,
        %swap3A_436 = vector.shape_cast %swap3A_435 : vector<1x16xf32> to vector<16xf32>
        %swap3A_437 = vector.shape_cast %mul3A_432 : vector<16xf32> to vector<1x16xf32>
        tpu.vector_store %arg12[%swap3A_433, %swap3A_434], %swap3A_437 {strides = array<i32>} : memref<80x128xf32, #tpu.memory_space<vmem>>, vector<1x16xf32>,
        %mul3A_438 = arith.constant 2 : i32
        %mul3A_439 = arith.muli %mul3A_438, %scan3A_259 : i32
        %add3A_440 = arith.constant 1 : i32
        %add3A_441 = arith.addi %mul3A_439, %add3A_440 : i32
        %get3A_442 = arith.index_cast %add3A_441 : i32 to index
        %get3A_443 = arith.constant 32 : index
        %get3A_444 = tpu.vector_load %arg12[%get3A_442, %get3A_443] {strides = array<i32>} : memref<80x128xf32, #tpu.memory_space<vmem>>, vector<1x16xf32>,
        %get3A_445 = vector.shape_cast %get3A_444 : vector<1x16xf32> to vector<16xf32>
        %get3A_446 = arith.index_cast %add3A_441 : i32 to index
        %get3A_447 = arith.constant 32 : index
        %get3A_448 = tpu.vector_load %arg15[%get3A_446, %get3A_447] {strides = array<i32>} : memref<80x128xf32, #tpu.memory_space<vmem>>, vector<1x16xf32>,
        %get3A_449 = vector.shape_cast %get3A_448 : vector<1x16xf32> to vector<16xf32>
        %mul3A_450 = arith.mulf %get3A_445, %get3A_449 : vector<16xf32>
        %swap3A_451 = arith.index_cast %add3A_441 : i32 to index
        %swap3A_452 = arith.constant 32 : index
        %swap3A_453 = tpu.vector_load %arg12[%swap3A_451, %swap3A_452] {strides = array<i32>} : memref<80x128xf32, #tpu.memory_space<vmem>>, vector<1x16xf32>,
        %swap3A_454 = vector.shape_cast %swap3A_453 : vector<1x16xf32> to vector<16xf32>
        %swap3A_455 = vector.shape_cast %mul3A_450 : vector<16xf32> to vector<1x16xf32>
        tpu.vector_store %arg12[%swap3A_451, %swap3A_452], %swap3A_455 {strides = array<i32>} : memref<80x128xf32, #tpu.memory_space<vmem>>, vector<1x16xf32>,
        %mul3A_456 = arith.constant 2 : i32
        %mul3A_457 = arith.muli %mul3A_456, %scan3A_259 : i32
        %add3A_458 = arith.constant 1 : i32
        %add3A_459 = arith.addi %mul3A_457, %add3A_458 : i32
        %get3A_460 = arith.index_cast %add3A_459 : i32 to index
        %get3A_461 = arith.constant 48 : index
        %get3A_462 = tpu.vector_load %arg12[%get3A_460, %get3A_461] {strides = array<i32>} : memref<80x128xf32, #tpu.memory_space<vmem>>, vector<1x16xf32>,
        %get3A_463 = vector.shape_cast %get3A_462 : vector<1x16xf32> to vector<16xf32>
        %get3A_464 = arith.index_cast %add3A_459 : i32 to index
        %get3A_465 = arith.constant 48 : index
        %get3A_466 = tpu.vector_load %arg15[%get3A_464, %get3A_465] {strides = array<i32>} : memref<80x128xf32, #tpu.memory_space<vmem>>, vector<1x16xf32>,
        %get3A_467 = vector.shape_cast %get3A_466 : vector<1x16xf32> to vector<16xf32>
        %mul3A_468 = arith.mulf %get3A_463, %get3A_467 : vector<16xf32>
        %swap3A_469 = arith.index_cast %add3A_459 : i32 to index
        %swap3A_470 = arith.constant 48 : index
        %swap3A_471 = tpu.vector_load %arg12[%swap3A_469, %swap3A_470] {strides = array<i32>} : memref<80x128xf32, #tpu.memory_space<vmem>>, vector<1x16xf32>,
        %swap3A_472 = vector.shape_cast %swap3A_471 : vector<1x16xf32> to vector<16xf32>
        %swap3A_473 = vector.shape_cast %mul3A_468 : vector<16xf32> to vector<1x16xf32>
        tpu.vector_store %arg12[%swap3A_469, %swap3A_470], %swap3A_473 {strides = array<i32>} : memref<80x128xf32, #tpu.memory_space<vmem>>, vector<1x16xf32>,
        %mul3A_474 = arith.constant 2 : i32
        %mul3A_475 = arith.muli %mul3A_474, %scan3A_259 : i32
        %add3A_476 = arith.constant 1 : i32
        %add3A_477 = arith.addi %mul3A_475, %add3A_476 : i32
        %get3A_478 = arith.index_cast %add3A_477 : i32 to index
        %get3A_479 = arith.constant 64 : index
        %get3A_480 = tpu.vector_load %arg12[%get3A_478, %get3A_479] {strides = array<i32>} : memref<80x128xf32, #tpu.memory_space<vmem>>, vector<1x16xf32>,
        %get3A_481 = vector.shape_cast %get3A_480 : vector<1x16xf32> to vector<16xf32>
        %get3A_482 = arith.index_cast %add3A_477 : i32 to index
        %get3A_483 = arith.constant 64 : index
        %get3A_484 = tpu.vector_load %arg15[%get3A_482, %get3A_483] {strides = array<i32>} : memref<80x128xf32, #tpu.memory_space<vmem>>, vector<1x16xf32>,
        %get3A_485 = vector.shape_cast %get3A_484 : vector<1x16xf32> to vector<16xf32>
        %mul3A_486 = arith.mulf %get3A_481, %get3A_485 : vector<16xf32>
        %swap3A_487 = arith.index_cast %add3A_477 : i32 to index
        %swap3A_488 = arith.constant 64 : index
        %swap3A_489 = tpu.vector_load %arg12[%swap3A_487, %swap3A_488] {strides = array<i32>} : memref<80x128xf32, #tpu.memory_space<vmem>>, vector<1x16xf32>,
        %swap3A_490 = vector.shape_cast %swap3A_489 : vector<1x16xf32> to vector<16xf32>
        %swap3A_491 = vector.shape_cast %mul3A_486 : vector<16xf32> to vector<1x16xf32>
        tpu.vector_store %arg12[%swap3A_487, %swap3A_488], %swap3A_491 {strides = array<i32>} : memref<80x128xf32, #tpu.memory_space<vmem>>, vector<1x16xf32>,
        %mul3A_492 = arith.constant 2 : i32
        %mul3A_493 = arith.muli %mul3A_492, %scan3A_259 : i32
        %add3A_494 = arith.constant 1 : i32
        %add3A_495 = arith.addi %mul3A_493, %add3A_494 : i32
        %get3A_496 = arith.index_cast %add3A_495 : i32 to index
        %get3A_497 = arith.constant 80 : index
        %get3A_498 = tpu.vector_load %arg12[%get3A_496, %get3A_497] {strides = array<i32>} : memref<80x128xf32, #tpu.memory_space<vmem>>, vector<1x16xf32>,
        %get3A_499 = vector.shape_cast %get3A_498 : vector<1x16xf32> to vector<16xf32>
        %get3A_500 = arith.index_cast %add3A_495 : i32 to index
        %get3A_501 = arith.constant 80 : index
        %get3A_502 = tpu.vector_load %arg15[%get3A_500, %get3A_501] {strides = array<i32>} : memref<80x128xf32, #tpu.memory_space<vmem>>, vector<1x16xf32>,
        %get3A_503 = vector.shape_cast %get3A_502 : vector<1x16xf32> to vector<16xf32>
        %mul3A_504 = arith.mulf %get3A_499, %get3A_503 : vector<16xf32>
        %swap3A_505 = arith.index_cast %add3A_495 : i32 to index
        %swap3A_506 = arith.constant 80 : index
        %swap3A_507 = tpu.vector_load %arg12[%swap3A_505, %swap3A_506] {strides = array<i32>} : memref<80x128xf32, #tpu.memory_space<vmem>>, vector<1x16xf32>,
        %swap3A_508 = vector.shape_cast %swap3A_507 : vector<1x16xf32> to vector<16xf32>
        %swap3A_509 = vector.shape_cast %mul3A_504 : vector<16xf32> to vector<1x16xf32>
        tpu.vector_store %arg12[%swap3A_505, %swap3A_506], %swap3A_509 {strides = array<i32>} : memref<80x128xf32, #tpu.memory_space<vmem>>, vector<1x16xf32>,
        %mul3A_510 = arith.constant 2 : i32
        %mul3A_511 = arith.muli %mul3A_510, %scan3A_259 : i32
        %add3A_512 = arith.constant 1 : i32
        %add3A_513 = arith.addi %mul3A_511, %add3A_512 : i32
        %get3A_514 = arith.index_cast %add3A_513 : i32 to index
        %get3A_515 = arith.constant 96 : index
        %get3A_516 = tpu.vector_load %arg12[%get3A_514, %get3A_515] {strides = array<i32>} : memref<80x128xf32, #tpu.memory_space<vmem>>, vector<1x16xf32>,
        %get3A_517 = vector.shape_cast %get3A_516 : vector<1x16xf32> to vector<16xf32>
        %get3A_518 = arith.index_cast %add3A_513 : i32 to index
        %get3A_519 = arith.constant 96 : index
        %get3A_520 = tpu.vector_load %arg15[%get3A_518, %get3A_519] {strides = array<i32>} : memref<80x128xf32, #tpu.memory_space<vmem>>, vector<1x16xf32>,
        %get3A_521 = vector.shape_cast %get3A_520 : vector<1x16xf32> to vector<16xf32>
        %mul3A_522 = arith.mulf %get3A_517, %get3A_521 : vector<16xf32>
        %swap3A_523 = arith.index_cast %add3A_513 : i32 to index
        %swap3A_524 = arith.constant 96 : index
        %swap3A_525 = tpu.vector_load %arg12[%swap3A_523, %swap3A_524] {strides = array<i32>} : memref<80x128xf32, #tpu.memory_space<vmem>>, vector<1x16xf32>,
        %swap3A_526 = vector.shape_cast %swap3A_525 : vector<1x16xf32> to vector<16xf32>
        %swap3A_527 = vector.shape_cast %mul3A_522 : vector<16xf32> to vector<1x16xf32>
        tpu.vector_store %arg12[%swap3A_523, %swap3A_524], %swap3A_527 {strides = array<i32>} : memref<80x128xf32, #tpu.memory_space<vmem>>, vector<1x16xf32>,
        %mul3A_528 = arith.constant 2 : i32
        %mul3A_529 = arith.muli %mul3A_528, %scan3A_259 : i32
        %add3A_530 = arith.constant 1 : i32
        %add3A_531 = arith.addi %mul3A_529, %add3A_530 : i32
        %get3A_532 = arith.index_cast %add3A_531 : i32 to index
        %get3A_533 = arith.constant 112 : index
        %get3A_534 = tpu.vector_load %arg12[%get3A_532, %get3A_533] {strides = array<i32>} : memref<80x128xf32, #tpu.memory_space<vmem>>, vector<1x16xf32>,
        %get3A_535 = vector.shape_cast %get3A_534 : vector<1x16xf32> to vector<16xf32>
        %get3A_536 = arith.index_cast %add3A_531 : i32 to index
        %get3A_537 = arith.constant 112 : index
        %get3A_538 = tpu.vector_load %arg15[%get3A_536, %get3A_537] {strides = array<i32>} : memref<80x128xf32, #tpu.memory_space<vmem>>, vector<1x16xf32>,
        %get3A_539 = vector.shape_cast %get3A_538 : vector<1x16xf32> to vector<16xf32>
        %mul3A_540 = arith.mulf %get3A_535, %get3A_539 : vector<16xf32>
        %swap3A_541 = arith.index_cast %add3A_531 : i32 to index
        %swap3A_542 = arith.constant 112 : index
        %swap3A_543 = tpu.vector_load %arg12[%swap3A_541, %swap3A_542] {strides = array<i32>} : memref<80x128xf32, #tpu.memory_space<vmem>>, vector<1x16xf32>,
        %swap3A_544 = vector.shape_cast %swap3A_543 : vector<1x16xf32> to vector<16xf32>
        %swap3A_545 = vector.shape_cast %mul3A_540 : vector<16xf32> to vector<1x16xf32>
        tpu.vector_store %arg12[%swap3A_541, %swap3A_542], %swap3A_545 {strides = array<i32>} : memref<80x128xf32, #tpu.memory_space<vmem>>, vector<1x16xf32>,
      }
      %scan3A_232 = arith.constant 40 : i32
      %dma_start3A_233 = arith.constant 0 : i32
      %dma_start3A_234 = tpu.memref_slice %arg9[%add3A_211, %dma_start3A_233] : memref<125x80xi32, #tpu.memory_space<vmem>> -> memref<1x80xi32, #tpu.memory_space<vmem>>
      %dma_start3A_235 = tpu.memref_squeeze %dma_start3A_234 : memref<1x80xi32, #tpu.memory_space<vmem>> -> memref<80xi32, #tpu.memory_space<vmem>>
      %dma_start3A_236 = arith.constant 0 : i32
      %dma_start3A_237 = arith.constant 0 : i32
      %dma_start3A_238 = tpu.memref_slice %arg16[%dma_start3A_236, %dma_start3A_237] : memref<5008x128xf32, #tpu.memory_space<vmem_shared>> -> memref<5008x128xf32, #tpu.memory_space<vmem_shared>>
      tpu.enqueue_indirect_dma source(%arg12 : memref<80x128xf32, #tpu.memory_space<vmem>>) target(%dma_start3A_238 : memref<5008x128xf32, #tpu.memory_space<vmem_shared>>) offsets(%dma_start3A_235 : memref<80xi32, #tpu.memory_space<vmem>>) semaphore(%arg25 : memref<!tpu.dma_semaphore, #tpu.memory_space<semaphore_mem>>) {add = true}
      %sub3A_239 = arith.constant 1 : i32
      %sub3A_240 = arith.subi %add3A_211, %sub3A_239 : i32
      %max3A_241 = arith.constant 0 : i32
      %max3A_242 = arith.maxsi %sub3A_240, %max3A_241 : i32
      %ge3A_243 = arith.constant 1 : i32
      %ge3A_244 = arith.cmpi sge, %add3A_211, %ge3A_243 : i32
      %convert_element_type3A_245 = arith.extui %ge3A_244 : i1 to i32
      %cond3A_246 = arith.constant 0 : i32
      %cond3A_247 = arith.cmpi ne, %convert_element_type3A_245, %cond3A_246 : i32
      scf.if %cond3A_247 {
        %dma_wait3A_259 = arith.constant 0 : i32
        %dma_wait3A_260 = tpu.memref_slice %arg9[%max3A_242, %dma_wait3A_259] : memref<125x80xi32, #tpu.memory_space<vmem>> -> memref<1x80xi32, #tpu.memory_space<vmem>>
        %dma_wait3A_261 = tpu.memref_squeeze %dma_wait3A_260 : memref<1x80xi32, #tpu.memory_space<vmem>> -> memref<80xi32, #tpu.memory_space<vmem>>
        %dma_wait3A_262 = arith.constant 0 : i32
        %dma_wait3A_263 = arith.constant 0 : i32
        %dma_wait3A_264 = tpu.memref_slice %arg16[%dma_wait3A_262, %dma_wait3A_263] : memref<5008x128xf32, #tpu.memory_space<vmem_shared>> -> memref<5008x128xf32, #tpu.memory_space<vmem_shared>>
        tpu.wait_indirect_dma semaphore(%arg24 : memref<!tpu.dma_semaphore, #tpu.memory_space<semaphore_mem>>) src(%arg11 : memref<80x128xf32, #tpu.memory_space<vmem>>) dst(%dma_wait3A_264 : memref<5008x128xf32, #tpu.memory_space<vmem_shared>>)
      } else {
      }
      %add3A_248 = arith.constant 2 : i32
      %add3A_249 = arith.addi %add3A_211, %add3A_248 : i32
      %min3A_250 = arith.constant 124 : i32
      %min3A_251 = arith.minsi %add3A_249, %min3A_250 : i32
      %add3A_252 = arith.constant 2 : i32
      %add3A_253 = arith.addi %add3A_211, %add3A_252 : i32
      %le3A_254 = arith.constant 124 : i32
      %le3A_255 = arith.cmpi sle, %add3A_253, %le3A_254 : i32
      %convert_element_type3A_256 = arith.extui %le3A_255 : i1 to i32
      %cond3A_257 = arith.constant 0 : i32
      %cond3A_258 = arith.cmpi ne, %convert_element_type3A_256, %cond3A_257 : i32
      scf.if %cond3A_258 {
        %mul3A_259 = arith.constant 10000 : i32
        %mul3A_260 = arith.muli %arg1, %mul3A_259 : i32
        %mul3A_261 = arith.constant 80 : i32
        %mul3A_262 = arith.muli %min3A_251, %mul3A_261 : i32
        %add3A_263 = arith.addi %mul3A_260, %mul3A_262 : i32
        %dma_start3A_264 = arith.constant 0 : i32
        %dma_start3A_265 = tpu.memref_slice %arg2[%add3A_263, %dma_start3A_264] : memref<160000x128xf32, #tpu.memory_space<hbm>> -> memref<80x128xf32, #tpu.memory_space<hbm>>
        %dma_start3A_266 = arith.constant 0 : i32
        %dma_start3A_267 = tpu.memref_slice %arg2[%add3A_263, %dma_start3A_266] : memref<160000x128xf32, #tpu.memory_space<hbm>> -> memref<80x128xf32, #tpu.memory_space<hbm>>
        tpu.enqueue_dma source(%dma_start3A_267 : memref<80x128xf32, #tpu.memory_space<hbm>>) target(%arg14 : memref<80x128xf32, #tpu.memory_space<vmem>>) target_semaphore(%arg21 : memref<!tpu.dma_semaphore, #tpu.memory_space<semaphore_mem>>)
        %mul3A_268 = arith.constant 80 : i32
        %mul3A_269 = arith.muli %min3A_251, %mul3A_268 : i32
        %dma_start3A_270 = tpu.memref_slice %arg8[%mul3A_269] : memref<10000xi32, #tpu.memory_space<vmem>> -> memref<80xi32, #tpu.memory_space<vmem>>
        %dma_start3A_271 = arith.constant 0 : i32
        %dma_start3A_272 = arith.constant 0 : i32
        %dma_start3A_273 = tpu.memref_slice %arg3[%dma_start3A_271, %dma_start3A_272] : memref<10000x128xf32, #tpu.memory_space<hbm>> -> memref<10000x128xf32, #tpu.memory_space<hbm>>
        tpu.enqueue_indirect_dma source(%dma_start3A_273 : memref<10000x128xf32, #tpu.memory_space<hbm>>) target(%arg11 : memref<80x128xf32, #tpu.memory_space<vmem>>) offsets(%dma_start3A_270 : memref<80xi32, #tpu.memory_space<vmem>>) semaphore(%arg18 : memref<!tpu.dma_semaphore, #tpu.memory_space<semaphore_mem>>)
      } else {
      }
    }
    %scan3A_34 = arith.constant 41 : i32
    %mul3A_35 = arith.constant 10000 : i32
    %mul3A_36 = arith.muli %arg1, %mul3A_35 : i32
    %add3A_37 = arith.constant 9840 : i32
    %add3A_38 = arith.addi %mul3A_36, %add3A_37 : i32
    %dma_wait3A = arith.constant 0 : i32
    %dma_wait3A_39 = tpu.memref_slice %arg2[%add3A_38, %dma_wait3A] : memref<160000x128xf32, #tpu.memory_space<hbm>> -> memref<80x128xf32, #tpu.memory_space<hbm>>
    %dma_wait3A_40 = arith.constant 0 : i32
    %dma_wait3A_41 = tpu.memref_slice %arg2[%add3A_38, %dma_wait3A_40] : memref<160000x128xf32, #tpu.memory_space<hbm>> -> memref<80x128xf32, #tpu.memory_space<hbm>>
    tpu.wait_dma2 semaphore(%arg20 : memref<!tpu.dma_semaphore, #tpu.memory_space<semaphore_mem>>) src(%dma_wait3A_41 : memref<80x128xf32, #tpu.memory_space<hbm>>) dst(%arg13 : memref<80x128xf32, #tpu.memory_space<vmem>>)
    %dma_wait3A_42 = arith.constant 9840 : i32
    %dma_wait3A_43 = tpu.memref_slice %arg8[%dma_wait3A_42] : memref<10000xi32, #tpu.memory_space<vmem>> -> memref<80xi32, #tpu.memory_space<vmem>>
    %dma_wait3A_44 = arith.constant 0 : i32
    %dma_wait3A_45 = arith.constant 0 : i32
    %dma_wait3A_46 = tpu.memref_slice %arg3[%dma_wait3A_44, %dma_wait3A_45] : memref<10000x128xf32, #tpu.memory_space<hbm>> -> memref<10000x128xf32, #tpu.memory_space<hbm>>
    tpu.wait_indirect_dma semaphore(%arg17 : memref<!tpu.dma_semaphore, #tpu.memory_space<semaphore_mem>>) src(%dma_wait3A_46 : memref<10000x128xf32, #tpu.memory_space<hbm>>) dst(%arg10 : memref<80x128xf32, #tpu.memory_space<vmem>>)
    %scan3A_47 = arith.constant 0 : i32
    %scan3A_48 = arith.constant 0 : i32
    %scan3A_49 = arith.constant 40 : i32
    %scan3A_50 = arith.addi %scan3A_48, %scan3A_49 : i32
    %scan3A_51 = arith.constant 1 : i32
    scf.for %scan3A_112 = %scan3A_48 to %scan3A_50 step %scan3A_51  : i32 {
      %mul3A_113 = arith.constant 2 : i32
      %mul3A_114 = arith.muli %mul3A_113, %scan3A_112 : i32
      %add3A_115 = arith.constant 0 : i32
      %add3A_116 = arith.addi %mul3A_114, %add3A_115 : i32
      %get3A = arith.index_cast %add3A_116 : i32 to index
      %get3A_117 = arith.constant 0 : index
      %get3A_118 = tpu.vector_load %arg10[%get3A, %get3A_117] {strides = array<i32>} : memref<80x128xf32, #tpu.memory_space<vmem>>, vector<1x16xf32>,
      %get3A_119 = vector.shape_cast %get3A_118 : vector<1x16xf32> to vector<16xf32>
      %get3A_120 = arith.index_cast %add3A_116 : i32 to index
      %get3A_121 = arith.constant 0 : index
      %get3A_122 = tpu.vector_load %arg13[%get3A_120, %get3A_121] {strides = array<i32>} : memref<80x128xf32, #tpu.memory_space<vmem>>, vector<1x16xf32>,
      %get3A_123 = vector.shape_cast %get3A_122 : vector<1x16xf32> to vector<16xf32>
      %mul3A_124 = arith.mulf %get3A_119, %get3A_123 : vector<16xf32>
      %swap3A = arith.index_cast %add3A_116 : i32 to index
      %swap3A_125 = arith.constant 0 : index
      %swap3A_126 = tpu.vector_load %arg10[%swap3A, %swap3A_125] {strides = array<i32>} : memref<80x128xf32, #tpu.memory_space<vmem>>, vector<1x16xf32>,
      %swap3A_127 = vector.shape_cast %swap3A_126 : vector<1x16xf32> to vector<16xf32>
      %swap3A_128 = vector.shape_cast %mul3A_124 : vector<16xf32> to vector<1x16xf32>
      tpu.vector_store %arg10[%swap3A, %swap3A_125], %swap3A_128 {strides = array<i32>} : memref<80x128xf32, #tpu.memory_space<vmem>>, vector<1x16xf32>,
      %mul3A_129 = arith.constant 2 : i32
      %mul3A_130 = arith.muli %mul3A_129, %scan3A_112 : i32
      %add3A_131 = arith.constant 0 : i32
      %add3A_132 = arith.addi %mul3A_130, %add3A_131 : i32
      %get3A_133 = arith.index_cast %add3A_132 : i32 to index
      %get3A_134 = arith.constant 16 : index
      %get3A_135 = tpu.vector_load %arg10[%get3A_133, %get3A_134] {strides = array<i32>} : memref<80x128xf32, #tpu.memory_space<vmem>>, vector<1x16xf32>,
      %get3A_136 = vector.shape_cast %get3A_135 : vector<1x16xf32> to vector<16xf32>
      %get3A_137 = arith.index_cast %add3A_132 : i32 to index
      %get3A_138 = arith.constant 16 : index
      %get3A_139 = tpu.vector_load %arg13[%get3A_137, %get3A_138] {strides = array<i32>} : memref<80x128xf32, #tpu.memory_space<vmem>>, vector<1x16xf32>,
      %get3A_140 = vector.shape_cast %get3A_139 : vector<1x16xf32> to vector<16xf32>
      %mul3A_141 = arith.mulf %get3A_136, %get3A_140 : vector<16xf32>
      %swap3A_142 = arith.index_cast %add3A_132 : i32 to index
      %swap3A_143 = arith.constant 16 : index
      %swap3A_144 = tpu.vector_load %arg10[%swap3A_142, %swap3A_143] {strides = array<i32>} : memref<80x128xf32, #tpu.memory_space<vmem>>, vector<1x16xf32>,
      %swap3A_145 = vector.shape_cast %swap3A_144 : vector<1x16xf32> to vector<16xf32>
      %swap3A_146 = vector.shape_cast %mul3A_141 : vector<16xf32> to vector<1x16xf32>
      tpu.vector_store %arg10[%swap3A_142, %swap3A_143], %swap3A_146 {strides = array<i32>} : memref<80x128xf32, #tpu.memory_space<vmem>>, vector<1x16xf32>,
      %mul3A_147 = arith.constant 2 : i32
      %mul3A_148 = arith.muli %mul3A_147, %scan3A_112 : i32
      %add3A_149 = arith.constant 0 : i32
      %add3A_150 = arith.addi %mul3A_148, %add3A_149 : i32
      %get3A_151 = arith.index_cast %add3A_150 : i32 to index
      %get3A_152 = arith.constant 32 : index
      %get3A_153 = tpu.vector_load %arg10[%get3A_151, %get3A_152] {strides = array<i32>} : memref<80x128xf32, #tpu.memory_space<vmem>>, vector<1x16xf32>,
      %get3A_154 = vector.shape_cast %get3A_153 : vector<1x16xf32> to vector<16xf32>
      %get3A_155 = arith.index_cast %add3A_150 : i32 to index
      %get3A_156 = arith.constant 32 : index
      %get3A_157 = tpu.vector_load %arg13[%get3A_155, %get3A_156] {strides = array<i32>} : memref<80x128xf32, #tpu.memory_space<vmem>>, vector<1x16xf32>,
      %get3A_158 = vector.shape_cast %get3A_157 : vector<1x16xf32> to vector<16xf32>
      %mul3A_159 = arith.mulf %get3A_154, %get3A_158 : vector<16xf32>
      %swap3A_160 = arith.index_cast %add3A_150 : i32 to index
      %swap3A_161 = arith.constant 32 : index
      %swap3A_162 = tpu.vector_load %arg10[%swap3A_160, %swap3A_161] {strides = array<i32>} : memref<80x128xf32, #tpu.memory_space<vmem>>, vector<1x16xf32>,
      %swap3A_163 = vector.shape_cast %swap3A_162 : vector<1x16xf32> to vector<16xf32>
      %swap3A_164 = vector.shape_cast %mul3A_159 : vector<16xf32> to vector<1x16xf32>
      tpu.vector_store %arg10[%swap3A_160, %swap3A_161], %swap3A_164 {strides = array<i32>} : memref<80x128xf32, #tpu.memory_space<vmem>>, vector<1x16xf32>,
      %mul3A_165 = arith.constant 2 : i32
      %mul3A_166 = arith.muli %mul3A_165, %scan3A_112 : i32
      %add3A_167 = arith.constant 0 : i32
      %add3A_168 = arith.addi %mul3A_166, %add3A_167 : i32
      %get3A_169 = arith.index_cast %add3A_168 : i32 to index
      %get3A_170 = arith.constant 48 : index
      %get3A_171 = tpu.vector_load %arg10[%get3A_169, %get3A_170] {strides = array<i32>} : memref<80x128xf32, #tpu.memory_space<vmem>>, vector<1x16xf32>,
      %get3A_172 = vector.shape_cast %get3A_171 : vector<1x16xf32> to vector<16xf32>
      %get3A_173 = arith.index_cast %add3A_168 : i32 to index
      %get3A_174 = arith.constant 48 : index
      %get3A_175 = tpu.vector_load %arg13[%get3A_173, %get3A_174] {strides = array<i32>} : memref<80x128xf32, #tpu.memory_space<vmem>>, vector<1x16xf32>,
      %get3A_176 = vector.shape_cast %get3A_175 : vector<1x16xf32> to vector<16xf32>
      %mul3A_177 = arith.mulf %get3A_172, %get3A_176 : vector<16xf32>
      %swap3A_178 = arith.index_cast %add3A_168 : i32 to index
      %swap3A_179 = arith.constant 48 : index
      %swap3A_180 = tpu.vector_load %arg10[%swap3A_178, %swap3A_179] {strides = array<i32>} : memref<80x128xf32, #tpu.memory_space<vmem>>, vector<1x16xf32>,
      %swap3A_181 = vector.shape_cast %swap3A_180 : vector<1x16xf32> to vector<16xf32>
      %swap3A_182 = vector.shape_cast %mul3A_177 : vector<16xf32> to vector<1x16xf32>
      tpu.vector_store %arg10[%swap3A_178, %swap3A_179], %swap3A_182 {strides = array<i32>} : memref<80x128xf32, #tpu.memory_space<vmem>>, vector<1x16xf32>,
      %mul3A_183 = arith.constant 2 : i32
      %mul3A_184 = arith.muli %mul3A_183, %scan3A_112 : i32
      %add3A_185 = arith.constant 0 : i32
      %add3A_186 = arith.addi %mul3A_184, %add3A_185 : i32
      %get3A_187 = arith.index_cast %add3A_186 : i32 to index
      %get3A_188 = arith.constant 64 : index
      %get3A_189 = tpu.vector_load %arg10[%get3A_187, %get3A_188] {strides = array<i32>} : memref<80x128xf32, #tpu.memory_space<vmem>>, vector<1x16xf32>,
      %get3A_190 = vector.shape_cast %get3A_189 : vector<1x16xf32> to vector<16xf32>
      %get3A_191 = arith.index_cast %add3A_186 : i32 to index
      %get3A_192 = arith.constant 64 : index
      %get3A_193 = tpu.vector_load %arg13[%get3A_191, %get3A_192] {strides = array<i32>} : memref<80x128xf32, #tpu.memory_space<vmem>>, vector<1x16xf32>,
      %get3A_194 = vector.shape_cast %get3A_193 : vector<1x16xf32> to vector<16xf32>
      %mul3A_195 = arith.mulf %get3A_190, %get3A_194 : vector<16xf32>
      %swap3A_196 = arith.index_cast %add3A_186 : i32 to index
      %swap3A_197 = arith.constant 64 : index
      %swap3A_198 = tpu.vector_load %arg10[%swap3A_196, %swap3A_197] {strides = array<i32>} : memref<80x128xf32, #tpu.memory_space<vmem>>, vector<1x16xf32>,
      %swap3A_199 = vector.shape_cast %swap3A_198 : vector<1x16xf32> to vector<16xf32>
      %swap3A_200 = vector.shape_cast %mul3A_195 : vector<16xf32> to vector<1x16xf32>
      tpu.vector_store %arg10[%swap3A_196, %swap3A_197], %swap3A_200 {strides = array<i32>} : memref<80x128xf32, #tpu.memory_space<vmem>>, vector<1x16xf32>,
      %mul3A_201 = arith.constant 2 : i32
      %mul3A_202 = arith.muli %mul3A_201, %scan3A_112 : i32
      %add3A_203 = arith.constant 0 : i32
      %add3A_204 = arith.addi %mul3A_202, %add3A_203 : i32
      %get3A_205 = arith.index_cast %add3A_204 : i32 to index
      %get3A_206 = arith.constant 80 : index
      %get3A_207 = tpu.vector_load %arg10[%get3A_205, %get3A_206] {strides = array<i32>} : memref<80x128xf32, #tpu.memory_space<vmem>>, vector<1x16xf32>,
      %get3A_208 = vector.shape_cast %get3A_207 : vector<1x16xf32> to vector<16xf32>
      %get3A_209 = arith.index_cast %add3A_204 : i32 to index
      %get3A_210 = arith.constant 80 : index
      %get3A_211 = tpu.vector_load %arg13[%get3A_209, %get3A_210] {strides = array<i32>} : memref<80x128xf32, #tpu.memory_space<vmem>>, vector<1x16xf32>,
      %get3A_212 = vector.shape_cast %get3A_211 : vector<1x16xf32> to vector<16xf32>
      %mul3A_213 = arith.mulf %get3A_208, %get3A_212 : vector<16xf32>
      %swap3A_214 = arith.index_cast %add3A_204 : i32 to index
      %swap3A_215 = arith.constant 80 : index
      %swap3A_216 = tpu.vector_load %arg10[%swap3A_214, %swap3A_215] {strides = array<i32>} : memref<80x128xf32, #tpu.memory_space<vmem>>, vector<1x16xf32>,
      %swap3A_217 = vector.shape_cast %swap3A_216 : vector<1x16xf32> to vector<16xf32>
      %swap3A_218 = vector.shape_cast %mul3A_213 : vector<16xf32> to vector<1x16xf32>
      tpu.vector_store %arg10[%swap3A_214, %swap3A_215], %swap3A_218 {strides = array<i32>} : memref<80x128xf32, #tpu.memory_space<vmem>>, vector<1x16xf32>,
      %mul3A_219 = arith.constant 2 : i32
      %mul3A_220 = arith.muli %mul3A_219, %scan3A_112 : i32
      %add3A_221 = arith.constant 0 : i32
      %add3A_222 = arith.addi %mul3A_220, %add3A_221 : i32
      %get3A_223 = arith.index_cast %add3A_222 : i32 to index
      %get3A_224 = arith.constant 96 : index
      %get3A_225 = tpu.vector_load %arg10[%get3A_223, %get3A_224] {strides = array<i32>} : memref<80x128xf32, #tpu.memory_space<vmem>>, vector<1x16xf32>,
      %get3A_226 = vector.shape_cast %get3A_225 : vector<1x16xf32> to vector<16xf32>
      %get3A_227 = arith.index_cast %add3A_222 : i32 to index
      %get3A_228 = arith.constant 96 : index
      %get3A_229 = tpu.vector_load %arg13[%get3A_227, %get3A_228] {strides = array<i32>} : memref<80x128xf32, #tpu.memory_space<vmem>>, vector<1x16xf32>,
      %get3A_230 = vector.shape_cast %get3A_229 : vector<1x16xf32> to vector<16xf32>
      %mul3A_231 = arith.mulf %get3A_226, %get3A_230 : vector<16xf32>
      %swap3A_232 = arith.index_cast %add3A_222 : i32 to index
      %swap3A_233 = arith.constant 96 : index
      %swap3A_234 = tpu.vector_load %arg10[%swap3A_232, %swap3A_233] {strides = array<i32>} : memref<80x128xf32, #tpu.memory_space<vmem>>, vector<1x16xf32>,
      %swap3A_235 = vector.shape_cast %swap3A_234 : vector<1x16xf32> to vector<16xf32>
      %swap3A_236 = vector.shape_cast %mul3A_231 : vector<16xf32> to vector<1x16xf32>
      tpu.vector_store %arg10[%swap3A_232, %swap3A_233], %swap3A_236 {strides = array<i32>} : memref<80x128xf32, #tpu.memory_space<vmem>>, vector<1x16xf32>,
      %mul3A_237 = arith.constant 2 : i32
      %mul3A_238 = arith.muli %mul3A_237, %scan3A_112 : i32
      %add3A_239 = arith.constant 0 : i32
      %add3A_240 = arith.addi %mul3A_238, %add3A_239 : i32
      %get3A_241 = arith.index_cast %add3A_240 : i32 to index
      %get3A_242 = arith.constant 112 : index
      %get3A_243 = tpu.vector_load %arg10[%get3A_241, %get3A_242] {strides = array<i32>} : memref<80x128xf32, #tpu.memory_space<vmem>>, vector<1x16xf32>,
      %get3A_244 = vector.shape_cast %get3A_243 : vector<1x16xf32> to vector<16xf32>
      %get3A_245 = arith.index_cast %add3A_240 : i32 to index
      %get3A_246 = arith.constant 112 : index
      %get3A_247 = tpu.vector_load %arg13[%get3A_245, %get3A_246] {strides = array<i32>} : memref<80x128xf32, #tpu.memory_space<vmem>>, vector<1x16xf32>,
      %get3A_248 = vector.shape_cast %get3A_247 : vector<1x16xf32> to vector<16xf32>
      %mul3A_249 = arith.mulf %get3A_244, %get3A_248 : vector<16xf32>
      %swap3A_250 = arith.index_cast %add3A_240 : i32 to index
      %swap3A_251 = arith.constant 112 : index
      %swap3A_252 = tpu.vector_load %arg10[%swap3A_250, %swap3A_251] {strides = array<i32>} : memref<80x128xf32, #tpu.memory_space<vmem>>, vector<1x16xf32>,
      %swap3A_253 = vector.shape_cast %swap3A_252 : vector<1x16xf32> to vector<16xf32>
      %swap3A_254 = vector.shape_cast %mul3A_249 : vector<16xf32> to vector<1x16xf32>
      tpu.vector_store %arg10[%swap3A_250, %swap3A_251], %swap3A_254 {strides = array<i32>} : memref<80x128xf32, #tpu.memory_space<vmem>>, vector<1x16xf32>,
      %mul3A_255 = arith.constant 2 : i32
      %mul3A_256 = arith.muli %mul3A_255, %scan3A_112 : i32
      %add3A_257 = arith.constant 1 : i32
      %add3A_258 = arith.addi %mul3A_256, %add3A_257 : i32
      %get3A_259 = arith.index_cast %add3A_258 : i32 to index
      %get3A_260 = arith.constant 0 : index
      %get3A_261 = tpu.vector_load %arg10[%get3A_259, %get3A_260] {strides = array<i32>} : memref<80x128xf32, #tpu.memory_space<vmem>>, vector<1x16xf32>,
      %get3A_262 = vector.shape_cast %get3A_261 : vector<1x16xf32> to vector<16xf32>
      %get3A_263 = arith.index_cast %add3A_258 : i32 to index
      %get3A_264 = arith.constant 0 : index
      %get3A_265 = tpu.vector_load %arg13[%get3A_263, %get3A_264] {strides = array<i32>} : memref<80x128xf32, #tpu.memory_space<vmem>>, vector<1x16xf32>,
      %get3A_266 = vector.shape_cast %get3A_265 : vector<1x16xf32> to vector<16xf32>
      %mul3A_267 = arith.mulf %get3A_262, %get3A_266 : vector<16xf32>
      %swap3A_268 = arith.index_cast %add3A_258 : i32 to index
      %swap3A_269 = arith.constant 0 : index
      %swap3A_270 = tpu.vector_load %arg10[%swap3A_268, %swap3A_269] {strides = array<i32>} : memref<80x128xf32, #tpu.memory_space<vmem>>, vector<1x16xf32>,
      %swap3A_271 = vector.shape_cast %swap3A_270 : vector<1x16xf32> to vector<16xf32>
      %swap3A_272 = vector.shape_cast %mul3A_267 : vector<16xf32> to vector<1x16xf32>
      tpu.vector_store %arg10[%swap3A_268, %swap3A_269], %swap3A_272 {strides = array<i32>} : memref<80x128xf32, #tpu.memory_space<vmem>>, vector<1x16xf32>,
      %mul3A_273 = arith.constant 2 : i32
      %mul3A_274 = arith.muli %mul3A_273, %scan3A_112 : i32
      %add3A_275 = arith.constant 1 : i32
      %add3A_276 = arith.addi %mul3A_274, %add3A_275 : i32
      %get3A_277 = arith.index_cast %add3A_276 : i32 to index
      %get3A_278 = arith.constant 16 : index
      %get3A_279 = tpu.vector_load %arg10[%get3A_277, %get3A_278] {strides = array<i32>} : memref<80x128xf32, #tpu.memory_space<vmem>>, vector<1x16xf32>,
      %get3A_280 = vector.shape_cast %get3A_279 : vector<1x16xf32> to vector<16xf32>
      %get3A_281 = arith.index_cast %add3A_276 : i32 to index
      %get3A_282 = arith.constant 16 : index
      %get3A_283 = tpu.vector_load %arg13[%get3A_281, %get3A_282] {strides = array<i32>} : memref<80x128xf32, #tpu.memory_space<vmem>>, vector<1x16xf32>,
      %get3A_284 = vector.shape_cast %get3A_283 : vector<1x16xf32> to vector<16xf32>
      %mul3A_285 = arith.mulf %get3A_280, %get3A_284 : vector<16xf32>
      %swap3A_286 = arith.index_cast %add3A_276 : i32 to index
      %swap3A_287 = arith.constant 16 : index
      %swap3A_288 = tpu.vector_load %arg10[%swap3A_286, %swap3A_287] {strides = array<i32>} : memref<80x128xf32, #tpu.memory_space<vmem>>, vector<1x16xf32>,
      %swap3A_289 = vector.shape_cast %swap3A_288 : vector<1x16xf32> to vector<16xf32>
      %swap3A_290 = vector.shape_cast %mul3A_285 : vector<16xf32> to vector<1x16xf32>
      tpu.vector_store %arg10[%swap3A_286, %swap3A_287], %swap3A_290 {strides = array<i32>} : memref<80x128xf32, #tpu.memory_space<vmem>>, vector<1x16xf32>,
      %mul3A_291 = arith.constant 2 : i32
      %mul3A_292 = arith.muli %mul3A_291, %scan3A_112 : i32
      %add3A_293 = arith.constant 1 : i32
      %add3A_294 = arith.addi %mul3A_292, %add3A_293 : i32
      %get3A_295 = arith.index_cast %add3A_294 : i32 to index
      %get3A_296 = arith.constant 32 : index
      %get3A_297 = tpu.vector_load %arg10[%get3A_295, %get3A_296] {strides = array<i32>} : memref<80x128xf32, #tpu.memory_space<vmem>>, vector<1x16xf32>,
      %get3A_298 = vector.shape_cast %get3A_297 : vector<1x16xf32> to vector<16xf32>
      %get3A_299 = arith.index_cast %add3A_294 : i32 to index
      %get3A_300 = arith.constant 32 : index
      %get3A_301 = tpu.vector_load %arg13[%get3A_299, %get3A_300] {strides = array<i32>} : memref<80x128xf32, #tpu.memory_space<vmem>>, vector<1x16xf32>,
      %get3A_302 = vector.shape_cast %get3A_301 : vector<1x16xf32> to vector<16xf32>
      %mul3A_303 = arith.mulf %get3A_298, %get3A_302 : vector<16xf32>
      %swap3A_304 = arith.index_cast %add3A_294 : i32 to index
      %swap3A_305 = arith.constant 32 : index
      %swap3A_306 = tpu.vector_load %arg10[%swap3A_304, %swap3A_305] {strides = array<i32>} : memref<80x128xf32, #tpu.memory_space<vmem>>, vector<1x16xf32>,
      %swap3A_307 = vector.shape_cast %swap3A_306 : vector<1x16xf32> to vector<16xf32>
      %swap3A_308 = vector.shape_cast %mul3A_303 : vector<16xf32> to vector<1x16xf32>
      tpu.vector_store %arg10[%swap3A_304, %swap3A_305], %swap3A_308 {strides = array<i32>} : memref<80x128xf32, #tpu.memory_space<vmem>>, vector<1x16xf32>,
      %mul3A_309 = arith.constant 2 : i32
      %mul3A_310 = arith.muli %mul3A_309, %scan3A_112 : i32
      %add3A_311 = arith.constant 1 : i32
      %add3A_312 = arith.addi %mul3A_310, %add3A_311 : i32
      %get3A_313 = arith.index_cast %add3A_312 : i32 to index
      %get3A_314 = arith.constant 48 : index
      %get3A_315 = tpu.vector_load %arg10[%get3A_313, %get3A_314] {strides = array<i32>} : memref<80x128xf32, #tpu.memory_space<vmem>>, vector<1x16xf32>,
      %get3A_316 = vector.shape_cast %get3A_315 : vector<1x16xf32> to vector<16xf32>
      %get3A_317 = arith.index_cast %add3A_312 : i32 to index
      %get3A_318 = arith.constant 48 : index
      %get3A_319 = tpu.vector_load %arg13[%get3A_317, %get3A_318] {strides = array<i32>} : memref<80x128xf32, #tpu.memory_space<vmem>>, vector<1x16xf32>,
      %get3A_320 = vector.shape_cast %get3A_319 : vector<1x16xf32> to vector<16xf32>
      %mul3A_321 = arith.mulf %get3A_316, %get3A_320 : vector<16xf32>
      %swap3A_322 = arith.index_cast %add3A_312 : i32 to index
      %swap3A_323 = arith.constant 48 : index
      %swap3A_324 = tpu.vector_load %arg10[%swap3A_322, %swap3A_323] {strides = array<i32>} : memref<80x128xf32, #tpu.memory_space<vmem>>, vector<1x16xf32>,
      %swap3A_325 = vector.shape_cast %swap3A_324 : vector<1x16xf32> to vector<16xf32>
      %swap3A_326 = vector.shape_cast %mul3A_321 : vector<16xf32> to vector<1x16xf32>
      tpu.vector_store %arg10[%swap3A_322, %swap3A_323], %swap3A_326 {strides = array<i32>} : memref<80x128xf32, #tpu.memory_space<vmem>>, vector<1x16xf32>,
      %mul3A_327 = arith.constant 2 : i32
      %mul3A_328 = arith.muli %mul3A_327, %scan3A_112 : i32
      %add3A_329 = arith.constant 1 : i32
      %add3A_330 = arith.addi %mul3A_328, %add3A_329 : i32
      %get3A_331 = arith.index_cast %add3A_330 : i32 to index
      %get3A_332 = arith.constant 64 : index
      %get3A_333 = tpu.vector_load %arg10[%get3A_331, %get3A_332] {strides = array<i32>} : memref<80x128xf32, #tpu.memory_space<vmem>>, vector<1x16xf32>,
      %get3A_334 = vector.shape_cast %get3A_333 : vector<1x16xf32> to vector<16xf32>
      %get3A_335 = arith.index_cast %add3A_330 : i32 to index
      %get3A_336 = arith.constant 64 : index
      %get3A_337 = tpu.vector_load %arg13[%get3A_335, %get3A_336] {strides = array<i32>} : memref<80x128xf32, #tpu.memory_space<vmem>>, vector<1x16xf32>,
      %get3A_338 = vector.shape_cast %get3A_337 : vector<1x16xf32> to vector<16xf32>
      %mul3A_339 = arith.mulf %get3A_334, %get3A_338 : vector<16xf32>
      %swap3A_340 = arith.index_cast %add3A_330 : i32 to index
      %swap3A_341 = arith.constant 64 : index
      %swap3A_342 = tpu.vector_load %arg10[%swap3A_340, %swap3A_341] {strides = array<i32>} : memref<80x128xf32, #tpu.memory_space<vmem>>, vector<1x16xf32>,
      %swap3A_343 = vector.shape_cast %swap3A_342 : vector<1x16xf32> to vector<16xf32>
      %swap3A_344 = vector.shape_cast %mul3A_339 : vector<16xf32> to vector<1x16xf32>
      tpu.vector_store %arg10[%swap3A_340, %swap3A_341], %swap3A_344 {strides = array<i32>} : memref<80x128xf32, #tpu.memory_space<vmem>>, vector<1x16xf32>,
      %mul3A_345 = arith.constant 2 : i32
      %mul3A_346 = arith.muli %mul3A_345, %scan3A_112 : i32
      %add3A_347 = arith.constant 1 : i32
      %add3A_348 = arith.addi %mul3A_346, %add3A_347 : i32
      %get3A_349 = arith.index_cast %add3A_348 : i32 to index
      %get3A_350 = arith.constant 80 : index
      %get3A_351 = tpu.vector_load %arg10[%get3A_349, %get3A_350] {strides = array<i32>} : memref<80x128xf32, #tpu.memory_space<vmem>>, vector<1x16xf32>,
      %get3A_352 = vector.shape_cast %get3A_351 : vector<1x16xf32> to vector<16xf32>
      %get3A_353 = arith.index_cast %add3A_348 : i32 to index
      %get3A_354 = arith.constant 80 : index
      %get3A_355 = tpu.vector_load %arg13[%get3A_353, %get3A_354] {strides = array<i32>} : memref<80x128xf32, #tpu.memory_space<vmem>>, vector<1x16xf32>,
      %get3A_356 = vector.shape_cast %get3A_355 : vector<1x16xf32> to vector<16xf32>
      %mul3A_357 = arith.mulf %get3A_352, %get3A_356 : vector<16xf32>
      %swap3A_358 = arith.index_cast %add3A_348 : i32 to index
      %swap3A_359 = arith.constant 80 : index
      %swap3A_360 = tpu.vector_load %arg10[%swap3A_358, %swap3A_359] {strides = array<i32>} : memref<80x128xf32, #tpu.memory_space<vmem>>, vector<1x16xf32>,
      %swap3A_361 = vector.shape_cast %swap3A_360 : vector<1x16xf32> to vector<16xf32>
      %swap3A_362 = vector.shape_cast %mul3A_357 : vector<16xf32> to vector<1x16xf32>
      tpu.vector_store %arg10[%swap3A_358, %swap3A_359], %swap3A_362 {strides = array<i32>} : memref<80x128xf32, #tpu.memory_space<vmem>>, vector<1x16xf32>,
      %mul3A_363 = arith.constant 2 : i32
      %mul3A_364 = arith.muli %mul3A_363, %scan3A_112 : i32
      %add3A_365 = arith.constant 1 : i32
      %add3A_366 = arith.addi %mul3A_364, %add3A_365 : i32
      %get3A_367 = arith.index_cast %add3A_366 : i32 to index
      %get3A_368 = arith.constant 96 : index
      %get3A_369 = tpu.vector_load %arg10[%get3A_367, %get3A_368] {strides = array<i32>} : memref<80x128xf32, #tpu.memory_space<vmem>>, vector<1x16xf32>,
      %get3A_370 = vector.shape_cast %get3A_369 : vector<1x16xf32> to vector<16xf32>
      %get3A_371 = arith.index_cast %add3A_366 : i32 to index
      %get3A_372 = arith.constant 96 : index
      %get3A_373 = tpu.vector_load %arg13[%get3A_371, %get3A_372] {strides = array<i32>} : memref<80x128xf32, #tpu.memory_space<vmem>>, vector<1x16xf32>,
      %get3A_374 = vector.shape_cast %get3A_373 : vector<1x16xf32> to vector<16xf32>
      %mul3A_375 = arith.mulf %get3A_370, %get3A_374 : vector<16xf32>
      %swap3A_376 = arith.index_cast %add3A_366 : i32 to index
      %swap3A_377 = arith.constant 96 : index
      %swap3A_378 = tpu.vector_load %arg10[%swap3A_376, %swap3A_377] {strides = array<i32>} : memref<80x128xf32, #tpu.memory_space<vmem>>, vector<1x16xf32>,
      %swap3A_379 = vector.shape_cast %swap3A_378 : vector<1x16xf32> to vector<16xf32>
      %swap3A_380 = vector.shape_cast %mul3A_375 : vector<16xf32> to vector<1x16xf32>
      tpu.vector_store %arg10[%swap3A_376, %swap3A_377], %swap3A_380 {strides = array<i32>} : memref<80x128xf32, #tpu.memory_space<vmem>>, vector<1x16xf32>,
      %mul3A_381 = arith.constant 2 : i32
      %mul3A_382 = arith.muli %mul3A_381, %scan3A_112 : i32
      %add3A_383 = arith.constant 1 : i32
      %add3A_384 = arith.addi %mul3A_382, %add3A_383 : i32
      %get3A_385 = arith.index_cast %add3A_384 : i32 to index
      %get3A_386 = arith.constant 112 : index
      %get3A_387 = tpu.vector_load %arg10[%get3A_385, %get3A_386] {strides = array<i32>} : memref<80x128xf32, #tpu.memory_space<vmem>>, vector<1x16xf32>,
      %get3A_388 = vector.shape_cast %get3A_387 : vector<1x16xf32> to vector<16xf32>
      %get3A_389 = arith.index_cast %add3A_384 : i32 to index
      %get3A_390 = arith.constant 112 : index
      %get3A_391 = tpu.vector_load %arg13[%get3A_389, %get3A_390] {strides = array<i32>} : memref<80x128xf32, #tpu.memory_space<vmem>>, vector<1x16xf32>,
      %get3A_392 = vector.shape_cast %get3A_391 : vector<1x16xf32> to vector<16xf32>
      %mul3A_393 = arith.mulf %get3A_388, %get3A_392 : vector<16xf32>
      %swap3A_394 = arith.index_cast %add3A_384 : i32 to index
      %swap3A_395 = arith.constant 112 : index
      %swap3A_396 = tpu.vector_load %arg10[%swap3A_394, %swap3A_395] {strides = array<i32>} : memref<80x128xf32, #tpu.memory_space<vmem>>, vector<1x16xf32>,
      %swap3A_397 = vector.shape_cast %swap3A_396 : vector<1x16xf32> to vector<16xf32>
      %swap3A_398 = vector.shape_cast %mul3A_393 : vector<16xf32> to vector<1x16xf32>
      tpu.vector_store %arg10[%swap3A_394, %swap3A_395], %swap3A_398 {strides = array<i32>} : memref<80x128xf32, #tpu.memory_space<vmem>>, vector<1x16xf32>,
    }
    %scan3A_52 = arith.constant 40 : i32
    %dma_start3A_53 = arith.constant 123 : i32
    %dma_start3A_54 = arith.constant 0 : i32
    %dma_start3A_55 = tpu.memref_slice %arg9[%dma_start3A_53, %dma_start3A_54] : memref<125x80xi32, #tpu.memory_space<vmem>> -> memref<1x80xi32, #tpu.memory_space<vmem>>
    %dma_start3A_56 = tpu.memref_squeeze %dma_start3A_55 : memref<1x80xi32, #tpu.memory_space<vmem>> -> memref<80xi32, #tpu.memory_space<vmem>>
    %dma_start3A_57 = arith.constant 0 : i32
    %dma_start3A_58 = arith.constant 0 : i32
    %dma_start3A_59 = tpu.memref_slice %arg16[%dma_start3A_57, %dma_start3A_58] : memref<5008x128xf32, #tpu.memory_space<vmem_shared>> -> memref<5008x128xf32, #tpu.memory_space<vmem_shared>>
    tpu.enqueue_indirect_dma source(%arg10 : memref<80x128xf32, #tpu.memory_space<vmem>>) target(%dma_start3A_59 : memref<5008x128xf32, #tpu.memory_space<vmem_shared>>) offsets(%dma_start3A_56 : memref<80xi32, #tpu.memory_space<vmem>>) semaphore(%arg23 : memref<!tpu.dma_semaphore, #tpu.memory_space<semaphore_mem>>) {add = true}
    %dma_wait3A_60 = arith.constant 122 : i32
    %dma_wait3A_61 = arith.constant 0 : i32
    %dma_wait3A_62 = tpu.memref_slice %arg9[%dma_wait3A_60, %dma_wait3A_61] : memref<125x80xi32, #tpu.memory_space<vmem>> -> memref<1x80xi32, #tpu.memory_space<vmem>>
    %dma_wait3A_63 = tpu.memref_squeeze %dma_wait3A_62 : memref<1x80xi32, #tpu.memory_space<vmem>> -> memref<80xi32, #tpu.memory_space<vmem>>
    %dma_wait3A_64 = arith.constant 0 : i32
    %dma_wait3A_65 = arith.constant 0 : i32
    %dma_wait3A_66 = tpu.memref_slice %arg16[%dma_wait3A_64, %dma_wait3A_65] : memref<5008x128xf32, #tpu.memory_space<vmem_shared>> -> memref<5008x128xf32, #tpu.memory_space<vmem_shared>>
    tpu.wait_indirect_dma semaphore(%arg25 : memref<!tpu.dma_semaphore, #tpu.memory_space<semaphore_mem>>) src(%arg12 : memref<80x128xf32, #tpu.memory_space<vmem>>) dst(%dma_wait3A_66 : memref<5008x128xf32, #tpu.memory_space<vmem_shared>>)
    %mul3A_67 = arith.constant 10000 : i32
    %mul3A_68 = arith.muli %arg1, %mul3A_67 : i32
    %add3A_69 = arith.constant 9920 : i32
    %add3A_70 = arith.addi %mul3A_68, %add3A_69 : i32
    %dma_wait3A_71 = arith.constant 0 : i32
    %dma_wait3A_72 = tpu.memref_slice %arg2[%add3A_70, %dma_wait3A_71] : memref<160000x128xf32, #tpu.memory_space<hbm>> -> memref<80x128xf32, #tpu.memory_space<hbm>>
    %dma_wait3A_73 = arith.constant 0 : i32
    %dma_wait3A_74 = tpu.memref_slice %arg2[%add3A_70, %dma_wait3A_73] : memref<160000x128xf32, #tpu.memory_space<hbm>> -> memref<80x128xf32, #tpu.memory_space<hbm>>
    tpu.wait_dma2 semaphore(%arg21 : memref<!tpu.dma_semaphore, #tpu.memory_space<semaphore_mem>>) src(%dma_wait3A_74 : memref<80x128xf32, #tpu.memory_space<hbm>>) dst(%arg14 : memref<80x128xf32, #tpu.memory_space<vmem>>)
    %dma_wait3A_75 = arith.constant 9920 : i32
    %dma_wait3A_76 = tpu.memref_slice %arg8[%dma_wait3A_75] : memref<10000xi32, #tpu.memory_space<vmem>> -> memref<80xi32, #tpu.memory_space<vmem>>
    %dma_wait3A_77 = arith.constant 0 : i32
    %dma_wait3A_78 = arith.constant 0 : i32
    %dma_wait3A_79 = tpu.memref_slice %arg3[%dma_wait3A_77, %dma_wait3A_78] : memref<10000x128xf32, #tpu.memory_space<hbm>> -> memref<10000x128xf32, #tpu.memory_space<hbm>>
    tpu.wait_indirect_dma semaphore(%arg18 : memref<!tpu.dma_semaphore, #tpu.memory_space<semaphore_mem>>) src(%dma_wait3A_79 : memref<10000x128xf32, #tpu.memory_space<hbm>>) dst(%arg11 : memref<80x128xf32, #tpu.memory_space<vmem>>)
    %scan3A_80 = arith.constant 0 : i32
    %scan3A_81 = arith.constant 0 : i32
    %scan3A_82 = arith.constant 40 : i32
    %scan3A_83 = arith.addi %scan3A_81, %scan3A_82 : i32
    %scan3A_84 = arith.constant 1 : i32
    scf.for %scan3A_112 = %scan3A_81 to %scan3A_83 step %scan3A_84  : i32 {
      %mul3A_113 = arith.constant 2 : i32
      %mul3A_114 = arith.muli %mul3A_113, %scan3A_112 : i32
      %add3A_115 = arith.constant 0 : i32
      %add3A_116 = arith.addi %mul3A_114, %add3A_115 : i32
      %get3A = arith.index_cast %add3A_116 : i32 to index
      %get3A_117 = arith.constant 0 : index
      %get3A_118 = tpu.vector_load %arg11[%get3A, %get3A_117] {strides = array<i32>} : memref<80x128xf32, #tpu.memory_space<vmem>>, vector<1x16xf32>,
      %get3A_119 = vector.shape_cast %get3A_118 : vector<1x16xf32> to vector<16xf32>
      %get3A_120 = arith.index_cast %add3A_116 : i32 to index
      %get3A_121 = arith.constant 0 : index
      %get3A_122 = tpu.vector_load %arg14[%get3A_120, %get3A_121] {strides = array<i32>} : memref<80x128xf32, #tpu.memory_space<vmem>>, vector<1x16xf32>,
      %get3A_123 = vector.shape_cast %get3A_122 : vector<1x16xf32> to vector<16xf32>
      %mul3A_124 = arith.mulf %get3A_119, %get3A_123 : vector<16xf32>
      %swap3A = arith.index_cast %add3A_116 : i32 to index
      %swap3A_125 = arith.constant 0 : index
      %swap3A_126 = tpu.vector_load %arg11[%swap3A, %swap3A_125] {strides = array<i32>} : memref<80x128xf32, #tpu.memory_space<vmem>>, vector<1x16xf32>,
      %swap3A_127 = vector.shape_cast %swap3A_126 : vector<1x16xf32> to vector<16xf32>
      %swap3A_128 = vector.shape_cast %mul3A_124 : vector<16xf32> to vector<1x16xf32>
      tpu.vector_store %arg11[%swap3A, %swap3A_125], %swap3A_128 {strides = array<i32>} : memref<80x128xf32, #tpu.memory_space<vmem>>, vector<1x16xf32>,
      %mul3A_129 = arith.constant 2 : i32
      %mul3A_130 = arith.muli %mul3A_129, %scan3A_112 : i32
      %add3A_131 = arith.constant 0 : i32
      %add3A_132 = arith.addi %mul3A_130, %add3A_131 : i32
      %get3A_133 = arith.index_cast %add3A_132 : i32 to index
      %get3A_134 = arith.constant 16 : index
      %get3A_135 = tpu.vector_load %arg11[%get3A_133, %get3A_134] {strides = array<i32>} : memref<80x128xf32, #tpu.memory_space<vmem>>, vector<1x16xf32>,
      %get3A_136 = vector.shape_cast %get3A_135 : vector<1x16xf32> to vector<16xf32>
      %get3A_137 = arith.index_cast %add3A_132 : i32 to index
      %get3A_138 = arith.constant 16 : index
      %get3A_139 = tpu.vector_load %arg14[%get3A_137, %get3A_138] {strides = array<i32>} : memref<80x128xf32, #tpu.memory_space<vmem>>, vector<1x16xf32>,
      %get3A_140 = vector.shape_cast %get3A_139 : vector<1x16xf32> to vector<16xf32>
      %mul3A_141 = arith.mulf %get3A_136, %get3A_140 : vector<16xf32>
      %swap3A_142 = arith.index_cast %add3A_132 : i32 to index
      %swap3A_143 = arith.constant 16 : index
      %swap3A_144 = tpu.vector_load %arg11[%swap3A_142, %swap3A_143] {strides = array<i32>} : memref<80x128xf32, #tpu.memory_space<vmem>>, vector<1x16xf32>,
      %swap3A_145 = vector.shape_cast %swap3A_144 : vector<1x16xf32> to vector<16xf32>
      %swap3A_146 = vector.shape_cast %mul3A_141 : vector<16xf32> to vector<1x16xf32>
      tpu.vector_store %arg11[%swap3A_142, %swap3A_143], %swap3A_146 {strides = array<i32>} : memref<80x128xf32, #tpu.memory_space<vmem>>, vector<1x16xf32>,
      %mul3A_147 = arith.constant 2 : i32
      %mul3A_148 = arith.muli %mul3A_147, %scan3A_112 : i32
      %add3A_149 = arith.constant 0 : i32
      %add3A_150 = arith.addi %mul3A_148, %add3A_149 : i32
      %get3A_151 = arith.index_cast %add3A_150 : i32 to index
      %get3A_152 = arith.constant 32 : index
      %get3A_153 = tpu.vector_load %arg11[%get3A_151, %get3A_152] {strides = array<i32>} : memref<80x128xf32, #tpu.memory_space<vmem>>, vector<1x16xf32>,
      %get3A_154 = vector.shape_cast %get3A_153 : vector<1x16xf32> to vector<16xf32>
      %get3A_155 = arith.index_cast %add3A_150 : i32 to index
      %get3A_156 = arith.constant 32 : index
      %get3A_157 = tpu.vector_load %arg14[%get3A_155, %get3A_156] {strides = array<i32>} : memref<80x128xf32, #tpu.memory_space<vmem>>, vector<1x16xf32>,
      %get3A_158 = vector.shape_cast %get3A_157 : vector<1x16xf32> to vector<16xf32>
      %mul3A_159 = arith.mulf %get3A_154, %get3A_158 : vector<16xf32>
      %swap3A_160 = arith.index_cast %add3A_150 : i32 to index
      %swap3A_161 = arith.constant 32 : index
      %swap3A_162 = tpu.vector_load %arg11[%swap3A_160, %swap3A_161] {strides = array<i32>} : memref<80x128xf32, #tpu.memory_space<vmem>>, vector<1x16xf32>,
      %swap3A_163 = vector.shape_cast %swap3A_162 : vector<1x16xf32> to vector<16xf32>
      %swap3A_164 = vector.shape_cast %mul3A_159 : vector<16xf32> to vector<1x16xf32>
      tpu.vector_store %arg11[%swap3A_160, %swap3A_161], %swap3A_164 {strides = array<i32>} : memref<80x128xf32, #tpu.memory_space<vmem>>, vector<1x16xf32>,
      %mul3A_165 = arith.constant 2 : i32
      %mul3A_166 = arith.muli %mul3A_165, %scan3A_112 : i32
      %add3A_167 = arith.constant 0 : i32
      %add3A_168 = arith.addi %mul3A_166, %add3A_167 : i32
      %get3A_169 = arith.index_cast %add3A_168 : i32 to index
      %get3A_170 = arith.constant 48 : index
      %get3A_171 = tpu.vector_load %arg11[%get3A_169, %get3A_170] {strides = array<i32>} : memref<80x128xf32, #tpu.memory_space<vmem>>, vector<1x16xf32>,
      %get3A_172 = vector.shape_cast %get3A_171 : vector<1x16xf32> to vector<16xf32>
      %get3A_173 = arith.index_cast %add3A_168 : i32 to index
      %get3A_174 = arith.constant 48 : index
      %get3A_175 = tpu.vector_load %arg14[%get3A_173, %get3A_174] {strides = array<i32>} : memref<80x128xf32, #tpu.memory_space<vmem>>, vector<1x16xf32>,
      %get3A_176 = vector.shape_cast %get3A_175 : vector<1x16xf32> to vector<16xf32>
      %mul3A_177 = arith.mulf %get3A_172, %get3A_176 : vector<16xf32>
      %swap3A_178 = arith.index_cast %add3A_168 : i32 to index
      %swap3A_179 = arith.constant 48 : index
      %swap3A_180 = tpu.vector_load %arg11[%swap3A_178, %swap3A_179] {strides = array<i32>} : memref<80x128xf32, #tpu.memory_space<vmem>>, vector<1x16xf32>,
      %swap3A_181 = vector.shape_cast %swap3A_180 : vector<1x16xf32> to vector<16xf32>
      %swap3A_182 = vector.shape_cast %mul3A_177 : vector<16xf32> to vector<1x16xf32>
      tpu.vector_store %arg11[%swap3A_178, %swap3A_179], %swap3A_182 {strides = array<i32>} : memref<80x128xf32, #tpu.memory_space<vmem>>, vector<1x16xf32>,
      %mul3A_183 = arith.constant 2 : i32
      %mul3A_184 = arith.muli %mul3A_183, %scan3A_112 : i32
      %add3A_185 = arith.constant 0 : i32
      %add3A_186 = arith.addi %mul3A_184, %add3A_185 : i32
      %get3A_187 = arith.index_cast %add3A_186 : i32 to index
      %get3A_188 = arith.constant 64 : index
      %get3A_189 = tpu.vector_load %arg11[%get3A_187, %get3A_188] {strides = array<i32>} : memref<80x128xf32, #tpu.memory_space<vmem>>, vector<1x16xf32>,
      %get3A_190 = vector.shape_cast %get3A_189 : vector<1x16xf32> to vector<16xf32>
      %get3A_191 = arith.index_cast %add3A_186 : i32 to index
      %get3A_192 = arith.constant 64 : index
      %get3A_193 = tpu.vector_load %arg14[%get3A_191, %get3A_192] {strides = array<i32>} : memref<80x128xf32, #tpu.memory_space<vmem>>, vector<1x16xf32>,
      %get3A_194 = vector.shape_cast %get3A_193 : vector<1x16xf32> to vector<16xf32>
      %mul3A_195 = arith.mulf %get3A_190, %get3A_194 : vector<16xf32>
      %swap3A_196 = arith.index_cast %add3A_186 : i32 to index
      %swap3A_197 = arith.constant 64 : index
      %swap3A_198 = tpu.vector_load %arg11[%swap3A_196, %swap3A_197] {strides = array<i32>} : memref<80x128xf32, #tpu.memory_space<vmem>>, vector<1x16xf32>,
      %swap3A_199 = vector.shape_cast %swap3A_198 : vector<1x16xf32> to vector<16xf32>
      %swap3A_200 = vector.shape_cast %mul3A_195 : vector<16xf32> to vector<1x16xf32>
      tpu.vector_store %arg11[%swap3A_196, %swap3A_197], %swap3A_200 {strides = array<i32>} : memref<80x128xf32, #tpu.memory_space<vmem>>, vector<1x16xf32>,
      %mul3A_201 = arith.constant 2 : i32
      %mul3A_202 = arith.muli %mul3A_201, %scan3A_112 : i32
      %add3A_203 = arith.constant 0 : i32
      %add3A_204 = arith.addi %mul3A_202, %add3A_203 : i32
      %get3A_205 = arith.index_cast %add3A_204 : i32 to index
      %get3A_206 = arith.constant 80 : index
      %get3A_207 = tpu.vector_load %arg11[%get3A_205, %get3A_206] {strides = array<i32>} : memref<80x128xf32, #tpu.memory_space<vmem>>, vector<1x16xf32>,
      %get3A_208 = vector.shape_cast %get3A_207 : vector<1x16xf32> to vector<16xf32>
      %get3A_209 = arith.index_cast %add3A_204 : i32 to index
      %get3A_210 = arith.constant 80 : index
      %get3A_211 = tpu.vector_load %arg14[%get3A_209, %get3A_210] {strides = array<i32>} : memref<80x128xf32, #tpu.memory_space<vmem>>, vector<1x16xf32>,
      %get3A_212 = vector.shape_cast %get3A_211 : vector<1x16xf32> to vector<16xf32>
      %mul3A_213 = arith.mulf %get3A_208, %get3A_212 : vector<16xf32>
      %swap3A_214 = arith.index_cast %add3A_204 : i32 to index
      %swap3A_215 = arith.constant 80 : index
      %swap3A_216 = tpu.vector_load %arg11[%swap3A_214, %swap3A_215] {strides = array<i32>} : memref<80x128xf32, #tpu.memory_space<vmem>>, vector<1x16xf32>,
      %swap3A_217 = vector.shape_cast %swap3A_216 : vector<1x16xf32> to vector<16xf32>
      %swap3A_218 = vector.shape_cast %mul3A_213 : vector<16xf32> to vector<1x16xf32>
      tpu.vector_store %arg11[%swap3A_214, %swap3A_215], %swap3A_218 {strides = array<i32>} : memref<80x128xf32, #tpu.memory_space<vmem>>, vector<1x16xf32>,
      %mul3A_219 = arith.constant 2 : i32
      %mul3A_220 = arith.muli %mul3A_219, %scan3A_112 : i32
      %add3A_221 = arith.constant 0 : i32
      %add3A_222 = arith.addi %mul3A_220, %add3A_221 : i32
      %get3A_223 = arith.index_cast %add3A_222 : i32 to index
      %get3A_224 = arith.constant 96 : index
      %get3A_225 = tpu.vector_load %arg11[%get3A_223, %get3A_224] {strides = array<i32>} : memref<80x128xf32, #tpu.memory_space<vmem>>, vector<1x16xf32>,
      %get3A_226 = vector.shape_cast %get3A_225 : vector<1x16xf32> to vector<16xf32>
      %get3A_227 = arith.index_cast %add3A_222 : i32 to index
      %get3A_228 = arith.constant 96 : index
      %get3A_229 = tpu.vector_load %arg14[%get3A_227, %get3A_228] {strides = array<i32>} : memref<80x128xf32, #tpu.memory_space<vmem>>, vector<1x16xf32>,
      %get3A_230 = vector.shape_cast %get3A_229 : vector<1x16xf32> to vector<16xf32>
      %mul3A_231 = arith.mulf %get3A_226, %get3A_230 : vector<16xf32>
      %swap3A_232 = arith.index_cast %add3A_222 : i32 to index
      %swap3A_233 = arith.constant 96 : index
      %swap3A_234 = tpu.vector_load %arg11[%swap3A_232, %swap3A_233] {strides = array<i32>} : memref<80x128xf32, #tpu.memory_space<vmem>>, vector<1x16xf32>,
      %swap3A_235 = vector.shape_cast %swap3A_234 : vector<1x16xf32> to vector<16xf32>
      %swap3A_236 = vector.shape_cast %mul3A_231 : vector<16xf32> to vector<1x16xf32>
      tpu.vector_store %arg11[%swap3A_232, %swap3A_233], %swap3A_236 {strides = array<i32>} : memref<80x128xf32, #tpu.memory_space<vmem>>, vector<1x16xf32>,
      %mul3A_237 = arith.constant 2 : i32
      %mul3A_238 = arith.muli %mul3A_237, %scan3A_112 : i32
      %add3A_239 = arith.constant 0 : i32
      %add3A_240 = arith.addi %mul3A_238, %add3A_239 : i32
      %get3A_241 = arith.index_cast %add3A_240 : i32 to index
      %get3A_242 = arith.constant 112 : index
      %get3A_243 = tpu.vector_load %arg11[%get3A_241, %get3A_242] {strides = array<i32>} : memref<80x128xf32, #tpu.memory_space<vmem>>, vector<1x16xf32>,
      %get3A_244 = vector.shape_cast %get3A_243 : vector<1x16xf32> to vector<16xf32>
      %get3A_245 = arith.index_cast %add3A_240 : i32 to index
      %get3A_246 = arith.constant 112 : index
      %get3A_247 = tpu.vector_load %arg14[%get3A_245, %get3A_246] {strides = array<i32>} : memref<80x128xf32, #tpu.memory_space<vmem>>, vector<1x16xf32>,
      %get3A_248 = vector.shape_cast %get3A_247 : vector<1x16xf32> to vector<16xf32>
      %mul3A_249 = arith.mulf %get3A_244, %get3A_248 : vector<16xf32>
      %swap3A_250 = arith.index_cast %add3A_240 : i32 to index
      %swap3A_251 = arith.constant 112 : index
      %swap3A_252 = tpu.vector_load %arg11[%swap3A_250, %swap3A_251] {strides = array<i32>} : memref<80x128xf32, #tpu.memory_space<vmem>>, vector<1x16xf32>,
      %swap3A_253 = vector.shape_cast %swap3A_252 : vector<1x16xf32> to vector<16xf32>
      %swap3A_254 = vector.shape_cast %mul3A_249 : vector<16xf32> to vector<1x16xf32>
      tpu.vector_store %arg11[%swap3A_250, %swap3A_251], %swap3A_254 {strides = array<i32>} : memref<80x128xf32, #tpu.memory_space<vmem>>, vector<1x16xf32>,
      %mul3A_255 = arith.constant 2 : i32
      %mul3A_256 = arith.muli %mul3A_255, %scan3A_112 : i32
      %add3A_257 = arith.constant 1 : i32
      %add3A_258 = arith.addi %mul3A_256, %add3A_257 : i32
      %get3A_259 = arith.index_cast %add3A_258 : i32 to index
      %get3A_260 = arith.constant 0 : index
      %get3A_261 = tpu.vector_load %arg11[%get3A_259, %get3A_260] {strides = array<i32>} : memref<80x128xf32, #tpu.memory_space<vmem>>, vector<1x16xf32>,
      %get3A_262 = vector.shape_cast %get3A_261 : vector<1x16xf32> to vector<16xf32>
      %get3A_263 = arith.index_cast %add3A_258 : i32 to index
      %get3A_264 = arith.constant 0 : index
      %get3A_265 = tpu.vector_load %arg14[%get3A_263, %get3A_264] {strides = array<i32>} : memref<80x128xf32, #tpu.memory_space<vmem>>, vector<1x16xf32>,
      %get3A_266 = vector.shape_cast %get3A_265 : vector<1x16xf32> to vector<16xf32>
      %mul3A_267 = arith.mulf %get3A_262, %get3A_266 : vector<16xf32>
      %swap3A_268 = arith.index_cast %add3A_258 : i32 to index
      %swap3A_269 = arith.constant 0 : index
      %swap3A_270 = tpu.vector_load %arg11[%swap3A_268, %swap3A_269] {strides = array<i32>} : memref<80x128xf32, #tpu.memory_space<vmem>>, vector<1x16xf32>,
      %swap3A_271 = vector.shape_cast %swap3A_270 : vector<1x16xf32> to vector<16xf32>
      %swap3A_272 = vector.shape_cast %mul3A_267 : vector<16xf32> to vector<1x16xf32>
      tpu.vector_store %arg11[%swap3A_268, %swap3A_269], %swap3A_272 {strides = array<i32>} : memref<80x128xf32, #tpu.memory_space<vmem>>, vector<1x16xf32>,
      %mul3A_273 = arith.constant 2 : i32
      %mul3A_274 = arith.muli %mul3A_273, %scan3A_112 : i32
      %add3A_275 = arith.constant 1 : i32
      %add3A_276 = arith.addi %mul3A_274, %add3A_275 : i32
      %get3A_277 = arith.index_cast %add3A_276 : i32 to index
      %get3A_278 = arith.constant 16 : index
      %get3A_279 = tpu.vector_load %arg11[%get3A_277, %get3A_278] {strides = array<i32>} : memref<80x128xf32, #tpu.memory_space<vmem>>, vector<1x16xf32>,
      %get3A_280 = vector.shape_cast %get3A_279 : vector<1x16xf32> to vector<16xf32>
      %get3A_281 = arith.index_cast %add3A_276 : i32 to index
      %get3A_282 = arith.constant 16 : index
      %get3A_283 = tpu.vector_load %arg14[%get3A_281, %get3A_282] {strides = array<i32>} : memref<80x128xf32, #tpu.memory_space<vmem>>, vector<1x16xf32>,
      %get3A_284 = vector.shape_cast %get3A_283 : vector<1x16xf32> to vector<16xf32>
      %mul3A_285 = arith.mulf %get3A_280, %get3A_284 : vector<16xf32>
      %swap3A_286 = arith.index_cast %add3A_276 : i32 to index
      %swap3A_287 = arith.constant 16 : index
      %swap3A_288 = tpu.vector_load %arg11[%swap3A_286, %swap3A_287] {strides = array<i32>} : memref<80x128xf32, #tpu.memory_space<vmem>>, vector<1x16xf32>,
      %swap3A_289 = vector.shape_cast %swap3A_288 : vector<1x16xf32> to vector<16xf32>
      %swap3A_290 = vector.shape_cast %mul3A_285 : vector<16xf32> to vector<1x16xf32>
      tpu.vector_store %arg11[%swap3A_286, %swap3A_287], %swap3A_290 {strides = array<i32>} : memref<80x128xf32, #tpu.memory_space<vmem>>, vector<1x16xf32>,
      %mul3A_291 = arith.constant 2 : i32
      %mul3A_292 = arith.muli %mul3A_291, %scan3A_112 : i32
      %add3A_293 = arith.constant 1 : i32
      %add3A_294 = arith.addi %mul3A_292, %add3A_293 : i32
      %get3A_295 = arith.index_cast %add3A_294 : i32 to index
      %get3A_296 = arith.constant 32 : index
      %get3A_297 = tpu.vector_load %arg11[%get3A_295, %get3A_296] {strides = array<i32>} : memref<80x128xf32, #tpu.memory_space<vmem>>, vector<1x16xf32>,
      %get3A_298 = vector.shape_cast %get3A_297 : vector<1x16xf32> to vector<16xf32>
      %get3A_299 = arith.index_cast %add3A_294 : i32 to index
      %get3A_300 = arith.constant 32 : index
      %get3A_301 = tpu.vector_load %arg14[%get3A_299, %get3A_300] {strides = array<i32>} : memref<80x128xf32, #tpu.memory_space<vmem>>, vector<1x16xf32>,
      %get3A_302 = vector.shape_cast %get3A_301 : vector<1x16xf32> to vector<16xf32>
      %mul3A_303 = arith.mulf %get3A_298, %get3A_302 : vector<16xf32>
      %swap3A_304 = arith.index_cast %add3A_294 : i32 to index
      %swap3A_305 = arith.constant 32 : index
      %swap3A_306 = tpu.vector_load %arg11[%swap3A_304, %swap3A_305] {strides = array<i32>} : memref<80x128xf32, #tpu.memory_space<vmem>>, vector<1x16xf32>,
      %swap3A_307 = vector.shape_cast %swap3A_306 : vector<1x16xf32> to vector<16xf32>
      %swap3A_308 = vector.shape_cast %mul3A_303 : vector<16xf32> to vector<1x16xf32>
      tpu.vector_store %arg11[%swap3A_304, %swap3A_305], %swap3A_308 {strides = array<i32>} : memref<80x128xf32, #tpu.memory_space<vmem>>, vector<1x16xf32>,
      %mul3A_309 = arith.constant 2 : i32
      %mul3A_310 = arith.muli %mul3A_309, %scan3A_112 : i32
      %add3A_311 = arith.constant 1 : i32
      %add3A_312 = arith.addi %mul3A_310, %add3A_311 : i32
      %get3A_313 = arith.index_cast %add3A_312 : i32 to index
      %get3A_314 = arith.constant 48 : index
      %get3A_315 = tpu.vector_load %arg11[%get3A_313, %get3A_314] {strides = array<i32>} : memref<80x128xf32, #tpu.memory_space<vmem>>, vector<1x16xf32>,
      %get3A_316 = vector.shape_cast %get3A_315 : vector<1x16xf32> to vector<16xf32>
      %get3A_317 = arith.index_cast %add3A_312 : i32 to index
      %get3A_318 = arith.constant 48 : index
      %get3A_319 = tpu.vector_load %arg14[%get3A_317, %get3A_318] {strides = array<i32>} : memref<80x128xf32, #tpu.memory_space<vmem>>, vector<1x16xf32>,
      %get3A_320 = vector.shape_cast %get3A_319 : vector<1x16xf32> to vector<16xf32>
      %mul3A_321 = arith.mulf %get3A_316, %get3A_320 : vector<16xf32>
      %swap3A_322 = arith.index_cast %add3A_312 : i32 to index
      %swap3A_323 = arith.constant 48 : index
      %swap3A_324 = tpu.vector_load %arg11[%swap3A_322, %swap3A_323] {strides = array<i32>} : memref<80x128xf32, #tpu.memory_space<vmem>>, vector<1x16xf32>,
      %swap3A_325 = vector.shape_cast %swap3A_324 : vector<1x16xf32> to vector<16xf32>
      %swap3A_326 = vector.shape_cast %mul3A_321 : vector<16xf32> to vector<1x16xf32>
      tpu.vector_store %arg11[%swap3A_322, %swap3A_323], %swap3A_326 {strides = array<i32>} : memref<80x128xf32, #tpu.memory_space<vmem>>, vector<1x16xf32>,
      %mul3A_327 = arith.constant 2 : i32
      %mul3A_328 = arith.muli %mul3A_327, %scan3A_112 : i32
      %add3A_329 = arith.constant 1 : i32
      %add3A_330 = arith.addi %mul3A_328, %add3A_329 : i32
      %get3A_331 = arith.index_cast %add3A_330 : i32 to index
      %get3A_332 = arith.constant 64 : index
      %get3A_333 = tpu.vector_load %arg11[%get3A_331, %get3A_332] {strides = array<i32>} : memref<80x128xf32, #tpu.memory_space<vmem>>, vector<1x16xf32>,
      %get3A_334 = vector.shape_cast %get3A_333 : vector<1x16xf32> to vector<16xf32>
      %get3A_335 = arith.index_cast %add3A_330 : i32 to index
      %get3A_336 = arith.constant 64 : index
      %get3A_337 = tpu.vector_load %arg14[%get3A_335, %get3A_336] {strides = array<i32>} : memref<80x128xf32, #tpu.memory_space<vmem>>, vector<1x16xf32>,
      %get3A_338 = vector.shape_cast %get3A_337 : vector<1x16xf32> to vector<16xf32>
      %mul3A_339 = arith.mulf %get3A_334, %get3A_338 : vector<16xf32>
      %swap3A_340 = arith.index_cast %add3A_330 : i32 to index
      %swap3A_341 = arith.constant 64 : index
      %swap3A_342 = tpu.vector_load %arg11[%swap3A_340, %swap3A_341] {strides = array<i32>} : memref<80x128xf32, #tpu.memory_space<vmem>>, vector<1x16xf32>,
      %swap3A_343 = vector.shape_cast %swap3A_342 : vector<1x16xf32> to vector<16xf32>
      %swap3A_344 = vector.shape_cast %mul3A_339 : vector<16xf32> to vector<1x16xf32>
      tpu.vector_store %arg11[%swap3A_340, %swap3A_341], %swap3A_344 {strides = array<i32>} : memref<80x128xf32, #tpu.memory_space<vmem>>, vector<1x16xf32>,
      %mul3A_345 = arith.constant 2 : i32
      %mul3A_346 = arith.muli %mul3A_345, %scan3A_112 : i32
      %add3A_347 = arith.constant 1 : i32
      %add3A_348 = arith.addi %mul3A_346, %add3A_347 : i32
      %get3A_349 = arith.index_cast %add3A_348 : i32 to index
      %get3A_350 = arith.constant 80 : index
      %get3A_351 = tpu.vector_load %arg11[%get3A_349, %get3A_350] {strides = array<i32>} : memref<80x128xf32, #tpu.memory_space<vmem>>, vector<1x16xf32>,
      %get3A_352 = vector.shape_cast %get3A_351 : vector<1x16xf32> to vector<16xf32>
      %get3A_353 = arith.index_cast %add3A_348 : i32 to index
      %get3A_354 = arith.constant 80 : index
      %get3A_355 = tpu.vector_load %arg14[%get3A_353, %get3A_354] {strides = array<i32>} : memref<80x128xf32, #tpu.memory_space<vmem>>, vector<1x16xf32>,
      %get3A_356 = vector.shape_cast %get3A_355 : vector<1x16xf32> to vector<16xf32>
      %mul3A_357 = arith.mulf %get3A_352, %get3A_356 : vector<16xf32>
      %swap3A_358 = arith.index_cast %add3A_348 : i32 to index
      %swap3A_359 = arith.constant 80 : index
      %swap3A_360 = tpu.vector_load %arg11[%swap3A_358, %swap3A_359] {strides = array<i32>} : memref<80x128xf32, #tpu.memory_space<vmem>>, vector<1x16xf32>,
      %swap3A_361 = vector.shape_cast %swap3A_360 : vector<1x16xf32> to vector<16xf32>
      %swap3A_362 = vector.shape_cast %mul3A_357 : vector<16xf32> to vector<1x16xf32>
      tpu.vector_store %arg11[%swap3A_358, %swap3A_359], %swap3A_362 {strides = array<i32>} : memref<80x128xf32, #tpu.memory_space<vmem>>, vector<1x16xf32>,
      %mul3A_363 = arith.constant 2 : i32
      %mul3A_364 = arith.muli %mul3A_363, %scan3A_112 : i32
      %add3A_365 = arith.constant 1 : i32
      %add3A_366 = arith.addi %mul3A_364, %add3A_365 : i32
      %get3A_367 = arith.index_cast %add3A_366 : i32 to index
      %get3A_368 = arith.constant 96 : index
      %get3A_369 = tpu.vector_load %arg11[%get3A_367, %get3A_368] {strides = array<i32>} : memref<80x128xf32, #tpu.memory_space<vmem>>, vector<1x16xf32>,
      %get3A_370 = vector.shape_cast %get3A_369 : vector<1x16xf32> to vector<16xf32>
      %get3A_371 = arith.index_cast %add3A_366 : i32 to index
      %get3A_372 = arith.constant 96 : index
      %get3A_373 = tpu.vector_load %arg14[%get3A_371, %get3A_372] {strides = array<i32>} : memref<80x128xf32, #tpu.memory_space<vmem>>, vector<1x16xf32>,
      %get3A_374 = vector.shape_cast %get3A_373 : vector<1x16xf32> to vector<16xf32>
      %mul3A_375 = arith.mulf %get3A_370, %get3A_374 : vector<16xf32>
      %swap3A_376 = arith.index_cast %add3A_366 : i32 to index
      %swap3A_377 = arith.constant 96 : index
      %swap3A_378 = tpu.vector_load %arg11[%swap3A_376, %swap3A_377] {strides = array<i32>} : memref<80x128xf32, #tpu.memory_space<vmem>>, vector<1x16xf32>,
      %swap3A_379 = vector.shape_cast %swap3A_378 : vector<1x16xf32> to vector<16xf32>
      %swap3A_380 = vector.shape_cast %mul3A_375 : vector<16xf32> to vector<1x16xf32>
      tpu.vector_store %arg11[%swap3A_376, %swap3A_377], %swap3A_380 {strides = array<i32>} : memref<80x128xf32, #tpu.memory_space<vmem>>, vector<1x16xf32>,
      %mul3A_381 = arith.constant 2 : i32
      %mul3A_382 = arith.muli %mul3A_381, %scan3A_112 : i32
      %add3A_383 = arith.constant 1 : i32
      %add3A_384 = arith.addi %mul3A_382, %add3A_383 : i32
      %get3A_385 = arith.index_cast %add3A_384 : i32 to index
      %get3A_386 = arith.constant 112 : index
      %get3A_387 = tpu.vector_load %arg11[%get3A_385, %get3A_386] {strides = array<i32>} : memref<80x128xf32, #tpu.memory_space<vmem>>, vector<1x16xf32>,
      %get3A_388 = vector.shape_cast %get3A_387 : vector<1x16xf32> to vector<16xf32>
      %get3A_389 = arith.index_cast %add3A_384 : i32 to index
      %get3A_390 = arith.constant 112 : index
      %get3A_391 = tpu.vector_load %arg14[%get3A_389, %get3A_390] {strides = array<i32>} : memref<80x128xf32, #tpu.memory_space<vmem>>, vector<1x16xf32>,
      %get3A_392 = vector.shape_cast %get3A_391 : vector<1x16xf32> to vector<16xf32>
      %mul3A_393 = arith.mulf %get3A_388, %get3A_392 : vector<16xf32>
      %swap3A_394 = arith.index_cast %add3A_384 : i32 to index
      %swap3A_395 = arith.constant 112 : index
      %swap3A_396 = tpu.vector_load %arg11[%swap3A_394, %swap3A_395] {strides = array<i32>} : memref<80x128xf32, #tpu.memory_space<vmem>>, vector<1x16xf32>,
      %swap3A_397 = vector.shape_cast %swap3A_396 : vector<1x16xf32> to vector<16xf32>
      %swap3A_398 = vector.shape_cast %mul3A_393 : vector<16xf32> to vector<1x16xf32>
      tpu.vector_store %arg11[%swap3A_394, %swap3A_395], %swap3A_398 {strides = array<i32>} : memref<80x128xf32, #tpu.memory_space<vmem>>, vector<1x16xf32>,
    }
    %scan3A_85 = arith.constant 40 : i32
    %dma_start3A_86 = arith.constant 124 : i32
    %dma_start3A_87 = arith.constant 0 : i32
    %dma_start3A_88 = tpu.memref_slice %arg9[%dma_start3A_86, %dma_start3A_87] : memref<125x80xi32, #tpu.memory_space<vmem>> -> memref<1x80xi32, #tpu.memory_space<vmem>>
    %dma_start3A_89 = tpu.memref_squeeze %dma_start3A_88 : memref<1x80xi32, #tpu.memory_space<vmem>> -> memref<80xi32, #tpu.memory_space<vmem>>
    %dma_start3A_90 = arith.constant 0 : i32
    %dma_start3A_91 = arith.constant 0 : i32
    %dma_start3A_92 = tpu.memref_slice %arg16[%dma_start3A_90, %dma_start3A_91] : memref<5008x128xf32, #tpu.memory_space<vmem_shared>> -> memref<5008x128xf32, #tpu.memory_space<vmem_shared>>
    tpu.enqueue_indirect_dma source(%arg11 : memref<80x128xf32, #tpu.memory_space<vmem>>) target(%dma_start3A_92 : memref<5008x128xf32, #tpu.memory_space<vmem_shared>>) offsets(%dma_start3A_89 : memref<80xi32, #tpu.memory_space<vmem>>) semaphore(%arg24 : memref<!tpu.dma_semaphore, #tpu.memory_space<semaphore_mem>>) {add = true}
    %dma_wait3A_93 = arith.constant 123 : i32
    %dma_wait3A_94 = arith.constant 0 : i32
    %dma_wait3A_95 = tpu.memref_slice %arg9[%dma_wait3A_93, %dma_wait3A_94] : memref<125x80xi32, #tpu.memory_space<vmem>> -> memref<1x80xi32, #tpu.memory_space<vmem>>
    %dma_wait3A_96 = tpu.memref_squeeze %dma_wait3A_95 : memref<1x80xi32, #tpu.memory_space<vmem>> -> memref<80xi32, #tpu.memory_space<vmem>>
    %dma_wait3A_97 = arith.constant 0 : i32
    %dma_wait3A_98 = arith.constant 0 : i32
    %dma_wait3A_99 = tpu.memref_slice %arg16[%dma_wait3A_97, %dma_wait3A_98] : memref<5008x128xf32, #tpu.memory_space<vmem_shared>> -> memref<5008x128xf32, #tpu.memory_space<vmem_shared>>
    tpu.wait_indirect_dma semaphore(%arg23 : memref<!tpu.dma_semaphore, #tpu.memory_space<semaphore_mem>>) src(%arg10 : memref<80x128xf32, #tpu.memory_space<vmem>>) dst(%dma_wait3A_99 : memref<5008x128xf32, #tpu.memory_space<vmem_shared>>)
    %dma_wait3A_100 = arith.constant 124 : i32
    %dma_wait3A_101 = arith.constant 0 : i32
    %dma_wait3A_102 = tpu.memref_slice %arg9[%dma_wait3A_100, %dma_wait3A_101] : memref<125x80xi32, #tpu.memory_space<vmem>> -> memref<1x80xi32, #tpu.memory_space<vmem>>
    %dma_wait3A_103 = tpu.memref_squeeze %dma_wait3A_102 : memref<1x80xi32, #tpu.memory_space<vmem>> -> memref<80xi32, #tpu.memory_space<vmem>>
    %dma_wait3A_104 = arith.constant 0 : i32
    %dma_wait3A_105 = arith.constant 0 : i32
    %dma_wait3A_106 = tpu.memref_slice %arg16[%dma_wait3A_104, %dma_wait3A_105] : memref<5008x128xf32, #tpu.memory_space<vmem_shared>> -> memref<5008x128xf32, #tpu.memory_space<vmem_shared>>
    tpu.wait_indirect_dma semaphore(%arg24 : memref<!tpu.dma_semaphore, #tpu.memory_space<semaphore_mem>>) src(%arg11 : memref<80x128xf32, #tpu.memory_space<vmem>>) dst(%dma_wait3A_106 : memref<5008x128xf32, #tpu.memory_space<vmem_shared>>)
    %barrier3A_107 = arith.constant 0 : index
    tpu.barrier barrier_id(%barrier3A_107)
    %mul3A_108 = arith.constant 312 : i32
    %mul3A_109 = arith.muli %arg1, %mul3A_108 : i32
    %mul3A_110 = arith.constant 312 : i32
    %mul3A_111 = arith.muli %arg1, %mul3A_110 : i32
    "tpu.region"() ({
      %run_scoped3A = tpu.sem_alloc : memref<!tpu.dma_semaphore, #tpu.memory_space<semaphore_mem>>
      %dma_start3A_112 = arith.constant 0 : i32
      %dma_start3A_113 = tpu.memref_slice %arg7[%arg0, %mul3A_111, %dma_start3A_112] : memref<2x5000x128xf32, #tpu.memory_space<hbm>> -> memref<1x320x128xf32, #tpu.memory_space<hbm>>
      %dma_start3A_114 = tpu.memref_squeeze %dma_start3A_113 : memref<1x320x128xf32, #tpu.memory_space<hbm>> -> memref<320x128xf32, #tpu.memory_space<hbm>>
      %dma_start3A_115 = arith.constant 0 : i32
      %dma_start3A_116 = tpu.memref_slice %arg16[%mul3A_109, %dma_start3A_115] : memref<5008x128xf32, #tpu.memory_space<vmem_shared>> -> memref<320x128xf32, #tpu.memory_space<vmem_shared>>
      tpu.enqueue_dma source(%dma_start3A_116 : memref<320x128xf32, #tpu.memory_space<vmem_shared>>) target(%dma_start3A_114 : memref<320x128xf32, #tpu.memory_space<hbm>>) target_semaphore(%run_scoped3A : memref<!tpu.dma_semaphore, #tpu.memory_space<semaphore_mem>>)
      %dma_wait3A_117 = arith.constant 0 : i32
      %dma_wait3A_118 = tpu.memref_slice %arg7[%arg0, %mul3A_111, %dma_wait3A_117] : memref<2x5000x128xf32, #tpu.memory_space<hbm>> -> memref<1x320x128xf32, #tpu.memory_space<hbm>>
      %dma_wait3A_119 = tpu.memref_squeeze %dma_wait3A_118 : memref<1x320x128xf32, #tpu.memory_space<hbm>> -> memref<320x128xf32, #tpu.memory_space<hbm>>
      %dma_wait3A_120 = arith.constant 0 : i32
      %dma_wait3A_121 = tpu.memref_slice %arg16[%mul3A_109, %dma_wait3A_120] : memref<5008x128xf32, #tpu.memory_space<vmem_shared>> -> memref<320x128xf32, #tpu.memory_space<vmem_shared>>
      tpu.wait_dma2 semaphore(%run_scoped3A : memref<!tpu.dma_semaphore, #tpu.memory_space<semaphore_mem>>) src(%dma_wait3A_121 : memref<320x128xf32, #tpu.memory_space<vmem_shared>>) dst(%dma_wait3A_119 : memref<320x128xf32, #tpu.memory_space<hbm>>)
      tpu.yield
    }) : () -> ()
    return
  }
}

module attributes {stable_mosaic.version = 14 : i64} {
  func.func @_in2fac_body(%arg0: memref<10000x128xf32, #tpu.memory_space<vmem>>, %arg1: memref<128x128xf32, #tpu.memory_space<vmem>>, %arg2: memref<10000x128xf32, #tpu.memory_space<vmem>>) attributes {dimension_semantics = [], scalar_prefetch = 0 : i64, scratch_operands = 0 : i64, tpu.core_type = #tpu.core_type<tc>} {
    %get3A = arith.constant 0 : index
    %get3A_0 = arith.constant 0 : index
    %get3A_1 = vector.load %arg0[%get3A, %get3A_0] : memref<10000x128xf32, #tpu.memory_space<vmem>>, vector<10000x128xf32>
    %get3A_2 = arith.constant 0 : index
    %get3A_3 = arith.constant 0 : index
    %get3A_4 = vector.load %arg1[%get3A_2, %get3A_3] : memref<128x128xf32, #tpu.memory_space<vmem>>, vector<128x128xf32>
    %dot_general3A = arith.constant dense<0.000000e+00> : vector<10000x128xf32>
    %dot_general3A_5 = tpu.matmul %get3A_1, %get3A_4, %dot_general3A {dimension_numbers = #tpu.dot_dimension_numbers<[1], [0], [0], [1], [0, 0, 1, 1], [], []>, transpose_lhs_hint = false} : vector<10000x128xf32>, vector<128x128xf32>, vector<10000x128xf32> -> vector<10000x128xf32>
    %swap3A = arith.constant 0 : index
    %swap3A_6 = arith.constant 0 : index
    %swap3A_7 = vector.load %arg2[%swap3A, %swap3A_6] : memref<10000x128xf32, #tpu.memory_space<vmem>>, vector<10000x128xf32>
    tpu.vector_store %arg2[%swap3A, %swap3A_6], %dot_general3A_5 {strides = array<i32>} : memref<10000x128xf32, #tpu.memory_space<vmem>>, vector<10000x128xf32>,
    return
  }
}

module attributes {stable_mosaic.version = 14 : i64} {
  func.func @_filter_body(%arg0: i32, %arg1: memref<2000x128xbf16, #tpu.memory_space<vmem>>, %arg2: memref<128x128xbf16, #tpu.memory_space<vmem>>, %arg3: memref<1x128xf32, #tpu.memory_space<vmem>>, %arg4: memref<128x128xbf16, #tpu.memory_space<vmem>>, %arg5: memref<1x128xf32, #tpu.memory_space<vmem>>, %arg6: memref<2000x128xf32, #tpu.memory_space<vmem>>) attributes {dimension_semantics = [#tpu.dimension_semantics<arbitrary>], iteration_bounds = array<i64: 80>, scalar_prefetch = 0 : i64, scratch_operands = 0 : i64, tpu.core_type = #tpu.core_type<tc>, window_params = [{transform_indices = @transform_0, window_bounds = array<i64: 2000, 128>}, {pipeline_mode = #tpu.pipeline_mode<synchronous>, transform_indices = @transform_1, window_bounds = array<i64: 128, 128>}, {pipeline_mode = #tpu.pipeline_mode<synchronous>, transform_indices = @transform_2, window_bounds = array<i64: 1, 128>}, {pipeline_mode = #tpu.pipeline_mode<synchronous>, transform_indices = @transform_3, window_bounds = array<i64: 128, 128>}, {pipeline_mode = #tpu.pipeline_mode<synchronous>, transform_indices = @transform_4, window_bounds = array<i64: 1, 128>}, {transform_indices = @transform_5, window_bounds = array<i64: 2000, 128>}]} {
    %get3A = arith.constant 0 : index
    %get3A_0 = arith.constant 0 : index
    %get3A_1 = vector.load %arg1[%get3A, %get3A_0] : memref<2000x128xbf16, #tpu.memory_space<vmem>>, vector<2000x128xbf16>
    %get3A_2 = arith.constant 0 : index
    %get3A_3 = arith.constant 0 : index
    %get3A_4 = vector.load %arg2[%get3A_2, %get3A_3] : memref<128x128xbf16, #tpu.memory_space<vmem>>, vector<128x128xbf16>
    %dot_general3A = arith.constant dense<0.000000e+00> : vector<2000x128xf32>
    %dot_general3A_5 = tpu.matmul %get3A_1, %get3A_4, %dot_general3A {dimension_numbers = #tpu.dot_dimension_numbers<[1], [0], [0], [1], [0, 0, 1, 1], [], []>, transpose_lhs_hint = false} : vector<2000x128xbf16>, vector<128x128xbf16>, vector<2000x128xf32> -> vector<2000x128xf32>
    %get3A_6 = arith.constant 0 : index
    %get3A_7 = arith.constant 0 : index
    %get3A_8 = vector.load %arg3[%get3A_6, %get3A_7] : memref<1x128xf32, #tpu.memory_space<vmem>>, vector<1x128xf32>
    %add3A = vector.broadcast %get3A_8 : vector<1x128xf32> to vector<2000x128xf32>
    %add3A_9 = arith.addf %dot_general3A_5, %add3A : vector<2000x128xf32>
    %max3A = arith.constant 0.000000e+00 : f32
    %max3A_10 = vector.broadcast %max3A : f32 to vector<2000x128xf32>
    %max3A_11 = arith.maximumf %add3A_9, %max3A_10 : vector<2000x128xf32>
    %mul3A = arith.constant 2.000000e+00 : f32
    %mul3A_12 = vector.broadcast %mul3A : f32 to vector<2000x128xf32>
    %mul3A_13 = arith.mulf %mul3A_12, %max3A_11 : vector<2000x128xf32>
    %sub3A = arith.subf %add3A_9, %mul3A_13 : vector<2000x128xf32>
    %exp3A = math.exp %sub3A : vector<2000x128xf32>
    %add3A_14 = arith.constant 1.000000e+00 : f32
    %add3A_15 = vector.broadcast %add3A_14 : f32 to vector<2000x128xf32>
    %add3A_16 = arith.addf %add3A_15, %exp3A : vector<2000x128xf32>
    %log3A = math.log %add3A_16 : vector<2000x128xf32>
    %add3A_17 = arith.addf %max3A_11, %log3A : vector<2000x128xf32>
    %sub3A_18 = arith.constant 0.693147182 : f32
    %sub3A_19 = vector.broadcast %sub3A_18 : f32 to vector<2000x128xf32>
    %sub3A_20 = arith.subf %add3A_17, %sub3A_19 : vector<2000x128xf32>
    %convert_element_type3A = arith.truncf %sub3A_20 : vector<2000x128xf32> to vector<2000x128xbf16>
    %get3A_21 = arith.constant 0 : index
    %get3A_22 = arith.constant 0 : index
    %get3A_23 = vector.load %arg4[%get3A_21, %get3A_22] : memref<128x128xbf16, #tpu.memory_space<vmem>>, vector<128x128xbf16>
    %dot_general3A_24 = arith.constant dense<0.000000e+00> : vector<2000x128xf32>
    %dot_general3A_25 = tpu.matmul %convert_element_type3A, %get3A_23, %dot_general3A_24 {dimension_numbers = #tpu.dot_dimension_numbers<[1], [0], [0], [1], [0, 0, 1, 1], [], []>, transpose_lhs_hint = false} : vector<2000x128xbf16>, vector<128x128xbf16>, vector<2000x128xf32> -> vector<2000x128xf32>
    %get3A_26 = arith.constant 0 : index
    %get3A_27 = arith.constant 0 : index
    %get3A_28 = vector.load %arg5[%get3A_26, %get3A_27] : memref<1x128xf32, #tpu.memory_space<vmem>>, vector<1x128xf32>
    %add3A_29 = vector.broadcast %get3A_28 : vector<1x128xf32> to vector<2000x128xf32>
    %add3A_30 = arith.addf %dot_general3A_25, %add3A_29 : vector<2000x128xf32>
    %max3A_31 = arith.constant 0.000000e+00 : f32
    %max3A_32 = vector.broadcast %max3A_31 : f32 to vector<2000x128xf32>
    %max3A_33 = arith.maximumf %add3A_30, %max3A_32 : vector<2000x128xf32>
    %mul3A_34 = arith.constant 2.000000e+00 : f32
    %mul3A_35 = vector.broadcast %mul3A_34 : f32 to vector<2000x128xf32>
    %mul3A_36 = arith.mulf %mul3A_35, %max3A_33 : vector<2000x128xf32>
    %sub3A_37 = arith.subf %add3A_30, %mul3A_36 : vector<2000x128xf32>
    %exp3A_38 = math.exp %sub3A_37 : vector<2000x128xf32>
    %add3A_39 = arith.constant 1.000000e+00 : f32
    %add3A_40 = vector.broadcast %add3A_39 : f32 to vector<2000x128xf32>
    %add3A_41 = arith.addf %add3A_40, %exp3A_38 : vector<2000x128xf32>
    %log3A_42 = math.log %add3A_41 : vector<2000x128xf32>
    %add3A_43 = arith.addf %max3A_33, %log3A_42 : vector<2000x128xf32>
    %sub3A_44 = arith.constant 0.693147182 : f32
    %sub3A_45 = vector.broadcast %sub3A_44 : f32 to vector<2000x128xf32>
    %sub3A_46 = arith.subf %add3A_43, %sub3A_45 : vector<2000x128xf32>
    %swap3A = arith.constant 0 : index
    %swap3A_47 = arith.constant 0 : index
    %swap3A_48 = vector.load %arg6[%swap3A, %swap3A_47] : memref<2000x128xf32, #tpu.memory_space<vmem>>, vector<2000x128xf32>
    tpu.vector_store %arg6[%swap3A, %swap3A_47], %sub3A_46 {strides = array<i32>} : memref<2000x128xf32, #tpu.memory_space<vmem>>, vector<2000x128xf32>,
    return
  }
  func.func @transform_0(%arg0: i32) -> (i32, i32) {
    %add3A = arith.constant 80 : i32
    %add3A_0 = arith.addi %arg0, %add3A : i32
    %c0_i32 = arith.constant 0 : i32
    %c0_i32_1 = arith.constant 0 : i32
    return %add3A_0, %c0_i32 : i32, i32
  }
  func.func @transform_1(%arg0: i32) -> (i32, i32) {
    %c0_i32 = arith.constant 0 : i32
    %c0_i32_0 = arith.constant 0 : i32
    %c0_i32_1 = arith.constant 0 : i32
    return %c0_i32, %c0_i32_0 : i32, i32
  }
  func.func @transform_2(%arg0: i32) -> (i32, i32) {
    %c0_i32 = arith.constant 0 : i32
    %c0_i32_0 = arith.constant 0 : i32
    %c0_i32_1 = arith.constant 0 : i32
    return %c0_i32, %c0_i32_0 : i32, i32
  }
  func.func @transform_3(%arg0: i32) -> (i32, i32) {
    %c0_i32 = arith.constant 0 : i32
    %c0_i32_0 = arith.constant 0 : i32
    %c0_i32_1 = arith.constant 0 : i32
    return %c0_i32, %c0_i32_0 : i32, i32
  }
  func.func @transform_4(%arg0: i32) -> (i32, i32) {
    %c0_i32 = arith.constant 0 : i32
    %c0_i32_0 = arith.constant 0 : i32
    %c0_i32_1 = arith.constant 0 : i32
    return %c0_i32, %c0_i32_0 : i32, i32
  }
  func.func @transform_5(%arg0: i32) -> (i32, i32) {
    %c0_i32 = arith.constant 0 : i32
    %c0_i32_0 = arith.constant 0 : i32
    return %arg0, %c0_i32 : i32, i32
  }
}

module attributes {stable_mosaic.version = 14 : i64} {
  func.func @_filter_body(%arg0: i32, %arg1: memref<2000x128xbf16, #tpu.memory_space<vmem>>, %arg2: memref<128x128xbf16, #tpu.memory_space<vmem>>, %arg3: memref<1x128xf32, #tpu.memory_space<vmem>>, %arg4: memref<128x128xbf16, #tpu.memory_space<vmem>>, %arg5: memref<1x128xf32, #tpu.memory_space<vmem>>, %arg6: memref<2000x128xf32, #tpu.memory_space<vmem>>) attributes {dimension_semantics = [#tpu.dimension_semantics<arbitrary>], iteration_bounds = array<i64: 80>, scalar_prefetch = 0 : i64, scratch_operands = 0 : i64, tpu.core_type = #tpu.core_type<tc>, window_params = [{transform_indices = @transform_0, window_bounds = array<i64: 2000, 128>}, {pipeline_mode = #tpu.pipeline_mode<synchronous>, transform_indices = @transform_1, window_bounds = array<i64: 128, 128>}, {pipeline_mode = #tpu.pipeline_mode<synchronous>, transform_indices = @transform_2, window_bounds = array<i64: 1, 128>}, {pipeline_mode = #tpu.pipeline_mode<synchronous>, transform_indices = @transform_3, window_bounds = array<i64: 128, 128>}, {pipeline_mode = #tpu.pipeline_mode<synchronous>, transform_indices = @transform_4, window_bounds = array<i64: 1, 128>}, {transform_indices = @transform_5, window_bounds = array<i64: 2000, 128>}]} {
    %get3A = arith.constant 0 : index
    %get3A_0 = arith.constant 0 : index
    %get3A_1 = vector.load %arg1[%get3A, %get3A_0] : memref<2000x128xbf16, #tpu.memory_space<vmem>>, vector<2000x128xbf16>
    %get3A_2 = arith.constant 0 : index
    %get3A_3 = arith.constant 0 : index
    %get3A_4 = vector.load %arg2[%get3A_2, %get3A_3] : memref<128x128xbf16, #tpu.memory_space<vmem>>, vector<128x128xbf16>
    %dot_general3A = arith.constant dense<0.000000e+00> : vector<2000x128xf32>
    %dot_general3A_5 = tpu.matmul %get3A_1, %get3A_4, %dot_general3A {dimension_numbers = #tpu.dot_dimension_numbers<[1], [0], [0], [1], [0, 0, 1, 1], [], []>, transpose_lhs_hint = false} : vector<2000x128xbf16>, vector<128x128xbf16>, vector<2000x128xf32> -> vector<2000x128xf32>
    %get3A_6 = arith.constant 0 : index
    %get3A_7 = arith.constant 0 : index
    %get3A_8 = vector.load %arg3[%get3A_6, %get3A_7] : memref<1x128xf32, #tpu.memory_space<vmem>>, vector<1x128xf32>
    %add3A = vector.broadcast %get3A_8 : vector<1x128xf32> to vector<2000x128xf32>
    %add3A_9 = arith.addf %dot_general3A_5, %add3A : vector<2000x128xf32>
    %max3A = arith.constant 0.000000e+00 : f32
    %max3A_10 = vector.broadcast %max3A : f32 to vector<2000x128xf32>
    %max3A_11 = arith.maximumf %add3A_9, %max3A_10 : vector<2000x128xf32>
    %mul3A = arith.constant 2.000000e+00 : f32
    %mul3A_12 = vector.broadcast %mul3A : f32 to vector<2000x128xf32>
    %mul3A_13 = arith.mulf %mul3A_12, %max3A_11 : vector<2000x128xf32>
    %sub3A = arith.subf %add3A_9, %mul3A_13 : vector<2000x128xf32>
    %exp3A = math.exp %sub3A : vector<2000x128xf32>
    %add3A_14 = arith.constant 1.000000e+00 : f32
    %add3A_15 = vector.broadcast %add3A_14 : f32 to vector<2000x128xf32>
    %add3A_16 = arith.addf %add3A_15, %exp3A : vector<2000x128xf32>
    %log3A = math.log %add3A_16 : vector<2000x128xf32>
    %add3A_17 = arith.addf %max3A_11, %log3A : vector<2000x128xf32>
    %sub3A_18 = arith.constant 0.693147182 : f32
    %sub3A_19 = vector.broadcast %sub3A_18 : f32 to vector<2000x128xf32>
    %sub3A_20 = arith.subf %add3A_17, %sub3A_19 : vector<2000x128xf32>
    %convert_element_type3A = arith.truncf %sub3A_20 : vector<2000x128xf32> to vector<2000x128xbf16>
    %get3A_21 = arith.constant 0 : index
    %get3A_22 = arith.constant 0 : index
    %get3A_23 = vector.load %arg4[%get3A_21, %get3A_22] : memref<128x128xbf16, #tpu.memory_space<vmem>>, vector<128x128xbf16>
    %dot_general3A_24 = arith.constant dense<0.000000e+00> : vector<2000x128xf32>
    %dot_general3A_25 = tpu.matmul %convert_element_type3A, %get3A_23, %dot_general3A_24 {dimension_numbers = #tpu.dot_dimension_numbers<[1], [0], [0], [1], [0, 0, 1, 1], [], []>, transpose_lhs_hint = false} : vector<2000x128xbf16>, vector<128x128xbf16>, vector<2000x128xf32> -> vector<2000x128xf32>
    %get3A_26 = arith.constant 0 : index
    %get3A_27 = arith.constant 0 : index
    %get3A_28 = vector.load %arg5[%get3A_26, %get3A_27] : memref<1x128xf32, #tpu.memory_space<vmem>>, vector<1x128xf32>
    %add3A_29 = vector.broadcast %get3A_28 : vector<1x128xf32> to vector<2000x128xf32>
    %add3A_30 = arith.addf %dot_general3A_25, %add3A_29 : vector<2000x128xf32>
    %max3A_31 = arith.constant 0.000000e+00 : f32
    %max3A_32 = vector.broadcast %max3A_31 : f32 to vector<2000x128xf32>
    %max3A_33 = arith.maximumf %add3A_30, %max3A_32 : vector<2000x128xf32>
    %mul3A_34 = arith.constant 2.000000e+00 : f32
    %mul3A_35 = vector.broadcast %mul3A_34 : f32 to vector<2000x128xf32>
    %mul3A_36 = arith.mulf %mul3A_35, %max3A_33 : vector<2000x128xf32>
    %sub3A_37 = arith.subf %add3A_30, %mul3A_36 : vector<2000x128xf32>
    %exp3A_38 = math.exp %sub3A_37 : vector<2000x128xf32>
    %add3A_39 = arith.constant 1.000000e+00 : f32
    %add3A_40 = vector.broadcast %add3A_39 : f32 to vector<2000x128xf32>
    %add3A_41 = arith.addf %add3A_40, %exp3A_38 : vector<2000x128xf32>
    %log3A_42 = math.log %add3A_41 : vector<2000x128xf32>
    %add3A_43 = arith.addf %max3A_33, %log3A_42 : vector<2000x128xf32>
    %sub3A_44 = arith.constant 0.693147182 : f32
    %sub3A_45 = vector.broadcast %sub3A_44 : f32 to vector<2000x128xf32>
    %sub3A_46 = arith.subf %add3A_43, %sub3A_45 : vector<2000x128xf32>
    %swap3A = arith.constant 0 : index
    %swap3A_47 = arith.constant 0 : index
    %swap3A_48 = vector.load %arg6[%swap3A, %swap3A_47] : memref<2000x128xf32, #tpu.memory_space<vmem>>, vector<2000x128xf32>
    tpu.vector_store %arg6[%swap3A, %swap3A_47], %sub3A_46 {strides = array<i32>} : memref<2000x128xf32, #tpu.memory_space<vmem>>, vector<2000x128xf32>,
    return
  }
  func.func @transform_0(%arg0: i32) -> (i32, i32) {
    %add3A = arith.constant 0 : i32
    %add3A_0 = arith.addi %arg0, %add3A : i32
    %c0_i32 = arith.constant 0 : i32
    %c0_i32_1 = arith.constant 0 : i32
    return %add3A_0, %c0_i32 : i32, i32
  }
  func.func @transform_1(%arg0: i32) -> (i32, i32) {
    %c0_i32 = arith.constant 0 : i32
    %c0_i32_0 = arith.constant 0 : i32
    %c0_i32_1 = arith.constant 0 : i32
    return %c0_i32, %c0_i32_0 : i32, i32
  }
  func.func @transform_2(%arg0: i32) -> (i32, i32) {
    %c0_i32 = arith.constant 0 : i32
    %c0_i32_0 = arith.constant 0 : i32
    %c0_i32_1 = arith.constant 0 : i32
    return %c0_i32, %c0_i32_0 : i32, i32
  }
  func.func @transform_3(%arg0: i32) -> (i32, i32) {
    %c0_i32 = arith.constant 0 : i32
    %c0_i32_0 = arith.constant 0 : i32
    %c0_i32_1 = arith.constant 0 : i32
    return %c0_i32, %c0_i32_0 : i32, i32
  }
  func.func @transform_4(%arg0: i32) -> (i32, i32) {
    %c0_i32 = arith.constant 0 : i32
    %c0_i32_0 = arith.constant 0 : i32
    %c0_i32_1 = arith.constant 0 : i32
    return %c0_i32, %c0_i32_0 : i32, i32
  }
  func.func @transform_5(%arg0: i32) -> (i32, i32) {
    %c0_i32 = arith.constant 0 : i32
    %c0_i32_0 = arith.constant 0 : i32
    return %arg0, %c0_i32 : i32, i32
  }
}

module attributes {stable_mosaic.version = 14 : i64} {
  func.func @_out_body(%arg0: i32, %arg1: memref<2000x128xf32, #tpu.memory_space<vmem>>, %arg2: memref<2000x128xf32, #tpu.memory_space<vmem>>, %arg3: memref<2000x128xf32, #tpu.memory_space<vmem>>, %arg4: memref<128x128xf32, #tpu.memory_space<vmem>>, %arg5: memref<1x128xf32, #tpu.memory_space<vmem>>, %arg6: memref<128x128xf32, #tpu.memory_space<vmem>>, %arg7: memref<1x128xf32, #tpu.memory_space<vmem>>, %arg8: memref<2000x128xf32, #tpu.memory_space<vmem>>, %arg9: memref<2000x128xf32, #tpu.memory_space<vmem>>) attributes {dimension_semantics = [#tpu.dimension_semantics<arbitrary>], iteration_bounds = array<i64: 5>, scalar_prefetch = 0 : i64, scratch_operands = 0 : i64, tpu.core_type = #tpu.core_type<tc>, window_params = [{transform_indices = @transform_0, window_bounds = array<i64: 2000, 128>}, {transform_indices = @transform_1, window_bounds = array<i64: 2000, 128>}, {transform_indices = @transform_2, window_bounds = array<i64: 2000, 128>}, {pipeline_mode = #tpu.pipeline_mode<synchronous>, transform_indices = @transform_3, window_bounds = array<i64: 128, 128>}, {pipeline_mode = #tpu.pipeline_mode<synchronous>, transform_indices = @transform_4, window_bounds = array<i64: 1, 128>}, {pipeline_mode = #tpu.pipeline_mode<synchronous>, transform_indices = @transform_5, window_bounds = array<i64: 128, 128>}, {pipeline_mode = #tpu.pipeline_mode<synchronous>, transform_indices = @transform_6, window_bounds = array<i64: 1, 128>}, {transform_indices = @transform_7, window_bounds = array<i64: 2000, 128>}, {transform_indices = @transform_8, window_bounds = array<i64: 2000, 128>}]} {
    %get3A = arith.constant 0 : index
    %get3A_0 = arith.constant 0 : index
    %get3A_1 = vector.load %arg2[%get3A, %get3A_0] : memref<2000x128xf32, #tpu.memory_space<vmem>>, vector<2000x128xf32>
    %get3A_2 = arith.constant 0 : index
    %get3A_3 = arith.constant 0 : index
    %get3A_4 = vector.load %arg3[%get3A_2, %get3A_3] : memref<2000x128xf32, #tpu.memory_space<vmem>>, vector<2000x128xf32>
    %add3A = arith.addf %get3A_1, %get3A_4 : vector<2000x128xf32>
    %get3A_5 = arith.constant 0 : index
    %get3A_6 = arith.constant 0 : index
    %get3A_7 = vector.load %arg4[%get3A_5, %get3A_6] : memref<128x128xf32, #tpu.memory_space<vmem>>, vector<128x128xf32>
    %dot_general3A = arith.constant dense<0.000000e+00> : vector<2000x128xf32>
    %dot_general3A_8 = tpu.matmul %add3A, %get3A_7, %dot_general3A {dimension_numbers = #tpu.dot_dimension_numbers<[1], [0], [0], [1], [0, 0, 1, 1], [], []>, transpose_lhs_hint = false} : vector<2000x128xf32>, vector<128x128xf32>, vector<2000x128xf32> -> vector<2000x128xf32>
    %get3A_9 = arith.constant 0 : index
    %get3A_10 = arith.constant 0 : index
    %get3A_11 = vector.load %arg5[%get3A_9, %get3A_10] : memref<1x128xf32, #tpu.memory_space<vmem>>, vector<1x128xf32>
    %add3A_12 = vector.broadcast %get3A_11 : vector<1x128xf32> to vector<2000x128xf32>
    %add3A_13 = arith.addf %dot_general3A_8, %add3A_12 : vector<2000x128xf32>
    %max3A = arith.constant 0.000000e+00 : f32
    %max3A_14 = vector.broadcast %max3A : f32 to vector<2000x128xf32>
    %max3A_15 = arith.maximumf %add3A_13, %max3A_14 : vector<2000x128xf32>
    %mul3A = arith.constant 2.000000e+00 : f32
    %mul3A_16 = vector.broadcast %mul3A : f32 to vector<2000x128xf32>
    %mul3A_17 = arith.mulf %mul3A_16, %max3A_15 : vector<2000x128xf32>
    %sub3A = arith.subf %add3A_13, %mul3A_17 : vector<2000x128xf32>
    %exp3A = math.exp %sub3A : vector<2000x128xf32>
    %add3A_18 = arith.constant 1.000000e+00 : f32
    %add3A_19 = vector.broadcast %add3A_18 : f32 to vector<2000x128xf32>
    %add3A_20 = arith.addf %add3A_19, %exp3A : vector<2000x128xf32>
    %log3A = math.log %add3A_20 : vector<2000x128xf32>
    %add3A_21 = arith.addf %max3A_15, %log3A : vector<2000x128xf32>
    %sub3A_22 = arith.constant 0.693147182 : f32
    %sub3A_23 = vector.broadcast %sub3A_22 : f32 to vector<2000x128xf32>
    %sub3A_24 = arith.subf %add3A_21, %sub3A_23 : vector<2000x128xf32>
    %get3A_25 = arith.constant 0 : index
    %get3A_26 = arith.constant 0 : index
    %get3A_27 = vector.load %arg6[%get3A_25, %get3A_26] : memref<128x128xf32, #tpu.memory_space<vmem>>, vector<128x128xf32>
    %dot_general3A_28 = arith.constant dense<0.000000e+00> : vector<2000x128xf32>
    %dot_general3A_29 = tpu.matmul %sub3A_24, %get3A_27, %dot_general3A_28 {dimension_numbers = #tpu.dot_dimension_numbers<[1], [0], [0], [1], [0, 0, 1, 1], [], []>, transpose_lhs_hint = false} : vector<2000x128xf32>, vector<128x128xf32>, vector<2000x128xf32> -> vector<2000x128xf32>
    %get3A_30 = arith.constant 0 : index
    %get3A_31 = arith.constant 0 : index
    %get3A_32 = vector.load %arg7[%get3A_30, %get3A_31] : memref<1x128xf32, #tpu.memory_space<vmem>>, vector<1x128xf32>
    %add3A_33 = vector.broadcast %get3A_32 : vector<1x128xf32> to vector<2000x128xf32>
    %add3A_34 = arith.addf %dot_general3A_29, %add3A_33 : vector<2000x128xf32>
    %swap3A = arith.constant 0 : index
    %swap3A_35 = arith.constant 0 : index
    %swap3A_36 = vector.load %arg9[%swap3A, %swap3A_35] : memref<2000x128xf32, #tpu.memory_space<vmem>>, vector<2000x128xf32>
    tpu.vector_store %arg9[%swap3A, %swap3A_35], %add3A_34 {strides = array<i32>} : memref<2000x128xf32, #tpu.memory_space<vmem>>, vector<2000x128xf32>,
    %get3A_37 = arith.constant 0 : index
    %get3A_38 = arith.constant 0 : index
    %get3A_39 = vector.load %arg1[%get3A_37, %get3A_38] : memref<2000x128xf32, #tpu.memory_space<vmem>>, vector<2000x128xf32>
    %add3A_40 = arith.addf %get3A_39, %add3A_34 : vector<2000x128xf32>
    %swap3A_41 = arith.constant 0 : index
    %swap3A_42 = arith.constant 0 : index
    %swap3A_43 = vector.load %arg8[%swap3A_41, %swap3A_42] : memref<2000x128xf32, #tpu.memory_space<vmem>>, vector<2000x128xf32>
    tpu.vector_store %arg8[%swap3A_41, %swap3A_42], %add3A_40 {strides = array<i32>} : memref<2000x128xf32, #tpu.memory_space<vmem>>, vector<2000x128xf32>,
    return
  }
  func.func @transform_0(%arg0: i32) -> (i32, i32) {
    %c0_i32 = arith.constant 0 : i32
    %c0_i32_0 = arith.constant 0 : i32
    return %arg0, %c0_i32 : i32, i32
  }
  func.func @transform_1(%arg0: i32) -> (i32, i32) {
    %c0_i32 = arith.constant 0 : i32
    %c0_i32_0 = arith.constant 0 : i32
    return %arg0, %c0_i32 : i32, i32
  }
  func.func @transform_2(%arg0: i32) -> (i32, i32) {
    %c0_i32 = arith.constant 0 : i32
    %c0_i32_0 = arith.constant 0 : i32
    return %arg0, %c0_i32 : i32, i32
  }
  func.func @transform_3(%arg0: i32) -> (i32, i32) {
    %c0_i32 = arith.constant 0 : i32
    %c0_i32_0 = arith.constant 0 : i32
    %c0_i32_1 = arith.constant 0 : i32
    return %c0_i32, %c0_i32_0 : i32, i32
  }
  func.func @transform_4(%arg0: i32) -> (i32, i32) {
    %c0_i32 = arith.constant 0 : i32
    %c0_i32_0 = arith.constant 0 : i32
    %c0_i32_1 = arith.constant 0 : i32
    return %c0_i32, %c0_i32_0 : i32, i32
  }
  func.func @transform_5(%arg0: i32) -> (i32, i32) {
    %c0_i32 = arith.constant 0 : i32
    %c0_i32_0 = arith.constant 0 : i32
    %c0_i32_1 = arith.constant 0 : i32
    return %c0_i32, %c0_i32_0 : i32, i32
  }
  func.func @transform_6(%arg0: i32) -> (i32, i32) {
    %c0_i32 = arith.constant 0 : i32
    %c0_i32_0 = arith.constant 0 : i32
    %c0_i32_1 = arith.constant 0 : i32
    return %c0_i32, %c0_i32_0 : i32, i32
  }
  func.func @transform_7(%arg0: i32) -> (i32, i32) {
    %c0_i32 = arith.constant 0 : i32
    %c0_i32_0 = arith.constant 0 : i32
    return %arg0, %c0_i32 : i32, i32
  }
  func.func @transform_8(%arg0: i32) -> (i32, i32) {
    %c0_i32 = arith.constant 0 : i32
    %c0_i32_0 = arith.constant 0 : i32
    return %arg0, %c0_i32 : i32, i32
  }
}

</mosaic_0001>

<sc_bundles>
// kernel: kernel.11.cloned.1.call-start
scs
__scs_entry_jumppad:
0x0: {  	(pc) =	sbr.rel $0x88, $3  }
0x1: {  	(tag) =	ssettag $0x0;
	lr =	simm.s32 $0x1  }
0x2: {  	[smem:$0x3F94] =	sst lr;
	_ =	strace $0xD0000000  }
0x3: {  	_ = 	snop  }
0x4: {  	_ = 	snop  }
0x5: {  	_ = 	snop  }
0x6: {  	_ = 	snop  }
0x7: {  	_ = 	snop  }
__scs_overlays_trampoline_lowered:
0x8: {  	[smem:$0x3FA3] =	sst s0  }
0x9: {  	[smem:$0x3FA4] =	sst s1  }
0xa: {  	[smem:$0x3FA5] =	sst s2  }
0xb: {  	[smem:$0x3FA6] =	sst s3  }
0xc: {  	[smem:$0x3FA7] =	sst s4  }
0xd: {  	[smem:$0x3FA8] =	sst s5  }
0xe: {  	[smem:$0x3FA9] =	sst s6  }
0xf: {  	[smem:$0x3FAA] =	sst s7  }
0x10: {  	[smem:$0x3FAB] =	sst s8  }
0x11: {  	[smem:$0x3FAC] =	sst s9;
	s0 =	simm.s32 @!p0 $0x0  }
0x12: {  	s1 =	sld [smem:$0x3F92];
	s0 =	simm.s32 @p0 $0x1  }
0x13: {  	[smem:$0x3FAD] =	sst s0;
	s0 =	simm.s32 @!p1 $0x0  }
0x14: {  	s2 =	sld [smem:$0x3F91];
	s0 =	simm.s32 @p1 $0x1  }
0x15: {  	[smem:$0x3FAE] =	sst s0;
	s0 =	simm.s32 @!p2 $0x0  }
0x16: {  	s3 =	sld [smem:$0x3FDB];
	s0 =	simm.s32 @p2 $0x1  }
0x17: {  	s4 =	simm.s32 $0x1BF5;
	[smem:$0x3FB0] =	sst s0  }
0x18: {  	s0 =	sld [smem:$0x3F93];
	_ =	swait.ge [sflag:s4], $0x0  }
0x19: {  	s7 =	sld [smem:$0x3F94]  }
0x1a: {  	s8 =	sadd.s32 $0xFFFFE003, lr  }
0x1b: {  	s9 =	sadd.s32 $0xFFFFFEF7, lr;
	s5 =	simm.s32 $0xFFFFFFFF;
	p2 =	slt.u32 s8, $0xFFFFF086  }
0x1c: {  	p1 =	slt.u32 s9, $0xF7A;
	s5 =	simm.s32 @!p2 $0x0  }
0x1d: {  	s5 =	simm.s32 @p1 $0x1;
	p0 =	seq.s32 s7, s2  }
0x1e: {  	s7 =	smul.u32 @!p0 $0xF7A, s2;
	p2 =	seq.s32 @!p0 s5, $0x0  }
0x1f: {  	s9 =	smul.u32 $0xF7A, s1;
	s8 =	simm.s32 @!p0 $0x1BF5;
	p2 =	por !p2, p0  }
0x20: {  	[sflag:s8] =	ssyncset.s32 @!p0 $0xFFFFF086;
	s6 =	sadd.s32 @!p0 s3, s7;
	s7 =	simm.s32 @!p0 $0x108  }
0x21: {  	s3 =	sadd.s32 s3, s9;
	s6 =	sadd.s32 @!p0 $0x88, s6;
	s7 =	simm.s32 @p2 $0x1082  }
0x22: {  	[simem:s7], [sflag:s8] =	dma.local @!p0 [hbm:s6], $0xF7A  }
0x23: {  	s9 =	sor.u32 $0xD0000000, s2;
	s6 =	simm.s32 $0x108;
	_ =	swait.ge @!p0 [sflag:s8], $0x0  }
0x24: {  	s3 =	sadd.s32 $0x88, s3;
	s6 =	simm.s32 @!p1 $0x1082;
	[sflag:s4] =	ssyncset.s32 $0xFFFFF086  }
0x25: {  	[simem:s6], [sflag:s4] =	dma.local [hbm:s3], $0xF7A  }
0x26: {  	[smem:$0x3F94] =	sst s1;
	(tag) =	ssettag s2;
	_ =	strace s9  }
0x27: {  	s1 =	sld [smem:$0x3FA4]  }
0x28: {  	s2 =	sld [smem:$0x3FA5]  }
0x29: {  	s4 =	sld [smem:$0x3FA7]  }
0x2a: {  	p0 =	seq.s32 s5, $0x0;
	s5 =	sld [smem:$0x3FA8]  }
0x2b: {  	s6 =	sld [smem:$0x3FA9]  }
0x2c: {  	s7 =	sld [smem:$0x3FAA]  }
0x2d: {  	s3 =	simm.s32 $0x108;
	s8 =	sld [smem:$0x3FAB]  }
0x2e: {  	s3 =	simm.s32 @!p0 $0x1082;
	s9 =	sld [smem:$0x3FAC]  }
0x2f: {  	lr =	sadd.s32 s0, s3;
	s0 =	sld [smem:$0x3FA3]  }
0x30: {  	s3 =	sld [smem:$0x3FA6]  }
0x31: {  	[smem:$0x3FAF] =	sst s10  }
0x32: {  	s10 =	sld [smem:$0x3FAD];
	_ =	sdelay $0x3  }
0x33: {  	p0 =	seq.s32 s10, $0x1;
	s10 =	sld [smem:$0x3FAF];
	_ =	sdelay $0x3  }
0x34: {  	[smem:$0x3FAF] =	sst s10  }
0x35: {  	s10 =	sld [smem:$0x3FAE];
	_ =	sdelay $0x3  }
0x36: {  	p1 =	seq.s32 s10, $0x1;
	s10 =	sld [smem:$0x3FAF];
	_ =	sdelay $0x3  }
0x37: {  	[smem:$0x3FAF] =	sst s10  }
0x38: {  	s10 =	sld [smem:$0x3FB0]  }
0x39: {  	_ = 	snop;
	(pc) =	sbr.ind lr, $3  }
0x3a: {  	_ = 	snop  }
0x3b: {  	_ = 	snop  }
0x3c: {  	p2 =	seq.s32 s10, $0x1;
	s10 =	sld [smem:$0x3FAF]  }
0x3d: {  	_ =	shalt  }
0x3e: {  	_ =	shalt  }
0x3f: {  	_ =	shalt  }
0x40: {  	_ =	shalt  }
0x41: {  	_ =	shalt  }
0x42: {  	_ =	shalt  }
0x43: {  	_ =	shalt  }
0x44: {  	_ =	shalt  }
0x45: {  	_ =	shalt  }
0x46: {  	_ =	shalt  }
0x47: {  	_ =	shalt  }
0x48: {  	_ =	shalt  }
0x49: {  	_ =	shalt  }
0x4a: {  	_ =	shalt  }
0x4b: {  	_ =	shalt  }
0x4c: {  	_ =	shalt  }
0x4d: {  	_ =	shalt  }
0x4e: {  	_ =	shalt  }
0x4f: {  	_ =	shalt  }
0x50: {  	_ =	shalt  }
0x51: {  	_ =	shalt  }
0x52: {  	_ =	shalt  }
0x53: {  	_ =	shalt  }
0x54: {  	_ =	shalt  }
0x55: {  	_ =	shalt  }
0x56: {  	_ =	shalt  }
0x57: {  	_ =	shalt  }
0x58: {  	_ =	shalt  }
0x59: {  	_ =	shalt  }
0x5a: {  	_ =	shalt  }
0x5b: {  	_ =	shalt  }
0x5c: {  	_ =	shalt  }
0x5d: {  	_ =	shalt  }
0x5e: {  	_ =	shalt  }
0x5f: {  	_ =	shalt  }
0x60: {  	_ =	shalt  }
0x61: {  	_ =	shalt  }
0x62: {  	_ =	shalt  }
0x63: {  	_ =	shalt  }
0x64: {  	_ =	shalt  }
0x65: {  	_ =	shalt  }
0x66: {  	_ =	shalt  }
0x67: {  	_ =	shalt  }
0x68: {  	_ =	shalt  }
0x69: {  	_ =	shalt  }
0x6a: {  	_ =	shalt  }
0x6b: {  	_ =	shalt  }
0x6c: {  	_ =	shalt  }
0x6d: {  	_ =	shalt  }
0x6e: {  	_ =	shalt  }
0x6f: {  	_ =	shalt  }
0x70: {  	_ =	shalt  }
0x71: {  	_ =	shalt  }
0x72: {  	_ =	shalt  }
0x73: {  	_ =	shalt  }
0x74: {  	_ =	shalt  }
0x75: {  	_ =	shalt  }
0x76: {  	_ =	shalt  }
0x77: {  	_ =	shalt  }
0x78: {  	_ =	shalt  }
0x79: {  	_ =	shalt  }
0x7a: {  	_ =	shalt  }
0x7b: {  	_ =	shalt  }
0x7c: {  	_ =	shalt  }
0x7d: {  	_ =	shalt  }
0x7e: {  	_ =	shalt  }
0x7f: {  	_ =	shalt  }
0x80: {  	_ =	shalt  }
0x81: {  	_ =	shalt  }
0x82: {  	_ =	shalt  }
0x83: {  	_ =	shalt  }
0x84: {  	_ =	shalt  }
0x85: {  	_ =	shalt  }
0x86: {  	_ =	shalt  }
0x87: {  	_ =	shalt  }
.Lfunc_end0:
.L_simem_size_0:
called_computation.1_lowered:
.L_overlay_start_0:
0x88: {  	s2 =	sld [smem:$0x3FD9]  }
0x89: {  	s3 =	sld [smem:$0x3FFE];
	_ =	sdelay $0x1  }
0x8a: {  	s1 =	srdreg.scid  }
0x8b: {  	s0 =	sand.u32 $0x1, s1  }
0x8c: {  	s14 =	sshll.u32 s0, $0xA;
	s2 =	sadd.s32 s3, s2  }
0x8d: {  	s2 =	sadd.s32 s2, s14  }
0x8e: {  	[smem:$0x3FBB] =	sst s2  }
0x8f: {  	_ = 	snop  }
0x90: {  	s2 =	sld [smem:$0x3FD0];
	_ =	sdelay $0x2  }
0x91: {  	s15 =	simm.s32 $0xB;
	s4 =	simm.s32 $0x10  }
0x92: {  	[smem:s4], [sflag:s15] =	dma.local [hbm:s2], $0x1  }
0x93: {  	_ =	swait.eq [sflag:s15], $0x1  }
0x94: {  	[sflag:s15] =	ssyncset.done $0x0  }
0x95: {  	[sflag:s15] =	ssyncadd.s32 $0xFFFFFFFF  }
0x96: {  	s16 =	sld [smem:$0x11];
	(tm) =	ssettm $0x1  }
0x97: {  	s17 =	sld [smem:$0x3FFB];
	_ =	sdelay $0x3  }
0x98: {  	_ =	strace s17  }
0x99: {  	s3 =	sld [smem:$0x3FFC];
	_ =	sdelay $0x3  }
0x9a: {  	_ =	strace s3  }
0x9b: {  	s3 =	sld [smem:$0x3FFD];
	_ =	sdelay $0x3  }
0x9c: {  	_ =	strace s3  }
0x9d: {  	_ =	strace $0x8FFFFFFF  }
0x9e: {  	s18 =	sld [smem:$0x3FDB];
	_ =	sdelay $0x1  }
0x9f: {  	s19 =	simm.s32 $_scs_section_size  }
0xa0: {  	s5 =	simm.s32 $_size__tile_overlayer_lowered;
	s6 =	simm.s32 $_tile_overlayer_lowered  }
0xa1: {  	s22 =	simm.s32 $0x1BFF;
	s21 =	sshll.u32 s6, $0x1;
	s3 =	sadd.s32 s19, s18  }
0xa2: {  	s7 =	simm.s32 $0x0;
	s20 =	sshll.u32 s5, $0x1;
	s5 =	sadd.s32 s21, s3  }
0xa3: {  	[timem:s7], [sflag:s22] =	dma.local [hbm:s5], s20  }
0xa4: {  	_ =	swait.ge [sflag:s22], s20  }
0xa5: {  	s4 =	ssub.s32 $0x0, s20;
	[sflag:s22] =	ssyncset.done $0x0  }
0xa6: {  	[sflag:s22] =	ssyncadd.s32 s4;
	_ =	sdelay $0x1  }
0xa7: {  	s23 =	simm.s32 $0x1B8B  }
0xa8: {  	_ =	swait.ge [sflag:s23], $0x1  }
0xa9: {  	[sflag:s23] =	ssyncset.done $0x0  }
0xaa: {  	s25 =	simm.s32 $0x1B8E;
	s24 =	sld [smem:$0x3FFE];
	[sflag:s23] =	ssyncadd.s32 $0xFFFFFFFF  }
0xab: {  	s26 =	simm.s32 $execute0_lowered;
	[smem:$0x3FD2] =	sst s25  }
0xac: {  	s5 =	sshll.u32 s26, $0x1;
	_ =	strace $0x80000046;
	[dreg:$0x1] =	wrdreg $0xFFFFFFFF  }
0xad: {  	s28 =	simm.s32 $_size_execute0_lowered;
	s3 =	sadd.s32 s3, s5;
	[dreg:$0x0] =	wrdreg $0x0  }
0xae: {  	s5 =	sshll.u32 s28, $0x1;
	[dreg:$0x2] =	wrdreg s3  }
0xaf: {  	[dreg:$0x3] =	wrdreg s5  }
0xb0: {  	[dreg:$0x4] =	wrdreg $0xC0  }
0xb1: {  	_ =	task [dreg:s7], $0x5FFFF  }
0xb2: {  	[dreg:$0x1] =	wrdreg $0xFFFFFFFF  }
0xb3: {  	[dreg:$0x0] =	wrdreg $0x60  }
0xb4: {  	[dreg:$0x2] =	wrdreg s24  }
0xb5: {  	[dreg:$0x3] =	wrdreg s16  }
0xb6: {  	[dreg:$0x4] =	wrdreg $0x157800  }
0xb7: {  	[dreg:$0x5] =	wrdreg $0xA  }
0xb8: {  	_ =	task.clear_ibuf [dreg:s7], $0x6FFFF;
	_ =	strace $0x90000046  }
0xb9: {  	s29 =	simm.s32 $0xA;
	_ =	strace $0x80000048  }
0xba: {  	_ =	swait.ge [sflag:s29], $0x1  }
0xbb: {  	[sflag:s29] =	ssyncadd.s32 $0xFFFFFFFF  }
0xbc: {  	_ =	strace $0x90000048  }
0xbd: {  	_ =	sfence  }
0xbe: {  	s30 =	sld [smem:$0x0];
	_ =	sdelay $0x2  }
0xbf: {  	s31 =	sshll.u32 s1, $0xD;
	s1 =	sshrl.u32 s1, $0x2  }
0xc0: {  	s3 =	sand.u32 $0x4000, s31;
	s1 =	sadd.s32 s1, s30  }
0xc1: {  	s0 =	sor.u32 s3, s0;
	s1 =	sshll.u32 s1, $0x11  }
0xc2: {  	s0 =	sor.u32 s1, s0  }
0xc3: {  	s0 =	sadd.s32 $0x8F2B, s0  }
0xc4: {  	[sflag:s0] =	ssyncadd.remote.s32 $0x1  }
0xc5: {  	_ =	sfence.sel $0xFFFF  }
0xc6: {  	[dreg:$0x0] =	wrdreg $0xFFFFFFFF;
	(pc) =	sbr.abs _section_cstart, $3  }
0xc7: {  	[dreg:$0x1] =	wrdreg $0xFFFFFFFF  }
0xc8: {  	_ =	task.clear_ibuf [dreg:s7], $0x2FFFF;
	_ =	strace $0x9FFFFFFF  }
0xc9: {  	(tm) =	ssettm $0x7FFFFFFF  }
tec
execute0_lowered:
.L_overlay_start_1:
0x0: {  	(tag) =	ssettag $0x1  }
0x1: {  	s0 =	rddreg [dreg:$0x0]  }
0x2: {  	s2 =	rddreg [dreg:$0x1]  }
0x3: {  	s3 =	rddreg [dreg:$0x2];
	s12 =	stileid.u32;
	s4 =	simm.s32 $0x0  }
0x4: {  	s6 =	srdreg.scid;
	s16 =	simm.s32 $0xA;
	s28 =	simm.s32 $0x12F80  }
0x5: {  	s29 =	simm.s32 $0xB780;
	s30 =	simm.s32 $0x5;
	s7 =	smul.u32 $0x9C00, s12  }
0x6: {  	s31 =	simm.s32 $0x2;
	s1 =	sshrl.u32 s12, $0x3;
	s17 =	smul.u32 $0x27000, s12  }
0x7: {  	[smem:$0x7FF] =	sst s4;
	s5 =	sshll.u32 s12, $0x7;
	s21 =	smul.u32 $0x138800, s12  }
0x8: {  	s6 =	sand.u32 $0x1, s6;
	s8 =	sshll.u32 s12, $0xB;
	s22 =	smul.u32 $0x27100, s12  }
0x9: {  	s20 =	sshll.u32 s12, $0x6;
	s1 =	smul.u32 $0x13C00, s1;
	_ =	strace $0x80000047  }
0xa: {  	s5 =	sand.u32 $0x380, s5;
	s9 =	smul.u32 $0x9C400, s6;
	s8 =	sadd.s32 s8, s0  }
0xb: {  	s11 =	ssub.s32 $0x2, s6;
	s6 =	sshll.u32 s6, $0xF;
	s10 =	sshrl.u32 s7, $0x3  }
0xc: {  	s18 =	sshrl.u32 s11, $0x1;
	s6 =	sadd.s32 s6, s8;
	s24 =	sshrl.u32 s21, $0x3  }
0xd: {  	s21 =	simm.s32 $0x50;
	s1 =	sor.u32 s5, s1;
	s5 =	sadd.s32 $0x293E00, s0  }
0xe: {  	s7 =	sadd.s32 s7, s9;
	s10 =	sadd.s32 s10, s0;
	s9 =	sshrl.u32 s17, $0x2  }
0xf: {  	s11 =	ssub.s32 s11, s18;
	s23 =	sadd.s32 $0xDE00, s6;
	s17 =	simm.s32 $0x3  }
0x10: {  	s18 =	simm.s32 $0x8;
	s6 =	simm.s32 $0x0;
	s1 =	sshrl.u32 s1, $0x3  }
0x11: {  	s7 =	sshrl.u32 s7, $0x3;
	s9 =	sadd.s32 s9, s3;
	s19 =	sadd.s32 $0x504E00, s10  }
0x12: {  	[dreg:$0x6] =	wrdreg s23;
	s10 =	smul.u32 $0x2710, s12;
	s25 =	sadd.s32 s5, s22  }
0x13: {  	s26 =	smax.u32 s11, $0x1;
	s22 =	simm.s32 $0x6780;
	[dreg:$0x4] =	wrdreg s19  }
0x14: {  	s23 =	simm.s32 $0x10780;
	s1 =	sadd.s32 s1, s0;
	[dreg:$0x7] =	wrdreg s25  }
0x15: {  	s0 =	sadd.s32 s7, s0;
	s7 =	sor.u32 $0x1C0A, s20;
	[dreg:$0xa] =	wrdreg s26  }
0x16: {  	s15 =	sshrl.u32 s9, $0x3;
	s20 =	simm.s32 $0xDF80;
	s25 =	simm.s32 $0x4  }
0x17: {  	s26 =	simm.s32 $0x1;
	s19 =	simm.s32 $0x9;
	s1 =	sadd.s32 $0x28EE00, s1  }
0x18: {  	s0 =	sadd.s32 $0x518800, s0;
	[dreg:$0x5] =	wrdreg s1;
	s1 =	sadd.s32 s5, s24  }
0x19: {  	[dreg:$0x9] =	wrdreg s0;
	s24 =	simm.s32 $0x8F80;
	s1 =	sadd.s32 $0x500, s1  }
0x1a: {  	s0 =	simm.s32 $0x7;
	[dreg:$0x8] =	wrdreg s1;
	s1 =	simm.s32 $0x6  }
.LBB2_1:
0x1b: {  	s8 =	rddreg [dreg:$0x4]  }
0x1c: {  	[spmem:s15], [sflag:s7] =	dma.local [hbm:s8], $0x1480  }
0x1d: {  	_ =	swait.ge [sflag:s16], $0x1480  }
0x1e: {  	s9 =	simm.s32 $0x80;
	[sflag:s16] =	ssyncset.done $0x0  }
0x1f: {  	s11 =	simm.s32 $0x400;
	s14 =	rddreg [dreg:$0x5];
	[sflag:s16] =	ssyncadd.s32 $0xFFFFEB80  }
0x20: {  	[tilespmem:s4], [sflag:$0xA] =	stream.strided.gather [hbm4b:s14+s9], $0x2780, s11, s9, $0x38;
	[tilespmem:$0x1F400] =	vst v63  }
0x21: {  	_ =	swait.ge [sflag:s16], $0x2780  }
0x22: {  	[sflag:s16] =	ssyncset.done $0x0  }
0x23: {  	s12 =	simm.s32 $0x2780;
	s11 =	rddreg [dreg:$0x6];
	[sflag:s16] =	ssyncadd.s32 $0xFFFFD880  }
0x24: {  	[tilespmem:s12], [sflag:$0xA] =	stream.linear.gather [hbm4b:s11+s4], $0x3E80, $0x38;
	[tilespmem:$0x1F400] =	vst v63  }
0x25: {  	_ =	swait.ge [sflag:s16], $0x3E80  }
0x26: {  	[sflag:s16] =	ssyncset.done $0x0  }
0x27: {  	[sflag:s16] =	ssyncadd.s32 $0xFFFFC180  }
0x28: {  	[bflag:$0x0] =	sbarrier.arrive $0xFFFF  }
0x29: {  	s13 =	rddreg [dreg:$0x7]  }
0x2a: {  	[tilespmem:s20], [sflag:$0x4] =	stream.linear.gather [hbm4b:s13+s4], $0x2800, $0x38;
	[tilespmem:$0x1F400] =	vst v63  }
0x2b: {  	_ = 	snop  }
0x2c: {  	[tilespmem:s22], [sflag:$0x1] =	stream.indirect.gather [hbm4b:s2+s21], $0x80, s4, s21, $0xb8;
	[tilespmem:$0x1F400] =	vst v63  }
0x2d: {  	s14 =	rddreg [dreg:$0x8]  }
0x2e: {  	[tilespmem:s23], [sflag:$0x5] =	stream.linear.gather [hbm4b:s14+s4], $0x2800, $0x38;
	[tilespmem:$0x1F400] =	vst v63  }
0x2f: {  	s8 =	simm.s32 $0x0  }
0x30: {  	[tilespmem:s24], [sflag:$0x2] =	stream.indirect.gather [hbm4b:s2+s21], $0x80, s21, s21, $0xb8;
	[tilespmem:$0x1F400] =	vst v63  }
.LBB2_2:
0x31: {  	_ =	swait.ge [sflag:s25], $0x2800  }
0x32: {  	[sflag:s25] =	ssyncset.done $0x0  }
0x33: {  	[sflag:s25] =	ssyncadd.s32 $0xFFFFD800  }
0x34: {  	_ =	swait.ge [sflag:s26], $0x2800  }
0x35: {  	[sflag:s26] =	ssyncset.done $0x0  }
0x36: {  	s9 =	simm.s32 $0xF0;
	[sflag:s26] =	ssyncadd.s32 $0xFFFFD800  }
0x37: {  	v6 =	vld [tilespmem:s9+$0xDE90]  }
0x38: {  	v7 =	vld [tilespmem:s9+$0xDEA0]  }
0x39: {  	v8 =	vld [tilespmem:s9+$0xDEB0]  }
0x3a: {  	v9 =	vld [tilespmem:s9+$0xDEC0]  }
0x3b: {  	v10 =	vld [tilespmem:s9+$0xDED0]  }
0x3c: {  	v11 =	vld [tilespmem:s9+$0xDEE0]  }
0x3d: {  	v12 =	vld [tilespmem:s9+$0xDEF0]  }
0x3e: {  	v13 =	vld [tilespmem:s9+$0xDF00]  }
0x3f: {  	v14 =	vld [tilespmem:s9+$0xDF10]  }
0x40: {  	v15 =	vld [tilespmem:s9+$0xDF20]  }
0x41: {  	v5 =	vld [tilespmem:s9+$0xDF30]  }
0x42: {  	v4 =	vld [tilespmem:s9+$0xDF40]  }
0x43: {  	v3 =	vld [tilespmem:s9+$0xDF50]  }
0x44: {  	v2 =	vld [tilespmem:s9+$0xDF60]  }
0x45: {  	v1 =	vld [tilespmem:s9+$0xDF70]  }
0x46: {  	v0 =	vld [tilespmem:s9+$0xDF80]  }
0x47: {  	v16 =	vld [tilespmem:s9+$0x6690]  }
0x48: {  	v17 =	vld [tilespmem:s9+$0x66A0]  }
0x49: {  	v18 =	vld [tilespmem:s9+$0x66B0]  }
0x4a: {  	v19 =	vld [tilespmem:s9+$0x66C0]  }
0x4b: {  	v20 =	vld [tilespmem:s9+$0x66D0]  }
0x4c: {  	v60 =	vld [tilespmem:s9+$0x66E0];
	v6 =	vmul.f32 v6, v16  }
0x4d: {  	v21 =	vld [tilespmem:s9+$0x66F0];
	v7 =	vmul.f32 v7, v17  }
0x4e: {  	v61 =	vld [tilespmem:s9+$0x6700];
	[tilespmem:s9+$0x6690] =	vst v6;
	v6 =	vmul.f32 v8, v18  }
0x4f: {  	v62 =	vld [tilespmem:s9+$0x6710];
	[tilespmem:s9+$0x66A0] =	vst v7;
	v7 =	vmul.f32 v9, v19  }
0x50: {  	v63 =	vld [tilespmem:s9+$0x6720];
	[tilespmem:s9+$0x66B0] =	vst v6;
	v6 =	vmul.f32 v10, v20  }
0x51: {  	v8 =	vmul.f32 v11, v60;
	[tilespmem:s9+$0x66C0] =	vst v7;
	v7 =	vld [tilespmem:s9+$0x6730]  }
0x52: {  	v9 =	vmul.f32 v12, v21;
	[tilespmem:s9+$0x66D0] =	vst v6;
	v6 =	vld [tilespmem:s9+$0x6740]  }
0x53: {  	[tilespmem:s9+$0x66E0] =	vst v8;
	v8 =	vld [tilespmem:s9+$0x6750];
	v10 =	vmul.f32 v13, v61  }
0x54: {  	v12 =	vmul.f32 v14, v62;
	[tilespmem:s9+$0x66F0] =	vst v9;
	v9 =	vld [tilespmem:s9+$0x6760]  }
0x55: {  	s11 =	simm.s32 $0x7C0;
	v11 =	vmul.f32 v15, v63;
	[tilespmem:s9+$0x6700] =	vst v10;
	v10 =	vld [tilespmem:s9+$0x6770]  }
.LBB2_3:
0x56: {  	s12 =	sshra.s32 s11, $0x2;
	p0 =	sne.s32 s11, $0x9FC0;
	[tilespmem:s9+$0x6710] =	vst v12;
	v5 =	vmul.f32 v5, v7;
	v7 =	vld [tilespmem:s9+$0x6780]  }
0x57: {  	v12 =	vld [tilespmem:s12+$0xDE90];
	[tilespmem:s9+$0x6720] =	vst v11;
	v4 =	vmul.f32 v4, v6  }
0x58: {  	v6 =	vld [tilespmem:s12+$0xDEA0];
	[tilespmem:s9+$0x6730] =	vst v5;
	v3 =	vmul.f32 v3, v8  }
0x59: {  	v8 =	vld [tilespmem:s12+$0xDEB0];
	[tilespmem:s9+$0x6740] =	vst v4;
	v2 =	vmul.f32 v2, v9  }
0x5a: {  	v9 =	vld [tilespmem:s12+$0xDEC0];
	[tilespmem:s9+$0x6750] =	vst v3;
	v1 =	vmul.f32 v1, v10  }
0x5b: {  	v10 =	vld [tilespmem:s12+$0xDED0];
	[tilespmem:s9+$0x6760] =	vst v2;
	v0 =	vmul.f32 v0, v7  }
0x5c: {  	v7 =	vld [tilespmem:s12+$0xDEE0];
	[tilespmem:s9+$0x6770] =	vst v1  }
0x5d: {  	v11 =	vld [tilespmem:s12+$0xDEF0];
	[tilespmem:s9+$0x6780] =	vst v0;
	s9 =	smov.u32 s12  }
0x5e: {  	v13 =	vld [tilespmem:s9+$0xDF00]  }
0x5f: {  	v14 =	vld [tilespmem:s9+$0xDF10]  }
0x60: {  	v15 =	vld [tilespmem:s9+$0xDF20]  }
0x61: {  	v5 =	vld [tilespmem:s9+$0xDF30]  }
0x62: {  	v4 =	vld [tilespmem:s9+$0xDF40]  }
0x63: {  	v3 =	vld [tilespmem:s9+$0xDF50]  }
0x64: {  	v2 =	vld [tilespmem:s9+$0xDF60]  }
0x65: {  	v1 =	vld [tilespmem:s9+$0xDF70]  }
0x66: {  	v0 =	vld [tilespmem:s9+$0xDF80]  }
0x67: {  	v16 =	vld [tilespmem:s9+$0x6690]  }
0x68: {  	v17 =	vld [tilespmem:s9+$0x66A0]  }
0x69: {  	v18 =	vld [tilespmem:s9+$0x66B0]  }
0x6a: {  	v19 =	vld [tilespmem:s9+$0x66C0]  }
0x6b: {  	v20 =	vld [tilespmem:s9+$0x66D0]  }
0x6c: {  	v12 =	vmul.f32 v12, v16;
	v16 =	vld [tilespmem:s9+$0x66E0]  }
0x6d: {  	v6 =	vmul.f32 v6, v17;
	v17 =	vld [tilespmem:s9+$0x66F0]  }
0x6e: {  	[tilespmem:s9+$0x6690] =	vst v12;
	v8 =	vmul.f32 v8, v18;
	v12 =	vld [tilespmem:s9+$0x6700]  }
0x6f: {  	[tilespmem:s9+$0x66A0] =	vst v6;
	v6 =	vmul.f32 v9, v19;
	v9 =	vld [tilespmem:s9+$0x6710]  }
0x70: {  	[tilespmem:s9+$0x66B0] =	vst v8;
	v8 =	vmul.f32 v10, v20;
	v10 =	vld [tilespmem:s9+$0x6720]  }
.Ltmp0:
0x71: {  	[tilespmem:s9+$0x66C0] =	vst v6;
	v16 =	vmul.f32 v7, v16;
	v7 =	vld [tilespmem:s9+$0x6730];
	(pc) =	sbr.rel @p0 .LBB2_3-.Ltmp0, $4  }
0x72: {  	[tilespmem:s9+$0x66D0] =	vst v8;
	v11 =	vmul.f32 v11, v17;
	v6 =	vld [tilespmem:s9+$0x6740]  }
0x73: {  	[tilespmem:s9+$0x66E0] =	vst v16;
	v13 =	vmul.f32 v13, v12;
	v8 =	vld [tilespmem:s9+$0x6750]  }
0x74: {  	[tilespmem:s9+$0x66F0] =	vst v11;
	v12 =	vmul.f32 v14, v9;
	v9 =	vld [tilespmem:s9+$0x6760]  }
0x75: {  	s11 =	sadd.s32 $0x400, s11;
	[tilespmem:s9+$0x6700] =	vst v13;
	v11 =	vmul.f32 v15, v10;
	v10 =	vld [tilespmem:s9+$0x6770]  }
0x76: {  	[tilespmem:s9+$0x6710] =	vst v12;
	v5 =	vmul.f32 v5, v7;
	v7 =	vld [tilespmem:s9+$0x6780]  }
0x77: {  	[tilespmem:s9+$0x6720] =	vst v11;
	v4 =	vmul.f32 v4, v6  }
0x78: {  	[tilespmem:s9+$0x6730] =	vst v5;
	v3 =	vmul.f32 v3, v8  }
0x79: {  	[tilespmem:s9+$0x6740] =	vst v4;
	v2 =	vmul.f32 v2, v9  }
0x7a: {  	s11 =	smul.u32 $0x600, s8;
	[tilespmem:s9+$0x6750] =	vst v3;
	v1 =	vmul.f32 v1, v10  }
0x7b: {  	s13 =	smul.u32 $0x3, s8;
	[tilespmem:s9+$0x6760] =	vst v2;
	v0 =	vmul.f32 v0, v7  }
0x7c: {  	s11 =	sshra.s32 s11, $0x2;
	[tilespmem:s9+$0x6770] =	vst v1  }
0x7d: {  	s12 =	sadd.s32 $0x2780, s11;
	[tilespmem:s9+$0x6780] =	vst v0;
	s9 =	sadd.s32 $0x2, s13  }
0x7e: {  	[spmem:s3] =	stream.indirect.scatter.add.f32 [tilespmem:s22], [sflag:$0x7], $0x80, s12, s21, $0xb8;
	[tilespmem:$0x1F400] =	vst v63  }
0x7f: {  	p0 =	seq.s32 s8, $0x0;
	s12 =	smul.u32 $0x50, s9  }
0x80: {  	s13 =	simm.s32 @!p0 $0x9  }
0x81: {  	_ =	swait.ge @!p0 [sflag:s13], $0x2800;
	s14 =	sadd.s32 s10, s12  }
0x82: {  	[sflag:s13] =	ssyncset.done @!p0 $0x0;
	s14 =	sshll.u32 s14, $0x4  }
0x83: {  	[sflag:s13] =	ssyncadd.s32 @!p0 $0xFFFFD800;
	s14 =	sadd.s32 s5, s14  }
0x84: {  	[tilespmem:s28], [sflag:$0x6] =	stream.linear.gather [hbm4b:s14+s4], $0x2800, $0x38;
	[tilespmem:$0x1F400] =	vst v63  }
0x85: {  	_ = 	snop  }
0x86: {  	[tilespmem:s29], [sflag:$0x3] =	stream.indirect.gather [hbm4b:s2+s21], $0x80, s12, s21, $0xb8;
	[tilespmem:$0x1F400] =	vst v63  }
0x87: {  	_ =	swait.ge [sflag:s30], $0x2800  }
0x88: {  	[sflag:s30] =	ssyncset.done $0x0  }
0x89: {  	[sflag:s30] =	ssyncadd.s32 $0xFFFFD800  }
0x8a: {  	_ =	swait.ge [sflag:s31], $0x2800  }
0x8b: {  	[sflag:s31] =	ssyncset.done $0x0  }
0x8c: {  	s12 =	simm.s32 $0xF0;
	[sflag:s31] =	ssyncadd.s32 $0xFFFFD800  }
0x8d: {  	v6 =	vld [tilespmem:s12+$0x10690]  }
0x8e: {  	v7 =	vld [tilespmem:s12+$0x106A0]  }
0x8f: {  	v8 =	vld [tilespmem:s12+$0x106B0]  }
0x90: {  	v9 =	vld [tilespmem:s12+$0x106C0]  }
0x91: {  	v10 =	vld [tilespmem:s12+$0x106D0]  }
0x92: {  	v11 =	vld [tilespmem:s12+$0x106E0]  }
0x93: {  	v12 =	vld [tilespmem:s12+$0x106F0]  }
0x94: {  	v13 =	vld [tilespmem:s12+$0x10700]  }
0x95: {  	v14 =	vld [tilespmem:s12+$0x10710]  }
0x96: {  	v15 =	vld [tilespmem:s12+$0x10720]  }
0x97: {  	v5 =	vld [tilespmem:s12+$0x10730]  }
0x98: {  	v4 =	vld [tilespmem:s12+$0x10740]  }
0x99: {  	v3 =	vld [tilespmem:s12+$0x10750]  }
0x9a: {  	v2 =	vld [tilespmem:s12+$0x10760]  }
0x9b: {  	v1 =	vld [tilespmem:s12+$0x10770]  }
0x9c: {  	v0 =	vld [tilespmem:s12+$0x10780]  }
0x9d: {  	v16 =	vld [tilespmem:s12+$0x8E90]  }
0x9e: {  	v17 =	vld [tilespmem:s12+$0x8EA0]  }
0x9f: {  	v18 =	vld [tilespmem:s12+$0x8EB0]  }
0xa0: {  	v19 =	vld [tilespmem:s12+$0x8EC0]  }
0xa1: {  	v20 =	vld [tilespmem:s12+$0x8ED0]  }
0xa2: {  	v60 =	vld [tilespmem:s12+$0x8EE0];
	v6 =	vmul.f32 v6, v16  }
0xa3: {  	v21 =	vld [tilespmem:s12+$0x8EF0];
	v7 =	vmul.f32 v7, v17  }
0xa4: {  	v61 =	vld [tilespmem:s12+$0x8F00];
	[tilespmem:s12+$0x8E90] =	vst v6;
	v6 =	vmul.f32 v8, v18  }
0xa5: {  	v62 =	vld [tilespmem:s12+$0x8F10];
	[tilespmem:s12+$0x8EA0] =	vst v7;
	v7 =	vmul.f32 v9, v19  }
0xa6: {  	v63 =	vld [tilespmem:s12+$0x8F20];
	[tilespmem:s12+$0x8EB0] =	vst v6;
	v6 =	vmul.f32 v10, v20  }
0xa7: {  	v8 =	vmul.f32 v11, v60;
	[tilespmem:s12+$0x8EC0] =	vst v7;
	v7 =	vld [tilespmem:s12+$0x8F30]  }
0xa8: {  	v9 =	vmul.f32 v12, v21;
	[tilespmem:s12+$0x8ED0] =	vst v6;
	v6 =	vld [tilespmem:s12+$0x8F40]  }
0xa9: {  	[tilespmem:s12+$0x8EE0] =	vst v8;
	v8 =	vld [tilespmem:s12+$0x8F50];
	v10 =	vmul.f32 v13, v61  }
0xaa: {  	v12 =	vmul.f32 v14, v62;
	[tilespmem:s12+$0x8EF0] =	vst v9;
	v9 =	vld [tilespmem:s12+$0x8F60]  }
0xab: {  	s13 =	simm.s32 $0x7C0;
	v11 =	vmul.f32 v15, v63;
	[tilespmem:s12+$0x8F00] =	vst v10;
	v10 =	vld [tilespmem:s12+$0x8F70]  }
.LBB2_5:
0xac: {  	s14 =	sshra.s32 s13, $0x2;
	p0 =	sne.s32 s13, $0x9FC0;
	[tilespmem:s12+$0x8F10] =	vst v12;
	v5 =	vmul.f32 v5, v7;
	v7 =	vld [tilespmem:s12+$0x8F80]  }
0xad: {  	v12 =	vld [tilespmem:s14+$0x10690];
	[tilespmem:s12+$0x8F20] =	vst v11;
	v4 =	vmul.f32 v4, v6  }
0xae: {  	v6 =	vld [tilespmem:s14+$0x106A0];
	[tilespmem:s12+$0x8F30] =	vst v5;
	v3 =	vmul.f32 v3, v8  }
0xaf: {  	v8 =	vld [tilespmem:s14+$0x106B0];
	[tilespmem:s12+$0x8F40] =	vst v4;
	v2 =	vmul.f32 v2, v9  }
0xb0: {  	v9 =	vld [tilespmem:s14+$0x106C0];
	[tilespmem:s12+$0x8F50] =	vst v3;
	v1 =	vmul.f32 v1, v10  }
0xb1: {  	v10 =	vld [tilespmem:s14+$0x106D0];
	[tilespmem:s12+$0x8F60] =	vst v2;
	v0 =	vmul.f32 v0, v7  }
0xb2: {  	v7 =	vld [tilespmem:s14+$0x106E0];
	[tilespmem:s12+$0x8F70] =	vst v1  }
0xb3: {  	v11 =	vld [tilespmem:s14+$0x106F0];
	[tilespmem:s12+$0x8F80] =	vst v0;
	s12 =	smov.u32 s14  }
0xb4: {  	v13 =	vld [tilespmem:s12+$0x10700]  }
0xb5: {  	v14 =	vld [tilespmem:s12+$0x10710]  }
0xb6: {  	v15 =	vld [tilespmem:s12+$0x10720]  }
0xb7: {  	v5 =	vld [tilespmem:s12+$0x10730]  }
0xb8: {  	v4 =	vld [tilespmem:s12+$0x10740]  }
0xb9: {  	v3 =	vld [tilespmem:s12+$0x10750]  }
0xba: {  	v2 =	vld [tilespmem:s12+$0x10760]  }
0xbb: {  	v1 =	vld [tilespmem:s12+$0x10770]  }
0xbc: {  	v0 =	vld [tilespmem:s12+$0x10780]  }
0xbd: {  	v16 =	vld [tilespmem:s12+$0x8E90]  }
0xbe: {  	v17 =	vld [tilespmem:s12+$0x8EA0]  }
0xbf: {  	v18 =	vld [tilespmem:s12+$0x8EB0]  }
0xc0: {  	v19 =	vld [tilespmem:s12+$0x8EC0]  }
0xc1: {  	v20 =	vld [tilespmem:s12+$0x8ED0]  }
0xc2: {  	v12 =	vmul.f32 v12, v16;
	v16 =	vld [tilespmem:s12+$0x8EE0]  }
0xc3: {  	v6 =	vmul.f32 v6, v17;
	v17 =	vld [tilespmem:s12+$0x8EF0]  }
0xc4: {  	[tilespmem:s12+$0x8E90] =	vst v12;
	v8 =	vmul.f32 v8, v18;
	v12 =	vld [tilespmem:s12+$0x8F00]  }
0xc5: {  	[tilespmem:s12+$0x8EA0] =	vst v6;
	v6 =	vmul.f32 v9, v19;
	v9 =	vld [tilespmem:s12+$0x8F10]  }
0xc6: {  	[tilespmem:s12+$0x8EB0] =	vst v8;
	v8 =	vmul.f32 v10, v20;
	v10 =	vld [tilespmem:s12+$0x8F20]  }
.Ltmp1:
0xc7: {  	[tilespmem:s12+$0x8EC0] =	vst v6;
	v16 =	vmul.f32 v7, v16;
	v7 =	vld [tilespmem:s12+$0x8F30];
	(pc) =	sbr.rel @p0 .LBB2_5-.Ltmp1, $4  }
0xc8: {  	[tilespmem:s12+$0x8ED0] =	vst v8;
	v11 =	vmul.f32 v11, v17;
	v6 =	vld [tilespmem:s12+$0x8F40]  }
0xc9: {  	[tilespmem:s12+$0x8EE0] =	vst v16;
	v13 =	vmul.f32 v13, v12;
	v8 =	vld [tilespmem:s12+$0x8F50]  }
0xca: {  	[tilespmem:s12+$0x8EF0] =	vst v11;
	v12 =	vmul.f32 v14, v9;
	v9 =	vld [tilespmem:s12+$0x8F60]  }
0xcb: {  	s13 =	sadd.s32 $0x400, s13;
	[tilespmem:s12+$0x8F00] =	vst v13;
	v11 =	vmul.f32 v15, v10;
	v10 =	vld [tilespmem:s12+$0x8F70]  }
0xcc: {  	[tilespmem:s12+$0x8F10] =	vst v12;
	v5 =	vmul.f32 v5, v7;
	v7 =	vld [tilespmem:s12+$0x8F80]  }
0xcd: {  	[tilespmem:s12+$0x8F20] =	vst v11;
	v4 =	vmul.f32 v4, v6  }
0xce: {  	[tilespmem:s12+$0x8F30] =	vst v5;
	v3 =	vmul.f32 v3, v8  }
0xcf: {  	[tilespmem:s12+$0x8F40] =	vst v4;
	v2 =	vmul.f32 v2, v9  }
0xd0: {  	[tilespmem:s12+$0x8F50] =	vst v3;
	v1 =	vmul.f32 v1, v10  }
0xd1: {  	s13 =	sadd.s32 $0x2800, s11;
	s11 =	smul.u32 $0xF0, s8;
	[tilespmem:s12+$0x8F60] =	vst v2;
	v0 =	vmul.f32 v0, v7  }
0xd2: {  	[tilespmem:s12+$0x8F70] =	vst v1  }
0xd3: {  	s14 =	sadd.s32 $0xF0, s11;
	[tilespmem:s12+$0x8F80] =	vst v0  }
0xd4: {  	[spmem:s3] =	stream.indirect.scatter.add.f32 [tilespmem:s24], [sflag:$0x8], $0x80, s13, s21, $0xb8;
	[tilespmem:$0x1F400] =	vst v63  }
0xd5: {  	s13 =	sadd.s32 s10, s14;
	_ =	swait.ge [sflag:s0], $0x2800  }
0xd6: {  	s13 =	sshll.u32 s13, $0x4;
	[sflag:s0] =	ssyncset.done $0x0  }
0xd7: {  	s13 =	sadd.s32 s5, s13;
	[sflag:s0] =	ssyncadd.s32 $0xFFFFD800  }
0xd8: {  	[tilespmem:s20], [sflag:$0x4] =	stream.linear.gather [hbm4b:s13+s4], $0x2800, $0x38;
	[tilespmem:$0x1F400] =	vst v63  }
0xd9: {  	_ = 	snop  }
0xda: {  	[tilespmem:s22], [sflag:$0x1] =	stream.indirect.gather [hbm4b:s2+s21], $0x80, s14, s21, $0xb8;
	[tilespmem:$0x1F400] =	vst v63  }
0xdb: {  	_ =	swait.ge [sflag:s1], $0x2800  }
0xdc: {  	[sflag:s1] =	ssyncset.done $0x0  }
0xdd: {  	[sflag:s1] =	ssyncadd.s32 $0xFFFFD800  }
0xde: {  	_ =	swait.ge [sflag:s17], $0x2800  }
0xdf: {  	[sflag:s17] =	ssyncset.done $0x0  }
0xe0: {  	s12 =	simm.s32 $0xF0;
	[sflag:s17] =	ssyncadd.s32 $0xFFFFD800  }
0xe1: {  	v6 =	vld [tilespmem:s12+$0x12E90]  }
0xe2: {  	v7 =	vld [tilespmem:s12+$0x12EA0]  }
0xe3: {  	v8 =	vld [tilespmem:s12+$0x12EB0]  }
0xe4: {  	v9 =	vld [tilespmem:s12+$0x12EC0]  }
0xe5: {  	v10 =	vld [tilespmem:s12+$0x12ED0]  }
0xe6: {  	v11 =	vld [tilespmem:s12+$0x12EE0]  }
0xe7: {  	v12 =	vld [tilespmem:s12+$0x12EF0]  }
0xe8: {  	v13 =	vld [tilespmem:s12+$0x12F00]  }
0xe9: {  	v14 =	vld [tilespmem:s12+$0x12F10]  }
0xea: {  	v15 =	vld [tilespmem:s12+$0x12F20]  }
0xeb: {  	v5 =	vld [tilespmem:s12+$0x12F30]  }
0xec: {  	v4 =	vld [tilespmem:s12+$0x12F40]  }
0xed: {  	v3 =	vld [tilespmem:s12+$0x12F50]  }
0xee: {  	v2 =	vld [tilespmem:s12+$0x12F60]  }
0xef: {  	v1 =	vld [tilespmem:s12+$0x12F70]  }
0xf0: {  	v0 =	vld [tilespmem:s12+$0x12F80]  }
0xf1: {  	v16 =	vld [tilespmem:s12+$0xB690]  }
0xf2: {  	v17 =	vld [tilespmem:s12+$0xB6A0]  }
0xf3: {  	v18 =	vld [tilespmem:s12+$0xB6B0]  }
0xf4: {  	v19 =	vld [tilespmem:s12+$0xB6C0]  }
0xf5: {  	v20 =	vld [tilespmem:s12+$0xB6D0]  }
0xf6: {  	v60 =	vld [tilespmem:s12+$0xB6E0];
	v6 =	vmul.f32 v6, v16  }
0xf7: {  	v21 =	vld [tilespmem:s12+$0xB6F0];
	v7 =	vmul.f32 v7, v17  }
0xf8: {  	v61 =	vld [tilespmem:s12+$0xB700];
	[tilespmem:s12+$0xB690] =	vst v6;
	v6 =	vmul.f32 v8, v18  }
0xf9: {  	v62 =	vld [tilespmem:s12+$0xB710];
	[tilespmem:s12+$0xB6A0] =	vst v7;
	v7 =	vmul.f32 v9, v19  }
0xfa: {  	v63 =	vld [tilespmem:s12+$0xB720];
	[tilespmem:s12+$0xB6B0] =	vst v6;
	v6 =	vmul.f32 v10, v20  }
0xfb: {  	v8 =	vmul.f32 v11, v60;
	[tilespmem:s12+$0xB6C0] =	vst v7;
	v7 =	vld [tilespmem:s12+$0xB730]  }
0xfc: {  	v9 =	vmul.f32 v12, v21;
	[tilespmem:s12+$0xB6D0] =	vst v6;
	v6 =	vld [tilespmem:s12+$0xB740]  }
0xfd: {  	[tilespmem:s12+$0xB6E0] =	vst v8;
	v8 =	vld [tilespmem:s12+$0xB750];
	v10 =	vmul.f32 v13, v61  }
0xfe: {  	v12 =	vmul.f32 v14, v62;
	[tilespmem:s12+$0xB6F0] =	vst v9;
	v9 =	vld [tilespmem:s12+$0xB760]  }
0xff: {  	s13 =	simm.s32 $0x7C0;
	v11 =	vmul.f32 v15, v63;
	[tilespmem:s12+$0xB700] =	vst v10;
	v10 =	vld [tilespmem:s12+$0xB770]  }
.LBB2_7:
0x100: {  	s14 =	sshra.s32 s13, $0x2;
	p0 =	sne.s32 s13, $0x9FC0;
	[tilespmem:s12+$0xB710] =	vst v12;
	v5 =	vmul.f32 v5, v7;
	v7 =	vld [tilespmem:s12+$0xB780]  }
0x101: {  	v12 =	vld [tilespmem:s14+$0x12E90];
	[tilespmem:s12+$0xB720] =	vst v11;
	v4 =	vmul.f32 v4, v6  }
0x102: {  	v6 =	vld [tilespmem:s14+$0x12EA0];
	[tilespmem:s12+$0xB730] =	vst v5;
	v3 =	vmul.f32 v3, v8  }
0x103: {  	v8 =	vld [tilespmem:s14+$0x12EB0];
	[tilespmem:s12+$0xB740] =	vst v4;
	v2 =	vmul.f32 v2, v9  }
0x104: {  	v9 =	vld [tilespmem:s14+$0x12EC0];
	[tilespmem:s12+$0xB750] =	vst v3;
	v1 =	vmul.f32 v1, v10  }
0x105: {  	v10 =	vld [tilespmem:s14+$0x12ED0];
	[tilespmem:s12+$0xB760] =	vst v2;
	v0 =	vmul.f32 v0, v7  }
0x106: {  	v7 =	vld [tilespmem:s14+$0x12EE0];
	[tilespmem:s12+$0xB770] =	vst v1  }
0x107: {  	v11 =	vld [tilespmem:s14+$0x12EF0];
	[tilespmem:s12+$0xB780] =	vst v0;
	s12 =	smov.u32 s14  }
0x108: {  	v13 =	vld [tilespmem:s12+$0x12F00]  }
0x109: {  	v14 =	vld [tilespmem:s12+$0x12F10]  }
0x10a: {  	v15 =	vld [tilespmem:s12+$0x12F20]  }
0x10b: {  	v5 =	vld [tilespmem:s12+$0x12F30]  }
0x10c: {  	v4 =	vld [tilespmem:s12+$0x12F40]  }
0x10d: {  	v3 =	vld [tilespmem:s12+$0x12F50]  }
0x10e: {  	v2 =	vld [tilespmem:s12+$0x12F60]  }
0x10f: {  	v1 =	vld [tilespmem:s12+$0x12F70]  }
0x110: {  	v0 =	vld [tilespmem:s12+$0x12F80]  }
0x111: {  	v16 =	vld [tilespmem:s12+$0xB690]  }
0x112: {  	v17 =	vld [tilespmem:s12+$0xB6A0]  }
0x113: {  	v18 =	vld [tilespmem:s12+$0xB6B0]  }
0x114: {  	v19 =	vld [tilespmem:s12+$0xB6C0]  }
0x115: {  	v20 =	vld [tilespmem:s12+$0xB6D0]  }
0x116: {  	v12 =	vmul.f32 v12, v16;
	v16 =	vld [tilespmem:s12+$0xB6E0]  }
0x117: {  	v6 =	vmul.f32 v6, v17;
	v17 =	vld [tilespmem:s12+$0xB6F0]  }
0x118: {  	[tilespmem:s12+$0xB690] =	vst v12;
	v8 =	vmul.f32 v8, v18;
	v12 =	vld [tilespmem:s12+$0xB700]  }
0x119: {  	[tilespmem:s12+$0xB6A0] =	vst v6;
	v6 =	vmul.f32 v9, v19;
	v9 =	vld [tilespmem:s12+$0xB710]  }
0x11a: {  	[tilespmem:s12+$0xB6B0] =	vst v8;
	v8 =	vmul.f32 v10, v20;
	v10 =	vld [tilespmem:s12+$0xB720]  }
.Ltmp2:
0x11b: {  	[tilespmem:s12+$0xB6C0] =	vst v6;
	v16 =	vmul.f32 v7, v16;
	v7 =	vld [tilespmem:s12+$0xB730];
	(pc) =	sbr.rel @p0 .LBB2_7-.Ltmp2, $4  }
0x11c: {  	[tilespmem:s12+$0xB6D0] =	vst v8;
	v11 =	vmul.f32 v11, v17;
	v6 =	vld [tilespmem:s12+$0xB740]  }
0x11d: {  	[tilespmem:s12+$0xB6E0] =	vst v16;
	v13 =	vmul.f32 v13, v12;
	v8 =	vld [tilespmem:s12+$0xB750]  }
0x11e: {  	[tilespmem:s12+$0xB6F0] =	vst v11;
	v12 =	vmul.f32 v14, v9;
	v9 =	vld [tilespmem:s12+$0xB760]  }
0x11f: {  	s13 =	sadd.s32 $0x400, s13;
	[tilespmem:s12+$0xB700] =	vst v13;
	v11 =	vmul.f32 v15, v10;
	v10 =	vld [tilespmem:s12+$0xB770]  }
0x120: {  	[tilespmem:s12+$0xB710] =	vst v12;
	v5 =	vmul.f32 v5, v7;
	v63 =	vld [tilespmem:s12+$0xB780]  }
0x121: {  	[tilespmem:s12+$0xB720] =	vst v11;
	v4 =	vmul.f32 v4, v6  }
0x122: {  	[tilespmem:s12+$0xB730] =	vst v5;
	v3 =	vmul.f32 v3, v8  }
0x123: {  	[tilespmem:s12+$0xB740] =	vst v4;
	v2 =	vmul.f32 v2, v9  }
0x124: {  	[tilespmem:s12+$0xB750] =	vst v3;
	v1 =	vmul.f32 v1, v10  }
0x125: {  	s9 =	sshll.u32 s9, $0x7;
	[tilespmem:s12+$0xB760] =	vst v2;
	v0 =	vmul.f32 v0, v63  }
0x126: {  	s9 =	sand.u32 $0x3FFFFF80, s9;
	[tilespmem:s12+$0xB770] =	vst v1  }
0x127: {  	s14 =	sadd.s32 $0x140, s11;
	s8 =	sadd.s32 $0x1, s8;
	s9 =	sadd.s32 $0x2780, s9;
	[tilespmem:s12+$0xB780] =	vst v0  }
0x128: {  	[spmem:s3] =	stream.indirect.scatter.add.f32 [tilespmem:s29], [sflag:$0x9], $0x80, s9, s21, $0xb8;
	[tilespmem:$0x1F400] =	vst v63  }
0x129: {  	s11 =	sadd.s32 s10, s14;
	p0 =	sne.s32 s8, $0x29;
	_ =	swait.ge [sflag:s18], $0x2800  }
.Ltmp3:
0x12a: {  	s11 =	sshll.u32 s11, $0x4;
	[sflag:s18] =	ssyncset.done $0x0;
	(pc) =	sbr.rel @p0 .LBB2_2-.Ltmp3, $4  }
0x12b: {  	s11 =	sadd.s32 s5, s11;
	[sflag:s18] =	ssyncadd.s32 $0xFFFFD800  }
0x12c: {  	[tilespmem:s23], [sflag:$0x5] =	stream.linear.gather [hbm4b:s11+s4], $0x2800, $0x38;
	[tilespmem:$0x1F400] =	vst v63  }
0x12d: {  	_ = 	snop  }
0x12e: {  	[tilespmem:s24], [sflag:$0x2] =	stream.indirect.gather [hbm4b:s2+s21], $0x80, s14, s21, $0xb8;
	[tilespmem:$0x1F400] =	vst v63  }
0x12f: {  	_ =	swait.ge [sflag:s25], $0x2800  }
0x130: {  	[sflag:s25] =	ssyncset.done $0x0  }
0x131: {  	[sflag:s25] =	ssyncadd.s32 $0xFFFFD800  }
0x132: {  	_ =	swait.ge [sflag:s26], $0x2800  }
0x133: {  	[sflag:s26] =	ssyncset.done $0x0  }
0x134: {  	s8 =	simm.s32 $0xF0;
	[sflag:s26] =	ssyncadd.s32 $0xFFFFD800  }
0x135: {  	v6 =	vld [tilespmem:s8+$0xDE90]  }
0x136: {  	v7 =	vld [tilespmem:s8+$0xDEA0]  }
0x137: {  	v8 =	vld [tilespmem:s8+$0xDEB0]  }
0x138: {  	v9 =	vld [tilespmem:s8+$0xDEC0]  }
0x139: {  	v10 =	vld [tilespmem:s8+$0xDED0]  }
0x13a: {  	v11 =	vld [tilespmem:s8+$0xDEE0]  }
0x13b: {  	v12 =	vld [tilespmem:s8+$0xDEF0]  }
0x13c: {  	v13 =	vld [tilespmem:s8+$0xDF00]  }
0x13d: {  	v14 =	vld [tilespmem:s8+$0xDF10]  }
0x13e: {  	v15 =	vld [tilespmem:s8+$0xDF20]  }
0x13f: {  	v5 =	vld [tilespmem:s8+$0xDF30]  }
0x140: {  	v4 =	vld [tilespmem:s8+$0xDF40]  }
0x141: {  	v3 =	vld [tilespmem:s8+$0xDF50]  }
0x142: {  	v2 =	vld [tilespmem:s8+$0xDF60]  }
0x143: {  	v1 =	vld [tilespmem:s8+$0xDF70]  }
0x144: {  	v0 =	vld [tilespmem:s8+$0xDF80]  }
0x145: {  	v16 =	vld [tilespmem:s8+$0x6690]  }
0x146: {  	v17 =	vld [tilespmem:s8+$0x66A0]  }
0x147: {  	v18 =	vld [tilespmem:s8+$0x66B0]  }
0x148: {  	v19 =	vld [tilespmem:s8+$0x66C0]  }
0x149: {  	v20 =	vld [tilespmem:s8+$0x66D0]  }
0x14a: {  	v60 =	vld [tilespmem:s8+$0x66E0];
	v6 =	vmul.f32 v6, v16  }
0x14b: {  	v21 =	vld [tilespmem:s8+$0x66F0];
	v7 =	vmul.f32 v7, v17  }
0x14c: {  	v61 =	vld [tilespmem:s8+$0x6700];
	[tilespmem:s8+$0x6690] =	vst v6;
	v6 =	vmul.f32 v8, v18  }
0x14d: {  	v62 =	vld [tilespmem:s8+$0x6710];
	[tilespmem:s8+$0x66A0] =	vst v7;
	v7 =	vmul.f32 v9, v19  }
0x14e: {  	v63 =	vld [tilespmem:s8+$0x6720];
	[tilespmem:s8+$0x66B0] =	vst v6;
	v6 =	vmul.f32 v10, v20  }
0x14f: {  	v8 =	vmul.f32 v11, v60;
	[tilespmem:s8+$0x66C0] =	vst v7;
	v7 =	vld [tilespmem:s8+$0x6730]  }
0x150: {  	v9 =	vmul.f32 v12, v21;
	[tilespmem:s8+$0x66D0] =	vst v6;
	v6 =	vld [tilespmem:s8+$0x6740]  }
0x151: {  	[tilespmem:s8+$0x66E0] =	vst v8;
	v8 =	vld [tilespmem:s8+$0x6750];
	v10 =	vmul.f32 v13, v61  }
0x152: {  	v12 =	vmul.f32 v14, v62;
	[tilespmem:s8+$0x66F0] =	vst v9;
	v9 =	vld [tilespmem:s8+$0x6760]  }
0x153: {  	s9 =	simm.s32 $0x7C0;
	v11 =	vmul.f32 v15, v63;
	[tilespmem:s8+$0x6700] =	vst v10;
	v10 =	vld [tilespmem:s8+$0x6770]  }
.LBB2_10:
0x154: {  	s11 =	sshra.s32 s9, $0x2;
	p0 =	sne.s32 s9, $0x9FC0;
	[tilespmem:s8+$0x6710] =	vst v12;
	v5 =	vmul.f32 v5, v7;
	v7 =	vld [tilespmem:s8+$0x6780]  }
0x155: {  	v12 =	vld [tilespmem:s11+$0xDE90];
	[tilespmem:s8+$0x6720] =	vst v11;
	v4 =	vmul.f32 v4, v6  }
0x156: {  	v6 =	vld [tilespmem:s11+$0xDEA0];
	[tilespmem:s8+$0x6730] =	vst v5;
	v3 =	vmul.f32 v3, v8  }
0x157: {  	v8 =	vld [tilespmem:s11+$0xDEB0];
	[tilespmem:s8+$0x6740] =	vst v4;
	v2 =	vmul.f32 v2, v9  }
0x158: {  	v9 =	vld [tilespmem:s11+$0xDEC0];
	[tilespmem:s8+$0x6750] =	vst v3;
	v1 =	vmul.f32 v1, v10  }
0x159: {  	v10 =	vld [tilespmem:s11+$0xDED0];
	[tilespmem:s8+$0x6760] =	vst v2;
	v0 =	vmul.f32 v0, v7  }
0x15a: {  	v7 =	vld [tilespmem:s11+$0xDEE0];
	[tilespmem:s8+$0x6770] =	vst v1  }
0x15b: {  	v11 =	vld [tilespmem:s11+$0xDEF0];
	[tilespmem:s8+$0x6780] =	vst v0;
	s8 =	smov.u32 s11  }
0x15c: {  	v13 =	vld [tilespmem:s8+$0xDF00]  }
0x15d: {  	v14 =	vld [tilespmem:s8+$0xDF10]  }
0x15e: {  	v15 =	vld [tilespmem:s8+$0xDF20]  }
0x15f: {  	v5 =	vld [tilespmem:s8+$0xDF30]  }
0x160: {  	v4 =	vld [tilespmem:s8+$0xDF40]  }
0x161: {  	v3 =	vld [tilespmem:s8+$0xDF50]  }
0x162: {  	v2 =	vld [tilespmem:s8+$0xDF60]  }
0x163: {  	v1 =	vld [tilespmem:s8+$0xDF70]  }
0x164: {  	v0 =	vld [tilespmem:s8+$0xDF80]  }
0x165: {  	v16 =	vld [tilespmem:s8+$0x6690]  }
0x166: {  	v17 =	vld [tilespmem:s8+$0x66A0]  }
0x167: {  	v18 =	vld [tilespmem:s8+$0x66B0]  }
0x168: {  	v19 =	vld [tilespmem:s8+$0x66C0]  }
0x169: {  	v20 =	vld [tilespmem:s8+$0x66D0]  }
0x16a: {  	v12 =	vmul.f32 v12, v16;
	v16 =	vld [tilespmem:s8+$0x66E0]  }
0x16b: {  	v6 =	vmul.f32 v6, v17;
	v17 =	vld [tilespmem:s8+$0x66F0]  }
0x16c: {  	[tilespmem:s8+$0x6690] =	vst v12;
	v8 =	vmul.f32 v8, v18;
	v12 =	vld [tilespmem:s8+$0x6700]  }
0x16d: {  	[tilespmem:s8+$0x66A0] =	vst v6;
	v6 =	vmul.f32 v9, v19;
	v9 =	vld [tilespmem:s8+$0x6710]  }
0x16e: {  	[tilespmem:s8+$0x66B0] =	vst v8;
	v8 =	vmul.f32 v10, v20;
	v10 =	vld [tilespmem:s8+$0x6720]  }
.Ltmp4:
0x16f: {  	[tilespmem:s8+$0x66C0] =	vst v6;
	v16 =	vmul.f32 v7, v16;
	v7 =	vld [tilespmem:s8+$0x6730];
	(pc) =	sbr.rel @p0 .LBB2_10-.Ltmp4, $4  }
0x170: {  	[tilespmem:s8+$0x66D0] =	vst v8;
	v11 =	vmul.f32 v11, v17;
	v6 =	vld [tilespmem:s8+$0x6740]  }
0x171: {  	[tilespmem:s8+$0x66E0] =	vst v16;
	v13 =	vmul.f32 v13, v12;
	v8 =	vld [tilespmem:s8+$0x6750]  }
0x172: {  	[tilespmem:s8+$0x66F0] =	vst v11;
	v12 =	vmul.f32 v14, v9;
	v9 =	vld [tilespmem:s8+$0x6760]  }
0x173: {  	s9 =	sadd.s32 $0x400, s9;
	[tilespmem:s8+$0x6700] =	vst v13;
	v11 =	vmul.f32 v15, v10;
	v10 =	vld [tilespmem:s8+$0x6770]  }
0x174: {  	[tilespmem:s8+$0x6710] =	vst v12;
	v5 =	vmul.f32 v5, v7;
	v7 =	vld [tilespmem:s8+$0x6780]  }
0x175: {  	[tilespmem:s8+$0x6720] =	vst v11;
	v4 =	vmul.f32 v4, v6  }
0x176: {  	[tilespmem:s8+$0x6730] =	vst v5;
	v3 =	vmul.f32 v3, v8  }
0x177: {  	[tilespmem:s8+$0x6740] =	vst v4;
	v2 =	vmul.f32 v2, v9  }
0x178: {  	[tilespmem:s8+$0x6750] =	vst v3;
	v1 =	vmul.f32 v1, v10  }
0x179: {  	[tilespmem:s8+$0x6760] =	vst v2;
	v0 =	vmul.f32 v0, v7  }
0x17a: {  	[tilespmem:s8+$0x6770] =	vst v1  }
0x17b: {  	s14 =	simm.s32 $0x6500;
	[tilespmem:s8+$0x6780] =	vst v0  }
0x17c: {  	[spmem:s3] =	stream.indirect.scatter.add.f32 [tilespmem:s22], [sflag:$0x7], $0x80, s14, s21, $0xb8;
	[tilespmem:$0x1F400] =	vst v63  }
0x17d: {  	_ =	swait.ge [sflag:s19], $0x2800  }
0x17e: {  	[sflag:s19] =	ssyncset.done $0x0  }
0x17f: {  	[sflag:s19] =	ssyncadd.s32 $0xFFFFD800  }
0x180: {  	_ =	swait.ge [sflag:s30], $0x2800  }
0x181: {  	[sflag:s30] =	ssyncset.done $0x0  }
0x182: {  	[sflag:s30] =	ssyncadd.s32 $0xFFFFD800  }
0x183: {  	_ =	swait.ge [sflag:s31], $0x2800  }
0x184: {  	[sflag:s31] =	ssyncset.done $0x0  }
0x185: {  	s8 =	simm.s32 $0xF0;
	[sflag:s31] =	ssyncadd.s32 $0xFFFFD800  }
0x186: {  	v6 =	vld [tilespmem:s8+$0x10690]  }
0x187: {  	v7 =	vld [tilespmem:s8+$0x106A0]  }
0x188: {  	v8 =	vld [tilespmem:s8+$0x106B0]  }
0x189: {  	v9 =	vld [tilespmem:s8+$0x106C0]  }
0x18a: {  	v10 =	vld [tilespmem:s8+$0x106D0]  }
0x18b: {  	v11 =	vld [tilespmem:s8+$0x106E0]  }
0x18c: {  	v12 =	vld [tilespmem:s8+$0x106F0]  }
0x18d: {  	v13 =	vld [tilespmem:s8+$0x10700]  }
0x18e: {  	v14 =	vld [tilespmem:s8+$0x10710]  }
0x18f: {  	v15 =	vld [tilespmem:s8+$0x10720]  }
0x190: {  	v5 =	vld [tilespmem:s8+$0x10730]  }
0x191: {  	v4 =	vld [tilespmem:s8+$0x10740]  }
0x192: {  	v3 =	vld [tilespmem:s8+$0x10750]  }
0x193: {  	v2 =	vld [tilespmem:s8+$0x10760]  }
0x194: {  	v1 =	vld [tilespmem:s8+$0x10770]  }
0x195: {  	v0 =	vld [tilespmem:s8+$0x10780]  }
0x196: {  	v16 =	vld [tilespmem:s8+$0x8E90]  }
0x197: {  	v17 =	vld [tilespmem:s8+$0x8EA0]  }
0x198: {  	v18 =	vld [tilespmem:s8+$0x8EB0]  }
0x199: {  	v19 =	vld [tilespmem:s8+$0x8EC0]  }
0x19a: {  	v20 =	vld [tilespmem:s8+$0x8ED0]  }
0x19b: {  	v60 =	vld [tilespmem:s8+$0x8EE0];
	v6 =	vmul.f32 v6, v16  }
0x19c: {  	v21 =	vld [tilespmem:s8+$0x8EF0];
	v7 =	vmul.f32 v7, v17  }
0x19d: {  	v61 =	vld [tilespmem:s8+$0x8F00];
	[tilespmem:s8+$0x8E90] =	vst v6;
	v6 =	vmul.f32 v8, v18  }
0x19e: {  	v62 =	vld [tilespmem:s8+$0x8F10];
	[tilespmem:s8+$0x8EA0] =	vst v7;
	v7 =	vmul.f32 v9, v19  }
0x19f: {  	v63 =	vld [tilespmem:s8+$0x8F20];
	[tilespmem:s8+$0x8EB0] =	vst v6;
	v6 =	vmul.f32 v10, v20  }
0x1a0: {  	v8 =	vmul.f32 v11, v60;
	[tilespmem:s8+$0x8EC0] =	vst v7;
	v7 =	vld [tilespmem:s8+$0x8F30]  }
0x1a1: {  	v9 =	vmul.f32 v12, v21;
	[tilespmem:s8+$0x8ED0] =	vst v6;
	v6 =	vld [tilespmem:s8+$0x8F40]  }
0x1a2: {  	[tilespmem:s8+$0x8EE0] =	vst v8;
	v8 =	vld [tilespmem:s8+$0x8F50];
	v10 =	vmul.f32 v13, v61  }
0x1a3: {  	v12 =	vmul.f32 v14, v62;
	[tilespmem:s8+$0x8EF0] =	vst v9;
	v9 =	vld [tilespmem:s8+$0x8F60]  }
0x1a4: {  	s9 =	simm.s32 $0x7C0;
	v11 =	vmul.f32 v15, v63;
	[tilespmem:s8+$0x8F00] =	vst v10;
	v10 =	vld [tilespmem:s8+$0x8F70]  }
.LBB2_12:
0x1a5: {  	s11 =	sshra.s32 s9, $0x2;
	p0 =	sne.s32 s9, $0x9FC0;
	[tilespmem:s8+$0x8F10] =	vst v12;
	v5 =	vmul.f32 v5, v7;
	v7 =	vld [tilespmem:s8+$0x8F80]  }
0x1a6: {  	v12 =	vld [tilespmem:s11+$0x10690];
	[tilespmem:s8+$0x8F20] =	vst v11;
	v4 =	vmul.f32 v4, v6  }
0x1a7: {  	v6 =	vld [tilespmem:s11+$0x106A0];
	[tilespmem:s8+$0x8F30] =	vst v5;
	v3 =	vmul.f32 v3, v8  }
0x1a8: {  	v8 =	vld [tilespmem:s11+$0x106B0];
	[tilespmem:s8+$0x8F40] =	vst v4;
	v2 =	vmul.f32 v2, v9  }
0x1a9: {  	v9 =	vld [tilespmem:s11+$0x106C0];
	[tilespmem:s8+$0x8F50] =	vst v3;
	v1 =	vmul.f32 v1, v10  }
0x1aa: {  	v10 =	vld [tilespmem:s11+$0x106D0];
	[tilespmem:s8+$0x8F60] =	vst v2;
	v0 =	vmul.f32 v0, v7  }
0x1ab: {  	v7 =	vld [tilespmem:s11+$0x106E0];
	[tilespmem:s8+$0x8F70] =	vst v1  }
0x1ac: {  	v11 =	vld [tilespmem:s11+$0x106F0];
	[tilespmem:s8+$0x8F80] =	vst v0;
	s8 =	smov.u32 s11  }
0x1ad: {  	v13 =	vld [tilespmem:s8+$0x10700]  }
0x1ae: {  	v14 =	vld [tilespmem:s8+$0x10710]  }
0x1af: {  	v15 =	vld [tilespmem:s8+$0x10720]  }
0x1b0: {  	v5 =	vld [tilespmem:s8+$0x10730]  }
0x1b1: {  	v4 =	vld [tilespmem:s8+$0x10740]  }
0x1b2: {  	v3 =	vld [tilespmem:s8+$0x10750]  }
0x1b3: {  	v2 =	vld [tilespmem:s8+$0x10760]  }
0x1b4: {  	v1 =	vld [tilespmem:s8+$0x10770]  }
0x1b5: {  	v0 =	vld [tilespmem:s8+$0x10780]  }
0x1b6: {  	v16 =	vld [tilespmem:s8+$0x8E90]  }
0x1b7: {  	v17 =	vld [tilespmem:s8+$0x8EA0]  }
0x1b8: {  	v18 =	vld [tilespmem:s8+$0x8EB0]  }
0x1b9: {  	v19 =	vld [tilespmem:s8+$0x8EC0]  }
0x1ba: {  	v20 =	vld [tilespmem:s8+$0x8ED0]  }
0x1bb: {  	v12 =	vmul.f32 v12, v16;
	v16 =	vld [tilespmem:s8+$0x8EE0]  }
0x1bc: {  	v6 =	vmul.f32 v6, v17;
	v17 =	vld [tilespmem:s8+$0x8EF0]  }
0x1bd: {  	[tilespmem:s8+$0x8E90] =	vst v12;
	v8 =	vmul.f32 v8, v18;
	v12 =	vld [tilespmem:s8+$0x8F00]  }
0x1be: {  	[tilespmem:s8+$0x8EA0] =	vst v6;
	v6 =	vmul.f32 v9, v19;
	v9 =	vld [tilespmem:s8+$0x8F10]  }
0x1bf: {  	[tilespmem:s8+$0x8EB0] =	vst v8;
	v8 =	vmul.f32 v10, v20;
	v10 =	vld [tilespmem:s8+$0x8F20]  }
.Ltmp5:
0x1c0: {  	[tilespmem:s8+$0x8EC0] =	vst v6;
	v16 =	vmul.f32 v7, v16;
	v7 =	vld [tilespmem:s8+$0x8F30];
	(pc) =	sbr.rel @p0 .LBB2_12-.Ltmp5, $4  }
0x1c1: {  	[tilespmem:s8+$0x8ED0] =	vst v8;
	v11 =	vmul.f32 v11, v17;
	v6 =	vld [tilespmem:s8+$0x8F40]  }
0x1c2: {  	[tilespmem:s8+$0x8EE0] =	vst v16;
	v13 =	vmul.f32 v13, v12;
	v8 =	vld [tilespmem:s8+$0x8F50]  }
0x1c3: {  	[tilespmem:s8+$0x8EF0] =	vst v11;
	v12 =	vmul.f32 v14, v9;
	v9 =	vld [tilespmem:s8+$0x8F60]  }
0x1c4: {  	s9 =	sadd.s32 $0x400, s9;
	[tilespmem:s8+$0x8F00] =	vst v13;
	v11 =	vmul.f32 v15, v10;
	v10 =	vld [tilespmem:s8+$0x8F70]  }
0x1c5: {  	[tilespmem:s8+$0x8F10] =	vst v12;
	v5 =	vmul.f32 v5, v7;
	v63 =	vld [tilespmem:s8+$0x8F80]  }
0x1c6: {  	[tilespmem:s8+$0x8F20] =	vst v11;
	v4 =	vmul.f32 v4, v6  }
0x1c7: {  	[tilespmem:s8+$0x8F30] =	vst v5;
	v3 =	vmul.f32 v3, v8  }
0x1c8: {  	[tilespmem:s8+$0x8F40] =	vst v4;
	v2 =	vmul.f32 v2, v9  }
0x1c9: {  	[tilespmem:s8+$0x8F50] =	vst v3;
	v1 =	vmul.f32 v1, v10  }
0x1ca: {  	[tilespmem:s8+$0x8F60] =	vst v2;
	v0 =	vmul.f32 v0, v63  }
0x1cb: {  	[tilespmem:s8+$0x8F70] =	vst v1  }
0x1cc: {  	s12 =	simm.s32 $0x6580;
	[tilespmem:s8+$0x8F80] =	vst v0  }
0x1cd: {  	[spmem:s3] =	stream.indirect.scatter.add.f32 [tilespmem:s24], [sflag:$0x8], $0x80, s12, s21, $0xb8;
	[tilespmem:$0x1F400] =	vst v63  }
0x1ce: {  	_ =	swait.ge [sflag:s0], $0x2800  }
0x1cf: {  	[sflag:s0] =	ssyncset.done $0x0  }
0x1d0: {  	[sflag:s0] =	ssyncadd.s32 $0xFFFFD800  }
0x1d1: {  	_ =	swait.ge [sflag:s18], $0x2800  }
0x1d2: {  	[sflag:s18] =	ssyncset.done $0x0  }
0x1d3: {  	[sflag:s18] =	ssyncadd.s32 $0xFFFFD800  }
0x1d4: {  	[bflag:$0x0] =	sbarrier.arrive $0xFFFF  }
0x1d5: {  	s13 =	rddreg [dreg:$0x9]  }
0x1d6: {  	[hbm:s13], [sflag:s7] =	dma.local [spmem:s15], $0x1400  }
0x1d7: {  	_ =	swait.ge [sflag:s16], $0x1400  }
0x1d8: {  	s6 =	sadd.s32 $0x1, s6;
	s14 =	rddreg [dreg:$0xa]  }
0x1d9: {  	p0 =	sne.s32 s6, s14  }
.Ltmp6:
0x1da: {  	_ = 	snop;
	(pc) =	sbr.rel @p0 .LBB2_1-.Ltmp6, $3  }
0x1db: {  	_ =	sdelay $0x1  }
0x1dc: {  	[sflag:s16] =	ssyncset.done $0x0  }
0x1dd: {  	[sflag:s16] =	ssyncadd.s32 $0xFFFFEC00  }
0x1de: {  	_ =	sfence.sel $0x180000  }
0x1df: {  	[bflag:$0x0] =	sbarrier.arrive $0xFFFF  }
0x1e0: {  	_ =	strace $0x90000047  }
0x1e1: {  	s0 =	stileid.u32;
	[bflag:$0x2] =	sbarrier.arrive $0xFFFF  }
0x1e2: {  	p0 =	sne.s32 s0, $0x0;
	s0 =	rddreg [dreg:$0x3]  }
0x1e3: {  	s0 =	sadd.s32 @!p0 $0x100000, s0  }
0x1e4: {  	[sflag:s0] =	ssyncadd.tile.s32 @!p0 $0x1;
	_ =	shalt  }
.Lfunc_end2:
_tile_overlayer_lowered:
.L_overlay_start_2:
0x1e5: {  	(tag) =	ssettag $0x2  }
0x1e6: {  	s0 =	rddreg [dreg:$0x0];
	s2 =	stileid.u32  }
0x1e7: {  	s1 =	rddreg [dreg:$0x1];
	p0 =	sne.s32 s2, $0x0  }
0x1e8: {  	s3 =	rddreg [dreg:$0x2];
	[bflag:$0x3] =	sbarrier.arrive $0xFFFF;
	s2 =	simm.s32 @!p0 $0x1C0A  }
0x1e9: {  	[timem:s3], [sflag:s2] =	dma.local @!p0 [hbm:s0], s1  }
0x1ea: {  	s0 =	simm.s32 @!p0 $0xA  }
0x1eb: {  	_ =	swait.ge @!p0 [sflag:s0], s1  }
0x1ec: {  	s1 =	ssub.s32 @!p0 $0x0, s1;
	[sflag:s0] =	ssyncset.done @!p0 $0x0  }
0x1ed: {  	[sflag:s0] =	ssyncadd.s32 @!p0 s1  }
0x1ee: {  	[bflag:$0x3] =	sbarrier.arrive $0xFFFF  }
0x1ef: {  	_ =	shalt  }

// kernel: kernel.8.cloned.1.call-start
scs
__scs_entry_jumppad:
0x0: {  	(pc) =	sbr.rel $0x88, $3  }
0x1: {  	(tag) =	ssettag $0x0;
	lr =	simm.s32 $0x1  }
0x2: {  	[smem:$0x3F94] =	sst lr;
	_ =	strace $0xD0000000  }
0x3: {  	_ = 	snop  }
0x4: {  	_ = 	snop  }
0x5: {  	_ = 	snop  }
0x6: {  	_ = 	snop  }
0x7: {  	_ = 	snop  }
__scs_overlays_trampoline_lowered:
0x8: {  	[smem:$0x3FA3] =	sst s0  }
0x9: {  	[smem:$0x3FA4] =	sst s1  }
0xa: {  	[smem:$0x3FA5] =	sst s2  }
0xb: {  	[smem:$0x3FA6] =	sst s3  }
0xc: {  	[smem:$0x3FA7] =	sst s4  }
0xd: {  	[smem:$0x3FA8] =	sst s5  }
0xe: {  	[smem:$0x3FA9] =	sst s6  }
0xf: {  	[smem:$0x3FAA] =	sst s7  }
0x10: {  	[smem:$0x3FAB] =	sst s8  }
0x11: {  	[smem:$0x3FAC] =	sst s9;
	s0 =	simm.s32 @!p0 $0x0  }
0x12: {  	s1 =	sld [smem:$0x3F92];
	s0 =	simm.s32 @p0 $0x1  }
0x13: {  	[smem:$0x3FAD] =	sst s0;
	s0 =	simm.s32 @!p1 $0x0  }
0x14: {  	s2 =	sld [smem:$0x3F91];
	s0 =	simm.s32 @p1 $0x1  }
0x15: {  	[smem:$0x3FAE] =	sst s0;
	s0 =	simm.s32 @!p2 $0x0  }
0x16: {  	s3 =	sld [smem:$0x3FDB];
	s0 =	simm.s32 @p2 $0x1  }
0x17: {  	s4 =	simm.s32 $0x1BF5;
	[smem:$0x3FB0] =	sst s0  }
0x18: {  	s0 =	sld [smem:$0x3F93];
	_ =	swait.ge [sflag:s4], $0x0  }
0x19: {  	s7 =	sld [smem:$0x3F94]  }
0x1a: {  	s8 =	sadd.s32 $0xFFFFE003, lr  }
0x1b: {  	s9 =	sadd.s32 $0xFFFFFEF7, lr;
	s5 =	simm.s32 $0xFFFFFFFF;
	p2 =	slt.u32 s8, $0xFFFFF086  }
0x1c: {  	p1 =	slt.u32 s9, $0xF7A;
	s5 =	simm.s32 @!p2 $0x0  }
0x1d: {  	s5 =	simm.s32 @p1 $0x1;
	p0 =	seq.s32 s7, s2  }
0x1e: {  	s7 =	smul.u32 @!p0 $0xF7A, s2;
	p2 =	seq.s32 @!p0 s5, $0x0  }
0x1f: {  	s9 =	smul.u32 $0xF7A, s1;
	s8 =	simm.s32 @!p0 $0x1BF5;
	p2 =	por !p2, p0  }
0x20: {  	[sflag:s8] =	ssyncset.s32 @!p0 $0xFFFFF086;
	s6 =	sadd.s32 @!p0 s3, s7;
	s7 =	simm.s32 @!p0 $0x108  }
0x21: {  	s3 =	sadd.s32 s3, s9;
	s6 =	sadd.s32 @!p0 $0x88, s6;
	s7 =	simm.s32 @p2 $0x1082  }
0x22: {  	[simem:s7], [sflag:s8] =	dma.local @!p0 [hbm:s6], $0xF7A  }
0x23: {  	s9 =	sor.u32 $0xD0000000, s2;
	s6 =	simm.s32 $0x108;
	_ =	swait.ge @!p0 [sflag:s8], $0x0  }
0x24: {  	s3 =	sadd.s32 $0x88, s3;
	s6 =	simm.s32 @!p1 $0x1082;
	[sflag:s4] =	ssyncset.s32 $0xFFFFF086  }
0x25: {  	[simem:s6], [sflag:s4] =	dma.local [hbm:s3], $0xF7A  }
0x26: {  	[smem:$0x3F94] =	sst s1;
	(tag) =	ssettag s2;
	_ =	strace s9  }
0x27: {  	s1 =	sld [smem:$0x3FA4]  }
0x28: {  	s2 =	sld [smem:$0x3FA5]  }
0x29: {  	s4 =	sld [smem:$0x3FA7]  }
0x2a: {  	p0 =	seq.s32 s5, $0x0;
	s5 =	sld [smem:$0x3FA8]  }
0x2b: {  	s6 =	sld [smem:$0x3FA9]  }
0x2c: {  	s7 =	sld [smem:$0x3FAA]  }
0x2d: {  	s3 =	simm.s32 $0x108;
	s8 =	sld [smem:$0x3FAB]  }
0x2e: {  	s3 =	simm.s32 @!p0 $0x1082;
	s9 =	sld [smem:$0x3FAC]  }
0x2f: {  	lr =	sadd.s32 s0, s3;
	s0 =	sld [smem:$0x3FA3]  }
0x30: {  	s3 =	sld [smem:$0x3FA6]  }
0x31: {  	[smem:$0x3FAF] =	sst s10  }
0x32: {  	s10 =	sld [smem:$0x3FAD];
	_ =	sdelay $0x3  }
0x33: {  	p0 =	seq.s32 s10, $0x1;
	s10 =	sld [smem:$0x3FAF];
	_ =	sdelay $0x3  }
0x34: {  	[smem:$0x3FAF] =	sst s10  }
0x35: {  	s10 =	sld [smem:$0x3FAE];
	_ =	sdelay $0x3  }
0x36: {  	p1 =	seq.s32 s10, $0x1;
	s10 =	sld [smem:$0x3FAF];
	_ =	sdelay $0x3  }
0x37: {  	[smem:$0x3FAF] =	sst s10  }
0x38: {  	s10 =	sld [smem:$0x3FB0]  }
0x39: {  	_ = 	snop;
	(pc) =	sbr.ind lr, $3  }
0x3a: {  	_ = 	snop  }
0x3b: {  	_ = 	snop  }
0x3c: {  	p2 =	seq.s32 s10, $0x1;
	s10 =	sld [smem:$0x3FAF]  }
0x3d: {  	_ =	shalt  }
0x3e: {  	_ =	shalt  }
0x3f: {  	_ =	shalt  }
0x40: {  	_ =	shalt  }
0x41: {  	_ =	shalt  }
0x42: {  	_ =	shalt  }
0x43: {  	_ =	shalt  }
0x44: {  	_ =	shalt  }
0x45: {  	_ =	shalt  }
0x46: {  	_ =	shalt  }
0x47: {  	_ =	shalt  }
0x48: {  	_ =	shalt  }
0x49: {  	_ =	shalt  }
0x4a: {  	_ =	shalt  }
0x4b: {  	_ =	shalt  }
0x4c: {  	_ =	shalt  }
0x4d: {  	_ =	shalt  }
0x4e: {  	_ =	shalt  }
0x4f: {  	_ =	shalt  }
0x50: {  	_ =	shalt  }
0x51: {  	_ =	shalt  }
0x52: {  	_ =	shalt  }
0x53: {  	_ =	shalt  }
0x54: {  	_ =	shalt  }
0x55: {  	_ =	shalt  }
0x56: {  	_ =	shalt  }
0x57: {  	_ =	shalt  }
0x58: {  	_ =	shalt  }
0x59: {  	_ =	shalt  }
0x5a: {  	_ =	shalt  }
0x5b: {  	_ =	shalt  }
0x5c: {  	_ =	shalt  }
0x5d: {  	_ =	shalt  }
0x5e: {  	_ =	shalt  }
0x5f: {  	_ =	shalt  }
0x60: {  	_ =	shalt  }
0x61: {  	_ =	shalt  }
0x62: {  	_ =	shalt  }
0x63: {  	_ =	shalt  }
0x64: {  	_ =	shalt  }
0x65: {  	_ =	shalt  }
0x66: {  	_ =	shalt  }
0x67: {  	_ =	shalt  }
0x68: {  	_ =	shalt  }
0x69: {  	_ =	shalt  }
0x6a: {  	_ =	shalt  }
0x6b: {  	_ =	shalt  }
0x6c: {  	_ =	shalt  }
0x6d: {  	_ =	shalt  }
0x6e: {  	_ =	shalt  }
0x6f: {  	_ =	shalt  }
0x70: {  	_ =	shalt  }
0x71: {  	_ =	shalt  }
0x72: {  	_ =	shalt  }
0x73: {  	_ =	shalt  }
0x74: {  	_ =	shalt  }
0x75: {  	_ =	shalt  }
0x76: {  	_ =	shalt  }
0x77: {  	_ =	shalt  }
0x78: {  	_ =	shalt  }
0x79: {  	_ =	shalt  }
0x7a: {  	_ =	shalt  }
0x7b: {  	_ =	shalt  }
0x7c: {  	_ =	shalt  }
0x7d: {  	_ =	shalt  }
0x7e: {  	_ =	shalt  }
0x7f: {  	_ =	shalt  }
0x80: {  	_ =	shalt  }
0x81: {  	_ =	shalt  }
0x82: {  	_ =	shalt  }
0x83: {  	_ =	shalt  }
0x84: {  	_ =	shalt  }
0x85: {  	_ =	shalt  }
0x86: {  	_ =	shalt  }
0x87: {  	_ =	shalt  }
.Lfunc_end0:
.L_simem_size_0:
called_computation_lowered:
.L_overlay_start_0:
0x88: {  	s2 =	sld [smem:$0x3FD9]  }
0x89: {  	s3 =	sld [smem:$0x3FFE];
	_ =	sdelay $0x1  }
0x8a: {  	s1 =	srdreg.scid  }
0x8b: {  	s0 =	sand.u32 $0x1, s1  }
0x8c: {  	s15 =	sshll.u32 s0, $0xA;
	s2 =	sadd.s32 s3, s2  }
0x8d: {  	s2 =	sadd.s32 s2, s15  }
0x8e: {  	[smem:$0x3FBB] =	sst s2  }
0x8f: {  	_ = 	snop  }
0x90: {  	s2 =	sld [smem:$0x3FD0];
	_ =	sdelay $0x2  }
0x91: {  	s4 =	simm.s32 $0xB;
	s16 =	simm.s32 $0x10  }
0x92: {  	[smem:s16], [sflag:s4] =	dma.local [hbm:s2], $0x1  }
0x93: {  	_ =	swait.eq [sflag:s4], $0x1  }
0x94: {  	[sflag:s4] =	ssyncset.done $0x0  }
0x95: {  	s17 =	sld [smem:$0x10];
	[sflag:s4] =	ssyncadd.s32 $0xFFFFFFFF  }
0x96: {  	s18 =	sld [smem:$0x11];
	(tm) =	ssettm $0x1  }
0x97: {  	s19 =	sld [smem:$0x3FFB];
	_ =	sdelay $0x3  }
0x98: {  	_ =	strace s19  }
0x99: {  	s2 =	sld [smem:$0x3FFC];
	_ =	sdelay $0x3  }
0x9a: {  	_ =	strace s2  }
0x9b: {  	s2 =	sld [smem:$0x3FFD];
	_ =	sdelay $0x3  }
0x9c: {  	_ =	strace s2  }
0x9d: {  	_ =	strace $0x8FFFFFFF  }
0x9e: {  	s20 =	sld [smem:$0x3FDB];
	_ =	sdelay $0x1  }
0x9f: {  	s5 =	simm.s32 $_scs_section_size  }
0xa0: {  	s6 =	simm.s32 $_size__tile_overlayer_lowered;
	s7 =	simm.s32 $_tile_overlayer_lowered  }
0xa1: {  	s8 =	simm.s32 $0x1BFF;
	s21 =	sshll.u32 s7, $0x1;
	s5 =	sadd.s32 s5, s20  }
0xa2: {  	s22 =	simm.s32 $0x0;
	s6 =	sshll.u32 s6, $0x1;
	s7 =	sadd.s32 s21, s5  }
0xa3: {  	[timem:s22], [sflag:s8] =	dma.local [hbm:s7], s6  }
0xa4: {  	_ =	swait.ge [sflag:s8], s6  }
0xa5: {  	s6 =	ssub.s32 $0x0, s6;
	[sflag:s8] =	ssyncset.done $0x0  }
0xa6: {  	[sflag:s8] =	ssyncadd.s32 s6;
	_ =	sdelay $0x1  }
0xa7: {  	s23 =	simm.s32 $0x1B8B  }
0xa8: {  	_ =	swait.ge [sflag:s23], $0x1  }
0xa9: {  	[sflag:s23] =	ssyncset.done $0x0  }
0xaa: {  	[sflag:s23] =	ssyncadd.s32 $0xFFFFFFFF  }
0xab: {  	s6 =	sld [smem:$0x0]  }
0xac: {  	s7 =	sand.u32 $0xFFFFFFFE, s1  }
0xad: {  	p0 =	sne.s32 s1, s7  }
0xae: {  	s7 =	sshll.u32 @p0 s7, $0xE  }
0xaf: {  	s7 =	sadd.s32 @p0 $0x11B8D, s7;
	s8 =	sshll.u32 @p0 s6, $0x11  }
0xb0: {  	s7 =	sor.u32 @p0 s8, s7  }
0xb1: {  	[sflag:s7] =	ssyncadd.remote.s32 @p0 $0x1;
	_ =	sdelay $0x1  }
0xb2: {  	s7 =	simm.s32 @p0 $0x1B8D  }
0xb3: {  	_ =	swait.eq @p0 [sflag:s7], $0x1  }
0xb4: {  	[sflag:s7] =	ssyncadd.s32 @p0 $0xFFFFFFFF  }
0xb5: {  	s8 =	sshll.u32 @!p0 s1, $0xE  }
0xb6: {  	s8 =	sor.u32 @!p0 $0x4000, s8;
	s7 =	simm.s32 @!p0 $0x1B8D  }
0xb7: {  	s6 =	sshll.u32 @!p0 s6, $0x11;
	s8 =	sadd.s32 @!p0 $0x11B8D, s8;
	_ =	swait.eq @!p0 [sflag:s7], $0x1  }
0xb8: {  	s6 =	sor.u32 @!p0 s6, s8;
	[sflag:s7] =	ssyncadd.s32 @!p0 $0xFFFFFFFF  }
0xb9: {  	s25 =	simm.s32 $0x1B8E;
	s24 =	sld [smem:$0x3FFE];
	[sflag:s6] =	ssyncadd.remote.s32 @!p0 $0x1  }
0xba: {  	s26 =	simm.s32 $execute0_lowered;
	[smem:$0x3FD2] =	sst s25  }
0xbb: {  	s7 =	sshll.u32 s26, $0x1;
	_ =	strace $0x80000049;
	[dreg:$0x1] =	wrdreg $0xFFFFFFFF  }
0xbc: {  	s28 =	simm.s32 $_size_execute0_lowered;
	s5 =	sadd.s32 s5, s7;
	[dreg:$0x0] =	wrdreg $0x0  }
0xbd: {  	s7 =	sshll.u32 s28, $0x1;
	[dreg:$0x2] =	wrdreg s5  }
0xbe: {  	[dreg:$0x3] =	wrdreg s7  }
0xbf: {  	[dreg:$0x4] =	wrdreg $0xC0  }
0xc0: {  	_ =	task [dreg:s22], $0x5FFFF  }
0xc1: {  	[dreg:$0x1] =	wrdreg $0xFFFFFFFF  }
0xc2: {  	[dreg:$0x0] =	wrdreg $0x60  }
0xc3: {  	[dreg:$0x2] =	wrdreg s24  }
0xc4: {  	[dreg:$0x3] =	wrdreg s18  }
0xc5: {  	[dreg:$0x4] =	wrdreg s17  }
0xc6: {  	[dreg:$0x5] =	wrdreg $0x157800  }
0xc7: {  	[dreg:$0x6] =	wrdreg $0x9  }
0xc8: {  	_ =	task.clear_ibuf [dreg:s22], $0x7FFFF;
	_ =	strace $0x90000049  }
0xc9: {  	s29 =	simm.s32 $0x9;
	_ =	strace $0x8000004B  }
0xca: {  	_ =	swait.ge [sflag:s29], $0x1  }
0xcb: {  	[sflag:s29] =	ssyncadd.s32 $0xFFFFFFFF  }
0xcc: {  	_ =	strace $0x9000004B  }
0xcd: {  	_ =	sfence  }
0xce: {  	s30 =	sld [smem:$0x0];
	_ =	sdelay $0x2  }
0xcf: {  	s31 =	sshll.u32 s1, $0xD;
	s1 =	sshrl.u32 s1, $0x2  }
0xd0: {  	s4 =	sand.u32 $0x4000, s31;
	s1 =	sadd.s32 s1, s30  }
0xd1: {  	s0 =	sor.u32 s4, s0;
	s1 =	sshll.u32 s1, $0x11  }
0xd2: {  	s0 =	sor.u32 s1, s0  }
0xd3: {  	s0 =	sadd.s32 $0x8F2B, s0  }
0xd4: {  	[sflag:s0] =	ssyncadd.remote.s32 $0x1  }
0xd5: {  	_ =	sfence.sel $0xFFFF  }
0xd6: {  	[dreg:$0x0] =	wrdreg $0xFFFFFFFF;
	(pc) =	sbr.abs _section_cstart, $3  }
0xd7: {  	[dreg:$0x1] =	wrdreg $0xFFFFFFFF  }
0xd8: {  	_ =	task.clear_ibuf [dreg:s22], $0x2FFFF;
	_ =	strace $0x9FFFFFFF  }
0xd9: {  	(tm) =	ssettm $0x7FFFFFFF  }
tec
execute0_lowered:
.L_overlay_start_1:
0x0: {  	(tag) =	ssettag $0x1  }
0x1: {  	s0 =	rddreg [dreg:$0x0]  }
0x2: {  	s1 =	rddreg [dreg:$0x1]  }
0x3: {  	s2 =	rddreg [dreg:$0x2]  }
0x4: {  	s15 =	stileid.u32;
	s3 =	rddreg [dreg:$0x3]  }
0x5: {  	s7 =	srdreg.scid;
	s28 =	simm.s32 $0x12F80;
	s29 =	simm.s32 $0xB780  }
0x6: {  	s30 =	simm.s32 $0x5;
	s31 =	simm.s32 $0x2;
	s8 =	smul.u32 $0x9C00, s15  }
0x7: {  	s4 =	sshrl.u32 s15, $0x3;
	s6 =	sshll.u32 s15, $0x7;
	s14 =	smul.u32 $0x27000, s15  }
0x8: {  	s9 =	sshll.u32 s15, $0xB;
	s10 =	sand.u32 $0x1, s7;
	s21 =	smul.u32 $0x27100, s15  }
0x9: {  	s18 =	sshll.u32 s15, $0x6;
	s5 =	smul.u32 $0x13C00, s4;
	s4 =	simm.s32 $0x0  }
0xa: {  	s6 =	sand.u32 $0x380, s6;
	s9 =	sadd.s32 s9, s0;
	s20 =	smul.u32 $0x9C400, s10  }
0xb: {  	s12 =	ssub.s32 $0x2, s10;
	s13 =	sshll.u32 s10, $0xF;
	s10 =	smul.u32 $0x2710, s15  }
0xc: {  	[smem:$0x7FF] =	sst s4;
	s11 =	sshrl.u32 s8, $0x3;
	s16 =	sshrl.u32 s12, $0x1  }
0xd: {  	s7 =	sshrl.u32 s14, $0x2;
	s14 =	smul.u32 $0x138800, s15;
	s19 =	sadd.s32 s13, s9  }
0xe: {  	s6 =	sor.u32 s6, s5;
	_ =	strace $0x8000004A;
	s5 =	sadd.s32 $0x53FA00, s0  }
0xf: {  	s17 =	sadd.s32 s7, s3;
	s7 =	sor.u32 $0x1C0A, s18;
	s8 =	sadd.s32 s8, s20  }
0x10: {  	s20 =	simm.s32 $0xDF80;
	s18 =	simm.s32 $0x8;
	s6 =	sshrl.u32 s6, $0x3  }
0x11: {  	s22 =	sshrl.u32 s14, $0x3;
	s24 =	sshrl.u32 s8, $0x3;
	s15 =	sshrl.u32 s17, $0x3  }
0x12: {  	s17 =	simm.s32 $0x3;
	s6 =	sadd.s32 s6, s0;
	s0 =	sadd.s32 s11, s0  }
0x13: {  	s11 =	ssub.s32 s12, s16;
	s23 =	sadd.s32 s5, s22;
	s25 =	sadd.s32 s2, s24  }
0x14: {  	s16 =	simm.s32 $0xA;
	s22 =	simm.s32 $0x6780;
	s24 =	simm.s32 $0x8F80  }
0x15: {  	s2 =	simm.s32 $0x7;
	s0 =	sadd.s32 $0x504E00, s0;
	[dreg:$0xa] =	wrdreg s25  }
0x16: {  	s6 =	sadd.s32 $0x3E00, s6;
	s26 =	smax.u32 s11, $0x1;
	[dreg:$0x5] =	wrdreg s0  }
0x17: {  	s25 =	simm.s32 $0x4;
	[dreg:$0x6] =	wrdreg s6;
	s0 =	sadd.s32 $0x1DE00, s19  }
0x18: {  	[dreg:$0xb] =	wrdreg s26;
	s26 =	simm.s32 $0x1;
	s19 =	simm.s32 $0x9  }
0x19: {  	s6 =	simm.s32 $0x0;
	[dreg:$0x7] =	wrdreg s0;
	s0 =	sadd.s32 s5, s21  }
0x1a: {  	s21 =	simm.s32 $0x50;
	[dreg:$0x8] =	wrdreg s0;
	s0 =	sadd.s32 $0x500, s23  }
0x1b: {  	s23 =	simm.s32 $0x10780;
	[dreg:$0x9] =	wrdreg s0;
	s0 =	simm.s32 $0x6  }
.LBB2_1:
0x1c: {  	s8 =	rddreg [dreg:$0x5]  }
0x1d: {  	[spmem:s15], [sflag:s7] =	dma.local [hbm:s8], $0x1480  }
0x1e: {  	_ =	swait.ge [sflag:s16], $0x1480  }
0x1f: {  	s9 =	simm.s32 $0x80;
	[sflag:s16] =	ssyncset.done $0x0  }
0x20: {  	s11 =	simm.s32 $0x400;
	s14 =	rddreg [dreg:$0x6];
	[sflag:s16] =	ssyncadd.s32 $0xFFFFEB80  }
0x21: {  	[tilespmem:s4], [sflag:$0xA] =	stream.strided.gather [hbm4b:s14+s9], $0x2780, s11, s9, $0x38;
	[tilespmem:$0x1F400] =	vst v63  }
0x22: {  	_ =	swait.ge [sflag:s16], $0x2780  }
0x23: {  	[sflag:s16] =	ssyncset.done $0x0  }
0x24: {  	s12 =	simm.s32 $0x2780;
	s11 =	rddreg [dreg:$0x7];
	[sflag:s16] =	ssyncadd.s32 $0xFFFFD880  }
0x25: {  	[tilespmem:s12], [sflag:$0xA] =	stream.linear.gather [hbm4b:s11+s4], $0x3E80, $0x38;
	[tilespmem:$0x1F400] =	vst v63  }
0x26: {  	_ =	swait.ge [sflag:s16], $0x3E80  }
0x27: {  	[sflag:s16] =	ssyncset.done $0x0  }
0x28: {  	[sflag:s16] =	ssyncadd.s32 $0xFFFFC180  }
0x29: {  	[bflag:$0x0] =	sbarrier.arrive $0xFFFF  }
0x2a: {  	s13 =	rddreg [dreg:$0x8]  }
0x2b: {  	[tilespmem:s20], [sflag:$0x4] =	stream.linear.gather [hbm4b:s13+s4], $0x2800, $0x38;
	[tilespmem:$0x1F400] =	vst v63  }
0x2c: {  	_ = 	snop  }
0x2d: {  	[tilespmem:s22], [sflag:$0x1] =	stream.indirect.gather [hbm4b:s1+s21], $0x80, s4, s21, $0xb8;
	[tilespmem:$0x1F400] =	vst v63  }
0x2e: {  	s14 =	rddreg [dreg:$0x9]  }
0x2f: {  	[tilespmem:s23], [sflag:$0x5] =	stream.linear.gather [hbm4b:s14+s4], $0x2800, $0x38;
	[tilespmem:$0x1F400] =	vst v63  }
0x30: {  	s8 =	simm.s32 $0x0  }
0x31: {  	[tilespmem:s24], [sflag:$0x2] =	stream.indirect.gather [hbm4b:s1+s21], $0x80, s21, s21, $0xb8;
	[tilespmem:$0x1F400] =	vst v63  }
.LBB2_2:
0x32: {  	_ =	swait.ge [sflag:s25], $0x2800  }
0x33: {  	[sflag:s25] =	ssyncset.done $0x0  }
0x34: {  	[sflag:s25] =	ssyncadd.s32 $0xFFFFD800  }
0x35: {  	_ =	swait.ge [sflag:s26], $0x2800  }
0x36: {  	[sflag:s26] =	ssyncset.done $0x0  }
0x37: {  	s9 =	simm.s32 $0xF0;
	[sflag:s26] =	ssyncadd.s32 $0xFFFFD800  }
0x38: {  	v6 =	vld [tilespmem:s9+$0xDE90]  }
0x39: {  	v7 =	vld [tilespmem:s9+$0xDEA0]  }
0x3a: {  	v8 =	vld [tilespmem:s9+$0xDEB0]  }
0x3b: {  	v9 =	vld [tilespmem:s9+$0xDEC0]  }
0x3c: {  	v10 =	vld [tilespmem:s9+$0xDED0]  }
0x3d: {  	v11 =	vld [tilespmem:s9+$0xDEE0]  }
0x3e: {  	v12 =	vld [tilespmem:s9+$0xDEF0]  }
0x3f: {  	v13 =	vld [tilespmem:s9+$0xDF00]  }
0x40: {  	v14 =	vld [tilespmem:s9+$0xDF10]  }
0x41: {  	v15 =	vld [tilespmem:s9+$0xDF20]  }
0x42: {  	v5 =	vld [tilespmem:s9+$0xDF30]  }
0x43: {  	v4 =	vld [tilespmem:s9+$0xDF40]  }
0x44: {  	v3 =	vld [tilespmem:s9+$0xDF50]  }
0x45: {  	v2 =	vld [tilespmem:s9+$0xDF60]  }
0x46: {  	v1 =	vld [tilespmem:s9+$0xDF70]  }
0x47: {  	v0 =	vld [tilespmem:s9+$0xDF80]  }
0x48: {  	v16 =	vld [tilespmem:s9+$0x6690]  }
0x49: {  	v17 =	vld [tilespmem:s9+$0x66A0]  }
0x4a: {  	v18 =	vld [tilespmem:s9+$0x66B0]  }
0x4b: {  	v19 =	vld [tilespmem:s9+$0x66C0]  }
0x4c: {  	v20 =	vld [tilespmem:s9+$0x66D0]  }
0x4d: {  	v60 =	vld [tilespmem:s9+$0x66E0];
	v6 =	vmul.f32 v6, v16  }
0x4e: {  	v21 =	vld [tilespmem:s9+$0x66F0];
	v7 =	vmul.f32 v7, v17  }
0x4f: {  	v61 =	vld [tilespmem:s9+$0x6700];
	[tilespmem:s9+$0x6690] =	vst v6;
	v6 =	vmul.f32 v8, v18  }
0x50: {  	v62 =	vld [tilespmem:s9+$0x6710];
	[tilespmem:s9+$0x66A0] =	vst v7;
	v7 =	vmul.f32 v9, v19  }
0x51: {  	v63 =	vld [tilespmem:s9+$0x6720];
	[tilespmem:s9+$0x66B0] =	vst v6;
	v6 =	vmul.f32 v10, v20  }
0x52: {  	v8 =	vmul.f32 v11, v60;
	[tilespmem:s9+$0x66C0] =	vst v7;
	v7 =	vld [tilespmem:s9+$0x6730]  }
0x53: {  	v9 =	vmul.f32 v12, v21;
	[tilespmem:s9+$0x66D0] =	vst v6;
	v6 =	vld [tilespmem:s9+$0x6740]  }
0x54: {  	[tilespmem:s9+$0x66E0] =	vst v8;
	v8 =	vld [tilespmem:s9+$0x6750];
	v10 =	vmul.f32 v13, v61  }
0x55: {  	v12 =	vmul.f32 v14, v62;
	[tilespmem:s9+$0x66F0] =	vst v9;
	v9 =	vld [tilespmem:s9+$0x6760]  }
0x56: {  	s11 =	simm.s32 $0x7C0;
	v11 =	vmul.f32 v15, v63;
	[tilespmem:s9+$0x6700] =	vst v10;
	v10 =	vld [tilespmem:s9+$0x6770]  }
.LBB2_3:
0x57: {  	s12 =	sshra.s32 s11, $0x2;
	p0 =	sne.s32 s11, $0x9FC0;
	[tilespmem:s9+$0x6710] =	vst v12;
	v5 =	vmul.f32 v5, v7;
	v7 =	vld [tilespmem:s9+$0x6780]  }
0x58: {  	v12 =	vld [tilespmem:s12+$0xDE90];
	[tilespmem:s9+$0x6720] =	vst v11;
	v4 =	vmul.f32 v4, v6  }
0x59: {  	v6 =	vld [tilespmem:s12+$0xDEA0];
	[tilespmem:s9+$0x6730] =	vst v5;
	v3 =	vmul.f32 v3, v8  }
0x5a: {  	v8 =	vld [tilespmem:s12+$0xDEB0];
	[tilespmem:s9+$0x6740] =	vst v4;
	v2 =	vmul.f32 v2, v9  }
0x5b: {  	v9 =	vld [tilespmem:s12+$0xDEC0];
	[tilespmem:s9+$0x6750] =	vst v3;
	v1 =	vmul.f32 v1, v10  }
0x5c: {  	v10 =	vld [tilespmem:s12+$0xDED0];
	[tilespmem:s9+$0x6760] =	vst v2;
	v0 =	vmul.f32 v0, v7  }
0x5d: {  	v7 =	vld [tilespmem:s12+$0xDEE0];
	[tilespmem:s9+$0x6770] =	vst v1  }
0x5e: {  	v11 =	vld [tilespmem:s12+$0xDEF0];
	[tilespmem:s9+$0x6780] =	vst v0;
	s9 =	smov.u32 s12  }
0x5f: {  	v13 =	vld [tilespmem:s9+$0xDF00]  }
0x60: {  	v14 =	vld [tilespmem:s9+$0xDF10]  }
0x61: {  	v15 =	vld [tilespmem:s9+$0xDF20]  }
0x62: {  	v5 =	vld [tilespmem:s9+$0xDF30]  }
0x63: {  	v4 =	vld [tilespmem:s9+$0xDF40]  }
0x64: {  	v3 =	vld [tilespmem:s9+$0xDF50]  }
0x65: {  	v2 =	vld [tilespmem:s9+$0xDF60]  }
0x66: {  	v1 =	vld [tilespmem:s9+$0xDF70]  }
0x67: {  	v0 =	vld [tilespmem:s9+$0xDF80]  }
0x68: {  	v16 =	vld [tilespmem:s9+$0x6690]  }
0x69: {  	v17 =	vld [tilespmem:s9+$0x66A0]  }
0x6a: {  	v18 =	vld [tilespmem:s9+$0x66B0]  }
0x6b: {  	v19 =	vld [tilespmem:s9+$0x66C0]  }
0x6c: {  	v20 =	vld [tilespmem:s9+$0x66D0]  }
0x6d: {  	v12 =	vmul.f32 v12, v16;
	v16 =	vld [tilespmem:s9+$0x66E0]  }
0x6e: {  	v6 =	vmul.f32 v6, v17;
	v17 =	vld [tilespmem:s9+$0x66F0]  }
0x6f: {  	[tilespmem:s9+$0x6690] =	vst v12;
	v8 =	vmul.f32 v8, v18;
	v12 =	vld [tilespmem:s9+$0x6700]  }
0x70: {  	[tilespmem:s9+$0x66A0] =	vst v6;
	v6 =	vmul.f32 v9, v19;
	v9 =	vld [tilespmem:s9+$0x6710]  }
0x71: {  	[tilespmem:s9+$0x66B0] =	vst v8;
	v8 =	vmul.f32 v10, v20;
	v10 =	vld [tilespmem:s9+$0x6720]  }
.Ltmp0:
0x72: {  	[tilespmem:s9+$0x66C0] =	vst v6;
	v16 =	vmul.f32 v7, v16;
	v7 =	vld [tilespmem:s9+$0x6730];
	(pc) =	sbr.rel @p0 .LBB2_3-.Ltmp0, $4  }
0x73: {  	[tilespmem:s9+$0x66D0] =	vst v8;
	v11 =	vmul.f32 v11, v17;
	v6 =	vld [tilespmem:s9+$0x6740]  }
0x74: {  	[tilespmem:s9+$0x66E0] =	vst v16;
	v13 =	vmul.f32 v13, v12;
	v8 =	vld [tilespmem:s9+$0x6750]  }
0x75: {  	[tilespmem:s9+$0x66F0] =	vst v11;
	v12 =	vmul.f32 v14, v9;
	v9 =	vld [tilespmem:s9+$0x6760]  }
0x76: {  	s11 =	sadd.s32 $0x400, s11;
	[tilespmem:s9+$0x6700] =	vst v13;
	v11 =	vmul.f32 v15, v10;
	v10 =	vld [tilespmem:s9+$0x6770]  }
0x77: {  	[tilespmem:s9+$0x6710] =	vst v12;
	v5 =	vmul.f32 v5, v7;
	v7 =	vld [tilespmem:s9+$0x6780]  }
0x78: {  	[tilespmem:s9+$0x6720] =	vst v11;
	v4 =	vmul.f32 v4, v6  }
0x79: {  	[tilespmem:s9+$0x6730] =	vst v5;
	v3 =	vmul.f32 v3, v8  }
0x7a: {  	[tilespmem:s9+$0x6740] =	vst v4;
	v2 =	vmul.f32 v2, v9  }
0x7b: {  	s11 =	smul.u32 $0x600, s8;
	[tilespmem:s9+$0x6750] =	vst v3;
	v1 =	vmul.f32 v1, v10  }
0x7c: {  	s13 =	smul.u32 $0x3, s8;
	[tilespmem:s9+$0x6760] =	vst v2;
	v0 =	vmul.f32 v0, v7  }
0x7d: {  	s11 =	sshra.s32 s11, $0x2;
	[tilespmem:s9+$0x6770] =	vst v1  }
0x7e: {  	s12 =	sadd.s32 $0x2780, s11;
	[tilespmem:s9+$0x6780] =	vst v0;
	s9 =	sadd.s32 $0x2, s13  }
0x7f: {  	[spmem:s3] =	stream.indirect.scatter.add.f32 [tilespmem:s22], [sflag:$0x7], $0x80, s12, s21, $0xb8;
	[tilespmem:$0x1F400] =	vst v63  }
0x80: {  	p0 =	seq.s32 s8, $0x0;
	s12 =	smul.u32 $0x50, s9  }
0x81: {  	s13 =	simm.s32 @!p0 $0x9  }
0x82: {  	_ =	swait.ge @!p0 [sflag:s13], $0x2800;
	s14 =	sadd.s32 s10, s12  }
0x83: {  	[sflag:s13] =	ssyncset.done @!p0 $0x0;
	s14 =	sshll.u32 s14, $0x4  }
0x84: {  	[sflag:s13] =	ssyncadd.s32 @!p0 $0xFFFFD800;
	s14 =	sadd.s32 s5, s14  }
0x85: {  	[tilespmem:s28], [sflag:$0x6] =	stream.linear.gather [hbm4b:s14+s4], $0x2800, $0x38;
	[tilespmem:$0x1F400] =	vst v63  }
0x86: {  	_ = 	snop  }
0x87: {  	[tilespmem:s29], [sflag:$0x3] =	stream.indirect.gather [hbm4b:s1+s21], $0x80, s12, s21, $0xb8;
	[tilespmem:$0x1F400] =	vst v63  }
0x88: {  	_ =	swait.ge [sflag:s30], $0x2800  }
0x89: {  	[sflag:s30] =	ssyncset.done $0x0  }
0x8a: {  	[sflag:s30] =	ssyncadd.s32 $0xFFFFD800  }
0x8b: {  	_ =	swait.ge [sflag:s31], $0x2800  }
0x8c: {  	[sflag:s31] =	ssyncset.done $0x0  }
0x8d: {  	s12 =	simm.s32 $0xF0;
	[sflag:s31] =	ssyncadd.s32 $0xFFFFD800  }
0x8e: {  	v6 =	vld [tilespmem:s12+$0x10690]  }
0x8f: {  	v7 =	vld [tilespmem:s12+$0x106A0]  }
0x90: {  	v8 =	vld [tilespmem:s12+$0x106B0]  }
0x91: {  	v9 =	vld [tilespmem:s12+$0x106C0]  }
0x92: {  	v10 =	vld [tilespmem:s12+$0x106D0]  }
0x93: {  	v11 =	vld [tilespmem:s12+$0x106E0]  }
0x94: {  	v12 =	vld [tilespmem:s12+$0x106F0]  }
0x95: {  	v13 =	vld [tilespmem:s12+$0x10700]  }
0x96: {  	v14 =	vld [tilespmem:s12+$0x10710]  }
0x97: {  	v15 =	vld [tilespmem:s12+$0x10720]  }
0x98: {  	v5 =	vld [tilespmem:s12+$0x10730]  }
0x99: {  	v4 =	vld [tilespmem:s12+$0x10740]  }
0x9a: {  	v3 =	vld [tilespmem:s12+$0x10750]  }
0x9b: {  	v2 =	vld [tilespmem:s12+$0x10760]  }
0x9c: {  	v1 =	vld [tilespmem:s12+$0x10770]  }
0x9d: {  	v0 =	vld [tilespmem:s12+$0x10780]  }
0x9e: {  	v16 =	vld [tilespmem:s12+$0x8E90]  }
0x9f: {  	v17 =	vld [tilespmem:s12+$0x8EA0]  }
0xa0: {  	v18 =	vld [tilespmem:s12+$0x8EB0]  }
0xa1: {  	v19 =	vld [tilespmem:s12+$0x8EC0]  }
0xa2: {  	v20 =	vld [tilespmem:s12+$0x8ED0]  }
0xa3: {  	v60 =	vld [tilespmem:s12+$0x8EE0];
	v6 =	vmul.f32 v6, v16  }
0xa4: {  	v21 =	vld [tilespmem:s12+$0x8EF0];
	v7 =	vmul.f32 v7, v17  }
0xa5: {  	v61 =	vld [tilespmem:s12+$0x8F00];
	[tilespmem:s12+$0x8E90] =	vst v6;
	v6 =	vmul.f32 v8, v18  }
0xa6: {  	v62 =	vld [tilespmem:s12+$0x8F10];
	[tilespmem:s12+$0x8EA0] =	vst v7;
	v7 =	vmul.f32 v9, v19  }
0xa7: {  	v63 =	vld [tilespmem:s12+$0x8F20];
	[tilespmem:s12+$0x8EB0] =	vst v6;
	v6 =	vmul.f32 v10, v20  }
0xa8: {  	v8 =	vmul.f32 v11, v60;
	[tilespmem:s12+$0x8EC0] =	vst v7;
	v7 =	vld [tilespmem:s12+$0x8F30]  }
0xa9: {  	v9 =	vmul.f32 v12, v21;
	[tilespmem:s12+$0x8ED0] =	vst v6;
	v6 =	vld [tilespmem:s12+$0x8F40]  }
0xaa: {  	[tilespmem:s12+$0x8EE0] =	vst v8;
	v8 =	vld [tilespmem:s12+$0x8F50];
	v10 =	vmul.f32 v13, v61  }
0xab: {  	v12 =	vmul.f32 v14, v62;
	[tilespmem:s12+$0x8EF0] =	vst v9;
	v9 =	vld [tilespmem:s12+$0x8F60]  }
0xac: {  	s13 =	simm.s32 $0x7C0;
	v11 =	vmul.f32 v15, v63;
	[tilespmem:s12+$0x8F00] =	vst v10;
	v10 =	vld [tilespmem:s12+$0x8F70]  }
.LBB2_5:
0xad: {  	s14 =	sshra.s32 s13, $0x2;
	p0 =	sne.s32 s13, $0x9FC0;
	[tilespmem:s12+$0x8F10] =	vst v12;
	v5 =	vmul.f32 v5, v7;
	v7 =	vld [tilespmem:s12+$0x8F80]  }
0xae: {  	v12 =	vld [tilespmem:s14+$0x10690];
	[tilespmem:s12+$0x8F20] =	vst v11;
	v4 =	vmul.f32 v4, v6  }
0xaf: {  	v6 =	vld [tilespmem:s14+$0x106A0];
	[tilespmem:s12+$0x8F30] =	vst v5;
	v3 =	vmul.f32 v3, v8  }
0xb0: {  	v8 =	vld [tilespmem:s14+$0x106B0];
	[tilespmem:s12+$0x8F40] =	vst v4;
	v2 =	vmul.f32 v2, v9  }
0xb1: {  	v9 =	vld [tilespmem:s14+$0x106C0];
	[tilespmem:s12+$0x8F50] =	vst v3;
	v1 =	vmul.f32 v1, v10  }
0xb2: {  	v10 =	vld [tilespmem:s14+$0x106D0];
	[tilespmem:s12+$0x8F60] =	vst v2;
	v0 =	vmul.f32 v0, v7  }
0xb3: {  	v7 =	vld [tilespmem:s14+$0x106E0];
	[tilespmem:s12+$0x8F70] =	vst v1  }
0xb4: {  	v11 =	vld [tilespmem:s14+$0x106F0];
	[tilespmem:s12+$0x8F80] =	vst v0;
	s12 =	smov.u32 s14  }
0xb5: {  	v13 =	vld [tilespmem:s12+$0x10700]  }
0xb6: {  	v14 =	vld [tilespmem:s12+$0x10710]  }
0xb7: {  	v15 =	vld [tilespmem:s12+$0x10720]  }
0xb8: {  	v5 =	vld [tilespmem:s12+$0x10730]  }
0xb9: {  	v4 =	vld [tilespmem:s12+$0x10740]  }
0xba: {  	v3 =	vld [tilespmem:s12+$0x10750]  }
0xbb: {  	v2 =	vld [tilespmem:s12+$0x10760]  }
0xbc: {  	v1 =	vld [tilespmem:s12+$0x10770]  }
0xbd: {  	v0 =	vld [tilespmem:s12+$0x10780]  }
0xbe: {  	v16 =	vld [tilespmem:s12+$0x8E90]  }
0xbf: {  	v17 =	vld [tilespmem:s12+$0x8EA0]  }
0xc0: {  	v18 =	vld [tilespmem:s12+$0x8EB0]  }
0xc1: {  	v19 =	vld [tilespmem:s12+$0x8EC0]  }
0xc2: {  	v20 =	vld [tilespmem:s12+$0x8ED0]  }
0xc3: {  	v12 =	vmul.f32 v12, v16;
	v16 =	vld [tilespmem:s12+$0x8EE0]  }
0xc4: {  	v6 =	vmul.f32 v6, v17;
	v17 =	vld [tilespmem:s12+$0x8EF0]  }
0xc5: {  	[tilespmem:s12+$0x8E90] =	vst v12;
	v8 =	vmul.f32 v8, v18;
	v12 =	vld [tilespmem:s12+$0x8F00]  }
0xc6: {  	[tilespmem:s12+$0x8EA0] =	vst v6;
	v6 =	vmul.f32 v9, v19;
	v9 =	vld [tilespmem:s12+$0x8F10]  }
0xc7: {  	[tilespmem:s12+$0x8EB0] =	vst v8;
	v8 =	vmul.f32 v10, v20;
	v10 =	vld [tilespmem:s12+$0x8F20]  }
.Ltmp1:
0xc8: {  	[tilespmem:s12+$0x8EC0] =	vst v6;
	v16 =	vmul.f32 v7, v16;
	v7 =	vld [tilespmem:s12+$0x8F30];
	(pc) =	sbr.rel @p0 .LBB2_5-.Ltmp1, $4  }
0xc9: {  	[tilespmem:s12+$0x8ED0] =	vst v8;
	v11 =	vmul.f32 v11, v17;
	v6 =	vld [tilespmem:s12+$0x8F40]  }
0xca: {  	[tilespmem:s12+$0x8EE0] =	vst v16;
	v13 =	vmul.f32 v13, v12;
	v8 =	vld [tilespmem:s12+$0x8F50]  }
0xcb: {  	[tilespmem:s12+$0x8EF0] =	vst v11;
	v12 =	vmul.f32 v14, v9;
	v9 =	vld [tilespmem:s12+$0x8F60]  }
0xcc: {  	s13 =	sadd.s32 $0x400, s13;
	[tilespmem:s12+$0x8F00] =	vst v13;
	v11 =	vmul.f32 v15, v10;
	v10 =	vld [tilespmem:s12+$0x8F70]  }
0xcd: {  	[tilespmem:s12+$0x8F10] =	vst v12;
	v5 =	vmul.f32 v5, v7;
	v7 =	vld [tilespmem:s12+$0x8F80]  }
0xce: {  	[tilespmem:s12+$0x8F20] =	vst v11;
	v4 =	vmul.f32 v4, v6  }
0xcf: {  	[tilespmem:s12+$0x8F30] =	vst v5;
	v3 =	vmul.f32 v3, v8  }
0xd0: {  	[tilespmem:s12+$0x8F40] =	vst v4;
	v2 =	vmul.f32 v2, v9  }
0xd1: {  	[tilespmem:s12+$0x8F50] =	vst v3;
	v1 =	vmul.f32 v1, v10  }
0xd2: {  	s13 =	sadd.s32 $0x2800, s11;
	s11 =	smul.u32 $0xF0, s8;
	[tilespmem:s12+$0x8F60] =	vst v2;
	v0 =	vmul.f32 v0, v7  }
0xd3: {  	[tilespmem:s12+$0x8F70] =	vst v1  }
0xd4: {  	s14 =	sadd.s32 $0xF0, s11;
	[tilespmem:s12+$0x8F80] =	vst v0  }
0xd5: {  	[spmem:s3] =	stream.indirect.scatter.add.f32 [tilespmem:s24], [sflag:$0x8], $0x80, s13, s21, $0xb8;
	[tilespmem:$0x1F400] =	vst v63  }
0xd6: {  	s13 =	sadd.s32 s10, s14;
	_ =	swait.ge [sflag:s2], $0x2800  }
0xd7: {  	s13 =	sshll.u32 s13, $0x4;
	[sflag:s2] =	ssyncset.done $0x0  }
0xd8: {  	s13 =	sadd.s32 s5, s13;
	[sflag:s2] =	ssyncadd.s32 $0xFFFFD800  }
0xd9: {  	[tilespmem:s20], [sflag:$0x4] =	stream.linear.gather [hbm4b:s13+s4], $0x2800, $0x38;
	[tilespmem:$0x1F400] =	vst v63  }
0xda: {  	_ = 	snop  }
0xdb: {  	[tilespmem:s22], [sflag:$0x1] =	stream.indirect.gather [hbm4b:s1+s21], $0x80, s14, s21, $0xb8;
	[tilespmem:$0x1F400] =	vst v63  }
0xdc: {  	_ =	swait.ge [sflag:s0], $0x2800  }
0xdd: {  	[sflag:s0] =	ssyncset.done $0x0  }
0xde: {  	[sflag:s0] =	ssyncadd.s32 $0xFFFFD800  }
0xdf: {  	_ =	swait.ge [sflag:s17], $0x2800  }
0xe0: {  	[sflag:s17] =	ssyncset.done $0x0  }
0xe1: {  	s12 =	simm.s32 $0xF0;
	[sflag:s17] =	ssyncadd.s32 $0xFFFFD800  }
0xe2: {  	v6 =	vld [tilespmem:s12+$0x12E90]  }
0xe3: {  	v7 =	vld [tilespmem:s12+$0x12EA0]  }
0xe4: {  	v8 =	vld [tilespmem:s12+$0x12EB0]  }
0xe5: {  	v9 =	vld [tilespmem:s12+$0x12EC0]  }
0xe6: {  	v10 =	vld [tilespmem:s12+$0x12ED0]  }
0xe7: {  	v11 =	vld [tilespmem:s12+$0x12EE0]  }
0xe8: {  	v12 =	vld [tilespmem:s12+$0x12EF0]  }
0xe9: {  	v13 =	vld [tilespmem:s12+$0x12F00]  }
0xea: {  	v14 =	vld [tilespmem:s12+$0x12F10]  }
0xeb: {  	v15 =	vld [tilespmem:s12+$0x12F20]  }
0xec: {  	v5 =	vld [tilespmem:s12+$0x12F30]  }
0xed: {  	v4 =	vld [tilespmem:s12+$0x12F40]  }
0xee: {  	v3 =	vld [tilespmem:s12+$0x12F50]  }
0xef: {  	v2 =	vld [tilespmem:s12+$0x12F60]  }
0xf0: {  	v1 =	vld [tilespmem:s12+$0x12F70]  }
0xf1: {  	v0 =	vld [tilespmem:s12+$0x12F80]  }
0xf2: {  	v16 =	vld [tilespmem:s12+$0xB690]  }
0xf3: {  	v17 =	vld [tilespmem:s12+$0xB6A0]  }
0xf4: {  	v18 =	vld [tilespmem:s12+$0xB6B0]  }
0xf5: {  	v19 =	vld [tilespmem:s12+$0xB6C0]  }
0xf6: {  	v20 =	vld [tilespmem:s12+$0xB6D0]  }
0xf7: {  	v60 =	vld [tilespmem:s12+$0xB6E0];
	v6 =	vmul.f32 v6, v16  }
0xf8: {  	v21 =	vld [tilespmem:s12+$0xB6F0];
	v7 =	vmul.f32 v7, v17  }
0xf9: {  	v61 =	vld [tilespmem:s12+$0xB700];
	[tilespmem:s12+$0xB690] =	vst v6;
	v6 =	vmul.f32 v8, v18  }
0xfa: {  	v62 =	vld [tilespmem:s12+$0xB710];
	[tilespmem:s12+$0xB6A0] =	vst v7;
	v7 =	vmul.f32 v9, v19  }
0xfb: {  	v63 =	vld [tilespmem:s12+$0xB720];
	[tilespmem:s12+$0xB6B0] =	vst v6;
	v6 =	vmul.f32 v10, v20  }
0xfc: {  	v8 =	vmul.f32 v11, v60;
	[tilespmem:s12+$0xB6C0] =	vst v7;
	v7 =	vld [tilespmem:s12+$0xB730]  }
0xfd: {  	v9 =	vmul.f32 v12, v21;
	[tilespmem:s12+$0xB6D0] =	vst v6;
	v6 =	vld [tilespmem:s12+$0xB740]  }
0xfe: {  	[tilespmem:s12+$0xB6E0] =	vst v8;
	v8 =	vld [tilespmem:s12+$0xB750];
	v10 =	vmul.f32 v13, v61  }
0xff: {  	v12 =	vmul.f32 v14, v62;
	[tilespmem:s12+$0xB6F0] =	vst v9;
	v9 =	vld [tilespmem:s12+$0xB760]  }
0x100: {  	s13 =	simm.s32 $0x7C0;
	v11 =	vmul.f32 v15, v63;
	[tilespmem:s12+$0xB700] =	vst v10;
	v10 =	vld [tilespmem:s12+$0xB770]  }
.LBB2_7:
0x101: {  	s14 =	sshra.s32 s13, $0x2;
	p0 =	sne.s32 s13, $0x9FC0;
	[tilespmem:s12+$0xB710] =	vst v12;
	v5 =	vmul.f32 v5, v7;
	v7 =	vld [tilespmem:s12+$0xB780]  }
0x102: {  	v12 =	vld [tilespmem:s14+$0x12E90];
	[tilespmem:s12+$0xB720] =	vst v11;
	v4 =	vmul.f32 v4, v6  }
0x103: {  	v6 =	vld [tilespmem:s14+$0x12EA0];
	[tilespmem:s12+$0xB730] =	vst v5;
	v3 =	vmul.f32 v3, v8  }
0x104: {  	v8 =	vld [tilespmem:s14+$0x12EB0];
	[tilespmem:s12+$0xB740] =	vst v4;
	v2 =	vmul.f32 v2, v9  }
0x105: {  	v9 =	vld [tilespmem:s14+$0x12EC0];
	[tilespmem:s12+$0xB750] =	vst v3;
	v1 =	vmul.f32 v1, v10  }
0x106: {  	v10 =	vld [tilespmem:s14+$0x12ED0];
	[tilespmem:s12+$0xB760] =	vst v2;
	v0 =	vmul.f32 v0, v7  }
0x107: {  	v7 =	vld [tilespmem:s14+$0x12EE0];
	[tilespmem:s12+$0xB770] =	vst v1  }
0x108: {  	v11 =	vld [tilespmem:s14+$0x12EF0];
	[tilespmem:s12+$0xB780] =	vst v0;
	s12 =	smov.u32 s14  }
0x109: {  	v13 =	vld [tilespmem:s12+$0x12F00]  }
0x10a: {  	v14 =	vld [tilespmem:s12+$0x12F10]  }
0x10b: {  	v15 =	vld [tilespmem:s12+$0x12F20]  }
0x10c: {  	v5 =	vld [tilespmem:s12+$0x12F30]  }
0x10d: {  	v4 =	vld [tilespmem:s12+$0x12F40]  }
0x10e: {  	v3 =	vld [tilespmem:s12+$0x12F50]  }
0x10f: {  	v2 =	vld [tilespmem:s12+$0x12F60]  }
0x110: {  	v1 =	vld [tilespmem:s12+$0x12F70]  }
0x111: {  	v0 =	vld [tilespmem:s12+$0x12F80]  }
0x112: {  	v16 =	vld [tilespmem:s12+$0xB690]  }
0x113: {  	v17 =	vld [tilespmem:s12+$0xB6A0]  }
0x114: {  	v18 =	vld [tilespmem:s12+$0xB6B0]  }
0x115: {  	v19 =	vld [tilespmem:s12+$0xB6C0]  }
0x116: {  	v20 =	vld [tilespmem:s12+$0xB6D0]  }
0x117: {  	v12 =	vmul.f32 v12, v16;
	v16 =	vld [tilespmem:s12+$0xB6E0]  }
0x118: {  	v6 =	vmul.f32 v6, v17;
	v17 =	vld [tilespmem:s12+$0xB6F0]  }
0x119: {  	[tilespmem:s12+$0xB690] =	vst v12;
	v8 =	vmul.f32 v8, v18;
	v12 =	vld [tilespmem:s12+$0xB700]  }
0x11a: {  	[tilespmem:s12+$0xB6A0] =	vst v6;
	v6 =	vmul.f32 v9, v19;
	v9 =	vld [tilespmem:s12+$0xB710]  }
0x11b: {  	[tilespmem:s12+$0xB6B0] =	vst v8;
	v8 =	vmul.f32 v10, v20;
	v10 =	vld [tilespmem:s12+$0xB720]  }
.Ltmp2:
0x11c: {  	[tilespmem:s12+$0xB6C0] =	vst v6;
	v16 =	vmul.f32 v7, v16;
	v7 =	vld [tilespmem:s12+$0xB730];
	(pc) =	sbr.rel @p0 .LBB2_7-.Ltmp2, $4  }
0x11d: {  	[tilespmem:s12+$0xB6D0] =	vst v8;
	v11 =	vmul.f32 v11, v17;
	v6 =	vld [tilespmem:s12+$0xB740]  }
0x11e: {  	[tilespmem:s12+$0xB6E0] =	vst v16;
	v13 =	vmul.f32 v13, v12;
	v8 =	vld [tilespmem:s12+$0xB750]  }
0x11f: {  	[tilespmem:s12+$0xB6F0] =	vst v11;
	v12 =	vmul.f32 v14, v9;
	v9 =	vld [tilespmem:s12+$0xB760]  }
0x120: {  	s13 =	sadd.s32 $0x400, s13;
	[tilespmem:s12+$0xB700] =	vst v13;
	v11 =	vmul.f32 v15, v10;
	v10 =	vld [tilespmem:s12+$0xB770]  }
0x121: {  	[tilespmem:s12+$0xB710] =	vst v12;
	v5 =	vmul.f32 v5, v7;
	v63 =	vld [tilespmem:s12+$0xB780]  }
0x122: {  	[tilespmem:s12+$0xB720] =	vst v11;
	v4 =	vmul.f32 v4, v6  }
0x123: {  	[tilespmem:s12+$0xB730] =	vst v5;
	v3 =	vmul.f32 v3, v8  }
0x124: {  	[tilespmem:s12+$0xB740] =	vst v4;
	v2 =	vmul.f32 v2, v9  }
0x125: {  	[tilespmem:s12+$0xB750] =	vst v3;
	v1 =	vmul.f32 v1, v10  }
0x126: {  	s9 =	sshll.u32 s9, $0x7;
	[tilespmem:s12+$0xB760] =	vst v2;
	v0 =	vmul.f32 v0, v63  }
0x127: {  	s9 =	sand.u32 $0x3FFFFF80, s9;
	[tilespmem:s12+$0xB770] =	vst v1  }
0x128: {  	s14 =	sadd.s32 $0x140, s11;
	s8 =	sadd.s32 $0x1, s8;
	s9 =	sadd.s32 $0x2780, s9;
	[tilespmem:s12+$0xB780] =	vst v0  }
0x129: {  	[spmem:s3] =	stream.indirect.scatter.add.f32 [tilespmem:s29], [sflag:$0x9], $0x80, s9, s21, $0xb8;
	[tilespmem:$0x1F400] =	vst v63  }
0x12a: {  	s11 =	sadd.s32 s10, s14;
	p0 =	sne.s32 s8, $0x29;
	_ =	swait.ge [sflag:s18], $0x2800  }
.Ltmp3:
0x12b: {  	s11 =	sshll.u32 s11, $0x4;
	[sflag:s18] =	ssyncset.done $0x0;
	(pc) =	sbr.rel @p0 .LBB2_2-.Ltmp3, $4  }
0x12c: {  	s11 =	sadd.s32 s5, s11;
	[sflag:s18] =	ssyncadd.s32 $0xFFFFD800  }
0x12d: {  	[tilespmem:s23], [sflag:$0x5] =	stream.linear.gather [hbm4b:s11+s4], $0x2800, $0x38;
	[tilespmem:$0x1F400] =	vst v63  }
0x12e: {  	_ = 	snop  }
0x12f: {  	[tilespmem:s24], [sflag:$0x2] =	stream.indirect.gather [hbm4b:s1+s21], $0x80, s14, s21, $0xb8;
	[tilespmem:$0x1F400] =	vst v63  }
0x130: {  	_ =	swait.ge [sflag:s25], $0x2800  }
0x131: {  	[sflag:s25] =	ssyncset.done $0x0  }
0x132: {  	[sflag:s25] =	ssyncadd.s32 $0xFFFFD800  }
0x133: {  	_ =	swait.ge [sflag:s26], $0x2800  }
0x134: {  	[sflag:s26] =	ssyncset.done $0x0  }
0x135: {  	s8 =	simm.s32 $0xF0;
	[sflag:s26] =	ssyncadd.s32 $0xFFFFD800  }
0x136: {  	v6 =	vld [tilespmem:s8+$0xDE90]  }
0x137: {  	v7 =	vld [tilespmem:s8+$0xDEA0]  }
0x138: {  	v8 =	vld [tilespmem:s8+$0xDEB0]  }
0x139: {  	v9 =	vld [tilespmem:s8+$0xDEC0]  }
0x13a: {  	v10 =	vld [tilespmem:s8+$0xDED0]  }
0x13b: {  	v11 =	vld [tilespmem:s8+$0xDEE0]  }
0x13c: {  	v12 =	vld [tilespmem:s8+$0xDEF0]  }
0x13d: {  	v13 =	vld [tilespmem:s8+$0xDF00]  }
0x13e: {  	v14 =	vld [tilespmem:s8+$0xDF10]  }
0x13f: {  	v15 =	vld [tilespmem:s8+$0xDF20]  }
0x140: {  	v5 =	vld [tilespmem:s8+$0xDF30]  }
0x141: {  	v4 =	vld [tilespmem:s8+$0xDF40]  }
0x142: {  	v3 =	vld [tilespmem:s8+$0xDF50]  }
0x143: {  	v2 =	vld [tilespmem:s8+$0xDF60]  }
0x144: {  	v1 =	vld [tilespmem:s8+$0xDF70]  }
0x145: {  	v0 =	vld [tilespmem:s8+$0xDF80]  }
0x146: {  	v16 =	vld [tilespmem:s8+$0x6690]  }
0x147: {  	v17 =	vld [tilespmem:s8+$0x66A0]  }
0x148: {  	v18 =	vld [tilespmem:s8+$0x66B0]  }
0x149: {  	v19 =	vld [tilespmem:s8+$0x66C0]  }
0x14a: {  	v20 =	vld [tilespmem:s8+$0x66D0]  }
0x14b: {  	v60 =	vld [tilespmem:s8+$0x66E0];
	v6 =	vmul.f32 v6, v16  }
0x14c: {  	v21 =	vld [tilespmem:s8+$0x66F0];
	v7 =	vmul.f32 v7, v17  }
0x14d: {  	v61 =	vld [tilespmem:s8+$0x6700];
	[tilespmem:s8+$0x6690] =	vst v6;
	v6 =	vmul.f32 v8, v18  }
0x14e: {  	v62 =	vld [tilespmem:s8+$0x6710];
	[tilespmem:s8+$0x66A0] =	vst v7;
	v7 =	vmul.f32 v9, v19  }
0x14f: {  	v63 =	vld [tilespmem:s8+$0x6720];
	[tilespmem:s8+$0x66B0] =	vst v6;
	v6 =	vmul.f32 v10, v20  }
0x150: {  	v8 =	vmul.f32 v11, v60;
	[tilespmem:s8+$0x66C0] =	vst v7;
	v7 =	vld [tilespmem:s8+$0x6730]  }
0x151: {  	v9 =	vmul.f32 v12, v21;
	[tilespmem:s8+$0x66D0] =	vst v6;
	v6 =	vld [tilespmem:s8+$0x6740]  }
0x152: {  	[tilespmem:s8+$0x66E0] =	vst v8;
	v8 =	vld [tilespmem:s8+$0x6750];
	v10 =	vmul.f32 v13, v61  }
0x153: {  	v12 =	vmul.f32 v14, v62;
	[tilespmem:s8+$0x66F0] =	vst v9;
	v9 =	vld [tilespmem:s8+$0x6760]  }
0x154: {  	s9 =	simm.s32 $0x7C0;
	v11 =	vmul.f32 v15, v63;
	[tilespmem:s8+$0x6700] =	vst v10;
	v10 =	vld [tilespmem:s8+$0x6770]  }
.LBB2_10:
0x155: {  	s11 =	sshra.s32 s9, $0x2;
	p0 =	sne.s32 s9, $0x9FC0;
	[tilespmem:s8+$0x6710] =	vst v12;
	v5 =	vmul.f32 v5, v7;
	v7 =	vld [tilespmem:s8+$0x6780]  }
0x156: {  	v12 =	vld [tilespmem:s11+$0xDE90];
	[tilespmem:s8+$0x6720] =	vst v11;
	v4 =	vmul.f32 v4, v6  }
0x157: {  	v6 =	vld [tilespmem:s11+$0xDEA0];
	[tilespmem:s8+$0x6730] =	vst v5;
	v3 =	vmul.f32 v3, v8  }
0x158: {  	v8 =	vld [tilespmem:s11+$0xDEB0];
	[tilespmem:s8+$0x6740] =	vst v4;
	v2 =	vmul.f32 v2, v9  }
0x159: {  	v9 =	vld [tilespmem:s11+$0xDEC0];
	[tilespmem:s8+$0x6750] =	vst v3;
	v1 =	vmul.f32 v1, v10  }
0x15a: {  	v10 =	vld [tilespmem:s11+$0xDED0];
	[tilespmem:s8+$0x6760] =	vst v2;
	v0 =	vmul.f32 v0, v7  }
0x15b: {  	v7 =	vld [tilespmem:s11+$0xDEE0];
	[tilespmem:s8+$0x6770] =	vst v1  }
0x15c: {  	v11 =	vld [tilespmem:s11+$0xDEF0];
	[tilespmem:s8+$0x6780] =	vst v0;
	s8 =	smov.u32 s11  }
0x15d: {  	v13 =	vld [tilespmem:s8+$0xDF00]  }
0x15e: {  	v14 =	vld [tilespmem:s8+$0xDF10]  }
0x15f: {  	v15 =	vld [tilespmem:s8+$0xDF20]  }
0x160: {  	v5 =	vld [tilespmem:s8+$0xDF30]  }
0x161: {  	v4 =	vld [tilespmem:s8+$0xDF40]  }
0x162: {  	v3 =	vld [tilespmem:s8+$0xDF50]  }
0x163: {  	v2 =	vld [tilespmem:s8+$0xDF60]  }
0x164: {  	v1 =	vld [tilespmem:s8+$0xDF70]  }
0x165: {  	v0 =	vld [tilespmem:s8+$0xDF80]  }
0x166: {  	v16 =	vld [tilespmem:s8+$0x6690]  }
0x167: {  	v17 =	vld [tilespmem:s8+$0x66A0]  }
0x168: {  	v18 =	vld [tilespmem:s8+$0x66B0]  }
0x169: {  	v19 =	vld [tilespmem:s8+$0x66C0]  }
0x16a: {  	v20 =	vld [tilespmem:s8+$0x66D0]  }
0x16b: {  	v12 =	vmul.f32 v12, v16;
	v16 =	vld [tilespmem:s8+$0x66E0]  }
0x16c: {  	v6 =	vmul.f32 v6, v17;
	v17 =	vld [tilespmem:s8+$0x66F0]  }
0x16d: {  	[tilespmem:s8+$0x6690] =	vst v12;
	v8 =	vmul.f32 v8, v18;
	v12 =	vld [tilespmem:s8+$0x6700]  }
0x16e: {  	[tilespmem:s8+$0x66A0] =	vst v6;
	v6 =	vmul.f32 v9, v19;
	v9 =	vld [tilespmem:s8+$0x6710]  }
0x16f: {  	[tilespmem:s8+$0x66B0] =	vst v8;
	v8 =	vmul.f32 v10, v20;
	v10 =	vld [tilespmem:s8+$0x6720]  }
.Ltmp4:
0x170: {  	[tilespmem:s8+$0x66C0] =	vst v6;
	v16 =	vmul.f32 v7, v16;
	v7 =	vld [tilespmem:s8+$0x6730];
	(pc) =	sbr.rel @p0 .LBB2_10-.Ltmp4, $4  }
0x171: {  	[tilespmem:s8+$0x66D0] =	vst v8;
	v11 =	vmul.f32 v11, v17;
	v6 =	vld [tilespmem:s8+$0x6740]  }
0x172: {  	[tilespmem:s8+$0x66E0] =	vst v16;
	v13 =	vmul.f32 v13, v12;
	v8 =	vld [tilespmem:s8+$0x6750]  }
0x173: {  	[tilespmem:s8+$0x66F0] =	vst v11;
	v12 =	vmul.f32 v14, v9;
	v9 =	vld [tilespmem:s8+$0x6760]  }
0x174: {  	s9 =	sadd.s32 $0x400, s9;
	[tilespmem:s8+$0x6700] =	vst v13;
	v11 =	vmul.f32 v15, v10;
	v10 =	vld [tilespmem:s8+$0x6770]  }
0x175: {  	[tilespmem:s8+$0x6710] =	vst v12;
	v5 =	vmul.f32 v5, v7;
	v7 =	vld [tilespmem:s8+$0x6780]  }
0x176: {  	[tilespmem:s8+$0x6720] =	vst v11;
	v4 =	vmul.f32 v4, v6  }
0x177: {  	[tilespmem:s8+$0x6730] =	vst v5;
	v3 =	vmul.f32 v3, v8  }
0x178: {  	[tilespmem:s8+$0x6740] =	vst v4;
	v2 =	vmul.f32 v2, v9  }
0x179: {  	[tilespmem:s8+$0x6750] =	vst v3;
	v1 =	vmul.f32 v1, v10  }
0x17a: {  	[tilespmem:s8+$0x6760] =	vst v2;
	v0 =	vmul.f32 v0, v7  }
0x17b: {  	[tilespmem:s8+$0x6770] =	vst v1  }
0x17c: {  	s14 =	simm.s32 $0x6500;
	[tilespmem:s8+$0x6780] =	vst v0  }
0x17d: {  	[spmem:s3] =	stream.indirect.scatter.add.f32 [tilespmem:s22], [sflag:$0x7], $0x80, s14, s21, $0xb8;
	[tilespmem:$0x1F400] =	vst v63  }
0x17e: {  	_ =	swait.ge [sflag:s19], $0x2800  }
0x17f: {  	[sflag:s19] =	ssyncset.done $0x0  }
0x180: {  	[sflag:s19] =	ssyncadd.s32 $0xFFFFD800  }
0x181: {  	_ =	swait.ge [sflag:s30], $0x2800  }
0x182: {  	[sflag:s30] =	ssyncset.done $0x0  }
0x183: {  	[sflag:s30] =	ssyncadd.s32 $0xFFFFD800  }
0x184: {  	_ =	swait.ge [sflag:s31], $0x2800  }
0x185: {  	[sflag:s31] =	ssyncset.done $0x0  }
0x186: {  	s8 =	simm.s32 $0xF0;
	[sflag:s31] =	ssyncadd.s32 $0xFFFFD800  }
0x187: {  	v6 =	vld [tilespmem:s8+$0x10690]  }
0x188: {  	v7 =	vld [tilespmem:s8+$0x106A0]  }
0x189: {  	v8 =	vld [tilespmem:s8+$0x106B0]  }
0x18a: {  	v9 =	vld [tilespmem:s8+$0x106C0]  }
0x18b: {  	v10 =	vld [tilespmem:s8+$0x106D0]  }
0x18c: {  	v11 =	vld [tilespmem:s8+$0x106E0]  }
0x18d: {  	v12 =	vld [tilespmem:s8+$0x106F0]  }
0x18e: {  	v13 =	vld [tilespmem:s8+$0x10700]  }
0x18f: {  	v14 =	vld [tilespmem:s8+$0x10710]  }
0x190: {  	v15 =	vld [tilespmem:s8+$0x10720]  }
0x191: {  	v5 =	vld [tilespmem:s8+$0x10730]  }
0x192: {  	v4 =	vld [tilespmem:s8+$0x10740]  }
0x193: {  	v3 =	vld [tilespmem:s8+$0x10750]  }
0x194: {  	v2 =	vld [tilespmem:s8+$0x10760]  }
0x195: {  	v1 =	vld [tilespmem:s8+$0x10770]  }
0x196: {  	v0 =	vld [tilespmem:s8+$0x10780]  }
0x197: {  	v16 =	vld [tilespmem:s8+$0x8E90]  }
0x198: {  	v17 =	vld [tilespmem:s8+$0x8EA0]  }
0x199: {  	v18 =	vld [tilespmem:s8+$0x8EB0]  }
0x19a: {  	v19 =	vld [tilespmem:s8+$0x8EC0]  }
0x19b: {  	v20 =	vld [tilespmem:s8+$0x8ED0]  }
0x19c: {  	v60 =	vld [tilespmem:s8+$0x8EE0];
	v6 =	vmul.f32 v6, v16  }
0x19d: {  	v21 =	vld [tilespmem:s8+$0x8EF0];
	v7 =	vmul.f32 v7, v17  }
0x19e: {  	v61 =	vld [tilespmem:s8+$0x8F00];
	[tilespmem:s8+$0x8E90] =	vst v6;
	v6 =	vmul.f32 v8, v18  }
0x19f: {  	v62 =	vld [tilespmem:s8+$0x8F10];
	[tilespmem:s8+$0x8EA0] =	vst v7;
	v7 =	vmul.f32 v9, v19  }
0x1a0: {  	v63 =	vld [tilespmem:s8+$0x8F20];
	[tilespmem:s8+$0x8EB0] =	vst v6;
	v6 =	vmul.f32 v10, v20  }
0x1a1: {  	v8 =	vmul.f32 v11, v60;
	[tilespmem:s8+$0x8EC0] =	vst v7;
	v7 =	vld [tilespmem:s8+$0x8F30]  }
0x1a2: {  	v9 =	vmul.f32 v12, v21;
	[tilespmem:s8+$0x8ED0] =	vst v6;
	v6 =	vld [tilespmem:s8+$0x8F40]  }
0x1a3: {  	[tilespmem:s8+$0x8EE0] =	vst v8;
	v8 =	vld [tilespmem:s8+$0x8F50];
	v10 =	vmul.f32 v13, v61  }
0x1a4: {  	v12 =	vmul.f32 v14, v62;
	[tilespmem:s8+$0x8EF0] =	vst v9;
	v9 =	vld [tilespmem:s8+$0x8F60]  }
0x1a5: {  	s9 =	simm.s32 $0x7C0;
	v11 =	vmul.f32 v15, v63;
	[tilespmem:s8+$0x8F00] =	vst v10;
	v10 =	vld [tilespmem:s8+$0x8F70]  }
.LBB2_12:
0x1a6: {  	s11 =	sshra.s32 s9, $0x2;
	p0 =	sne.s32 s9, $0x9FC0;
	[tilespmem:s8+$0x8F10] =	vst v12;
	v5 =	vmul.f32 v5, v7;
	v7 =	vld [tilespmem:s8+$0x8F80]  }
0x1a7: {  	v12 =	vld [tilespmem:s11+$0x10690];
	[tilespmem:s8+$0x8F20] =	vst v11;
	v4 =	vmul.f32 v4, v6  }
0x1a8: {  	v6 =	vld [tilespmem:s11+$0x106A0];
	[tilespmem:s8+$0x8F30] =	vst v5;
	v3 =	vmul.f32 v3, v8  }
0x1a9: {  	v8 =	vld [tilespmem:s11+$0x106B0];
	[tilespmem:s8+$0x8F40] =	vst v4;
	v2 =	vmul.f32 v2, v9  }
0x1aa: {  	v9 =	vld [tilespmem:s11+$0x106C0];
	[tilespmem:s8+$0x8F50] =	vst v3;
	v1 =	vmul.f32 v1, v10  }
0x1ab: {  	v10 =	vld [tilespmem:s11+$0x106D0];
	[tilespmem:s8+$0x8F60] =	vst v2;
	v0 =	vmul.f32 v0, v7  }
0x1ac: {  	v7 =	vld [tilespmem:s11+$0x106E0];
	[tilespmem:s8+$0x8F70] =	vst v1  }
0x1ad: {  	v11 =	vld [tilespmem:s11+$0x106F0];
	[tilespmem:s8+$0x8F80] =	vst v0;
	s8 =	smov.u32 s11  }
0x1ae: {  	v13 =	vld [tilespmem:s8+$0x10700]  }
0x1af: {  	v14 =	vld [tilespmem:s8+$0x10710]  }
0x1b0: {  	v15 =	vld [tilespmem:s8+$0x10720]  }
0x1b1: {  	v5 =	vld [tilespmem:s8+$0x10730]  }
0x1b2: {  	v4 =	vld [tilespmem:s8+$0x10740]  }
0x1b3: {  	v3 =	vld [tilespmem:s8+$0x10750]  }
0x1b4: {  	v2 =	vld [tilespmem:s8+$0x10760]  }
0x1b5: {  	v1 =	vld [tilespmem:s8+$0x10770]  }
0x1b6: {  	v0 =	vld [tilespmem:s8+$0x10780]  }
0x1b7: {  	v16 =	vld [tilespmem:s8+$0x8E90]  }
0x1b8: {  	v17 =	vld [tilespmem:s8+$0x8EA0]  }
0x1b9: {  	v18 =	vld [tilespmem:s8+$0x8EB0]  }
0x1ba: {  	v19 =	vld [tilespmem:s8+$0x8EC0]  }
0x1bb: {  	v20 =	vld [tilespmem:s8+$0x8ED0]  }
0x1bc: {  	v12 =	vmul.f32 v12, v16;
	v16 =	vld [tilespmem:s8+$0x8EE0]  }
0x1bd: {  	v6 =	vmul.f32 v6, v17;
	v17 =	vld [tilespmem:s8+$0x8EF0]  }
0x1be: {  	[tilespmem:s8+$0x8E90] =	vst v12;
	v8 =	vmul.f32 v8, v18;
	v12 =	vld [tilespmem:s8+$0x8F00]  }
0x1bf: {  	[tilespmem:s8+$0x8EA0] =	vst v6;
	v6 =	vmul.f32 v9, v19;
	v9 =	vld [tilespmem:s8+$0x8F10]  }
0x1c0: {  	[tilespmem:s8+$0x8EB0] =	vst v8;
	v8 =	vmul.f32 v10, v20;
	v10 =	vld [tilespmem:s8+$0x8F20]  }
.Ltmp5:
0x1c1: {  	[tilespmem:s8+$0x8EC0] =	vst v6;
	v16 =	vmul.f32 v7, v16;
	v7 =	vld [tilespmem:s8+$0x8F30];
	(pc) =	sbr.rel @p0 .LBB2_12-.Ltmp5, $4  }
0x1c2: {  	[tilespmem:s8+$0x8ED0] =	vst v8;
	v11 =	vmul.f32 v11, v17;
	v6 =	vld [tilespmem:s8+$0x8F40]  }
0x1c3: {  	[tilespmem:s8+$0x8EE0] =	vst v16;
	v13 =	vmul.f32 v13, v12;
	v8 =	vld [tilespmem:s8+$0x8F50]  }
0x1c4: {  	[tilespmem:s8+$0x8EF0] =	vst v11;
	v12 =	vmul.f32 v14, v9;
	v9 =	vld [tilespmem:s8+$0x8F60]  }
0x1c5: {  	s9 =	sadd.s32 $0x400, s9;
	[tilespmem:s8+$0x8F00] =	vst v13;
	v11 =	vmul.f32 v15, v10;
	v10 =	vld [tilespmem:s8+$0x8F70]  }
0x1c6: {  	[tilespmem:s8+$0x8F10] =	vst v12;
	v5 =	vmul.f32 v5, v7;
	v63 =	vld [tilespmem:s8+$0x8F80]  }
0x1c7: {  	[tilespmem:s8+$0x8F20] =	vst v11;
	v4 =	vmul.f32 v4, v6  }
0x1c8: {  	[tilespmem:s8+$0x8F30] =	vst v5;
	v3 =	vmul.f32 v3, v8  }
0x1c9: {  	[tilespmem:s8+$0x8F40] =	vst v4;
	v2 =	vmul.f32 v2, v9  }
0x1ca: {  	[tilespmem:s8+$0x8F50] =	vst v3;
	v1 =	vmul.f32 v1, v10  }
0x1cb: {  	[tilespmem:s8+$0x8F60] =	vst v2;
	v0 =	vmul.f32 v0, v63  }
0x1cc: {  	[tilespmem:s8+$0x8F70] =	vst v1  }
0x1cd: {  	s12 =	simm.s32 $0x6580;
	[tilespmem:s8+$0x8F80] =	vst v0  }
0x1ce: {  	[spmem:s3] =	stream.indirect.scatter.add.f32 [tilespmem:s24], [sflag:$0x8], $0x80, s12, s21, $0xb8;
	[tilespmem:$0x1F400] =	vst v63  }
0x1cf: {  	_ =	swait.ge [sflag:s2], $0x2800  }
0x1d0: {  	[sflag:s2] =	ssyncset.done $0x0  }
0x1d1: {  	[sflag:s2] =	ssyncadd.s32 $0xFFFFD800  }
0x1d2: {  	_ =	swait.ge [sflag:s18], $0x2800  }
0x1d3: {  	[sflag:s18] =	ssyncset.done $0x0  }
0x1d4: {  	[sflag:s18] =	ssyncadd.s32 $0xFFFFD800  }
0x1d5: {  	[bflag:$0x0] =	sbarrier.arrive $0xFFFF  }
0x1d6: {  	s13 =	rddreg [dreg:$0xa]  }
0x1d7: {  	[hbm:s13], [sflag:s7] =	dma.local [spmem:s15], $0x1400  }
0x1d8: {  	_ =	swait.ge [sflag:s16], $0x1400  }
0x1d9: {  	s6 =	sadd.s32 $0x1, s6;
	s14 =	rddreg [dreg:$0xb]  }
0x1da: {  	p0 =	sne.s32 s6, s14  }
.Ltmp6:
0x1db: {  	_ = 	snop;
	(pc) =	sbr.rel @p0 .LBB2_1-.Ltmp6, $3  }
0x1dc: {  	_ =	sdelay $0x1  }
0x1dd: {  	[sflag:s16] =	ssyncset.done $0x0  }
0x1de: {  	[sflag:s16] =	ssyncadd.s32 $0xFFFFEC00  }
0x1df: {  	_ =	sfence.sel $0x180000  }
0x1e0: {  	[bflag:$0x0] =	sbarrier.arrive $0xFFFF  }
0x1e1: {  	_ =	strace $0x9000004A  }
0x1e2: {  	s0 =	stileid.u32;
	[bflag:$0x2] =	sbarrier.arrive $0xFFFF  }
0x1e3: {  	p0 =	sne.s32 s0, $0x0;
	s0 =	rddreg [dreg:$0x4]  }
0x1e4: {  	s0 =	sadd.s32 @!p0 $0x100000, s0  }
0x1e5: {  	[sflag:s0] =	ssyncadd.tile.s32 @!p0 $0x1;
	_ =	shalt  }
.Lfunc_end2:
_tile_overlayer_lowered:
.L_overlay_start_2:
0x1e6: {  	(tag) =	ssettag $0x2  }
0x1e7: {  	s0 =	rddreg [dreg:$0x0];
	s2 =	stileid.u32  }
0x1e8: {  	s1 =	rddreg [dreg:$0x1];
	p0 =	sne.s32 s2, $0x0  }
0x1e9: {  	s3 =	rddreg [dreg:$0x2];
	[bflag:$0x3] =	sbarrier.arrive $0xFFFF;
	s2 =	simm.s32 @!p0 $0x1C0A  }
0x1ea: {  	[timem:s3], [sflag:s2] =	dma.local @!p0 [hbm:s0], s1  }
0x1eb: {  	s0 =	simm.s32 @!p0 $0xA  }
0x1ec: {  	_ =	swait.ge @!p0 [sflag:s0], s1  }
0x1ed: {  	s1 =	ssub.s32 @!p0 $0x0, s1;
	[sflag:s0] =	ssyncset.done @!p0 $0x0  }
0x1ee: {  	[sflag:s0] =	ssyncadd.s32 @!p0 s1  }
0x1ef: {  	[bflag:$0x3] =	sbarrier.arrive $0xFFFF  }
0x1f0: {  	_ =	shalt  }

</sc_bundles>
